<compile_context>
chip_gen: v7x
topology: tpu7x:2x2x1
jax: 0.10.2.dev20260603
libtpu: 0.0.44.dev20260713+nightly
codegen_flags: <defaults>
</compile_context>

<pallas_src>
import functools
import math

import jax
import jax.numpy as jnp
from jax import lax
from jax.experimental import pallas as pl
from jax.experimental.pallas import tpu as pltpu
from jax.experimental.pallas import tpu_sc as plsc

D_MODEL = 768
D_FF = 3072
N_EXP = 16
T = 2048
TILE = 128
NT = T * 2 // TILE + N_EXP
ROWS = NT * TILE
L = 16

@functools.cache
def _sc_mesh():
    return plsc.VectorSubcoreMesh(core_axis_name="c", subcore_axis_name="s")


def _router_body(x_ref, rw_ref, i1_ref, i2_ref, p1_ref, p2_ref, aux_ref):
    x = x_ref[...]
    rw = rw_ref[...]
    logits = lax.dot_general(
        x, rw, (((1,), (1,)), ((), ())), preferred_element_type=jnp.float32
    )
    m = jnp.max(logits, axis=1, keepdims=True)
    e = jnp.exp(logits - m)
    probs = e / jnp.sum(e, axis=1, keepdims=True)
    lane = lax.broadcasted_iota(jnp.int32, probs.shape, 1)
    m1 = jnp.max(probs, axis=1, keepdims=True)
    i1 = jnp.min(jnp.where(probs >= m1, lane, N_EXP), axis=1, keepdims=True)
    mask1 = lane == i1
    probs2 = jnp.where(mask1, -1.0, probs)
    m2 = jnp.max(probs2, axis=1, keepdims=True)
    i2 = jnp.min(jnp.where(probs2 >= m2, lane, N_EXP), axis=1, keepdims=True)
    denom = m1 + m2
    i1_ref[...] = i1
    i2_ref[...] = i2
    p1_ref[...] = m1 / denom
    p2_ref[...] = m2 / denom
    usage = jnp.sum(probs, axis=0, keepdims=True) * (1.0 / T)
    aux_ref[0, 0] = N_EXP * jnp.sum(usage * usage)


def _router(x_flat, router_w):
    return pl.pallas_call(
        _router_body,
        out_shape=(
            jax.ShapeDtypeStruct((T, 1), jnp.int32),
            jax.ShapeDtypeStruct((T, 1), jnp.int32),
            jax.ShapeDtypeStruct((T, 1), jnp.float32),
            jax.ShapeDtypeStruct((T, 1), jnp.float32),
            jax.ShapeDtypeStruct((1, 1), jnp.float32),
        ),
        out_specs=(
            pl.BlockSpec((T, 1), lambda: (0, 0)),
            pl.BlockSpec((T, 1), lambda: (0, 0)),
            pl.BlockSpec((T, 1), lambda: (0, 0)),
            pl.BlockSpec((T, 1), lambda: (0, 0)),
            pl.BlockSpec(memory_space=pltpu.SMEM),
        ),
    )(x_flat, router_w)


_NCHUNK = T // L


def _ds8(start, size):
    return pl.ds(pl.multiple_of(start, 8), size)


def _axis(name):
    return lax.axis_index(name)


def _scatter16(ref, pos, x, mask):
    plsc.store_scatter(ref, [pos], x, mask=mask)


def _gather_rows(src_hbm, idx_ref, dst_ref, sem):
    pltpu.async_copy(src_hbm.at[idx_ref], dst_ref, sem).wait()


def _dispatch_body(
    i1_hbm, i2_hbm, tok_hbm, te_hbm, pos1_hbm, pos2_hbm,
    i1_v, i2_v, tokloc, posc1, posc2, cvec_v, cnts_v, slab_v, mrow_v, te_v, z_v,
    counts_sh, slab1_sh, slab2_sh,
):
    core = _axis("c")
    sub = _axis("s")
    iota = jnp.arange(L, dtype=jnp.int32)

    _dispatch_scoped(
        core, sub, iota,
        i1_hbm, i2_hbm, tok_hbm, te_hbm, pos1_hbm, pos2_hbm,
        i1_v, i2_v, tokloc, posc1, posc2, cvec_v, cnts_v, slab_v, mrow_v,
        te_v, z_v, counts_sh, slab1_sh, slab2_sh,
    )


def _dispatch_scoped(
    core, sub, iota,
    i1_hbm, i2_hbm, tok_hbm, te_hbm, pos1_hbm, pos2_hbm,
    i1_v, i2_v, tokloc, posc1, posc2, cvec_v, cnts_v, slab_v, mrow_v, te_v, z_v,
    counts_sh, slab1_sh, slab2_sh,
):
    @pl.when(core == 0)
    def _():
        e = sub
        pltpu.sync_copy(i1_hbm, i1_v)
        pltpu.sync_copy(i2_hbm, i2_v)

        def count_step(c, acc):
            a = i1_v[_ds8(c * L, L)]
            b = i2_v[_ds8(c * L, L)]
            ind = jnp.logical_or(a == e, b == e)
            return acc + jnp.where(ind, 1, 0)

        acc = lax.fori_loop(0, _NCHUNK, count_step, jnp.zeros((L,), jnp.int32))
        cnt = jnp.sum(acc)
        cvec_v[...] = jnp.full((L,), cnt, jnp.int32)
        pltpu.sync_copy(cvec_v, counts_sh.at[e])
        plsc.subcore_barrier()

        pltpu.sync_copy(counts_sh, cnts_v)
        diag = jnp.zeros((L,), jnp.int32)
        for ee in range(N_EXP):
            diag = diag + jnp.where(iota == ee, cnts_v[ee, :], 0)
        padded = ((diag + (TILE - 1)) // TILE) * TILE
        csum = plsc.cumsum(padded)
        starts = csum - padded
        start_e = jnp.sum(jnp.where(iota == e, starts, 0))
        ntiles_e = jnp.sum(jnp.where(iota == e, padded, 0)) // TILE
        total_tiles = jnp.sum(jnp.where(iota == L - 1, csum, 0)) // TILE

        def zero_step(k, _):
            tokloc[_ds8(k * L, L)] = jnp.zeros((L,), jnp.int32)
            return 0

        lax.fori_loop(0, ntiles_e * (TILE // L), zero_step, 0)

        def scat_step(c, base):
            a = i1_v[_ds8(c * L, L)]
            b = i2_v[_ds8(c * L, L)]
            m1 = a == e
            m2 = b == e
            ind = jnp.logical_or(m1, m2)
            indi = jnp.where(ind, 1, 0)
            incl = plsc.cumsum(indi)
            posl = jnp.full((L,), base, jnp.int32) + incl - indi
            _scatter16(tokloc, posl, c * L + iota, ind)
            gpos = posl + jnp.full((L,), start_e, jnp.int32)
            posc1[c // 8, _ds8((c % 8) * L, L)] = jnp.where(m1, gpos, 0)
            posc2[c // 8, _ds8((c % 8) * L, L)] = jnp.where(m2, gpos, 0)
            return base + jnp.sum(indi)

        lax.fori_loop(0, _NCHUNK, scat_step, jnp.int32(0))

        def dma_step(k, _):
            pltpu.sync_copy(
                tokloc.at[_ds8(k * TILE, TILE)],
                tok_hbm.at[_ds8(start_e + k * TILE, TILE)],
            )
            return 0

        lax.fori_loop(0, ntiles_e, dma_step, 0)
        pltpu.sync_copy(posc1, slab1_sh.at[e])
        pltpu.sync_copy(posc2, slab2_sh.at[e])
        plsc.subcore_barrier()

        def merge_rows(slab, out_hbm):
            pltpu.sync_copy(slab, slab_v)
            for k in range(8):
                accv = jnp.zeros((L,), jnp.int32)
                for ee in range(N_EXP):
                    accv = accv + slab_v[ee, sub, _ds8(k * L, L)]
                mrow_v[_ds8(k * L, L)] = accv
            pltpu.sync_copy(mrow_v, out_hbm.at[sub])

        merge_rows(slab1_sh, pos1_hbm)
        merge_rows(slab2_sh, pos2_hbm)

        @pl.when(e == 0)
        def _():
            start_tiles = starts // TILE
            for j3 in range(NT // L):
                jvec = j3 * L + iota
                accv = jnp.full((L,), -1, jnp.int32)
                for ee in range(N_EXP):
                    s_ee = jnp.sum(jnp.where(iota == ee, start_tiles, 0))
                    accv = accv + jnp.where(jvec >= s_ee, 1, 0)
                te_v[_ds8(j3 * L, L)] = accv
            te_v[_ds8(NT, L)] = jnp.where(
                iota == 0, jnp.full((L,), total_tiles, jnp.int32), 0
            )
            pltpu.sync_copy(te_v, te_hbm)

        @pl.when(e == 1)
        def _():
            for zc in range(TILE // L):
                z_v[_ds8(zc * L, L)] = jnp.zeros((L,), jnp.int32)

            def ztile(j, _):
                pltpu.sync_copy(z_v, tok_hbm.at[_ds8(j * TILE, TILE)])
                return 0

            lax.fori_loop(total_tiles, NT, ztile, 0)


def _dispatch(i1, i2):
    f = pl.kernel(
        _dispatch_body,
        out_type=(
            jax.ShapeDtypeStruct((ROWS,), jnp.int32),
            jax.ShapeDtypeStruct((NT + L,), jnp.int32),
            jax.ShapeDtypeStruct((L, _NCHUNK), jnp.int32),
            jax.ShapeDtypeStruct((L, _NCHUNK), jnp.int32),
        ),
        mesh=_sc_mesh(),
        compiler_params=pltpu.CompilerParams(needs_layout_passes=False),
        scratch_types=[
            pltpu.VMEM((T,), jnp.int32),
            pltpu.VMEM((T,), jnp.int32),
            pltpu.VMEM((T,), jnp.int32),
            pltpu.VMEM((L, _NCHUNK), jnp.int32),
            pltpu.VMEM((L, _NCHUNK), jnp.int32),
            pltpu.VMEM((L,), jnp.int32),
            pltpu.VMEM((L, L), jnp.int32),
            pltpu.VMEM((N_EXP, L, _NCHUNK), jnp.int32),
            pltpu.VMEM((_NCHUNK,), jnp.int32),
            pltpu.VMEM((NT + L,), jnp.int32),
            pltpu.VMEM((TILE,), jnp.int32),
            pltpu.VMEM_SHARED((N_EXP, L), jnp.int32),
            pltpu.VMEM_SHARED((N_EXP, L, _NCHUNK), jnp.int32),
            pltpu.VMEM_SHARED((N_EXP, L, _NCHUNK), jnp.int32),
        ],
    )
    return f(i1, i2)


_FB = 1536


def _ffn_body(te_ref, tok_ref, x_ref, w1_ref, w2_ref, ys_ref, xg_ref):
    i = pl.program_id(0)
    f = pl.program_id(1)
    nact = te_ref[NT]

    @pl.when(i < nact)
    def _():
        @pl.when(f == 0)
        def _():
            tok_b = tok_ref[0]
            iota_t = lax.broadcasted_iota(jnp.int32, (T, TILE), 0)
            oh = jnp.where(iota_t == tok_b, 1.0, 0.0)
            xg_ref[...] = lax.dot_general(
                oh, x_ref[...], (((0,), (0,)), ((), ())),
                preferred_element_type=jnp.float32,
            )

        h = lax.dot_general(
            xg_ref[...], w1_ref[0], (((1,), (1,)), ((), ())),
            preferred_element_type=jnp.float32,
        )
        h = 0.5 * h * (1.0 + lax.erf(h * (1.0 / math.sqrt(2.0))))
        y = lax.dot_general(
            h, w2_ref[0], (((1,), (1,)), ((), ())),
            preferred_element_type=jnp.float32,
        )

        @pl.when(f == 0)
        def _():
            ys_ref[...] = jnp.zeros_like(ys_ref)

        ys_ref[...] += y


def _ffn(te, tok, x_flat, w1, w2):
    return pl.pallas_call(
        _ffn_body,
        grid_spec=pltpu.PrefetchScalarGridSpec(
            num_scalar_prefetch=1,
            grid=(NT, D_FF // _FB),
            in_specs=[
                pl.BlockSpec((1, 1, TILE), lambda i, f, te_ref: (i, 0, 0)),
                pl.BlockSpec((T, D_MODEL), lambda i, f, te_ref: (0, 0)),
                pl.BlockSpec((1, _FB, D_MODEL), lambda i, f, te_ref: (te_ref[i], f, 0)),
                pl.BlockSpec((1, D_MODEL, _FB), lambda i, f, te_ref: (te_ref[i], 0, f)),
            ],
            out_specs=pl.BlockSpec((TILE, D_MODEL), lambda i, f, te_ref: (i, 0)),
            scratch_shapes=[pltpu.VMEM((TILE, D_MODEL), jnp.float32)],
        ),
        out_shape=jax.ShapeDtypeStruct((ROWS, D_MODEL), jnp.float32),
    )(te, tok.reshape(NT, 1, TILE), x_flat, w1, w2)


_CCH = 32


def _combine_body(
    pos1_hbm, pos2_hbm, p1_hbm, p2_hbm, ys_hbm, out_hbm,
    pv1, pv2, g1_v, g2_v, a_v, b_v, o_v, sem,
):
    core = _axis("c")
    sub = _axis("s")
    wid = sub * 2 + core
    per = T // 32

    def step(j, _):
        base = wid * per + j * _CCH
        pltpu.sync_copy(pos1_hbm.at[_ds8(base, _CCH)], pv1)
        pltpu.sync_copy(pos2_hbm.at[_ds8(base, _CCH)], pv2)
        pltpu.sync_copy(p1_hbm.at[_ds8(base, _CCH)], g1_v)
        pltpu.sync_copy(p2_hbm.at[_ds8(base, _CCH)], g2_v)
        _gather_rows(ys_hbm, pv1, a_v, sem)
        _gather_rows(ys_hbm, pv2, b_v, sem)

        def row_step(r, _):
            lm = jnp.arange(L, dtype=jnp.int32) == (r % L)
            ch = _ds8((r // L) * L, L)
            g1 = jnp.full((L,), jnp.sum(jnp.where(lm, g1_v[ch], 0.0)), jnp.float32)
            g2 = jnp.full((L,), jnp.sum(jnp.where(lm, g2_v[ch], 0.0)), jnp.float32)

            def col_step(d, _):
                o_v[r, pl.ds(d * L, L)] = (
                    g1 * a_v[r, pl.ds(d * L, L)] + g2 * b_v[r, pl.ds(d * L, L)]
                )
                return 0

            lax.fori_loop(0, D_MODEL // L, col_step, 0)
            return 0

        lax.fori_loop(0, _CCH, row_step, 0)
        pltpu.sync_copy(o_v, out_hbm.at[_ds8(base, _CCH)])
        return 0

    lax.fori_loop(0, per // _CCH, step, 0)


def _combine(pos1, pos2, p1, p2, ys):
    f = pl.kernel(
        _combine_body,
        out_type=jax.ShapeDtypeStruct((T, D_MODEL), jnp.float32),
        mesh=_sc_mesh(),
        compiler_params=pltpu.CompilerParams(needs_layout_passes=False),
        scratch_types=[
            pltpu.VMEM((_CCH,), jnp.int32),
            pltpu.VMEM((_CCH,), jnp.int32),
            pltpu.VMEM((_CCH,), jnp.float32),
            pltpu.VMEM((_CCH,), jnp.float32),
            pltpu.VMEM((_CCH, D_MODEL), jnp.float32),
            pltpu.VMEM((_CCH, D_MODEL), jnp.float32),
            pltpu.VMEM((_CCH, D_MODEL), jnp.float32),
            pltpu.SemaphoreType.DMA,
        ],
    )
    return f(pos1, pos2, p1, p2, ys)


def kernel(x, router_w, w1, w2):
    B, S, D = x.shape
    x_flat = x.reshape(-1, D)
    i1, i2, p1, p2, aux = _router(x_flat, router_w)
    i1 = i1.reshape(T)
    i2 = i2.reshape(T)
    tok, te, pos1m, pos2m = _dispatch(i1, i2)
    ys = _ffn(te, tok, x_flat, w1, w2)
    out = _combine(pos1m.reshape(T), pos2m.reshape(T), p1.reshape(T), p2.reshape(T), ys)
    return out.reshape(B, S, D), aux[0, 0]

# --- scband reference (transcript-rebuilt; emitter-appended) ---
"""Pipeline reference for scband-mixture-of-experts-64699387347184 (READ-ONLY COPY).

The authoritative reference and input builder live on the scoring server;
editing this copy changes nothing except your own understanding.
"""

import jax, jax.numpy as jnp
import numpy as np

D_MODEL = 768
D_FF = 3072
NUM_EXPERTS = 16
TOP_K = 2
BATCH = 1
SEQ = 2048


def setup_inputs(seed: int = 0) -> dict:
    key = jax.random.key(seed)
    k1, k2, k3, k4 = jax.random.split(key, 4)
    x = jax.random.normal(k1, (BATCH, SEQ, D_MODEL), dtype=jnp.float32)
    router_w = jax.random.normal(k2, (NUM_EXPERTS, D_MODEL), dtype=jnp.float32) * 0.02
    w1 = jax.random.normal(k3, (NUM_EXPERTS, D_FF, D_MODEL), dtype=jnp.float32) * 0.02
    w2 = jax.random.normal(k4, (NUM_EXPERTS, D_MODEL, D_FF), dtype=jnp.float32) * 0.02
    return {"x": x, "router_w": router_w, "w1": w1, "w2": w2}


def reference(x, router_w, w1, w2):
    B, S, D = x.shape
    x_flat = x.reshape(-1, D)
    T = x_flat.shape[0]
    # Router: linear (no bias) + softmax
    router_logits = x_flat @ router_w.T
    router_probs = jax.nn.softmax(router_logits, axis=-1)
    # Top-k routing
    top_k_probs, top_k_indices = jax.lax.top_k(router_probs, TOP_K)
    top_k_probs = top_k_probs / jnp.sum(top_k_probs, axis=-1, keepdims=True)
    # Scatter normalized top-k weights into a dense [T, E] gate matrix.
    # gate[t, e] == normalized weight if expert e is among token t's top-k, else 0.
    gate = jnp.zeros((T, NUM_EXPERTS), dtype=x.dtype).at[
        jnp.arange(T)[:, None], top_k_indices
    ].add(top_k_probs)
    # Expert computation: mathematically identical to the masked-gather torch
    # loop (tokens with zero gate contribute exactly zero).
    output = jnp.zeros_like(x_flat)
    for i in range(NUM_EXPERTS):
        h = jax.nn.gelu(x_flat @ w1[i].T, approximate=False)
        expert_out = h @ w2[i].T
        output = output + gate[:, i:i + 1] * expert_out
    output = output.reshape(B, S, D)
    # Load-balancing aux loss
    expert_usage = jnp.mean(router_probs, axis=0)
    aux_loss = NUM_EXPERTS * jnp.sum(expert_usage ** 2)
    return (output, aux_loss)

if __name__ == "__main__":
    import jax
    _d = setup_inputs()
    print(jax.jit(kernel)(*tuple(_d.values())))

</pallas_src>

<mosaic_0001>
#map = affine_map<(d0, d1) -> (0)>
#map1 = affine_map<(d0, d1) -> (0, 0)>
module attributes {stable_mosaic.version = 14 : i64} {
  func.func @_combine_body(%arg0: i32, %arg1: i32, %arg2: memref<2048xi32, #tpu.memory_space<hbm>>, %arg3: memref<2048xi32, #tpu.memory_space<hbm>>, %arg4: memref<2048xf32, #tpu.memory_space<hbm>>, %arg5: memref<2048xf32, #tpu.memory_space<hbm>>, %arg6: memref<6144x768xf32, #tpu.memory_space<hbm>>, %arg7: memref<2048x768xf32, #tpu.memory_space<hbm>>, %arg8: memref<32xi32, #tpu.memory_space<vmem>>, %arg9: memref<32xi32, #tpu.memory_space<vmem>>, %arg10: memref<32xf32, #tpu.memory_space<vmem>>, %arg11: memref<32xf32, #tpu.memory_space<vmem>>, %arg12: memref<32x768xf32, #tpu.memory_space<vmem>>, %arg13: memref<32x768xf32, #tpu.memory_space<vmem>>, %arg14: memref<32x768xf32, #tpu.memory_space<vmem>>, %arg15: memref<!tpu.dma_semaphore, #tpu.memory_space<semaphore_mem>>) attributes {dimension_semantics = [#tpu.dimension_semantics<core_parallel>, #tpu.dimension_semantics<subcore_parallel>], iteration_bounds = array<i64: 2, 16>, scalar_prefetch = 0 : i64, scratch_operands = 8 : i64, tpu.core_type = #tpu.core_type<sc_vector_subcore>, window_params = [{transform_indices = #map}, {transform_indices = #map}, {transform_indices = #map}, {transform_indices = #map}, {transform_indices = #map1}, {transform_indices = #map1}]} {
    %mul3A = arith.constant 2 : i32
    %mul3A_0 = arith.muli %arg1, %mul3A : i32
    %add3A = arith.addi %mul3A_0, %arg0 : i32
    %scan3A = arith.constant 0 : i32
    %scan3A_1 = arith.constant 0 : i32
    %scan3A_2 = arith.constant 2 : i32
    %scan3A_3 = arith.addi %scan3A_1, %scan3A_2 : i32
    %scan3A_4 = arith.constant 1 : i32
    %scan3A_5 = scf.for %scan3A_7 = %scan3A_1 to %scan3A_3 step %scan3A_4 iter_args(%scan3A_8 = %scan3A) -> (i32)  : i32 {
      %mul3A_9 = arith.constant 64 : i32
      %mul3A_10 = arith.muli %add3A, %mul3A_9 : i32
      %mul3A_11 = arith.constant 32 : i32
      %mul3A_12 = arith.muli %scan3A_7, %mul3A_11 : i32
      %add3A_13 = arith.addi %mul3A_10, %mul3A_12 : i32
      %multiple_of3A = tpu.assume_multiple %add3A_13, 8 : i32
      "tpu.region"() ({
        %run_scoped3A = tpu.sem_alloc : memref<!tpu.dma_semaphore, #tpu.memory_space<semaphore_mem>>
        %dma_start3A_36 = tpu.memref_slice %arg2[%multiple_of3A] : memref<2048xi32, #tpu.memory_space<hbm>> -> memref<32xi32, #tpu.memory_space<hbm>>
        %dma_start3A_37 = tpu.memref_slice %arg2[%multiple_of3A] : memref<2048xi32, #tpu.memory_space<hbm>> -> memref<32xi32, #tpu.memory_space<hbm>>
        tpu.enqueue_dma source(%dma_start3A_37 : memref<32xi32, #tpu.memory_space<hbm>>) target(%arg8 : memref<32xi32, #tpu.memory_space<vmem>>) target_semaphore(%run_scoped3A : memref<!tpu.dma_semaphore, #tpu.memory_space<semaphore_mem>>)
        %dma_wait3A_38 = tpu.memref_slice %arg2[%multiple_of3A] : memref<2048xi32, #tpu.memory_space<hbm>> -> memref<32xi32, #tpu.memory_space<hbm>>
        %dma_wait3A_39 = tpu.memref_slice %arg2[%multiple_of3A] : memref<2048xi32, #tpu.memory_space<hbm>> -> memref<32xi32, #tpu.memory_space<hbm>>
        tpu.wait_dma2 semaphore(%run_scoped3A : memref<!tpu.dma_semaphore, #tpu.memory_space<semaphore_mem>>) src(%dma_wait3A_39 : memref<32xi32, #tpu.memory_space<hbm>>) dst(%arg8 : memref<32xi32, #tpu.memory_space<vmem>>)
        tpu.yield
      }) : () -> ()
      %multiple_of3A_14 = tpu.assume_multiple %add3A_13, 8 : i32
      "tpu.region"() ({
        %run_scoped3A = tpu.sem_alloc : memref<!tpu.dma_semaphore, #tpu.memory_space<semaphore_mem>>
        %dma_start3A_36 = tpu.memref_slice %arg3[%multiple_of3A_14] : memref<2048xi32, #tpu.memory_space<hbm>> -> memref<32xi32, #tpu.memory_space<hbm>>
        %dma_start3A_37 = tpu.memref_slice %arg3[%multiple_of3A_14] : memref<2048xi32, #tpu.memory_space<hbm>> -> memref<32xi32, #tpu.memory_space<hbm>>
        tpu.enqueue_dma source(%dma_start3A_37 : memref<32xi32, #tpu.memory_space<hbm>>) target(%arg9 : memref<32xi32, #tpu.memory_space<vmem>>) target_semaphore(%run_scoped3A : memref<!tpu.dma_semaphore, #tpu.memory_space<semaphore_mem>>)
        %dma_wait3A_38 = tpu.memref_slice %arg3[%multiple_of3A_14] : memref<2048xi32, #tpu.memory_space<hbm>> -> memref<32xi32, #tpu.memory_space<hbm>>
        %dma_wait3A_39 = tpu.memref_slice %arg3[%multiple_of3A_14] : memref<2048xi32, #tpu.memory_space<hbm>> -> memref<32xi32, #tpu.memory_space<hbm>>
        tpu.wait_dma2 semaphore(%run_scoped3A : memref<!tpu.dma_semaphore, #tpu.memory_space<semaphore_mem>>) src(%dma_wait3A_39 : memref<32xi32, #tpu.memory_space<hbm>>) dst(%arg9 : memref<32xi32, #tpu.memory_space<vmem>>)
        tpu.yield
      }) : () -> ()
      %multiple_of3A_15 = tpu.assume_multiple %add3A_13, 8 : i32
      "tpu.region"() ({
        %run_scoped3A = tpu.sem_alloc : memref<!tpu.dma_semaphore, #tpu.memory_space<semaphore_mem>>
        %dma_start3A_36 = tpu.memref_slice %arg4[%multiple_of3A_15] : memref<2048xf32, #tpu.memory_space<hbm>> -> memref<32xf32, #tpu.memory_space<hbm>>
        %dma_start3A_37 = tpu.memref_slice %arg4[%multiple_of3A_15] : memref<2048xf32, #tpu.memory_space<hbm>> -> memref<32xf32, #tpu.memory_space<hbm>>
        tpu.enqueue_dma source(%dma_start3A_37 : memref<32xf32, #tpu.memory_space<hbm>>) target(%arg10 : memref<32xf32, #tpu.memory_space<vmem>>) target_semaphore(%run_scoped3A : memref<!tpu.dma_semaphore, #tpu.memory_space<semaphore_mem>>)
        %dma_wait3A_38 = tpu.memref_slice %arg4[%multiple_of3A_15] : memref<2048xf32, #tpu.memory_space<hbm>> -> memref<32xf32, #tpu.memory_space<hbm>>
        %dma_wait3A_39 = tpu.memref_slice %arg4[%multiple_of3A_15] : memref<2048xf32, #tpu.memory_space<hbm>> -> memref<32xf32, #tpu.memory_space<hbm>>
        tpu.wait_dma2 semaphore(%run_scoped3A : memref<!tpu.dma_semaphore, #tpu.memory_space<semaphore_mem>>) src(%dma_wait3A_39 : memref<32xf32, #tpu.memory_space<hbm>>) dst(%arg10 : memref<32xf32, #tpu.memory_space<vmem>>)
        tpu.yield
      }) : () -> ()
      %multiple_of3A_16 = tpu.assume_multiple %add3A_13, 8 : i32
      "tpu.region"() ({
        %run_scoped3A = tpu.sem_alloc : memref<!tpu.dma_semaphore, #tpu.memory_space<semaphore_mem>>
        %dma_start3A_36 = tpu.memref_slice %arg5[%multiple_of3A_16] : memref<2048xf32, #tpu.memory_space<hbm>> -> memref<32xf32, #tpu.memory_space<hbm>>
        %dma_start3A_37 = tpu.memref_slice %arg5[%multiple_of3A_16] : memref<2048xf32, #tpu.memory_space<hbm>> -> memref<32xf32, #tpu.memory_space<hbm>>
        tpu.enqueue_dma source(%dma_start3A_37 : memref<32xf32, #tpu.memory_space<hbm>>) target(%arg11 : memref<32xf32, #tpu.memory_space<vmem>>) target_semaphore(%run_scoped3A : memref<!tpu.dma_semaphore, #tpu.memory_space<semaphore_mem>>)
        %dma_wait3A_38 = tpu.memref_slice %arg5[%multiple_of3A_16] : memref<2048xf32, #tpu.memory_space<hbm>> -> memref<32xf32, #tpu.memory_space<hbm>>
        %dma_wait3A_39 = tpu.memref_slice %arg5[%multiple_of3A_16] : memref<2048xf32, #tpu.memory_space<hbm>> -> memref<32xf32, #tpu.memory_space<hbm>>
        tpu.wait_dma2 semaphore(%run_scoped3A : memref<!tpu.dma_semaphore, #tpu.memory_space<semaphore_mem>>) src(%dma_wait3A_39 : memref<32xf32, #tpu.memory_space<hbm>>) dst(%arg11 : memref<32xf32, #tpu.memory_space<vmem>>)
        tpu.yield
      }) : () -> ()
      %dma_start3A = arith.constant 0 : i32
      %dma_start3A_17 = arith.constant 0 : i32
      %dma_start3A_18 = tpu.memref_slice %arg6[%dma_start3A, %dma_start3A_17] : memref<6144x768xf32, #tpu.memory_space<hbm>> -> memref<6144x768xf32, #tpu.memory_space<hbm>>
      tpu.enqueue_indirect_dma source(%dma_start3A_18 : memref<6144x768xf32, #tpu.memory_space<hbm>>) target(%arg12 : memref<32x768xf32, #tpu.memory_space<vmem>>) offsets(%arg8 : memref<32xi32, #tpu.memory_space<vmem>>) semaphore(%arg15 : memref<!tpu.dma_semaphore, #tpu.memory_space<semaphore_mem>>)
      %dma_wait3A = arith.constant 0 : i32
      %dma_wait3A_19 = arith.constant 0 : i32
      %dma_wait3A_20 = tpu.memref_slice %arg6[%dma_wait3A, %dma_wait3A_19] : memref<6144x768xf32, #tpu.memory_space<hbm>> -> memref<6144x768xf32, #tpu.memory_space<hbm>>
      tpu.wait_indirect_dma semaphore(%arg15 : memref<!tpu.dma_semaphore, #tpu.memory_space<semaphore_mem>>) src(%dma_wait3A_20 : memref<6144x768xf32, #tpu.memory_space<hbm>>) dst(%arg12 : memref<32x768xf32, #tpu.memory_space<vmem>>)
      %dma_start3A_21 = arith.constant 0 : i32
      %dma_start3A_22 = arith.constant 0 : i32
      %dma_start3A_23 = tpu.memref_slice %arg6[%dma_start3A_21, %dma_start3A_22] : memref<6144x768xf32, #tpu.memory_space<hbm>> -> memref<6144x768xf32, #tpu.memory_space<hbm>>
      tpu.enqueue_indirect_dma source(%dma_start3A_23 : memref<6144x768xf32, #tpu.memory_space<hbm>>) target(%arg13 : memref<32x768xf32, #tpu.memory_space<vmem>>) offsets(%arg9 : memref<32xi32, #tpu.memory_space<vmem>>) semaphore(%arg15 : memref<!tpu.dma_semaphore, #tpu.memory_space<semaphore_mem>>)
      %dma_wait3A_24 = arith.constant 0 : i32
      %dma_wait3A_25 = arith.constant 0 : i32
      %dma_wait3A_26 = tpu.memref_slice %arg6[%dma_wait3A_24, %dma_wait3A_25] : memref<6144x768xf32, #tpu.memory_space<hbm>> -> memref<6144x768xf32, #tpu.memory_space<hbm>>
      tpu.wait_indirect_dma semaphore(%arg15 : memref<!tpu.dma_semaphore, #tpu.memory_space<semaphore_mem>>) src(%dma_wait3A_26 : memref<6144x768xf32, #tpu.memory_space<hbm>>) dst(%arg13 : memref<32x768xf32, #tpu.memory_space<vmem>>)
      %scan3A_27 = arith.constant 0 : i32
      %scan3A_28 = arith.constant 0 : i32
      %scan3A_29 = arith.constant 32 : i32
      %scan3A_30 = arith.addi %scan3A_28, %scan3A_29 : i32
      %scan3A_31 = arith.constant 1 : i32
      %scan3A_32 = scf.for %scan3A_36 = %scan3A_28 to %scan3A_30 step %scan3A_31 iter_args(%scan3A_37 = %scan3A_27) -> (i32)  : i32 {
        %iota3A = tpu.iota {dimensions = array<i32: 0>} : vector<16xi32>
        %jit3A = arith.constant 16 : i32
        %eq3A = arith.constant 0 : i32
        %eq3A_38 = arith.cmpi eq, %jit3A, %eq3A : i32
        %jit3A_39 = arith.constant 1 : i32
        %select_n3A = arith.select %eq3A_38, %jit3A_39, %jit3A : i32
        %rem3A = arith.remsi %scan3A_36, %select_n3A : i32
        %ne3A = arith.constant 0 : i32
        %ne3A_40 = arith.cmpi ne, %rem3A, %ne3A : i32
        %lt3A = arith.constant 0 : i32
        %lt3A_41 = arith.cmpi slt, %rem3A, %lt3A : i32
        %lt3A_42 = arith.constant 0 : i32
        %lt3A_43 = arith.cmpi slt, %select_n3A, %lt3A_42 : i32
        %ne3A_44 = arith.xori %lt3A_41, %lt3A_43 : i1
        %and3A = arith.andi %ne3A_44, %ne3A_40 : i1
        %add3A_45 = arith.addi %rem3A, %select_n3A : i32
        %select_n3A_46 = arith.select %and3A, %add3A_45, %rem3A : i32
        %eq3A_47 = vector.broadcast %select_n3A_46 : i32 to vector<16xi32>
        %eq3A_48 = arith.cmpi eq, %iota3A, %eq3A_47 : vector<16xi32>
        %jit3A_49 = arith.constant 16 : i32
        %div3A = arith.divsi %scan3A_36, %jit3A_49 : i32
        %sign3A = arith.constant 0 : i32
        %sign3A_50 = arith.cmpi sgt, %scan3A_36, %sign3A : i32
        %sign3A_51 = arith.extui %sign3A_50 : i1 to i32
        %sign3A_52 = arith.constant 0 : i32
        %sign3A_53 = arith.cmpi slt, %scan3A_36, %sign3A_52 : i32
        %sign3A_54 = arith.extui %sign3A_53 : i1 to i32
        %sign3A_55 = arith.subi %sign3A_51, %sign3A_54 : i32
        %sign3A_56 = arith.constant 0 : i32
        %sign3A_57 = arith.cmpi sgt, %jit3A_49, %sign3A_56 : i32
        %sign3A_58 = arith.extui %sign3A_57 : i1 to i32
        %sign3A_59 = arith.constant 0 : i32
        %sign3A_60 = arith.cmpi slt, %jit3A_49, %sign3A_59 : i32
        %sign3A_61 = arith.extui %sign3A_60 : i1 to i32
        %sign3A_62 = arith.subi %sign3A_58, %sign3A_61 : i32
        %ne3A_63 = arith.cmpi ne, %sign3A_55, %sign3A_62 : i32
        %rem3A_64 = arith.remsi %scan3A_36, %jit3A_49 : i32
        %ne3A_65 = arith.constant 0 : i32
        %ne3A_66 = arith.cmpi ne, %rem3A_64, %ne3A_65 : i32
        %and3A_67 = arith.andi %ne3A_63, %ne3A_66 : i1
        %sub3A = arith.constant 1 : i32
        %sub3A_68 = arith.subi %div3A, %sub3A : i32
        %select_n3A_69 = arith.select %and3A_67, %sub3A_68, %div3A : i32
        %mul3A_70 = arith.constant 16 : i32
        %mul3A_71 = arith.muli %select_n3A_69, %mul3A_70 : i32
        %multiple_of3A_72 = tpu.assume_multiple %mul3A_71, 8 : i32
        %get3A = arith.index_cast %multiple_of3A_72 : i32 to index
        %get3A_73 = tpu.vector_load %arg10[%get3A] {strides = array<i32>} : memref<32xf32, #tpu.memory_space<vmem>>, vector<16xf32>,
        %jit3A_74 = arith.constant 0.000000e+00 : f32
        %broadcast_in_dim3A = vector.broadcast %jit3A_74 : f32 to vector<16xf32>
        %select_n3A_75 = arith.select %eq3A_48, %get3A_73, %broadcast_in_dim3A : vector<16xi1>, vector<16xf32>
        %reduce_sum3A = arith.constant true
        %reduce_sum3A_76 = vector.broadcast %reduce_sum3A : i1 to vector<16xi1>
        %reduce_sum3A_77 = tpu.scan <sum>, %select_n3A_75 masked %reduce_sum3A_76 : vector<16xf32>, vector<16xi1> -> vector<16xf32>
        %reduce_sum3A_78 = vector.extract %reduce_sum3A_77[15] : f32 from vector<16xf32>
        %broadcast_in_dim3A_79 = vector.broadcast %reduce_sum3A_78 : f32 to vector<16xf32>
        %get3A_80 = arith.index_cast %multiple_of3A_72 : i32 to index
        %get3A_81 = tpu.vector_load %arg11[%get3A_80] {strides = array<i32>} : memref<32xf32, #tpu.memory_space<vmem>>, vector<16xf32>,
        %jit3A_82 = arith.constant 0.000000e+00 : f32
        %broadcast_in_dim3A_83 = vector.broadcast %jit3A_82 : f32 to vector<16xf32>
        %select_n3A_84 = arith.select %eq3A_48, %get3A_81, %broadcast_in_dim3A_83 : vector<16xi1>, vector<16xf32>
        %reduce_sum3A_85 = arith.constant true
        %reduce_sum3A_86 = vector.broadcast %reduce_sum3A_85 : i1 to vector<16xi1>
        %reduce_sum3A_87 = tpu.scan <sum>, %select_n3A_84 masked %reduce_sum3A_86 : vector<16xf32>, vector<16xi1> -> vector<16xf32>
        %reduce_sum3A_88 = vector.extract %reduce_sum3A_87[15] : f32 from vector<16xf32>
        %broadcast_in_dim3A_89 = vector.broadcast %reduce_sum3A_88 : f32 to vector<16xf32>
        %scan3A_90 = arith.constant 0 : i32
        %scan3A_91 = arith.constant 0 : i32
        %scan3A_92 = arith.constant 48 : i32
        %scan3A_93 = arith.addi %scan3A_91, %scan3A_92 : i32
        %scan3A_94 = arith.constant 1 : i32
        %scan3A_95 = scf.for %scan3A_98 = %scan3A_91 to %scan3A_93 step %scan3A_94 iter_args(%scan3A_99 = %scan3A_90) -> (i32)  : i32 {
          %mul3A_100 = arith.constant 16 : i32
          %mul3A_101 = arith.muli %scan3A_98, %mul3A_100 : i32
          %get3A_102 = arith.index_cast %scan3A_36 : i32 to index
          %get3A_103 = arith.index_cast %mul3A_101 : i32 to index
          %get3A_104 = tpu.vector_load %arg12[%get3A_102, %get3A_103] {strides = array<i32>} : memref<32x768xf32, #tpu.memory_space<vmem>>, vector<16xf32>,
          %mul3A_105 = arith.mulf %broadcast_in_dim3A_79, %get3A_104 : vector<16xf32>
          %mul3A_106 = arith.constant 16 : i32
          %mul3A_107 = arith.muli %scan3A_98, %mul3A_106 : i32
          %get3A_108 = arith.index_cast %scan3A_36 : i32 to index
          %get3A_109 = arith.index_cast %mul3A_107 : i32 to index
          %get3A_110 = tpu.vector_load %arg13[%get3A_108, %get3A_109] {strides = array<i32>} : memref<32x768xf32, #tpu.memory_space<vmem>>, vector<16xf32>,
          %mul3A_111 = arith.mulf %broadcast_in_dim3A_89, %get3A_110 : vector<16xf32>
          %add3A_112 = arith.addf %mul3A_105, %mul3A_111 : vector<16xf32>
          %mul3A_113 = arith.constant 16 : i32
          %mul3A_114 = arith.muli %scan3A_98, %mul3A_113 : i32
          %swap3A = arith.index_cast %scan3A_36 : i32 to index
          %swap3A_115 = arith.index_cast %mul3A_114 : i32 to index
          %swap3A_116 = tpu.vector_load %arg14[%swap3A, %swap3A_115] {strides = array<i32>} : memref<32x768xf32, #tpu.memory_space<vmem>>, vector<16xf32>,
          tpu.vector_store %arg14[%swap3A, %swap3A_115], %add3A_112 {strides = array<i32>} : memref<32x768xf32, #tpu.memory_space<vmem>>, vector<16xf32>,
          %scan3A_117 = arith.constant 0 : i32
          scf.yield %scan3A_117 : i32
        }
        %scan3A_96 = arith.constant 48 : i32
        %scan3A_97 = arith.constant 0 : i32
        scf.yield %scan3A_97 : i32
      }
      %scan3A_33 = arith.constant 32 : i32
      %multiple_of3A_34 = tpu.assume_multiple %add3A_13, 8 : i32
      "tpu.region"() ({
        %run_scoped3A = tpu.sem_alloc : memref<!tpu.dma_semaphore, #tpu.memory_space<semaphore_mem>>
        %dma_start3A_36 = arith.constant 0 : i32
        %dma_start3A_37 = tpu.memref_slice %arg7[%multiple_of3A_34, %dma_start3A_36] : memref<2048x768xf32, #tpu.memory_space<hbm>> -> memref<32x768xf32, #tpu.memory_space<hbm>>
        %dma_start3A_38 = arith.constant 0 : i32
        %dma_start3A_39 = tpu.memref_slice %arg7[%multiple_of3A_34, %dma_start3A_38] : memref<2048x768xf32, #tpu.memory_space<hbm>> -> memref<32x768xf32, #tpu.memory_space<hbm>>
        tpu.enqueue_dma source(%arg14 : memref<32x768xf32, #tpu.memory_space<vmem>>) target(%dma_start3A_39 : memref<32x768xf32, #tpu.memory_space<hbm>>) target_semaphore(%run_scoped3A : memref<!tpu.dma_semaphore, #tpu.memory_space<semaphore_mem>>)
        %dma_wait3A_40 = arith.constant 0 : i32
        %dma_wait3A_41 = tpu.memref_slice %arg7[%multiple_of3A_34, %dma_wait3A_40] : memref<2048x768xf32, #tpu.memory_space<hbm>> -> memref<32x768xf32, #tpu.memory_space<hbm>>
        %dma_wait3A_42 = arith.constant 0 : i32
        %dma_wait3A_43 = tpu.memref_slice %arg7[%multiple_of3A_34, %dma_wait3A_42] : memref<2048x768xf32, #tpu.memory_space<hbm>> -> memref<32x768xf32, #tpu.memory_space<hbm>>
        tpu.wait_dma2 semaphore(%run_scoped3A : memref<!tpu.dma_semaphore, #tpu.memory_space<semaphore_mem>>) src(%arg14 : memref<32x768xf32, #tpu.memory_space<vmem>>) dst(%dma_wait3A_43 : memref<32x768xf32, #tpu.memory_space<hbm>>)
        tpu.yield
      }) : () -> ()
      %scan3A_35 = arith.constant 0 : i32
      scf.yield %scan3A_35 : i32
    }
    %scan3A_6 = arith.constant 2 : i32
    return
  }
}

#map = affine_map<(d0, d1) -> (0)>
#map1 = affine_map<(d0, d1) -> (0, 0)>
module attributes {stable_mosaic.version = 14 : i64} {
  func.func @_dispatch_body(%arg0: i32, %arg1: i32, %arg2: memref<2048xi32, #tpu.memory_space<hbm>>, %arg3: memref<2048xi32, #tpu.memory_space<hbm>>, %arg4: memref<6144xi32, #tpu.memory_space<hbm>>, %arg5: memref<64xi32, #tpu.memory_space<hbm>>, %arg6: memref<16x128xi32, #tpu.memory_space<hbm>>, %arg7: memref<16x128xi32, #tpu.memory_space<hbm>>, %arg8: memref<2048xi32, #tpu.memory_space<vmem>>, %arg9: memref<2048xi32, #tpu.memory_space<vmem>>, %arg10: memref<2048xi32, #tpu.memory_space<vmem>>, %arg11: memref<16x128xi32, #tpu.memory_space<vmem>>, %arg12: memref<16x128xi32, #tpu.memory_space<vmem>>, %arg13: memref<16xi32, #tpu.memory_space<vmem>>, %arg14: memref<16x16xi32, #tpu.memory_space<vmem>>, %arg15: memref<16x16x128xi32, #tpu.memory_space<vmem>>, %arg16: memref<128xi32, #tpu.memory_space<vmem>>, %arg17: memref<64xi32, #tpu.memory_space<vmem>>, %arg18: memref<128xi32, #tpu.memory_space<vmem>>, %arg19: memref<16x16xi32, #tpu.memory_space<vmem_shared>>, %arg20: memref<16x16x128xi32, #tpu.memory_space<vmem_shared>>, %arg21: memref<16x16x128xi32, #tpu.memory_space<vmem_shared>>) attributes {dimension_semantics = [#tpu.dimension_semantics<core_parallel>, #tpu.dimension_semantics<subcore_parallel>], iteration_bounds = array<i64: 2, 16>, scalar_prefetch = 0 : i64, scratch_operands = 14 : i64, tpu.core_type = #tpu.core_type<sc_vector_subcore>, window_params = [{transform_indices = #map}, {transform_indices = #map}, {transform_indices = #map}, {transform_indices = #map}, {transform_indices = #map1}, {transform_indices = #map1}]} {
    %iota3A = tpu.iota {dimensions = array<i32: 0>} : vector<16xi32>
    %eq3A = arith.constant 0 : i32
    %eq3A_0 = arith.cmpi eq, %arg0, %eq3A : i32
    %convert_element_type3A = arith.extui %eq3A_0 : i1 to i32
    %cond3A = arith.constant 0 : i32
    %cond3A_1 = arith.cmpi ne, %convert_element_type3A, %cond3A : i32
    scf.if %cond3A_1 {
      "tpu.region"() ({
        %run_scoped3A = tpu.sem_alloc : memref<!tpu.dma_semaphore, #tpu.memory_space<semaphore_mem>>
        tpu.enqueue_dma source(%arg2 : memref<2048xi32, #tpu.memory_space<hbm>>) target(%arg8 : memref<2048xi32, #tpu.memory_space<vmem>>) target_semaphore(%run_scoped3A : memref<!tpu.dma_semaphore, #tpu.memory_space<semaphore_mem>>)
        tpu.wait_dma2 semaphore(%run_scoped3A : memref<!tpu.dma_semaphore, #tpu.memory_space<semaphore_mem>>) src(%arg2 : memref<2048xi32, #tpu.memory_space<hbm>>) dst(%arg8 : memref<2048xi32, #tpu.memory_space<vmem>>)
        tpu.yield
      }) : () -> ()
      "tpu.region"() ({
        %run_scoped3A = tpu.sem_alloc : memref<!tpu.dma_semaphore, #tpu.memory_space<semaphore_mem>>
        tpu.enqueue_dma source(%arg3 : memref<2048xi32, #tpu.memory_space<hbm>>) target(%arg9 : memref<2048xi32, #tpu.memory_space<vmem>>) target_semaphore(%run_scoped3A : memref<!tpu.dma_semaphore, #tpu.memory_space<semaphore_mem>>)
        tpu.wait_dma2 semaphore(%run_scoped3A : memref<!tpu.dma_semaphore, #tpu.memory_space<semaphore_mem>>) src(%arg3 : memref<2048xi32, #tpu.memory_space<hbm>>) dst(%arg9 : memref<2048xi32, #tpu.memory_space<vmem>>)
        tpu.yield
      }) : () -> ()
      %broadcast_in_dim3A = arith.constant 0 : i32
      %broadcast_in_dim3A_2 = vector.broadcast %broadcast_in_dim3A : i32 to vector<16xi32>
      %scan3A = arith.constant 0 : i32
      %scan3A_3 = arith.constant 128 : i32
      %scan3A_4 = arith.addi %scan3A, %scan3A_3 : i32
      %scan3A_5 = arith.constant 1 : i32
      %scan3A_6 = scf.for %scan3A_2482 = %scan3A to %scan3A_4 step %scan3A_5 iter_args(%scan3A_2483 = %broadcast_in_dim3A_2) -> (vector<16xi32>)  : i32 {
        %mul3A_2484 = arith.constant 16 : i32
        %mul3A_2485 = arith.muli %scan3A_2482, %mul3A_2484 : i32
        %multiple_of3A_2486 = tpu.assume_multiple %mul3A_2485, 8 : i32
        %get3A_2487 = arith.index_cast %multiple_of3A_2486 : i32 to index
        %get3A_2488 = tpu.vector_load %arg8[%get3A_2487] {strides = array<i32>} : memref<2048xi32, #tpu.memory_space<vmem>>, vector<16xi32>,
        %mul3A_2489 = arith.constant 16 : i32
        %mul3A_2490 = arith.muli %scan3A_2482, %mul3A_2489 : i32
        %multiple_of3A_2491 = tpu.assume_multiple %mul3A_2490, 8 : i32
        %get3A_2492 = arith.index_cast %multiple_of3A_2491 : i32 to index
        %get3A_2493 = tpu.vector_load %arg9[%get3A_2492] {strides = array<i32>} : memref<2048xi32, #tpu.memory_space<vmem>>, vector<16xi32>,
        %eq3A_2494 = vector.broadcast %arg1 : i32 to vector<16xi32>
        %eq3A_2495 = arith.cmpi eq, %get3A_2488, %eq3A_2494 : vector<16xi32>
        %eq3A_2496 = vector.broadcast %arg1 : i32 to vector<16xi32>
        %eq3A_2497 = arith.cmpi eq, %get3A_2493, %eq3A_2496 : vector<16xi32>
        %or3A = arith.ori %eq3A_2495, %eq3A_2497 : vector<16xi1>
        %jit3A_2498 = arith.constant 1 : i32
        %jit3A_2499 = arith.constant 0 : i32
        %broadcast_in_dim3A_2500 = vector.broadcast %jit3A_2498 : i32 to vector<16xi32>
        %broadcast_in_dim3A_2501 = vector.broadcast %jit3A_2499 : i32 to vector<16xi32>
        %select_n3A_2502 = arith.select %or3A, %broadcast_in_dim3A_2500, %broadcast_in_dim3A_2501 : vector<16xi1>, vector<16xi32>
        %add3A_2503 = arith.addi %scan3A_2483, %select_n3A_2502 : vector<16xi32>
        scf.yield %add3A_2503 : vector<16xi32>
      }
      %scan3A_7 = arith.constant 128 : i32
      %reduce_sum3A = arith.constant true
      %reduce_sum3A_8 = vector.broadcast %reduce_sum3A : i1 to vector<16xi1>
      %reduce_sum3A_9 = tpu.scan <sum>, %scan3A_6 masked %reduce_sum3A_8 : vector<16xi32>, vector<16xi1> -> vector<16xi32>
      %reduce_sum3A_10 = vector.extract %reduce_sum3A_9[15] : i32 from vector<16xi32>
      %broadcast_in_dim3A_11 = vector.broadcast %reduce_sum3A_10 : i32 to vector<16xi32>
      %swap3A = arith.constant 0 : index
      %swap3A_12 = tpu.vector_load %arg13[%swap3A] {strides = array<i32>} : memref<16xi32, #tpu.memory_space<vmem>>, vector<16xi32>,
      tpu.vector_store %arg13[%swap3A], %broadcast_in_dim3A_11 {strides = array<i32>} : memref<16xi32, #tpu.memory_space<vmem>>, vector<16xi32>,
      "tpu.region"() ({
        %run_scoped3A = tpu.sem_alloc : memref<!tpu.dma_semaphore, #tpu.memory_space<semaphore_mem>>
        %dma_start3A = arith.constant 0 : i32
        %dma_start3A_2482 = tpu.memref_slice %arg19[%arg1, %dma_start3A] : memref<16x16xi32, #tpu.memory_space<vmem_shared>> -> memref<1x16xi32, #tpu.memory_space<vmem_shared>>
        %dma_start3A_2483 = tpu.memref_squeeze %dma_start3A_2482 : memref<1x16xi32, #tpu.memory_space<vmem_shared>> -> memref<16xi32, #tpu.memory_space<vmem_shared>>
        %dma_start3A_2484 = arith.constant 0 : i32
        %dma_start3A_2485 = tpu.memref_slice %arg19[%arg1, %dma_start3A_2484] : memref<16x16xi32, #tpu.memory_space<vmem_shared>> -> memref<1x16xi32, #tpu.memory_space<vmem_shared>>
        %dma_start3A_2486 = tpu.memref_squeeze %dma_start3A_2485 : memref<1x16xi32, #tpu.memory_space<vmem_shared>> -> memref<16xi32, #tpu.memory_space<vmem_shared>>
        tpu.enqueue_dma source(%arg13 : memref<16xi32, #tpu.memory_space<vmem>>) target(%dma_start3A_2486 : memref<16xi32, #tpu.memory_space<vmem_shared>>) target_semaphore(%run_scoped3A : memref<!tpu.dma_semaphore, #tpu.memory_space<semaphore_mem>>)
        %dma_wait3A = arith.constant 0 : i32
        %dma_wait3A_2487 = tpu.memref_slice %arg19[%arg1, %dma_wait3A] : memref<16x16xi32, #tpu.memory_space<vmem_shared>> -> memref<1x16xi32, #tpu.memory_space<vmem_shared>>
        %dma_wait3A_2488 = tpu.memref_squeeze %dma_wait3A_2487 : memref<1x16xi32, #tpu.memory_space<vmem_shared>> -> memref<16xi32, #tpu.memory_space<vmem_shared>>
        %dma_wait3A_2489 = arith.constant 0 : i32
        %dma_wait3A_2490 = tpu.memref_slice %arg19[%arg1, %dma_wait3A_2489] : memref<16x16xi32, #tpu.memory_space<vmem_shared>> -> memref<1x16xi32, #tpu.memory_space<vmem_shared>>
        %dma_wait3A_2491 = tpu.memref_squeeze %dma_wait3A_2490 : memref<1x16xi32, #tpu.memory_space<vmem_shared>> -> memref<16xi32, #tpu.memory_space<vmem_shared>>
        tpu.wait_dma2 semaphore(%run_scoped3A : memref<!tpu.dma_semaphore, #tpu.memory_space<semaphore_mem>>) src(%arg13 : memref<16xi32, #tpu.memory_space<vmem>>) dst(%dma_wait3A_2491 : memref<16xi32, #tpu.memory_space<vmem_shared>>)
        tpu.yield
      }) : () -> ()
      %barrier3A = arith.constant 0 : index
      tpu.barrier barrier_id(%barrier3A)
      "tpu.region"() ({
        %run_scoped3A = tpu.sem_alloc : memref<!tpu.dma_semaphore, #tpu.memory_space<semaphore_mem>>
        tpu.enqueue_dma source(%arg19 : memref<16x16xi32, #tpu.memory_space<vmem_shared>>) target(%arg14 : memref<16x16xi32, #tpu.memory_space<vmem>>) target_semaphore(%run_scoped3A : memref<!tpu.dma_semaphore, #tpu.memory_space<semaphore_mem>>)
        tpu.wait_dma2 semaphore(%run_scoped3A : memref<!tpu.dma_semaphore, #tpu.memory_space<semaphore_mem>>) src(%arg19 : memref<16x16xi32, #tpu.memory_space<vmem_shared>>) dst(%arg14 : memref<16x16xi32, #tpu.memory_space<vmem>>)
        tpu.yield
      }) : () -> ()
      %broadcast_in_dim3A_13 = arith.constant 0 : i32
      %broadcast_in_dim3A_14 = vector.broadcast %broadcast_in_dim3A_13 : i32 to vector<16xi32>
      %eq3A_15 = arith.constant 0 : i32
      %eq3A_16 = vector.broadcast %eq3A_15 : i32 to vector<16xi32>
      %eq3A_17 = arith.cmpi eq, %iota3A, %eq3A_16 : vector<16xi32>
      %get3A = arith.constant 0 : i32
      %get3A_18 = arith.index_cast %get3A : i32 to index
      %get3A_19 = arith.constant 0 : index
      %get3A_20 = tpu.vector_load %arg14[%get3A_18, %get3A_19] {strides = array<i32>} : memref<16x16xi32, #tpu.memory_space<vmem>>, vector<16xi32>,
      %jit3A = arith.constant 0 : i32
      %broadcast_in_dim3A_21 = vector.broadcast %jit3A : i32 to vector<16xi32>
      %select_n3A = arith.select %eq3A_17, %get3A_20, %broadcast_in_dim3A_21 : vector<16xi1>, vector<16xi32>
      %add3A = arith.addi %broadcast_in_dim3A_14, %select_n3A : vector<16xi32>
      %eq3A_22 = arith.constant 1 : i32
      %eq3A_23 = vector.broadcast %eq3A_22 : i32 to vector<16xi32>
      %eq3A_24 = arith.cmpi eq, %iota3A, %eq3A_23 : vector<16xi32>
      %get3A_25 = arith.constant 1 : i32
      %get3A_26 = arith.index_cast %get3A_25 : i32 to index
      %get3A_27 = arith.constant 0 : index
      %get3A_28 = tpu.vector_load %arg14[%get3A_26, %get3A_27] {strides = array<i32>} : memref<16x16xi32, #tpu.memory_space<vmem>>, vector<16xi32>,
      %jit3A_29 = arith.constant 0 : i32
      %broadcast_in_dim3A_30 = vector.broadcast %jit3A_29 : i32 to vector<16xi32>
      %select_n3A_31 = arith.select %eq3A_24, %get3A_28, %broadcast_in_dim3A_30 : vector<16xi1>, vector<16xi32>
      %add3A_32 = arith.addi %add3A, %select_n3A_31 : vector<16xi32>
      %eq3A_33 = arith.constant 2 : i32
      %eq3A_34 = vector.broadcast %eq3A_33 : i32 to vector<16xi32>
      %eq3A_35 = arith.cmpi eq, %iota3A, %eq3A_34 : vector<16xi32>
      %get3A_36 = arith.constant 2 : i32
      %get3A_37 = arith.index_cast %get3A_36 : i32 to index
      %get3A_38 = arith.constant 0 : index
      %get3A_39 = tpu.vector_load %arg14[%get3A_37, %get3A_38] {strides = array<i32>} : memref<16x16xi32, #tpu.memory_space<vmem>>, vector<16xi32>,
      %jit3A_40 = arith.constant 0 : i32
      %broadcast_in_dim3A_41 = vector.broadcast %jit3A_40 : i32 to vector<16xi32>
      %select_n3A_42 = arith.select %eq3A_35, %get3A_39, %broadcast_in_dim3A_41 : vector<16xi1>, vector<16xi32>
      %add3A_43 = arith.addi %add3A_32, %select_n3A_42 : vector<16xi32>
      %eq3A_44 = arith.constant 3 : i32
      %eq3A_45 = vector.broadcast %eq3A_44 : i32 to vector<16xi32>
      %eq3A_46 = arith.cmpi eq, %iota3A, %eq3A_45 : vector<16xi32>
      %get3A_47 = arith.constant 3 : i32
      %get3A_48 = arith.index_cast %get3A_47 : i32 to index
      %get3A_49 = arith.constant 0 : index
      %get3A_50 = tpu.vector_load %arg14[%get3A_48, %get3A_49] {strides = array<i32>} : memref<16x16xi32, #tpu.memory_space<vmem>>, vector<16xi32>,
      %jit3A_51 = arith.constant 0 : i32
      %broadcast_in_dim3A_52 = vector.broadcast %jit3A_51 : i32 to vector<16xi32>
      %select_n3A_53 = arith.select %eq3A_46, %get3A_50, %broadcast_in_dim3A_52 : vector<16xi1>, vector<16xi32>
      %add3A_54 = arith.addi %add3A_43, %select_n3A_53 : vector<16xi32>
      %eq3A_55 = arith.constant 4 : i32
      %eq3A_56 = vector.broadcast %eq3A_55 : i32 to vector<16xi32>
      %eq3A_57 = arith.cmpi eq, %iota3A, %eq3A_56 : vector<16xi32>
      %get3A_58 = arith.constant 4 : i32
      %get3A_59 = arith.index_cast %get3A_58 : i32 to index
      %get3A_60 = arith.constant 0 : index
      %get3A_61 = tpu.vector_load %arg14[%get3A_59, %get3A_60] {strides = array<i32>} : memref<16x16xi32, #tpu.memory_space<vmem>>, vector<16xi32>,
      %jit3A_62 = arith.constant 0 : i32
      %broadcast_in_dim3A_63 = vector.broadcast %jit3A_62 : i32 to vector<16xi32>
      %select_n3A_64 = arith.select %eq3A_57, %get3A_61, %broadcast_in_dim3A_63 : vector<16xi1>, vector<16xi32>
      %add3A_65 = arith.addi %add3A_54, %select_n3A_64 : vector<16xi32>
      %eq3A_66 = arith.constant 5 : i32
      %eq3A_67 = vector.broadcast %eq3A_66 : i32 to vector<16xi32>
      %eq3A_68 = arith.cmpi eq, %iota3A, %eq3A_67 : vector<16xi32>
      %get3A_69 = arith.constant 5 : i32
      %get3A_70 = arith.index_cast %get3A_69 : i32 to index
      %get3A_71 = arith.constant 0 : index
      %get3A_72 = tpu.vector_load %arg14[%get3A_70, %get3A_71] {strides = array<i32>} : memref<16x16xi32, #tpu.memory_space<vmem>>, vector<16xi32>,
      %jit3A_73 = arith.constant 0 : i32
      %broadcast_in_dim3A_74 = vector.broadcast %jit3A_73 : i32 to vector<16xi32>
      %select_n3A_75 = arith.select %eq3A_68, %get3A_72, %broadcast_in_dim3A_74 : vector<16xi1>, vector<16xi32>
      %add3A_76 = arith.addi %add3A_65, %select_n3A_75 : vector<16xi32>
      %eq3A_77 = arith.constant 6 : i32
      %eq3A_78 = vector.broadcast %eq3A_77 : i32 to vector<16xi32>
      %eq3A_79 = arith.cmpi eq, %iota3A, %eq3A_78 : vector<16xi32>
      %get3A_80 = arith.constant 6 : i32
      %get3A_81 = arith.index_cast %get3A_80 : i32 to index
      %get3A_82 = arith.constant 0 : index
      %get3A_83 = tpu.vector_load %arg14[%get3A_81, %get3A_82] {strides = array<i32>} : memref<16x16xi32, #tpu.memory_space<vmem>>, vector<16xi32>,
      %jit3A_84 = arith.constant 0 : i32
      %broadcast_in_dim3A_85 = vector.broadcast %jit3A_84 : i32 to vector<16xi32>
      %select_n3A_86 = arith.select %eq3A_79, %get3A_83, %broadcast_in_dim3A_85 : vector<16xi1>, vector<16xi32>
      %add3A_87 = arith.addi %add3A_76, %select_n3A_86 : vector<16xi32>
      %eq3A_88 = arith.constant 7 : i32
      %eq3A_89 = vector.broadcast %eq3A_88 : i32 to vector<16xi32>
      %eq3A_90 = arith.cmpi eq, %iota3A, %eq3A_89 : vector<16xi32>
      %get3A_91 = arith.constant 7 : i32
      %get3A_92 = arith.index_cast %get3A_91 : i32 to index
      %get3A_93 = arith.constant 0 : index
      %get3A_94 = tpu.vector_load %arg14[%get3A_92, %get3A_93] {strides = array<i32>} : memref<16x16xi32, #tpu.memory_space<vmem>>, vector<16xi32>,
      %jit3A_95 = arith.constant 0 : i32
      %broadcast_in_dim3A_96 = vector.broadcast %jit3A_95 : i32 to vector<16xi32>
      %select_n3A_97 = arith.select %eq3A_90, %get3A_94, %broadcast_in_dim3A_96 : vector<16xi1>, vector<16xi32>
      %add3A_98 = arith.addi %add3A_87, %select_n3A_97 : vector<16xi32>
      %eq3A_99 = arith.constant 8 : i32
      %eq3A_100 = vector.broadcast %eq3A_99 : i32 to vector<16xi32>
      %eq3A_101 = arith.cmpi eq, %iota3A, %eq3A_100 : vector<16xi32>
      %get3A_102 = arith.constant 8 : i32
      %get3A_103 = arith.index_cast %get3A_102 : i32 to index
      %get3A_104 = arith.constant 0 : index
      %get3A_105 = tpu.vector_load %arg14[%get3A_103, %get3A_104] {strides = array<i32>} : memref<16x16xi32, #tpu.memory_space<vmem>>, vector<16xi32>,
      %jit3A_106 = arith.constant 0 : i32
      %broadcast_in_dim3A_107 = vector.broadcast %jit3A_106 : i32 to vector<16xi32>
      %select_n3A_108 = arith.select %eq3A_101, %get3A_105, %broadcast_in_dim3A_107 : vector<16xi1>, vector<16xi32>
      %add3A_109 = arith.addi %add3A_98, %select_n3A_108 : vector<16xi32>
      %eq3A_110 = arith.constant 9 : i32
      %eq3A_111 = vector.broadcast %eq3A_110 : i32 to vector<16xi32>
      %eq3A_112 = arith.cmpi eq, %iota3A, %eq3A_111 : vector<16xi32>
      %get3A_113 = arith.constant 9 : i32
      %get3A_114 = arith.index_cast %get3A_113 : i32 to index
      %get3A_115 = arith.constant 0 : index
      %get3A_116 = tpu.vector_load %arg14[%get3A_114, %get3A_115] {strides = array<i32>} : memref<16x16xi32, #tpu.memory_space<vmem>>, vector<16xi32>,
      %jit3A_117 = arith.constant 0 : i32
      %broadcast_in_dim3A_118 = vector.broadcast %jit3A_117 : i32 to vector<16xi32>
      %select_n3A_119 = arith.select %eq3A_112, %get3A_116, %broadcast_in_dim3A_118 : vector<16xi1>, vector<16xi32>
      %add3A_120 = arith.addi %add3A_109, %select_n3A_119 : vector<16xi32>
      %eq3A_121 = arith.constant 10 : i32
      %eq3A_122 = vector.broadcast %eq3A_121 : i32 to vector<16xi32>
      %eq3A_123 = arith.cmpi eq, %iota3A, %eq3A_122 : vector<16xi32>
      %get3A_124 = arith.constant 10 : i32
      %get3A_125 = arith.index_cast %get3A_124 : i32 to index
      %get3A_126 = arith.constant 0 : index
      %get3A_127 = tpu.vector_load %arg14[%get3A_125, %get3A_126] {strides = array<i32>} : memref<16x16xi32, #tpu.memory_space<vmem>>, vector<16xi32>,
      %jit3A_128 = arith.constant 0 : i32
      %broadcast_in_dim3A_129 = vector.broadcast %jit3A_128 : i32 to vector<16xi32>
      %select_n3A_130 = arith.select %eq3A_123, %get3A_127, %broadcast_in_dim3A_129 : vector<16xi1>, vector<16xi32>
      %add3A_131 = arith.addi %add3A_120, %select_n3A_130 : vector<16xi32>
      %eq3A_132 = arith.constant 11 : i32
      %eq3A_133 = vector.broadcast %eq3A_132 : i32 to vector<16xi32>
      %eq3A_134 = arith.cmpi eq, %iota3A, %eq3A_133 : vector<16xi32>
      %get3A_135 = arith.constant 11 : i32
      %get3A_136 = arith.index_cast %get3A_135 : i32 to index
      %get3A_137 = arith.constant 0 : index
      %get3A_138 = tpu.vector_load %arg14[%get3A_136, %get3A_137] {strides = array<i32>} : memref<16x16xi32, #tpu.memory_space<vmem>>, vector<16xi32>,
      %jit3A_139 = arith.constant 0 : i32
      %broadcast_in_dim3A_140 = vector.broadcast %jit3A_139 : i32 to vector<16xi32>
      %select_n3A_141 = arith.select %eq3A_134, %get3A_138, %broadcast_in_dim3A_140 : vector<16xi1>, vector<16xi32>
      %add3A_142 = arith.addi %add3A_131, %select_n3A_141 : vector<16xi32>
      %eq3A_143 = arith.constant 12 : i32
      %eq3A_144 = vector.broadcast %eq3A_143 : i32 to vector<16xi32>
      %eq3A_145 = arith.cmpi eq, %iota3A, %eq3A_144 : vector<16xi32>
      %get3A_146 = arith.constant 12 : i32
      %get3A_147 = arith.index_cast %get3A_146 : i32 to index
      %get3A_148 = arith.constant 0 : index
      %get3A_149 = tpu.vector_load %arg14[%get3A_147, %get3A_148] {strides = array<i32>} : memref<16x16xi32, #tpu.memory_space<vmem>>, vector<16xi32>,
      %jit3A_150 = arith.constant 0 : i32
      %broadcast_in_dim3A_151 = vector.broadcast %jit3A_150 : i32 to vector<16xi32>
      %select_n3A_152 = arith.select %eq3A_145, %get3A_149, %broadcast_in_dim3A_151 : vector<16xi1>, vector<16xi32>
      %add3A_153 = arith.addi %add3A_142, %select_n3A_152 : vector<16xi32>
      %eq3A_154 = arith.constant 13 : i32
      %eq3A_155 = vector.broadcast %eq3A_154 : i32 to vector<16xi32>
      %eq3A_156 = arith.cmpi eq, %iota3A, %eq3A_155 : vector<16xi32>
      %get3A_157 = arith.constant 13 : i32
      %get3A_158 = arith.index_cast %get3A_157 : i32 to index
      %get3A_159 = arith.constant 0 : index
      %get3A_160 = tpu.vector_load %arg14[%get3A_158, %get3A_159] {strides = array<i32>} : memref<16x16xi32, #tpu.memory_space<vmem>>, vector<16xi32>,
      %jit3A_161 = arith.constant 0 : i32
      %broadcast_in_dim3A_162 = vector.broadcast %jit3A_161 : i32 to vector<16xi32>
      %select_n3A_163 = arith.select %eq3A_156, %get3A_160, %broadcast_in_dim3A_162 : vector<16xi1>, vector<16xi32>
      %add3A_164 = arith.addi %add3A_153, %select_n3A_163 : vector<16xi32>
      %eq3A_165 = arith.constant 14 : i32
      %eq3A_166 = vector.broadcast %eq3A_165 : i32 to vector<16xi32>
      %eq3A_167 = arith.cmpi eq, %iota3A, %eq3A_166 : vector<16xi32>
      %get3A_168 = arith.constant 14 : i32
      %get3A_169 = arith.index_cast %get3A_168 : i32 to index
      %get3A_170 = arith.constant 0 : index
      %get3A_171 = tpu.vector_load %arg14[%get3A_169, %get3A_170] {strides = array<i32>} : memref<16x16xi32, #tpu.memory_space<vmem>>, vector<16xi32>,
      %jit3A_172 = arith.constant 0 : i32
      %broadcast_in_dim3A_173 = vector.broadcast %jit3A_172 : i32 to vector<16xi32>
      %select_n3A_174 = arith.select %eq3A_167, %get3A_171, %broadcast_in_dim3A_173 : vector<16xi1>, vector<16xi32>
      %add3A_175 = arith.addi %add3A_164, %select_n3A_174 : vector<16xi32>
      %eq3A_176 = arith.constant 15 : i32
      %eq3A_177 = vector.broadcast %eq3A_176 : i32 to vector<16xi32>
      %eq3A_178 = arith.cmpi eq, %iota3A, %eq3A_177 : vector<16xi32>
      %get3A_179 = arith.constant 15 : i32
      %get3A_180 = arith.index_cast %get3A_179 : i32 to index
      %get3A_181 = arith.constant 0 : index
      %get3A_182 = tpu.vector_load %arg14[%get3A_180, %get3A_181] {strides = array<i32>} : memref<16x16xi32, #tpu.memory_space<vmem>>, vector<16xi32>,
      %jit3A_183 = arith.constant 0 : i32
      %broadcast_in_dim3A_184 = vector.broadcast %jit3A_183 : i32 to vector<16xi32>
      %select_n3A_185 = arith.select %eq3A_178, %get3A_182, %broadcast_in_dim3A_184 : vector<16xi1>, vector<16xi32>
      %add3A_186 = arith.addi %add3A_175, %select_n3A_185 : vector<16xi32>
      %add3A_187 = arith.constant 127 : i32
      %add3A_188 = vector.broadcast %add3A_187 : i32 to vector<16xi32>
      %add3A_189 = arith.addi %add3A_186, %add3A_188 : vector<16xi32>
      %jit3A_190 = arith.constant 128 : i32
      %div3A = vector.broadcast %jit3A_190 : i32 to vector<16xi32>
      %div3A_191 = arith.divsi %add3A_189, %div3A : vector<16xi32>
      %sign3A = arith.constant 0 : i32
      %sign3A_192 = vector.broadcast %sign3A : i32 to vector<16xi32>
      %sign3A_193 = arith.cmpi sgt, %add3A_189, %sign3A_192 : vector<16xi32>
      %sign3A_194 = arith.extui %sign3A_193 : vector<16xi1> to vector<16xi32>
      %sign3A_195 = arith.constant 0 : i32
      %sign3A_196 = vector.broadcast %sign3A_195 : i32 to vector<16xi32>
      %sign3A_197 = arith.cmpi slt, %add3A_189, %sign3A_196 : vector<16xi32>
      %sign3A_198 = arith.extui %sign3A_197 : vector<16xi1> to vector<16xi32>
      %sign3A_199 = arith.subi %sign3A_194, %sign3A_198 : vector<16xi32>
      %sign3A_200 = arith.constant 0 : i32
      %sign3A_201 = arith.cmpi sgt, %jit3A_190, %sign3A_200 : i32
      %sign3A_202 = arith.extui %sign3A_201 : i1 to i32
      %sign3A_203 = arith.constant 0 : i32
      %sign3A_204 = arith.cmpi slt, %jit3A_190, %sign3A_203 : i32
      %sign3A_205 = arith.extui %sign3A_204 : i1 to i32
      %sign3A_206 = arith.subi %sign3A_202, %sign3A_205 : i32
      %ne3A = vector.broadcast %sign3A_206 : i32 to vector<16xi32>
      %ne3A_207 = arith.cmpi ne, %sign3A_199, %ne3A : vector<16xi32>
      %rem3A = vector.broadcast %jit3A_190 : i32 to vector<16xi32>
      %rem3A_208 = arith.remsi %add3A_189, %rem3A : vector<16xi32>
      %ne3A_209 = arith.constant 0 : i32
      %ne3A_210 = vector.broadcast %ne3A_209 : i32 to vector<16xi32>
      %ne3A_211 = arith.cmpi ne, %rem3A_208, %ne3A_210 : vector<16xi32>
      %and3A = arith.andi %ne3A_207, %ne3A_211 : vector<16xi1>
      %sub3A = arith.constant 1 : i32
      %sub3A_212 = vector.broadcast %sub3A : i32 to vector<16xi32>
      %sub3A_213 = arith.subi %div3A_191, %sub3A_212 : vector<16xi32>
      %select_n3A_214 = arith.select %and3A, %sub3A_213, %div3A_191 : vector<16xi1>, vector<16xi32>
      %mul3A = arith.constant 128 : i32
      %mul3A_215 = vector.broadcast %mul3A : i32 to vector<16xi32>
      %mul3A_216 = arith.muli %select_n3A_214, %mul3A_215 : vector<16xi32>
      %broadcast_in_dim3A_217 = arith.constant true
      %broadcast_in_dim3A_218 = vector.broadcast %broadcast_in_dim3A_217 : i1 to vector<16xi1>
      %masked_cumsum3A = tpu.scan <sum>, %mul3A_216 masked %broadcast_in_dim3A_218 : vector<16xi32>, vector<16xi1> -> vector<16xi32>
      %sub3A_219 = arith.subi %masked_cumsum3A, %mul3A_216 : vector<16xi32>
      %eq3A_220 = vector.broadcast %arg1 : i32 to vector<16xi32>
      %eq3A_221 = arith.cmpi eq, %iota3A, %eq3A_220 : vector<16xi32>
      %jit3A_222 = arith.constant 0 : i32
      %broadcast_in_dim3A_223 = vector.broadcast %jit3A_222 : i32 to vector<16xi32>
      %select_n3A_224 = arith.select %eq3A_221, %sub3A_219, %broadcast_in_dim3A_223 : vector<16xi1>, vector<16xi32>
      %reduce_sum3A_225 = arith.constant true
      %reduce_sum3A_226 = vector.broadcast %reduce_sum3A_225 : i1 to vector<16xi1>
      %reduce_sum3A_227 = tpu.scan <sum>, %select_n3A_224 masked %reduce_sum3A_226 : vector<16xi32>, vector<16xi1> -> vector<16xi32>
      %reduce_sum3A_228 = vector.extract %reduce_sum3A_227[15] : i32 from vector<16xi32>
      %eq3A_229 = vector.broadcast %arg1 : i32 to vector<16xi32>
      %eq3A_230 = arith.cmpi eq, %iota3A, %eq3A_229 : vector<16xi32>
      %jit3A_231 = arith.constant 0 : i32
      %broadcast_in_dim3A_232 = vector.broadcast %jit3A_231 : i32 to vector<16xi32>
      %select_n3A_233 = arith.select %eq3A_230, %mul3A_216, %broadcast_in_dim3A_232 : vector<16xi1>, vector<16xi32>
      %reduce_sum3A_234 = arith.constant true
      %reduce_sum3A_235 = vector.broadcast %reduce_sum3A_234 : i1 to vector<16xi1>
      %reduce_sum3A_236 = tpu.scan <sum>, %select_n3A_233 masked %reduce_sum3A_235 : vector<16xi32>, vector<16xi1> -> vector<16xi32>
      %reduce_sum3A_237 = vector.extract %reduce_sum3A_236[15] : i32 from vector<16xi32>
      %jit3A_238 = arith.constant 128 : i32
      %div3A_239 = arith.divsi %reduce_sum3A_237, %jit3A_238 : i32
      %sign3A_240 = arith.constant 0 : i32
      %sign3A_241 = arith.cmpi sgt, %reduce_sum3A_237, %sign3A_240 : i32
      %sign3A_242 = arith.extui %sign3A_241 : i1 to i32
      %sign3A_243 = arith.constant 0 : i32
      %sign3A_244 = arith.cmpi slt, %reduce_sum3A_237, %sign3A_243 : i32
      %sign3A_245 = arith.extui %sign3A_244 : i1 to i32
      %sign3A_246 = arith.subi %sign3A_242, %sign3A_245 : i32
      %sign3A_247 = arith.constant 0 : i32
      %sign3A_248 = arith.cmpi sgt, %jit3A_238, %sign3A_247 : i32
      %sign3A_249 = arith.extui %sign3A_248 : i1 to i32
      %sign3A_250 = arith.constant 0 : i32
      %sign3A_251 = arith.cmpi slt, %jit3A_238, %sign3A_250 : i32
      %sign3A_252 = arith.extui %sign3A_251 : i1 to i32
      %sign3A_253 = arith.subi %sign3A_249, %sign3A_252 : i32
      %ne3A_254 = arith.cmpi ne, %sign3A_246, %sign3A_253 : i32
      %rem3A_255 = arith.remsi %reduce_sum3A_237, %jit3A_238 : i32
      %ne3A_256 = arith.constant 0 : i32
      %ne3A_257 = arith.cmpi ne, %rem3A_255, %ne3A_256 : i32
      %and3A_258 = arith.andi %ne3A_254, %ne3A_257 : i1
      %sub3A_259 = arith.constant 1 : i32
      %sub3A_260 = arith.subi %div3A_239, %sub3A_259 : i32
      %select_n3A_261 = arith.select %and3A_258, %sub3A_260, %div3A_239 : i32
      %eq3A_262 = arith.constant 15 : i32
      %eq3A_263 = vector.broadcast %eq3A_262 : i32 to vector<16xi32>
      %eq3A_264 = arith.cmpi eq, %iota3A, %eq3A_263 : vector<16xi32>
      %jit3A_265 = arith.constant 0 : i32
      %broadcast_in_dim3A_266 = vector.broadcast %jit3A_265 : i32 to vector<16xi32>
      %select_n3A_267 = arith.select %eq3A_264, %masked_cumsum3A, %broadcast_in_dim3A_266 : vector<16xi1>, vector<16xi32>
      %reduce_sum3A_268 = arith.constant true
      %reduce_sum3A_269 = vector.broadcast %reduce_sum3A_268 : i1 to vector<16xi1>
      %reduce_sum3A_270 = tpu.scan <sum>, %select_n3A_267 masked %reduce_sum3A_269 : vector<16xi32>, vector<16xi1> -> vector<16xi32>
      %reduce_sum3A_271 = vector.extract %reduce_sum3A_270[15] : i32 from vector<16xi32>
      %jit3A_272 = arith.constant 128 : i32
      %div3A_273 = arith.divsi %reduce_sum3A_271, %jit3A_272 : i32
      %sign3A_274 = arith.constant 0 : i32
      %sign3A_275 = arith.cmpi sgt, %reduce_sum3A_271, %sign3A_274 : i32
      %sign3A_276 = arith.extui %sign3A_275 : i1 to i32
      %sign3A_277 = arith.constant 0 : i32
      %sign3A_278 = arith.cmpi slt, %reduce_sum3A_271, %sign3A_277 : i32
      %sign3A_279 = arith.extui %sign3A_278 : i1 to i32
      %sign3A_280 = arith.subi %sign3A_276, %sign3A_279 : i32
      %sign3A_281 = arith.constant 0 : i32
      %sign3A_282 = arith.cmpi sgt, %jit3A_272, %sign3A_281 : i32
      %sign3A_283 = arith.extui %sign3A_282 : i1 to i32
      %sign3A_284 = arith.constant 0 : i32
      %sign3A_285 = arith.cmpi slt, %jit3A_272, %sign3A_284 : i32
      %sign3A_286 = arith.extui %sign3A_285 : i1 to i32
      %sign3A_287 = arith.subi %sign3A_283, %sign3A_286 : i32
      %ne3A_288 = arith.cmpi ne, %sign3A_280, %sign3A_287 : i32
      %rem3A_289 = arith.remsi %reduce_sum3A_271, %jit3A_272 : i32
      %ne3A_290 = arith.constant 0 : i32
      %ne3A_291 = arith.cmpi ne, %rem3A_289, %ne3A_290 : i32
      %and3A_292 = arith.andi %ne3A_288, %ne3A_291 : i1
      %sub3A_293 = arith.constant 1 : i32
      %sub3A_294 = arith.subi %div3A_273, %sub3A_293 : i32
      %select_n3A_295 = arith.select %and3A_292, %sub3A_294, %div3A_273 : i32
      %mul3A_296 = arith.constant 8 : i32
      %mul3A_297 = arith.muli %select_n3A_261, %mul3A_296 : i32
      %while3A = arith.constant 0 : i32
      %while3A_298 = arith.constant 0 : i32
      %while3A_299 = arith.subi %mul3A_297, %while3A : i32
      %while3A_300 = arith.addi %while3A, %while3A_299 : i32
      %while3A_301 = arith.constant 1 : i32
      %while3A_302 = arith.divsi %while3A_299, %while3A_301 : i32
      %while3A_303 = arith.muli %while3A_302, %while3A_301 : i32
      %while3A_304 = arith.addi %while3A, %while3A_303 : i32
      %while3A_305 = arith.constant 1 : i32
      %while3A_306 = scf.for %while3A_2482 = %while3A to %while3A_304 step %while3A_305 iter_args(%while3A_2483 = %while3A_298) -> (i32)  : i32 {
        %broadcast_in_dim3A_2484 = arith.constant 0 : i32
        %broadcast_in_dim3A_2485 = vector.broadcast %broadcast_in_dim3A_2484 : i32 to vector<16xi32>
        %mul3A_2486 = arith.constant 16 : i32
        %mul3A_2487 = arith.muli %while3A_2482, %mul3A_2486 : i32
        %multiple_of3A_2488 = tpu.assume_multiple %mul3A_2487, 8 : i32
        %swap3A_2489 = arith.index_cast %multiple_of3A_2488 : i32 to index
        %swap3A_2490 = tpu.vector_load %arg10[%swap3A_2489] {strides = array<i32>} : memref<2048xi32, #tpu.memory_space<vmem>>, vector<16xi32>,
        tpu.vector_store %arg10[%swap3A_2489], %broadcast_in_dim3A_2485 {strides = array<i32>} : memref<2048xi32, #tpu.memory_space<vmem>>, vector<16xi32>,
        %while3A_2491 = arith.constant 0 : i32
        scf.yield %while3A_2491 : i32
      }
      %while3A_307 = arith.constant 1 : i32
      %while3A_308 = scf.for %while3A_2482 = %while3A_304 to %while3A_300 step %while3A_307 iter_args(%while3A_2483 = %while3A_306) -> (i32)  : i32 {
        %broadcast_in_dim3A_2484 = arith.constant 0 : i32
        %broadcast_in_dim3A_2485 = vector.broadcast %broadcast_in_dim3A_2484 : i32 to vector<16xi32>
        %mul3A_2486 = arith.constant 16 : i32
        %mul3A_2487 = arith.muli %while3A_2482, %mul3A_2486 : i32
        %multiple_of3A_2488 = tpu.assume_multiple %mul3A_2487, 8 : i32
        %swap3A_2489 = arith.index_cast %multiple_of3A_2488 : i32 to index
        %swap3A_2490 = tpu.vector_load %arg10[%swap3A_2489] {strides = array<i32>} : memref<2048xi32, #tpu.memory_space<vmem>>, vector<16xi32>,
        tpu.vector_store %arg10[%swap3A_2489], %broadcast_in_dim3A_2485 {strides = array<i32>} : memref<2048xi32, #tpu.memory_space<vmem>>, vector<16xi32>,
        %while3A_2491 = arith.constant 0 : i32
        scf.yield %while3A_2491 : i32
      }
      %scan3A_309 = arith.constant 0 : i32
      %scan3A_310 = arith.constant 0 : i32
      %scan3A_311 = arith.constant 128 : i32
      %scan3A_312 = arith.addi %scan3A_310, %scan3A_311 : i32
      %scan3A_313 = arith.constant 1 : i32
      %scan3A_314 = scf.for %scan3A_2482 = %scan3A_310 to %scan3A_312 step %scan3A_313 iter_args(%scan3A_2483 = %scan3A_309) -> (i32)  : i32 {
        %mul3A_2484 = arith.constant 16 : i32
        %mul3A_2485 = arith.muli %scan3A_2482, %mul3A_2484 : i32
        %multiple_of3A_2486 = tpu.assume_multiple %mul3A_2485, 8 : i32
        %get3A_2487 = arith.index_cast %multiple_of3A_2486 : i32 to index
        %get3A_2488 = tpu.vector_load %arg8[%get3A_2487] {strides = array<i32>} : memref<2048xi32, #tpu.memory_space<vmem>>, vector<16xi32>,
        %mul3A_2489 = arith.constant 16 : i32
        %mul3A_2490 = arith.muli %scan3A_2482, %mul3A_2489 : i32
        %multiple_of3A_2491 = tpu.assume_multiple %mul3A_2490, 8 : i32
        %get3A_2492 = arith.index_cast %multiple_of3A_2491 : i32 to index
        %get3A_2493 = tpu.vector_load %arg9[%get3A_2492] {strides = array<i32>} : memref<2048xi32, #tpu.memory_space<vmem>>, vector<16xi32>,
        %eq3A_2494 = vector.broadcast %arg1 : i32 to vector<16xi32>
        %eq3A_2495 = arith.cmpi eq, %get3A_2488, %eq3A_2494 : vector<16xi32>
        %eq3A_2496 = vector.broadcast %arg1 : i32 to vector<16xi32>
        %eq3A_2497 = arith.cmpi eq, %get3A_2493, %eq3A_2496 : vector<16xi32>
        %or3A = arith.ori %eq3A_2495, %eq3A_2497 : vector<16xi1>
        %jit3A_2498 = arith.constant 1 : i32
        %jit3A_2499 = arith.constant 0 : i32
        %broadcast_in_dim3A_2500 = vector.broadcast %jit3A_2498 : i32 to vector<16xi32>
        %broadcast_in_dim3A_2501 = vector.broadcast %jit3A_2499 : i32 to vector<16xi32>
        %select_n3A_2502 = arith.select %or3A, %broadcast_in_dim3A_2500, %broadcast_in_dim3A_2501 : vector<16xi1>, vector<16xi32>
        %broadcast_in_dim3A_2503 = arith.constant true
        %broadcast_in_dim3A_2504 = vector.broadcast %broadcast_in_dim3A_2503 : i1 to vector<16xi1>
        %masked_cumsum3A_2505 = tpu.scan <sum>, %select_n3A_2502 masked %broadcast_in_dim3A_2504 : vector<16xi32>, vector<16xi1> -> vector<16xi32>
        %broadcast_in_dim3A_2506 = vector.broadcast %scan3A_2483 : i32 to vector<16xi32>
        %add3A_2507 = arith.addi %broadcast_in_dim3A_2506, %masked_cumsum3A_2505 : vector<16xi32>
        %sub3A_2508 = arith.subi %add3A_2507, %select_n3A_2502 : vector<16xi32>
        %mul3A_2509 = arith.constant 16 : i32
        %mul3A_2510 = arith.muli %scan3A_2482, %mul3A_2509 : i32
        %add3A_2511 = vector.broadcast %mul3A_2510 : i32 to vector<16xi32>
        %add3A_2512 = arith.addi %add3A_2511, %iota3A : vector<16xi32>
        tpu.vector_store_idx %arg10[%sub3A_2508], %add3A_2512 masked %or3A : memref<2048xi32, #tpu.memory_space<vmem>>[vector<16xi32>], vector<16xi32>, vector<16xi1>
        %broadcast_in_dim3A_2513 = vector.broadcast %reduce_sum3A_228 : i32 to vector<16xi32>
        %add3A_2514 = arith.addi %sub3A_2508, %broadcast_in_dim3A_2513 : vector<16xi32>
        %jit3A_2515 = arith.constant 0 : i32
        %broadcast_in_dim3A_2516 = vector.broadcast %jit3A_2515 : i32 to vector<16xi32>
        %select_n3A_2517 = arith.select %eq3A_2495, %add3A_2514, %broadcast_in_dim3A_2516 : vector<16xi1>, vector<16xi32>
        %jit3A_2518 = arith.constant 8 : i32
        %div3A_2519 = arith.divsi %scan3A_2482, %jit3A_2518 : i32
        %sign3A_2520 = arith.constant 0 : i32
        %sign3A_2521 = arith.cmpi sgt, %scan3A_2482, %sign3A_2520 : i32
        %sign3A_2522 = arith.extui %sign3A_2521 : i1 to i32
        %sign3A_2523 = arith.constant 0 : i32
        %sign3A_2524 = arith.cmpi slt, %scan3A_2482, %sign3A_2523 : i32
        %sign3A_2525 = arith.extui %sign3A_2524 : i1 to i32
        %sign3A_2526 = arith.subi %sign3A_2522, %sign3A_2525 : i32
        %sign3A_2527 = arith.constant 0 : i32
        %sign3A_2528 = arith.cmpi sgt, %jit3A_2518, %sign3A_2527 : i32
        %sign3A_2529 = arith.extui %sign3A_2528 : i1 to i32
        %sign3A_2530 = arith.constant 0 : i32
        %sign3A_2531 = arith.cmpi slt, %jit3A_2518, %sign3A_2530 : i32
        %sign3A_2532 = arith.extui %sign3A_2531 : i1 to i32
        %sign3A_2533 = arith.subi %sign3A_2529, %sign3A_2532 : i32
        %ne3A_2534 = arith.cmpi ne, %sign3A_2526, %sign3A_2533 : i32
        %rem3A_2535 = arith.remsi %scan3A_2482, %jit3A_2518 : i32
        %ne3A_2536 = arith.constant 0 : i32
        %ne3A_2537 = arith.cmpi ne, %rem3A_2535, %ne3A_2536 : i32
        %and3A_2538 = arith.andi %ne3A_2534, %ne3A_2537 : i1
        %sub3A_2539 = arith.constant 1 : i32
        %sub3A_2540 = arith.subi %div3A_2519, %sub3A_2539 : i32
        %select_n3A_2541 = arith.select %and3A_2538, %sub3A_2540, %div3A_2519 : i32
        %jit3A_2542 = arith.constant 8 : i32
        %eq3A_2543 = arith.constant 0 : i32
        %eq3A_2544 = arith.cmpi eq, %jit3A_2542, %eq3A_2543 : i32
        %jit3A_2545 = arith.constant 1 : i32
        %select_n3A_2546 = arith.select %eq3A_2544, %jit3A_2545, %jit3A_2542 : i32
        %rem3A_2547 = arith.remsi %scan3A_2482, %select_n3A_2546 : i32
        %ne3A_2548 = arith.constant 0 : i32
        %ne3A_2549 = arith.cmpi ne, %rem3A_2547, %ne3A_2548 : i32
        %lt3A = arith.constant 0 : i32
        %lt3A_2550 = arith.cmpi slt, %rem3A_2547, %lt3A : i32
        %lt3A_2551 = arith.constant 0 : i32
        %lt3A_2552 = arith.cmpi slt, %select_n3A_2546, %lt3A_2551 : i32
        %ne3A_2553 = arith.xori %lt3A_2550, %lt3A_2552 : i1
        %and3A_2554 = arith.andi %ne3A_2553, %ne3A_2549 : i1
        %add3A_2555 = arith.addi %rem3A_2547, %select_n3A_2546 : i32
        %select_n3A_2556 = arith.select %and3A_2554, %add3A_2555, %rem3A_2547 : i32
        %mul3A_2557 = arith.constant 16 : i32
        %mul3A_2558 = arith.muli %select_n3A_2556, %mul3A_2557 : i32
        %multiple_of3A_2559 = tpu.assume_multiple %mul3A_2558, 8 : i32
        %swap3A_2560 = arith.index_cast %select_n3A_2541 : i32 to index
        %swap3A_2561 = arith.index_cast %multiple_of3A_2559 : i32 to index
        %swap3A_2562 = tpu.vector_load %arg11[%swap3A_2560, %swap3A_2561] {strides = array<i32>} : memref<16x128xi32, #tpu.memory_space<vmem>>, vector<16xi32>,
        tpu.vector_store %arg11[%swap3A_2560, %swap3A_2561], %select_n3A_2517 {strides = array<i32>} : memref<16x128xi32, #tpu.memory_space<vmem>>, vector<16xi32>,
        %jit3A_2563 = arith.constant 0 : i32
        %broadcast_in_dim3A_2564 = vector.broadcast %jit3A_2563 : i32 to vector<16xi32>
        %select_n3A_2565 = arith.select %eq3A_2497, %add3A_2514, %broadcast_in_dim3A_2564 : vector<16xi1>, vector<16xi32>
        %jit3A_2566 = arith.constant 8 : i32
        %div3A_2567 = arith.divsi %scan3A_2482, %jit3A_2566 : i32
        %sign3A_2568 = arith.constant 0 : i32
        %sign3A_2569 = arith.cmpi sgt, %scan3A_2482, %sign3A_2568 : i32
        %sign3A_2570 = arith.extui %sign3A_2569 : i1 to i32
        %sign3A_2571 = arith.constant 0 : i32
        %sign3A_2572 = arith.cmpi slt, %scan3A_2482, %sign3A_2571 : i32
        %sign3A_2573 = arith.extui %sign3A_2572 : i1 to i32
        %sign3A_2574 = arith.subi %sign3A_2570, %sign3A_2573 : i32
        %sign3A_2575 = arith.constant 0 : i32
        %sign3A_2576 = arith.cmpi sgt, %jit3A_2566, %sign3A_2575 : i32
        %sign3A_2577 = arith.extui %sign3A_2576 : i1 to i32
        %sign3A_2578 = arith.constant 0 : i32
        %sign3A_2579 = arith.cmpi slt, %jit3A_2566, %sign3A_2578 : i32
        %sign3A_2580 = arith.extui %sign3A_2579 : i1 to i32
        %sign3A_2581 = arith.subi %sign3A_2577, %sign3A_2580 : i32
        %ne3A_2582 = arith.cmpi ne, %sign3A_2574, %sign3A_2581 : i32
        %rem3A_2583 = arith.remsi %scan3A_2482, %jit3A_2566 : i32
        %ne3A_2584 = arith.constant 0 : i32
        %ne3A_2585 = arith.cmpi ne, %rem3A_2583, %ne3A_2584 : i32
        %and3A_2586 = arith.andi %ne3A_2582, %ne3A_2585 : i1
        %sub3A_2587 = arith.constant 1 : i32
        %sub3A_2588 = arith.subi %div3A_2567, %sub3A_2587 : i32
        %select_n3A_2589 = arith.select %and3A_2586, %sub3A_2588, %div3A_2567 : i32
        %jit3A_2590 = arith.constant 8 : i32
        %eq3A_2591 = arith.constant 0 : i32
        %eq3A_2592 = arith.cmpi eq, %jit3A_2590, %eq3A_2591 : i32
        %jit3A_2593 = arith.constant 1 : i32
        %select_n3A_2594 = arith.select %eq3A_2592, %jit3A_2593, %jit3A_2590 : i32
        %rem3A_2595 = arith.remsi %scan3A_2482, %select_n3A_2594 : i32
        %ne3A_2596 = arith.constant 0 : i32
        %ne3A_2597 = arith.cmpi ne, %rem3A_2595, %ne3A_2596 : i32
        %lt3A_2598 = arith.constant 0 : i32
        %lt3A_2599 = arith.cmpi slt, %rem3A_2595, %lt3A_2598 : i32
        %lt3A_2600 = arith.constant 0 : i32
        %lt3A_2601 = arith.cmpi slt, %select_n3A_2594, %lt3A_2600 : i32
        %ne3A_2602 = arith.xori %lt3A_2599, %lt3A_2601 : i1
        %and3A_2603 = arith.andi %ne3A_2602, %ne3A_2597 : i1
        %add3A_2604 = arith.addi %rem3A_2595, %select_n3A_2594 : i32
        %select_n3A_2605 = arith.select %and3A_2603, %add3A_2604, %rem3A_2595 : i32
        %mul3A_2606 = arith.constant 16 : i32
        %mul3A_2607 = arith.muli %select_n3A_2605, %mul3A_2606 : i32
        %multiple_of3A_2608 = tpu.assume_multiple %mul3A_2607, 8 : i32
        %swap3A_2609 = arith.index_cast %select_n3A_2589 : i32 to index
        %swap3A_2610 = arith.index_cast %multiple_of3A_2608 : i32 to index
        %swap3A_2611 = tpu.vector_load %arg12[%swap3A_2609, %swap3A_2610] {strides = array<i32>} : memref<16x128xi32, #tpu.memory_space<vmem>>, vector<16xi32>,
        tpu.vector_store %arg12[%swap3A_2609, %swap3A_2610], %select_n3A_2565 {strides = array<i32>} : memref<16x128xi32, #tpu.memory_space<vmem>>, vector<16xi32>,
        %reduce_sum3A_2612 = arith.constant true
        %reduce_sum3A_2613 = vector.broadcast %reduce_sum3A_2612 : i1 to vector<16xi1>
        %reduce_sum3A_2614 = tpu.scan <sum>, %select_n3A_2502 masked %reduce_sum3A_2613 : vector<16xi32>, vector<16xi1> -> vector<16xi32>
        %reduce_sum3A_2615 = vector.extract %reduce_sum3A_2614[15] : i32 from vector<16xi32>
        %add3A_2616 = arith.addi %scan3A_2483, %reduce_sum3A_2615 : i32
        scf.yield %add3A_2616 : i32
      }
      %scan3A_315 = arith.constant 128 : i32
      %while3A_316 = arith.constant 0 : i32
      %while3A_317 = arith.constant 0 : i32
      %while3A_318 = arith.subi %select_n3A_261, %while3A_316 : i32
      %while3A_319 = arith.addi %while3A_316, %while3A_318 : i32
      %while3A_320 = arith.constant 1 : i32
      %while3A_321 = arith.divsi %while3A_318, %while3A_320 : i32
      %while3A_322 = arith.muli %while3A_321, %while3A_320 : i32
      %while3A_323 = arith.addi %while3A_316, %while3A_322 : i32
      %while3A_324 = arith.constant 1 : i32
      %while3A_325 = scf.for %while3A_2482 = %while3A_316 to %while3A_323 step %while3A_324 iter_args(%while3A_2483 = %while3A_317) -> (i32)  : i32 {
        %mul3A_2484 = arith.constant 128 : i32
        %mul3A_2485 = arith.muli %while3A_2482, %mul3A_2484 : i32
        %multiple_of3A_2486 = tpu.assume_multiple %mul3A_2485, 8 : i32
        %mul3A_2487 = arith.constant 128 : i32
        %mul3A_2488 = arith.muli %while3A_2482, %mul3A_2487 : i32
        %add3A_2489 = arith.addi %reduce_sum3A_228, %mul3A_2488 : i32
        %multiple_of3A_2490 = tpu.assume_multiple %add3A_2489, 8 : i32
        "tpu.region"() ({
          %run_scoped3A = tpu.sem_alloc : memref<!tpu.dma_semaphore, #tpu.memory_space<semaphore_mem>>
          %dma_start3A = tpu.memref_slice %arg10[%multiple_of3A_2486] : memref<2048xi32, #tpu.memory_space<vmem>> -> memref<128xi32, #tpu.memory_space<vmem>>
          %dma_start3A_2492 = tpu.memref_slice %arg4[%multiple_of3A_2490] : memref<6144xi32, #tpu.memory_space<hbm>> -> memref<128xi32, #tpu.memory_space<hbm>>
          %dma_start3A_2493 = tpu.memref_slice %arg4[%multiple_of3A_2490] : memref<6144xi32, #tpu.memory_space<hbm>> -> memref<128xi32, #tpu.memory_space<hbm>>
          %dma_start3A_2494 = tpu.memref_slice %arg10[%multiple_of3A_2486] : memref<2048xi32, #tpu.memory_space<vmem>> -> memref<128xi32, #tpu.memory_space<vmem>>
          tpu.enqueue_dma source(%dma_start3A_2494 : memref<128xi32, #tpu.memory_space<vmem>>) target(%dma_start3A_2493 : memref<128xi32, #tpu.memory_space<hbm>>) target_semaphore(%run_scoped3A : memref<!tpu.dma_semaphore, #tpu.memory_space<semaphore_mem>>)
          %dma_wait3A = tpu.memref_slice %arg10[%multiple_of3A_2486] : memref<2048xi32, #tpu.memory_space<vmem>> -> memref<128xi32, #tpu.memory_space<vmem>>
          %dma_wait3A_2495 = tpu.memref_slice %arg4[%multiple_of3A_2490] : memref<6144xi32, #tpu.memory_space<hbm>> -> memref<128xi32, #tpu.memory_space<hbm>>
          %dma_wait3A_2496 = tpu.memref_slice %arg4[%multiple_of3A_2490] : memref<6144xi32, #tpu.memory_space<hbm>> -> memref<128xi32, #tpu.memory_space<hbm>>
          %dma_wait3A_2497 = tpu.memref_slice %arg10[%multiple_of3A_2486] : memref<2048xi32, #tpu.memory_space<vmem>> -> memref<128xi32, #tpu.memory_space<vmem>>
          tpu.wait_dma2 semaphore(%run_scoped3A : memref<!tpu.dma_semaphore, #tpu.memory_space<semaphore_mem>>) src(%dma_wait3A_2497 : memref<128xi32, #tpu.memory_space<vmem>>) dst(%dma_wait3A_2496 : memref<128xi32, #tpu.memory_space<hbm>>)
          tpu.yield
        }) : () -> ()
        %while3A_2491 = arith.constant 0 : i32
        scf.yield %while3A_2491 : i32
      }
      %while3A_326 = arith.constant 1 : i32
      %while3A_327 = scf.for %while3A_2482 = %while3A_323 to %while3A_319 step %while3A_326 iter_args(%while3A_2483 = %while3A_325) -> (i32)  : i32 {
        %mul3A_2484 = arith.constant 128 : i32
        %mul3A_2485 = arith.muli %while3A_2482, %mul3A_2484 : i32
        %multiple_of3A_2486 = tpu.assume_multiple %mul3A_2485, 8 : i32
        %mul3A_2487 = arith.constant 128 : i32
        %mul3A_2488 = arith.muli %while3A_2482, %mul3A_2487 : i32
        %add3A_2489 = arith.addi %reduce_sum3A_228, %mul3A_2488 : i32
        %multiple_of3A_2490 = tpu.assume_multiple %add3A_2489, 8 : i32
        "tpu.region"() ({
          %run_scoped3A = tpu.sem_alloc : memref<!tpu.dma_semaphore, #tpu.memory_space<semaphore_mem>>
          %dma_start3A = tpu.memref_slice %arg10[%multiple_of3A_2486] : memref<2048xi32, #tpu.memory_space<vmem>> -> memref<128xi32, #tpu.memory_space<vmem>>
          %dma_start3A_2492 = tpu.memref_slice %arg4[%multiple_of3A_2490] : memref<6144xi32, #tpu.memory_space<hbm>> -> memref<128xi32, #tpu.memory_space<hbm>>
          %dma_start3A_2493 = tpu.memref_slice %arg4[%multiple_of3A_2490] : memref<6144xi32, #tpu.memory_space<hbm>> -> memref<128xi32, #tpu.memory_space<hbm>>
          %dma_start3A_2494 = tpu.memref_slice %arg10[%multiple_of3A_2486] : memref<2048xi32, #tpu.memory_space<vmem>> -> memref<128xi32, #tpu.memory_space<vmem>>
          tpu.enqueue_dma source(%dma_start3A_2494 : memref<128xi32, #tpu.memory_space<vmem>>) target(%dma_start3A_2493 : memref<128xi32, #tpu.memory_space<hbm>>) target_semaphore(%run_scoped3A : memref<!tpu.dma_semaphore, #tpu.memory_space<semaphore_mem>>)
          %dma_wait3A = tpu.memref_slice %arg10[%multiple_of3A_2486] : memref<2048xi32, #tpu.memory_space<vmem>> -> memref<128xi32, #tpu.memory_space<vmem>>
          %dma_wait3A_2495 = tpu.memref_slice %arg4[%multiple_of3A_2490] : memref<6144xi32, #tpu.memory_space<hbm>> -> memref<128xi32, #tpu.memory_space<hbm>>
          %dma_wait3A_2496 = tpu.memref_slice %arg4[%multiple_of3A_2490] : memref<6144xi32, #tpu.memory_space<hbm>> -> memref<128xi32, #tpu.memory_space<hbm>>
          %dma_wait3A_2497 = tpu.memref_slice %arg10[%multiple_of3A_2486] : memref<2048xi32, #tpu.memory_space<vmem>> -> memref<128xi32, #tpu.memory_space<vmem>>
          tpu.wait_dma2 semaphore(%run_scoped3A : memref<!tpu.dma_semaphore, #tpu.memory_space<semaphore_mem>>) src(%dma_wait3A_2497 : memref<128xi32, #tpu.memory_space<vmem>>) dst(%dma_wait3A_2496 : memref<128xi32, #tpu.memory_space<hbm>>)
          tpu.yield
        }) : () -> ()
        %while3A_2491 = arith.constant 0 : i32
        scf.yield %while3A_2491 : i32
      }
      "tpu.region"() ({
        %run_scoped3A = tpu.sem_alloc : memref<!tpu.dma_semaphore, #tpu.memory_space<semaphore_mem>>
        %dma_start3A = arith.constant 0 : i32
        %dma_start3A_2482 = arith.constant 0 : i32
        %dma_start3A_2483 = tpu.memref_slice %arg20[%arg1, %dma_start3A, %dma_start3A_2482] : memref<16x16x128xi32, #tpu.memory_space<vmem_shared>> -> memref<1x16x128xi32, #tpu.memory_space<vmem_shared>>
        %dma_start3A_2484 = tpu.memref_squeeze %dma_start3A_2483 : memref<1x16x128xi32, #tpu.memory_space<vmem_shared>> -> memref<16x128xi32, #tpu.memory_space<vmem_shared>>
        %dma_start3A_2485 = arith.constant 0 : i32
        %dma_start3A_2486 = arith.constant 0 : i32
        %dma_start3A_2487 = tpu.memref_slice %arg20[%arg1, %dma_start3A_2485, %dma_start3A_2486] : memref<16x16x128xi32, #tpu.memory_space<vmem_shared>> -> memref<1x16x128xi32, #tpu.memory_space<vmem_shared>>
        %dma_start3A_2488 = tpu.memref_squeeze %dma_start3A_2487 : memref<1x16x128xi32, #tpu.memory_space<vmem_shared>> -> memref<16x128xi32, #tpu.memory_space<vmem_shared>>
        tpu.enqueue_dma source(%arg11 : memref<16x128xi32, #tpu.memory_space<vmem>>) target(%dma_start3A_2488 : memref<16x128xi32, #tpu.memory_space<vmem_shared>>) target_semaphore(%run_scoped3A : memref<!tpu.dma_semaphore, #tpu.memory_space<semaphore_mem>>)
        %dma_wait3A = arith.constant 0 : i32
        %dma_wait3A_2489 = arith.constant 0 : i32
        %dma_wait3A_2490 = tpu.memref_slice %arg20[%arg1, %dma_wait3A, %dma_wait3A_2489] : memref<16x16x128xi32, #tpu.memory_space<vmem_shared>> -> memref<1x16x128xi32, #tpu.memory_space<vmem_shared>>
        %dma_wait3A_2491 = tpu.memref_squeeze %dma_wait3A_2490 : memref<1x16x128xi32, #tpu.memory_space<vmem_shared>> -> memref<16x128xi32, #tpu.memory_space<vmem_shared>>
        %dma_wait3A_2492 = arith.constant 0 : i32
        %dma_wait3A_2493 = arith.constant 0 : i32
        %dma_wait3A_2494 = tpu.memref_slice %arg20[%arg1, %dma_wait3A_2492, %dma_wait3A_2493] : memref<16x16x128xi32, #tpu.memory_space<vmem_shared>> -> memref<1x16x128xi32, #tpu.memory_space<vmem_shared>>
        %dma_wait3A_2495 = tpu.memref_squeeze %dma_wait3A_2494 : memref<1x16x128xi32, #tpu.memory_space<vmem_shared>> -> memref<16x128xi32, #tpu.memory_space<vmem_shared>>
        tpu.wait_dma2 semaphore(%run_scoped3A : memref<!tpu.dma_semaphore, #tpu.memory_space<semaphore_mem>>) src(%arg11 : memref<16x128xi32, #tpu.memory_space<vmem>>) dst(%dma_wait3A_2495 : memref<16x128xi32, #tpu.memory_space<vmem_shared>>)
        tpu.yield
      }) : () -> ()
      "tpu.region"() ({
        %run_scoped3A = tpu.sem_alloc : memref<!tpu.dma_semaphore, #tpu.memory_space<semaphore_mem>>
        %dma_start3A = arith.constant 0 : i32
        %dma_start3A_2482 = arith.constant 0 : i32
        %dma_start3A_2483 = tpu.memref_slice %arg21[%arg1, %dma_start3A, %dma_start3A_2482] : memref<16x16x128xi32, #tpu.memory_space<vmem_shared>> -> memref<1x16x128xi32, #tpu.memory_space<vmem_shared>>
        %dma_start3A_2484 = tpu.memref_squeeze %dma_start3A_2483 : memref<1x16x128xi32, #tpu.memory_space<vmem_shared>> -> memref<16x128xi32, #tpu.memory_space<vmem_shared>>
        %dma_start3A_2485 = arith.constant 0 : i32
        %dma_start3A_2486 = arith.constant 0 : i32
        %dma_start3A_2487 = tpu.memref_slice %arg21[%arg1, %dma_start3A_2485, %dma_start3A_2486] : memref<16x16x128xi32, #tpu.memory_space<vmem_shared>> -> memref<1x16x128xi32, #tpu.memory_space<vmem_shared>>
        %dma_start3A_2488 = tpu.memref_squeeze %dma_start3A_2487 : memref<1x16x128xi32, #tpu.memory_space<vmem_shared>> -> memref<16x128xi32, #tpu.memory_space<vmem_shared>>
        tpu.enqueue_dma source(%arg12 : memref<16x128xi32, #tpu.memory_space<vmem>>) target(%dma_start3A_2488 : memref<16x128xi32, #tpu.memory_space<vmem_shared>>) target_semaphore(%run_scoped3A : memref<!tpu.dma_semaphore, #tpu.memory_space<semaphore_mem>>)
        %dma_wait3A = arith.constant 0 : i32
        %dma_wait3A_2489 = arith.constant 0 : i32
        %dma_wait3A_2490 = tpu.memref_slice %arg21[%arg1, %dma_wait3A, %dma_wait3A_2489] : memref<16x16x128xi32, #tpu.memory_space<vmem_shared>> -> memref<1x16x128xi32, #tpu.memory_space<vmem_shared>>
        %dma_wait3A_2491 = tpu.memref_squeeze %dma_wait3A_2490 : memref<1x16x128xi32, #tpu.memory_space<vmem_shared>> -> memref<16x128xi32, #tpu.memory_space<vmem_shared>>
        %dma_wait3A_2492 = arith.constant 0 : i32
        %dma_wait3A_2493 = arith.constant 0 : i32
        %dma_wait3A_2494 = tpu.memref_slice %arg21[%arg1, %dma_wait3A_2492, %dma_wait3A_2493] : memref<16x16x128xi32, #tpu.memory_space<vmem_shared>> -> memref<1x16x128xi32, #tpu.memory_space<vmem_shared>>
        %dma_wait3A_2495 = tpu.memref_squeeze %dma_wait3A_2494 : memref<1x16x128xi32, #tpu.memory_space<vmem_shared>> -> memref<16x128xi32, #tpu.memory_space<vmem_shared>>
        tpu.wait_dma2 semaphore(%run_scoped3A : memref<!tpu.dma_semaphore, #tpu.memory_space<semaphore_mem>>) src(%arg12 : memref<16x128xi32, #tpu.memory_space<vmem>>) dst(%dma_wait3A_2495 : memref<16x128xi32, #tpu.memory_space<vmem_shared>>)
        tpu.yield
      }) : () -> ()
      %barrier3A_328 = arith.constant 0 : index
      tpu.barrier barrier_id(%barrier3A_328)
      "tpu.region"() ({
        %run_scoped3A = tpu.sem_alloc : memref<!tpu.dma_semaphore, #tpu.memory_space<semaphore_mem>>
        tpu.enqueue_dma source(%arg20 : memref<16x16x128xi32, #tpu.memory_space<vmem_shared>>) target(%arg15 : memref<16x16x128xi32, #tpu.memory_space<vmem>>) target_semaphore(%run_scoped3A : memref<!tpu.dma_semaphore, #tpu.memory_space<semaphore_mem>>)
        tpu.wait_dma2 semaphore(%run_scoped3A : memref<!tpu.dma_semaphore, #tpu.memory_space<semaphore_mem>>) src(%arg20 : memref<16x16x128xi32, #tpu.memory_space<vmem_shared>>) dst(%arg15 : memref<16x16x128xi32, #tpu.memory_space<vmem>>)
        tpu.yield
      }) : () -> ()
      %broadcast_in_dim3A_329 = arith.constant 0 : i32
      %broadcast_in_dim3A_330 = vector.broadcast %broadcast_in_dim3A_329 : i32 to vector<16xi32>
      %multiple_of3A = arith.constant 0 : i32
      %multiple_of3A_331 = tpu.assume_multiple %multiple_of3A, 8 : i32
      %get3A_332 = arith.constant 0 : i32
      %get3A_333 = arith.index_cast %get3A_332 : i32 to index
      %get3A_334 = arith.index_cast %arg1 : i32 to index
      %get3A_335 = arith.index_cast %multiple_of3A_331 : i32 to index
      %get3A_336 = tpu.vector_load %arg15[%get3A_333, %get3A_334, %get3A_335] {strides = array<i32>} : memref<16x16x128xi32, #tpu.memory_space<vmem>>, vector<16xi32>,
      %add3A_337 = arith.addi %broadcast_in_dim3A_330, %get3A_336 : vector<16xi32>
      %multiple_of3A_338 = arith.constant 0 : i32
      %multiple_of3A_339 = tpu.assume_multiple %multiple_of3A_338, 8 : i32
      %get3A_340 = arith.constant 1 : i32
      %get3A_341 = arith.index_cast %get3A_340 : i32 to index
      %get3A_342 = arith.index_cast %arg1 : i32 to index
      %get3A_343 = arith.index_cast %multiple_of3A_339 : i32 to index
      %get3A_344 = tpu.vector_load %arg15[%get3A_341, %get3A_342, %get3A_343] {strides = array<i32>} : memref<16x16x128xi32, #tpu.memory_space<vmem>>, vector<16xi32>,
      %add3A_345 = arith.addi %add3A_337, %get3A_344 : vector<16xi32>
      %multiple_of3A_346 = arith.constant 0 : i32
      %multiple_of3A_347 = tpu.assume_multiple %multiple_of3A_346, 8 : i32
      %get3A_348 = arith.constant 2 : i32
      %get3A_349 = arith.index_cast %get3A_348 : i32 to index
      %get3A_350 = arith.index_cast %arg1 : i32 to index
      %get3A_351 = arith.index_cast %multiple_of3A_347 : i32 to index
      %get3A_352 = tpu.vector_load %arg15[%get3A_349, %get3A_350, %get3A_351] {strides = array<i32>} : memref<16x16x128xi32, #tpu.memory_space<vmem>>, vector<16xi32>,
      %add3A_353 = arith.addi %add3A_345, %get3A_352 : vector<16xi32>
      %multiple_of3A_354 = arith.constant 0 : i32
      %multiple_of3A_355 = tpu.assume_multiple %multiple_of3A_354, 8 : i32
      %get3A_356 = arith.constant 3 : i32
      %get3A_357 = arith.index_cast %get3A_356 : i32 to index
      %get3A_358 = arith.index_cast %arg1 : i32 to index
      %get3A_359 = arith.index_cast %multiple_of3A_355 : i32 to index
      %get3A_360 = tpu.vector_load %arg15[%get3A_357, %get3A_358, %get3A_359] {strides = array<i32>} : memref<16x16x128xi32, #tpu.memory_space<vmem>>, vector<16xi32>,
      %add3A_361 = arith.addi %add3A_353, %get3A_360 : vector<16xi32>
      %multiple_of3A_362 = arith.constant 0 : i32
      %multiple_of3A_363 = tpu.assume_multiple %multiple_of3A_362, 8 : i32
      %get3A_364 = arith.constant 4 : i32
      %get3A_365 = arith.index_cast %get3A_364 : i32 to index
      %get3A_366 = arith.index_cast %arg1 : i32 to index
      %get3A_367 = arith.index_cast %multiple_of3A_363 : i32 to index
      %get3A_368 = tpu.vector_load %arg15[%get3A_365, %get3A_366, %get3A_367] {strides = array<i32>} : memref<16x16x128xi32, #tpu.memory_space<vmem>>, vector<16xi32>,
      %add3A_369 = arith.addi %add3A_361, %get3A_368 : vector<16xi32>
      %multiple_of3A_370 = arith.constant 0 : i32
      %multiple_of3A_371 = tpu.assume_multiple %multiple_of3A_370, 8 : i32
      %get3A_372 = arith.constant 5 : i32
      %get3A_373 = arith.index_cast %get3A_372 : i32 to index
      %get3A_374 = arith.index_cast %arg1 : i32 to index
      %get3A_375 = arith.index_cast %multiple_of3A_371 : i32 to index
      %get3A_376 = tpu.vector_load %arg15[%get3A_373, %get3A_374, %get3A_375] {strides = array<i32>} : memref<16x16x128xi32, #tpu.memory_space<vmem>>, vector<16xi32>,
      %add3A_377 = arith.addi %add3A_369, %get3A_376 : vector<16xi32>
      %multiple_of3A_378 = arith.constant 0 : i32
      %multiple_of3A_379 = tpu.assume_multiple %multiple_of3A_378, 8 : i32
      %get3A_380 = arith.constant 6 : i32
      %get3A_381 = arith.index_cast %get3A_380 : i32 to index
      %get3A_382 = arith.index_cast %arg1 : i32 to index
      %get3A_383 = arith.index_cast %multiple_of3A_379 : i32 to index
      %get3A_384 = tpu.vector_load %arg15[%get3A_381, %get3A_382, %get3A_383] {strides = array<i32>} : memref<16x16x128xi32, #tpu.memory_space<vmem>>, vector<16xi32>,
      %add3A_385 = arith.addi %add3A_377, %get3A_384 : vector<16xi32>
      %multiple_of3A_386 = arith.constant 0 : i32
      %multiple_of3A_387 = tpu.assume_multiple %multiple_of3A_386, 8 : i32
      %get3A_388 = arith.constant 7 : i32
      %get3A_389 = arith.index_cast %get3A_388 : i32 to index
      %get3A_390 = arith.index_cast %arg1 : i32 to index
      %get3A_391 = arith.index_cast %multiple_of3A_387 : i32 to index
      %get3A_392 = tpu.vector_load %arg15[%get3A_389, %get3A_390, %get3A_391] {strides = array<i32>} : memref<16x16x128xi32, #tpu.memory_space<vmem>>, vector<16xi32>,
      %add3A_393 = arith.addi %add3A_385, %get3A_392 : vector<16xi32>
      %multiple_of3A_394 = arith.constant 0 : i32
      %multiple_of3A_395 = tpu.assume_multiple %multiple_of3A_394, 8 : i32
      %get3A_396 = arith.constant 8 : i32
      %get3A_397 = arith.index_cast %get3A_396 : i32 to index
      %get3A_398 = arith.index_cast %arg1 : i32 to index
      %get3A_399 = arith.index_cast %multiple_of3A_395 : i32 to index
      %get3A_400 = tpu.vector_load %arg15[%get3A_397, %get3A_398, %get3A_399] {strides = array<i32>} : memref<16x16x128xi32, #tpu.memory_space<vmem>>, vector<16xi32>,
      %add3A_401 = arith.addi %add3A_393, %get3A_400 : vector<16xi32>
      %multiple_of3A_402 = arith.constant 0 : i32
      %multiple_of3A_403 = tpu.assume_multiple %multiple_of3A_402, 8 : i32
      %get3A_404 = arith.constant 9 : i32
      %get3A_405 = arith.index_cast %get3A_404 : i32 to index
      %get3A_406 = arith.index_cast %arg1 : i32 to index
      %get3A_407 = arith.index_cast %multiple_of3A_403 : i32 to index
      %get3A_408 = tpu.vector_load %arg15[%get3A_405, %get3A_406, %get3A_407] {strides = array<i32>} : memref<16x16x128xi32, #tpu.memory_space<vmem>>, vector<16xi32>,
      %add3A_409 = arith.addi %add3A_401, %get3A_408 : vector<16xi32>
      %multiple_of3A_410 = arith.constant 0 : i32
      %multiple_of3A_411 = tpu.assume_multiple %multiple_of3A_410, 8 : i32
      %get3A_412 = arith.constant 10 : i32
      %get3A_413 = arith.index_cast %get3A_412 : i32 to index
      %get3A_414 = arith.index_cast %arg1 : i32 to index
      %get3A_415 = arith.index_cast %multiple_of3A_411 : i32 to index
      %get3A_416 = tpu.vector_load %arg15[%get3A_413, %get3A_414, %get3A_415] {strides = array<i32>} : memref<16x16x128xi32, #tpu.memory_space<vmem>>, vector<16xi32>,
      %add3A_417 = arith.addi %add3A_409, %get3A_416 : vector<16xi32>
      %multiple_of3A_418 = arith.constant 0 : i32
      %multiple_of3A_419 = tpu.assume_multiple %multiple_of3A_418, 8 : i32
      %get3A_420 = arith.constant 11 : i32
      %get3A_421 = arith.index_cast %get3A_420 : i32 to index
      %get3A_422 = arith.index_cast %arg1 : i32 to index
      %get3A_423 = arith.index_cast %multiple_of3A_419 : i32 to index
      %get3A_424 = tpu.vector_load %arg15[%get3A_421, %get3A_422, %get3A_423] {strides = array<i32>} : memref<16x16x128xi32, #tpu.memory_space<vmem>>, vector<16xi32>,
      %add3A_425 = arith.addi %add3A_417, %get3A_424 : vector<16xi32>
      %multiple_of3A_426 = arith.constant 0 : i32
      %multiple_of3A_427 = tpu.assume_multiple %multiple_of3A_426, 8 : i32
      %get3A_428 = arith.constant 12 : i32
      %get3A_429 = arith.index_cast %get3A_428 : i32 to index
      %get3A_430 = arith.index_cast %arg1 : i32 to index
      %get3A_431 = arith.index_cast %multiple_of3A_427 : i32 to index
      %get3A_432 = tpu.vector_load %arg15[%get3A_429, %get3A_430, %get3A_431] {strides = array<i32>} : memref<16x16x128xi32, #tpu.memory_space<vmem>>, vector<16xi32>,
      %add3A_433 = arith.addi %add3A_425, %get3A_432 : vector<16xi32>
      %multiple_of3A_434 = arith.constant 0 : i32
      %multiple_of3A_435 = tpu.assume_multiple %multiple_of3A_434, 8 : i32
      %get3A_436 = arith.constant 13 : i32
      %get3A_437 = arith.index_cast %get3A_436 : i32 to index
      %get3A_438 = arith.index_cast %arg1 : i32 to index
      %get3A_439 = arith.index_cast %multiple_of3A_435 : i32 to index
      %get3A_440 = tpu.vector_load %arg15[%get3A_437, %get3A_438, %get3A_439] {strides = array<i32>} : memref<16x16x128xi32, #tpu.memory_space<vmem>>, vector<16xi32>,
      %add3A_441 = arith.addi %add3A_433, %get3A_440 : vector<16xi32>
      %multiple_of3A_442 = arith.constant 0 : i32
      %multiple_of3A_443 = tpu.assume_multiple %multiple_of3A_442, 8 : i32
      %get3A_444 = arith.constant 14 : i32
      %get3A_445 = arith.index_cast %get3A_444 : i32 to index
      %get3A_446 = arith.index_cast %arg1 : i32 to index
      %get3A_447 = arith.index_cast %multiple_of3A_443 : i32 to index
      %get3A_448 = tpu.vector_load %arg15[%get3A_445, %get3A_446, %get3A_447] {strides = array<i32>} : memref<16x16x128xi32, #tpu.memory_space<vmem>>, vector<16xi32>,
      %add3A_449 = arith.addi %add3A_441, %get3A_448 : vector<16xi32>
      %multiple_of3A_450 = arith.constant 0 : i32
      %multiple_of3A_451 = tpu.assume_multiple %multiple_of3A_450, 8 : i32
      %get3A_452 = arith.constant 15 : i32
      %get3A_453 = arith.index_cast %get3A_452 : i32 to index
      %get3A_454 = arith.index_cast %arg1 : i32 to index
      %get3A_455 = arith.index_cast %multiple_of3A_451 : i32 to index
      %get3A_456 = tpu.vector_load %arg15[%get3A_453, %get3A_454, %get3A_455] {strides = array<i32>} : memref<16x16x128xi32, #tpu.memory_space<vmem>>, vector<16xi32>,
      %add3A_457 = arith.addi %add3A_449, %get3A_456 : vector<16xi32>
      %multiple_of3A_458 = arith.constant 0 : i32
      %multiple_of3A_459 = tpu.assume_multiple %multiple_of3A_458, 8 : i32
      %swap3A_460 = arith.index_cast %multiple_of3A_459 : i32 to index
      %swap3A_461 = tpu.vector_load %arg16[%swap3A_460] {strides = array<i32>} : memref<128xi32, #tpu.memory_space<vmem>>, vector<16xi32>,
      tpu.vector_store %arg16[%swap3A_460], %add3A_457 {strides = array<i32>} : memref<128xi32, #tpu.memory_space<vmem>>, vector<16xi32>,
      %broadcast_in_dim3A_462 = arith.constant 0 : i32
      %broadcast_in_dim3A_463 = vector.broadcast %broadcast_in_dim3A_462 : i32 to vector<16xi32>
      %multiple_of3A_464 = arith.constant 16 : i32
      %multiple_of3A_465 = tpu.assume_multiple %multiple_of3A_464, 8 : i32
      %get3A_466 = arith.constant 0 : i32
      %get3A_467 = arith.index_cast %get3A_466 : i32 to index
      %get3A_468 = arith.index_cast %arg1 : i32 to index
      %get3A_469 = arith.index_cast %multiple_of3A_465 : i32 to index
      %get3A_470 = tpu.vector_load %arg15[%get3A_467, %get3A_468, %get3A_469] {strides = array<i32>} : memref<16x16x128xi32, #tpu.memory_space<vmem>>, vector<16xi32>,
      %add3A_471 = arith.addi %broadcast_in_dim3A_463, %get3A_470 : vector<16xi32>
      %multiple_of3A_472 = arith.constant 16 : i32
      %multiple_of3A_473 = tpu.assume_multiple %multiple_of3A_472, 8 : i32
      %get3A_474 = arith.constant 1 : i32
      %get3A_475 = arith.index_cast %get3A_474 : i32 to index
      %get3A_476 = arith.index_cast %arg1 : i32 to index
      %get3A_477 = arith.index_cast %multiple_of3A_473 : i32 to index
      %get3A_478 = tpu.vector_load %arg15[%get3A_475, %get3A_476, %get3A_477] {strides = array<i32>} : memref<16x16x128xi32, #tpu.memory_space<vmem>>, vector<16xi32>,
      %add3A_479 = arith.addi %add3A_471, %get3A_478 : vector<16xi32>
      %multiple_of3A_480 = arith.constant 16 : i32
      %multiple_of3A_481 = tpu.assume_multiple %multiple_of3A_480, 8 : i32
      %get3A_482 = arith.constant 2 : i32
      %get3A_483 = arith.index_cast %get3A_482 : i32 to index
      %get3A_484 = arith.index_cast %arg1 : i32 to index
      %get3A_485 = arith.index_cast %multiple_of3A_481 : i32 to index
      %get3A_486 = tpu.vector_load %arg15[%get3A_483, %get3A_484, %get3A_485] {strides = array<i32>} : memref<16x16x128xi32, #tpu.memory_space<vmem>>, vector<16xi32>,
      %add3A_487 = arith.addi %add3A_479, %get3A_486 : vector<16xi32>
      %multiple_of3A_488 = arith.constant 16 : i32
      %multiple_of3A_489 = tpu.assume_multiple %multiple_of3A_488, 8 : i32
      %get3A_490 = arith.constant 3 : i32
      %get3A_491 = arith.index_cast %get3A_490 : i32 to index
      %get3A_492 = arith.index_cast %arg1 : i32 to index
      %get3A_493 = arith.index_cast %multiple_of3A_489 : i32 to index
      %get3A_494 = tpu.vector_load %arg15[%get3A_491, %get3A_492, %get3A_493] {strides = array<i32>} : memref<16x16x128xi32, #tpu.memory_space<vmem>>, vector<16xi32>,
      %add3A_495 = arith.addi %add3A_487, %get3A_494 : vector<16xi32>
      %multiple_of3A_496 = arith.constant 16 : i32
      %multiple_of3A_497 = tpu.assume_multiple %multiple_of3A_496, 8 : i32
      %get3A_498 = arith.constant 4 : i32
      %get3A_499 = arith.index_cast %get3A_498 : i32 to index
      %get3A_500 = arith.index_cast %arg1 : i32 to index
      %get3A_501 = arith.index_cast %multiple_of3A_497 : i32 to index
      %get3A_502 = tpu.vector_load %arg15[%get3A_499, %get3A_500, %get3A_501] {strides = array<i32>} : memref<16x16x128xi32, #tpu.memory_space<vmem>>, vector<16xi32>,
      %add3A_503 = arith.addi %add3A_495, %get3A_502 : vector<16xi32>
      %multiple_of3A_504 = arith.constant 16 : i32
      %multiple_of3A_505 = tpu.assume_multiple %multiple_of3A_504, 8 : i32
      %get3A_506 = arith.constant 5 : i32
      %get3A_507 = arith.index_cast %get3A_506 : i32 to index
      %get3A_508 = arith.index_cast %arg1 : i32 to index
      %get3A_509 = arith.index_cast %multiple_of3A_505 : i32 to index
      %get3A_510 = tpu.vector_load %arg15[%get3A_507, %get3A_508, %get3A_509] {strides = array<i32>} : memref<16x16x128xi32, #tpu.memory_space<vmem>>, vector<16xi32>,
      %add3A_511 = arith.addi %add3A_503, %get3A_510 : vector<16xi32>
      %multiple_of3A_512 = arith.constant 16 : i32
      %multiple_of3A_513 = tpu.assume_multiple %multiple_of3A_512, 8 : i32
      %get3A_514 = arith.constant 6 : i32
      %get3A_515 = arith.index_cast %get3A_514 : i32 to index
      %get3A_516 = arith.index_cast %arg1 : i32 to index
      %get3A_517 = arith.index_cast %multiple_of3A_513 : i32 to index
      %get3A_518 = tpu.vector_load %arg15[%get3A_515, %get3A_516, %get3A_517] {strides = array<i32>} : memref<16x16x128xi32, #tpu.memory_space<vmem>>, vector<16xi32>,
      %add3A_519 = arith.addi %add3A_511, %get3A_518 : vector<16xi32>
      %multiple_of3A_520 = arith.constant 16 : i32
      %multiple_of3A_521 = tpu.assume_multiple %multiple_of3A_520, 8 : i32
      %get3A_522 = arith.constant 7 : i32
      %get3A_523 = arith.index_cast %get3A_522 : i32 to index
      %get3A_524 = arith.index_cast %arg1 : i32 to index
      %get3A_525 = arith.index_cast %multiple_of3A_521 : i32 to index
      %get3A_526 = tpu.vector_load %arg15[%get3A_523, %get3A_524, %get3A_525] {strides = array<i32>} : memref<16x16x128xi32, #tpu.memory_space<vmem>>, vector<16xi32>,
      %add3A_527 = arith.addi %add3A_519, %get3A_526 : vector<16xi32>
      %multiple_of3A_528 = arith.constant 16 : i32
      %multiple_of3A_529 = tpu.assume_multiple %multiple_of3A_528, 8 : i32
      %get3A_530 = arith.constant 8 : i32
      %get3A_531 = arith.index_cast %get3A_530 : i32 to index
      %get3A_532 = arith.index_cast %arg1 : i32 to index
      %get3A_533 = arith.index_cast %multiple_of3A_529 : i32 to index
      %get3A_534 = tpu.vector_load %arg15[%get3A_531, %get3A_532, %get3A_533] {strides = array<i32>} : memref<16x16x128xi32, #tpu.memory_space<vmem>>, vector<16xi32>,
      %add3A_535 = arith.addi %add3A_527, %get3A_534 : vector<16xi32>
      %multiple_of3A_536 = arith.constant 16 : i32
      %multiple_of3A_537 = tpu.assume_multiple %multiple_of3A_536, 8 : i32
      %get3A_538 = arith.constant 9 : i32
      %get3A_539 = arith.index_cast %get3A_538 : i32 to index
      %get3A_540 = arith.index_cast %arg1 : i32 to index
      %get3A_541 = arith.index_cast %multiple_of3A_537 : i32 to index
      %get3A_542 = tpu.vector_load %arg15[%get3A_539, %get3A_540, %get3A_541] {strides = array<i32>} : memref<16x16x128xi32, #tpu.memory_space<vmem>>, vector<16xi32>,
      %add3A_543 = arith.addi %add3A_535, %get3A_542 : vector<16xi32>
      %multiple_of3A_544 = arith.constant 16 : i32
      %multiple_of3A_545 = tpu.assume_multiple %multiple_of3A_544, 8 : i32
      %get3A_546 = arith.constant 10 : i32
      %get3A_547 = arith.index_cast %get3A_546 : i32 to index
      %get3A_548 = arith.index_cast %arg1 : i32 to index
      %get3A_549 = arith.index_cast %multiple_of3A_545 : i32 to index
      %get3A_550 = tpu.vector_load %arg15[%get3A_547, %get3A_548, %get3A_549] {strides = array<i32>} : memref<16x16x128xi32, #tpu.memory_space<vmem>>, vector<16xi32>,
      %add3A_551 = arith.addi %add3A_543, %get3A_550 : vector<16xi32>
      %multiple_of3A_552 = arith.constant 16 : i32
      %multiple_of3A_553 = tpu.assume_multiple %multiple_of3A_552, 8 : i32
      %get3A_554 = arith.constant 11 : i32
      %get3A_555 = arith.index_cast %get3A_554 : i32 to index
      %get3A_556 = arith.index_cast %arg1 : i32 to index
      %get3A_557 = arith.index_cast %multiple_of3A_553 : i32 to index
      %get3A_558 = tpu.vector_load %arg15[%get3A_555, %get3A_556, %get3A_557] {strides = array<i32>} : memref<16x16x128xi32, #tpu.memory_space<vmem>>, vector<16xi32>,
      %add3A_559 = arith.addi %add3A_551, %get3A_558 : vector<16xi32>
      %multiple_of3A_560 = arith.constant 16 : i32
      %multiple_of3A_561 = tpu.assume_multiple %multiple_of3A_560, 8 : i32
      %get3A_562 = arith.constant 12 : i32
      %get3A_563 = arith.index_cast %get3A_562 : i32 to index
      %get3A_564 = arith.index_cast %arg1 : i32 to index
      %get3A_565 = arith.index_cast %multiple_of3A_561 : i32 to index
      %get3A_566 = tpu.vector_load %arg15[%get3A_563, %get3A_564, %get3A_565] {strides = array<i32>} : memref<16x16x128xi32, #tpu.memory_space<vmem>>, vector<16xi32>,
      %add3A_567 = arith.addi %add3A_559, %get3A_566 : vector<16xi32>
      %multiple_of3A_568 = arith.constant 16 : i32
      %multiple_of3A_569 = tpu.assume_multiple %multiple_of3A_568, 8 : i32
      %get3A_570 = arith.constant 13 : i32
      %get3A_571 = arith.index_cast %get3A_570 : i32 to index
      %get3A_572 = arith.index_cast %arg1 : i32 to index
      %get3A_573 = arith.index_cast %multiple_of3A_569 : i32 to index
      %get3A_574 = tpu.vector_load %arg15[%get3A_571, %get3A_572, %get3A_573] {strides = array<i32>} : memref<16x16x128xi32, #tpu.memory_space<vmem>>, vector<16xi32>,
      %add3A_575 = arith.addi %add3A_567, %get3A_574 : vector<16xi32>
      %multiple_of3A_576 = arith.constant 16 : i32
      %multiple_of3A_577 = tpu.assume_multiple %multiple_of3A_576, 8 : i32
      %get3A_578 = arith.constant 14 : i32
      %get3A_579 = arith.index_cast %get3A_578 : i32 to index
      %get3A_580 = arith.index_cast %arg1 : i32 to index
      %get3A_581 = arith.index_cast %multiple_of3A_577 : i32 to index
      %get3A_582 = tpu.vector_load %arg15[%get3A_579, %get3A_580, %get3A_581] {strides = array<i32>} : memref<16x16x128xi32, #tpu.memory_space<vmem>>, vector<16xi32>,
      %add3A_583 = arith.addi %add3A_575, %get3A_582 : vector<16xi32>
      %multiple_of3A_584 = arith.constant 16 : i32
      %multiple_of3A_585 = tpu.assume_multiple %multiple_of3A_584, 8 : i32
      %get3A_586 = arith.constant 15 : i32
      %get3A_587 = arith.index_cast %get3A_586 : i32 to index
      %get3A_588 = arith.index_cast %arg1 : i32 to index
      %get3A_589 = arith.index_cast %multiple_of3A_585 : i32 to index
      %get3A_590 = tpu.vector_load %arg15[%get3A_587, %get3A_588, %get3A_589] {strides = array<i32>} : memref<16x16x128xi32, #tpu.memory_space<vmem>>, vector<16xi32>,
      %add3A_591 = arith.addi %add3A_583, %get3A_590 : vector<16xi32>
      %multiple_of3A_592 = arith.constant 16 : i32
      %multiple_of3A_593 = tpu.assume_multiple %multiple_of3A_592, 8 : i32
      %swap3A_594 = arith.index_cast %multiple_of3A_593 : i32 to index
      %swap3A_595 = tpu.vector_load %arg16[%swap3A_594] {strides = array<i32>} : memref<128xi32, #tpu.memory_space<vmem>>, vector<16xi32>,
      tpu.vector_store %arg16[%swap3A_594], %add3A_591 {strides = array<i32>} : memref<128xi32, #tpu.memory_space<vmem>>, vector<16xi32>,
      %broadcast_in_dim3A_596 = arith.constant 0 : i32
      %broadcast_in_dim3A_597 = vector.broadcast %broadcast_in_dim3A_596 : i32 to vector<16xi32>
      %multiple_of3A_598 = arith.constant 32 : i32
      %multiple_of3A_599 = tpu.assume_multiple %multiple_of3A_598, 8 : i32
      %get3A_600 = arith.constant 0 : i32
      %get3A_601 = arith.index_cast %get3A_600 : i32 to index
      %get3A_602 = arith.index_cast %arg1 : i32 to index
      %get3A_603 = arith.index_cast %multiple_of3A_599 : i32 to index
      %get3A_604 = tpu.vector_load %arg15[%get3A_601, %get3A_602, %get3A_603] {strides = array<i32>} : memref<16x16x128xi32, #tpu.memory_space<vmem>>, vector<16xi32>,
      %add3A_605 = arith.addi %broadcast_in_dim3A_597, %get3A_604 : vector<16xi32>
      %multiple_of3A_606 = arith.constant 32 : i32
      %multiple_of3A_607 = tpu.assume_multiple %multiple_of3A_606, 8 : i32
      %get3A_608 = arith.constant 1 : i32
      %get3A_609 = arith.index_cast %get3A_608 : i32 to index
      %get3A_610 = arith.index_cast %arg1 : i32 to index
      %get3A_611 = arith.index_cast %multiple_of3A_607 : i32 to index
      %get3A_612 = tpu.vector_load %arg15[%get3A_609, %get3A_610, %get3A_611] {strides = array<i32>} : memref<16x16x128xi32, #tpu.memory_space<vmem>>, vector<16xi32>,
      %add3A_613 = arith.addi %add3A_605, %get3A_612 : vector<16xi32>
      %multiple_of3A_614 = arith.constant 32 : i32
      %multiple_of3A_615 = tpu.assume_multiple %multiple_of3A_614, 8 : i32
      %get3A_616 = arith.constant 2 : i32
      %get3A_617 = arith.index_cast %get3A_616 : i32 to index
      %get3A_618 = arith.index_cast %arg1 : i32 to index
      %get3A_619 = arith.index_cast %multiple_of3A_615 : i32 to index
      %get3A_620 = tpu.vector_load %arg15[%get3A_617, %get3A_618, %get3A_619] {strides = array<i32>} : memref<16x16x128xi32, #tpu.memory_space<vmem>>, vector<16xi32>,
      %add3A_621 = arith.addi %add3A_613, %get3A_620 : vector<16xi32>
      %multiple_of3A_622 = arith.constant 32 : i32
      %multiple_of3A_623 = tpu.assume_multiple %multiple_of3A_622, 8 : i32
      %get3A_624 = arith.constant 3 : i32
      %get3A_625 = arith.index_cast %get3A_624 : i32 to index
      %get3A_626 = arith.index_cast %arg1 : i32 to index
      %get3A_627 = arith.index_cast %multiple_of3A_623 : i32 to index
      %get3A_628 = tpu.vector_load %arg15[%get3A_625, %get3A_626, %get3A_627] {strides = array<i32>} : memref<16x16x128xi32, #tpu.memory_space<vmem>>, vector<16xi32>,
      %add3A_629 = arith.addi %add3A_621, %get3A_628 : vector<16xi32>
      %multiple_of3A_630 = arith.constant 32 : i32
      %multiple_of3A_631 = tpu.assume_multiple %multiple_of3A_630, 8 : i32
      %get3A_632 = arith.constant 4 : i32
      %get3A_633 = arith.index_cast %get3A_632 : i32 to index
      %get3A_634 = arith.index_cast %arg1 : i32 to index
      %get3A_635 = arith.index_cast %multiple_of3A_631 : i32 to index
      %get3A_636 = tpu.vector_load %arg15[%get3A_633, %get3A_634, %get3A_635] {strides = array<i32>} : memref<16x16x128xi32, #tpu.memory_space<vmem>>, vector<16xi32>,
      %add3A_637 = arith.addi %add3A_629, %get3A_636 : vector<16xi32>
      %multiple_of3A_638 = arith.constant 32 : i32
      %multiple_of3A_639 = tpu.assume_multiple %multiple_of3A_638, 8 : i32
      %get3A_640 = arith.constant 5 : i32
      %get3A_641 = arith.index_cast %get3A_640 : i32 to index
      %get3A_642 = arith.index_cast %arg1 : i32 to index
      %get3A_643 = arith.index_cast %multiple_of3A_639 : i32 to index
      %get3A_644 = tpu.vector_load %arg15[%get3A_641, %get3A_642, %get3A_643] {strides = array<i32>} : memref<16x16x128xi32, #tpu.memory_space<vmem>>, vector<16xi32>,
      %add3A_645 = arith.addi %add3A_637, %get3A_644 : vector<16xi32>
      %multiple_of3A_646 = arith.constant 32 : i32
      %multiple_of3A_647 = tpu.assume_multiple %multiple_of3A_646, 8 : i32
      %get3A_648 = arith.constant 6 : i32
      %get3A_649 = arith.index_cast %get3A_648 : i32 to index
      %get3A_650 = arith.index_cast %arg1 : i32 to index
      %get3A_651 = arith.index_cast %multiple_of3A_647 : i32 to index
      %get3A_652 = tpu.vector_load %arg15[%get3A_649, %get3A_650, %get3A_651] {strides = array<i32>} : memref<16x16x128xi32, #tpu.memory_space<vmem>>, vector<16xi32>,
      %add3A_653 = arith.addi %add3A_645, %get3A_652 : vector<16xi32>
      %multiple_of3A_654 = arith.constant 32 : i32
      %multiple_of3A_655 = tpu.assume_multiple %multiple_of3A_654, 8 : i32
      %get3A_656 = arith.constant 7 : i32
      %get3A_657 = arith.index_cast %get3A_656 : i32 to index
      %get3A_658 = arith.index_cast %arg1 : i32 to index
      %get3A_659 = arith.index_cast %multiple_of3A_655 : i32 to index
      %get3A_660 = tpu.vector_load %arg15[%get3A_657, %get3A_658, %get3A_659] {strides = array<i32>} : memref<16x16x128xi32, #tpu.memory_space<vmem>>, vector<16xi32>,
      %add3A_661 = arith.addi %add3A_653, %get3A_660 : vector<16xi32>
      %multiple_of3A_662 = arith.constant 32 : i32
      %multiple_of3A_663 = tpu.assume_multiple %multiple_of3A_662, 8 : i32
      %get3A_664 = arith.constant 8 : i32
      %get3A_665 = arith.index_cast %get3A_664 : i32 to index
      %get3A_666 = arith.index_cast %arg1 : i32 to index
      %get3A_667 = arith.index_cast %multiple_of3A_663 : i32 to index
      %get3A_668 = tpu.vector_load %arg15[%get3A_665, %get3A_666, %get3A_667] {strides = array<i32>} : memref<16x16x128xi32, #tpu.memory_space<vmem>>, vector<16xi32>,
      %add3A_669 = arith.addi %add3A_661, %get3A_668 : vector<16xi32>
      %multiple_of3A_670 = arith.constant 32 : i32
      %multiple_of3A_671 = tpu.assume_multiple %multiple_of3A_670, 8 : i32
      %get3A_672 = arith.constant 9 : i32
      %get3A_673 = arith.index_cast %get3A_672 : i32 to index
      %get3A_674 = arith.index_cast %arg1 : i32 to index
      %get3A_675 = arith.index_cast %multiple_of3A_671 : i32 to index
      %get3A_676 = tpu.vector_load %arg15[%get3A_673, %get3A_674, %get3A_675] {strides = array<i32>} : memref<16x16x128xi32, #tpu.memory_space<vmem>>, vector<16xi32>,
      %add3A_677 = arith.addi %add3A_669, %get3A_676 : vector<16xi32>
      %multiple_of3A_678 = arith.constant 32 : i32
      %multiple_of3A_679 = tpu.assume_multiple %multiple_of3A_678, 8 : i32
      %get3A_680 = arith.constant 10 : i32
      %get3A_681 = arith.index_cast %get3A_680 : i32 to index
      %get3A_682 = arith.index_cast %arg1 : i32 to index
      %get3A_683 = arith.index_cast %multiple_of3A_679 : i32 to index
      %get3A_684 = tpu.vector_load %arg15[%get3A_681, %get3A_682, %get3A_683] {strides = array<i32>} : memref<16x16x128xi32, #tpu.memory_space<vmem>>, vector<16xi32>,
      %add3A_685 = arith.addi %add3A_677, %get3A_684 : vector<16xi32>
      %multiple_of3A_686 = arith.constant 32 : i32
      %multiple_of3A_687 = tpu.assume_multiple %multiple_of3A_686, 8 : i32
      %get3A_688 = arith.constant 11 : i32
      %get3A_689 = arith.index_cast %get3A_688 : i32 to index
      %get3A_690 = arith.index_cast %arg1 : i32 to index
      %get3A_691 = arith.index_cast %multiple_of3A_687 : i32 to index
      %get3A_692 = tpu.vector_load %arg15[%get3A_689, %get3A_690, %get3A_691] {strides = array<i32>} : memref<16x16x128xi32, #tpu.memory_space<vmem>>, vector<16xi32>,
      %add3A_693 = arith.addi %add3A_685, %get3A_692 : vector<16xi32>
      %multiple_of3A_694 = arith.constant 32 : i32
      %multiple_of3A_695 = tpu.assume_multiple %multiple_of3A_694, 8 : i32
      %get3A_696 = arith.constant 12 : i32
      %get3A_697 = arith.index_cast %get3A_696 : i32 to index
      %get3A_698 = arith.index_cast %arg1 : i32 to index
      %get3A_699 = arith.index_cast %multiple_of3A_695 : i32 to index
      %get3A_700 = tpu.vector_load %arg15[%get3A_697, %get3A_698, %get3A_699] {strides = array<i32>} : memref<16x16x128xi32, #tpu.memory_space<vmem>>, vector<16xi32>,
      %add3A_701 = arith.addi %add3A_693, %get3A_700 : vector<16xi32>
      %multiple_of3A_702 = arith.constant 32 : i32
      %multiple_of3A_703 = tpu.assume_multiple %multiple_of3A_702, 8 : i32
      %get3A_704 = arith.constant 13 : i32
      %get3A_705 = arith.index_cast %get3A_704 : i32 to index
      %get3A_706 = arith.index_cast %arg1 : i32 to index
      %get3A_707 = arith.index_cast %multiple_of3A_703 : i32 to index
      %get3A_708 = tpu.vector_load %arg15[%get3A_705, %get3A_706, %get3A_707] {strides = array<i32>} : memref<16x16x128xi32, #tpu.memory_space<vmem>>, vector<16xi32>,
      %add3A_709 = arith.addi %add3A_701, %get3A_708 : vector<16xi32>
      %multiple_of3A_710 = arith.constant 32 : i32
      %multiple_of3A_711 = tpu.assume_multiple %multiple_of3A_710, 8 : i32
      %get3A_712 = arith.constant 14 : i32
      %get3A_713 = arith.index_cast %get3A_712 : i32 to index
      %get3A_714 = arith.index_cast %arg1 : i32 to index
      %get3A_715 = arith.index_cast %multiple_of3A_711 : i32 to index
      %get3A_716 = tpu.vector_load %arg15[%get3A_713, %get3A_714, %get3A_715] {strides = array<i32>} : memref<16x16x128xi32, #tpu.memory_space<vmem>>, vector<16xi32>,
      %add3A_717 = arith.addi %add3A_709, %get3A_716 : vector<16xi32>
      %multiple_of3A_718 = arith.constant 32 : i32
      %multiple_of3A_719 = tpu.assume_multiple %multiple_of3A_718, 8 : i32
      %get3A_720 = arith.constant 15 : i32
      %get3A_721 = arith.index_cast %get3A_720 : i32 to index
      %get3A_722 = arith.index_cast %arg1 : i32 to index
      %get3A_723 = arith.index_cast %multiple_of3A_719 : i32 to index
      %get3A_724 = tpu.vector_load %arg15[%get3A_721, %get3A_722, %get3A_723] {strides = array<i32>} : memref<16x16x128xi32, #tpu.memory_space<vmem>>, vector<16xi32>,
      %add3A_725 = arith.addi %add3A_717, %get3A_724 : vector<16xi32>
      %multiple_of3A_726 = arith.constant 32 : i32
      %multiple_of3A_727 = tpu.assume_multiple %multiple_of3A_726, 8 : i32
      %swap3A_728 = arith.index_cast %multiple_of3A_727 : i32 to index
      %swap3A_729 = tpu.vector_load %arg16[%swap3A_728] {strides = array<i32>} : memref<128xi32, #tpu.memory_space<vmem>>, vector<16xi32>,
      tpu.vector_store %arg16[%swap3A_728], %add3A_725 {strides = array<i32>} : memref<128xi32, #tpu.memory_space<vmem>>, vector<16xi32>,
      %broadcast_in_dim3A_730 = arith.constant 0 : i32
      %broadcast_in_dim3A_731 = vector.broadcast %broadcast_in_dim3A_730 : i32 to vector<16xi32>
      %multiple_of3A_732 = arith.constant 48 : i32
      %multiple_of3A_733 = tpu.assume_multiple %multiple_of3A_732, 8 : i32
      %get3A_734 = arith.constant 0 : i32
      %get3A_735 = arith.index_cast %get3A_734 : i32 to index
      %get3A_736 = arith.index_cast %arg1 : i32 to index
      %get3A_737 = arith.index_cast %multiple_of3A_733 : i32 to index
      %get3A_738 = tpu.vector_load %arg15[%get3A_735, %get3A_736, %get3A_737] {strides = array<i32>} : memref<16x16x128xi32, #tpu.memory_space<vmem>>, vector<16xi32>,
      %add3A_739 = arith.addi %broadcast_in_dim3A_731, %get3A_738 : vector<16xi32>
      %multiple_of3A_740 = arith.constant 48 : i32
      %multiple_of3A_741 = tpu.assume_multiple %multiple_of3A_740, 8 : i32
      %get3A_742 = arith.constant 1 : i32
      %get3A_743 = arith.index_cast %get3A_742 : i32 to index
      %get3A_744 = arith.index_cast %arg1 : i32 to index
      %get3A_745 = arith.index_cast %multiple_of3A_741 : i32 to index
      %get3A_746 = tpu.vector_load %arg15[%get3A_743, %get3A_744, %get3A_745] {strides = array<i32>} : memref<16x16x128xi32, #tpu.memory_space<vmem>>, vector<16xi32>,
      %add3A_747 = arith.addi %add3A_739, %get3A_746 : vector<16xi32>
      %multiple_of3A_748 = arith.constant 48 : i32
      %multiple_of3A_749 = tpu.assume_multiple %multiple_of3A_748, 8 : i32
      %get3A_750 = arith.constant 2 : i32
      %get3A_751 = arith.index_cast %get3A_750 : i32 to index
      %get3A_752 = arith.index_cast %arg1 : i32 to index
      %get3A_753 = arith.index_cast %multiple_of3A_749 : i32 to index
      %get3A_754 = tpu.vector_load %arg15[%get3A_751, %get3A_752, %get3A_753] {strides = array<i32>} : memref<16x16x128xi32, #tpu.memory_space<vmem>>, vector<16xi32>,
      %add3A_755 = arith.addi %add3A_747, %get3A_754 : vector<16xi32>
      %multiple_of3A_756 = arith.constant 48 : i32
      %multiple_of3A_757 = tpu.assume_multiple %multiple_of3A_756, 8 : i32
      %get3A_758 = arith.constant 3 : i32
      %get3A_759 = arith.index_cast %get3A_758 : i32 to index
      %get3A_760 = arith.index_cast %arg1 : i32 to index
      %get3A_761 = arith.index_cast %multiple_of3A_757 : i32 to index
      %get3A_762 = tpu.vector_load %arg15[%get3A_759, %get3A_760, %get3A_761] {strides = array<i32>} : memref<16x16x128xi32, #tpu.memory_space<vmem>>, vector<16xi32>,
      %add3A_763 = arith.addi %add3A_755, %get3A_762 : vector<16xi32>
      %multiple_of3A_764 = arith.constant 48 : i32
      %multiple_of3A_765 = tpu.assume_multiple %multiple_of3A_764, 8 : i32
      %get3A_766 = arith.constant 4 : i32
      %get3A_767 = arith.index_cast %get3A_766 : i32 to index
      %get3A_768 = arith.index_cast %arg1 : i32 to index
      %get3A_769 = arith.index_cast %multiple_of3A_765 : i32 to index
      %get3A_770 = tpu.vector_load %arg15[%get3A_767, %get3A_768, %get3A_769] {strides = array<i32>} : memref<16x16x128xi32, #tpu.memory_space<vmem>>, vector<16xi32>,
      %add3A_771 = arith.addi %add3A_763, %get3A_770 : vector<16xi32>
      %multiple_of3A_772 = arith.constant 48 : i32
      %multiple_of3A_773 = tpu.assume_multiple %multiple_of3A_772, 8 : i32
      %get3A_774 = arith.constant 5 : i32
      %get3A_775 = arith.index_cast %get3A_774 : i32 to index
      %get3A_776 = arith.index_cast %arg1 : i32 to index
      %get3A_777 = arith.index_cast %multiple_of3A_773 : i32 to index
      %get3A_778 = tpu.vector_load %arg15[%get3A_775, %get3A_776, %get3A_777] {strides = array<i32>} : memref<16x16x128xi32, #tpu.memory_space<vmem>>, vector<16xi32>,
      %add3A_779 = arith.addi %add3A_771, %get3A_778 : vector<16xi32>
      %multiple_of3A_780 = arith.constant 48 : i32
      %multiple_of3A_781 = tpu.assume_multiple %multiple_of3A_780, 8 : i32
      %get3A_782 = arith.constant 6 : i32
      %get3A_783 = arith.index_cast %get3A_782 : i32 to index
      %get3A_784 = arith.index_cast %arg1 : i32 to index
      %get3A_785 = arith.index_cast %multiple_of3A_781 : i32 to index
      %get3A_786 = tpu.vector_load %arg15[%get3A_783, %get3A_784, %get3A_785] {strides = array<i32>} : memref<16x16x128xi32, #tpu.memory_space<vmem>>, vector<16xi32>,
      %add3A_787 = arith.addi %add3A_779, %get3A_786 : vector<16xi32>
      %multiple_of3A_788 = arith.constant 48 : i32
      %multiple_of3A_789 = tpu.assume_multiple %multiple_of3A_788, 8 : i32
      %get3A_790 = arith.constant 7 : i32
      %get3A_791 = arith.index_cast %get3A_790 : i32 to index
      %get3A_792 = arith.index_cast %arg1 : i32 to index
      %get3A_793 = arith.index_cast %multiple_of3A_789 : i32 to index
      %get3A_794 = tpu.vector_load %arg15[%get3A_791, %get3A_792, %get3A_793] {strides = array<i32>} : memref<16x16x128xi32, #tpu.memory_space<vmem>>, vector<16xi32>,
      %add3A_795 = arith.addi %add3A_787, %get3A_794 : vector<16xi32>
      %multiple_of3A_796 = arith.constant 48 : i32
      %multiple_of3A_797 = tpu.assume_multiple %multiple_of3A_796, 8 : i32
      %get3A_798 = arith.constant 8 : i32
      %get3A_799 = arith.index_cast %get3A_798 : i32 to index
      %get3A_800 = arith.index_cast %arg1 : i32 to index
      %get3A_801 = arith.index_cast %multiple_of3A_797 : i32 to index
      %get3A_802 = tpu.vector_load %arg15[%get3A_799, %get3A_800, %get3A_801] {strides = array<i32>} : memref<16x16x128xi32, #tpu.memory_space<vmem>>, vector<16xi32>,
      %add3A_803 = arith.addi %add3A_795, %get3A_802 : vector<16xi32>
      %multiple_of3A_804 = arith.constant 48 : i32
      %multiple_of3A_805 = tpu.assume_multiple %multiple_of3A_804, 8 : i32
      %get3A_806 = arith.constant 9 : i32
      %get3A_807 = arith.index_cast %get3A_806 : i32 to index
      %get3A_808 = arith.index_cast %arg1 : i32 to index
      %get3A_809 = arith.index_cast %multiple_of3A_805 : i32 to index
      %get3A_810 = tpu.vector_load %arg15[%get3A_807, %get3A_808, %get3A_809] {strides = array<i32>} : memref<16x16x128xi32, #tpu.memory_space<vmem>>, vector<16xi32>,
      %add3A_811 = arith.addi %add3A_803, %get3A_810 : vector<16xi32>
      %multiple_of3A_812 = arith.constant 48 : i32
      %multiple_of3A_813 = tpu.assume_multiple %multiple_of3A_812, 8 : i32
      %get3A_814 = arith.constant 10 : i32
      %get3A_815 = arith.index_cast %get3A_814 : i32 to index
      %get3A_816 = arith.index_cast %arg1 : i32 to index
      %get3A_817 = arith.index_cast %multiple_of3A_813 : i32 to index
      %get3A_818 = tpu.vector_load %arg15[%get3A_815, %get3A_816, %get3A_817] {strides = array<i32>} : memref<16x16x128xi32, #tpu.memory_space<vmem>>, vector<16xi32>,
      %add3A_819 = arith.addi %add3A_811, %get3A_818 : vector<16xi32>
      %multiple_of3A_820 = arith.constant 48 : i32
      %multiple_of3A_821 = tpu.assume_multiple %multiple_of3A_820, 8 : i32
      %get3A_822 = arith.constant 11 : i32
      %get3A_823 = arith.index_cast %get3A_822 : i32 to index
      %get3A_824 = arith.index_cast %arg1 : i32 to index
      %get3A_825 = arith.index_cast %multiple_of3A_821 : i32 to index
      %get3A_826 = tpu.vector_load %arg15[%get3A_823, %get3A_824, %get3A_825] {strides = array<i32>} : memref<16x16x128xi32, #tpu.memory_space<vmem>>, vector<16xi32>,
      %add3A_827 = arith.addi %add3A_819, %get3A_826 : vector<16xi32>
      %multiple_of3A_828 = arith.constant 48 : i32
      %multiple_of3A_829 = tpu.assume_multiple %multiple_of3A_828, 8 : i32
      %get3A_830 = arith.constant 12 : i32
      %get3A_831 = arith.index_cast %get3A_830 : i32 to index
      %get3A_832 = arith.index_cast %arg1 : i32 to index
      %get3A_833 = arith.index_cast %multiple_of3A_829 : i32 to index
      %get3A_834 = tpu.vector_load %arg15[%get3A_831, %get3A_832, %get3A_833] {strides = array<i32>} : memref<16x16x128xi32, #tpu.memory_space<vmem>>, vector<16xi32>,
      %add3A_835 = arith.addi %add3A_827, %get3A_834 : vector<16xi32>
      %multiple_of3A_836 = arith.constant 48 : i32
      %multiple_of3A_837 = tpu.assume_multiple %multiple_of3A_836, 8 : i32
      %get3A_838 = arith.constant 13 : i32
      %get3A_839 = arith.index_cast %get3A_838 : i32 to index
      %get3A_840 = arith.index_cast %arg1 : i32 to index
      %get3A_841 = arith.index_cast %multiple_of3A_837 : i32 to index
      %get3A_842 = tpu.vector_load %arg15[%get3A_839, %get3A_840, %get3A_841] {strides = array<i32>} : memref<16x16x128xi32, #tpu.memory_space<vmem>>, vector<16xi32>,
      %add3A_843 = arith.addi %add3A_835, %get3A_842 : vector<16xi32>
      %multiple_of3A_844 = arith.constant 48 : i32
      %multiple_of3A_845 = tpu.assume_multiple %multiple_of3A_844, 8 : i32
      %get3A_846 = arith.constant 14 : i32
      %get3A_847 = arith.index_cast %get3A_846 : i32 to index
      %get3A_848 = arith.index_cast %arg1 : i32 to index
      %get3A_849 = arith.index_cast %multiple_of3A_845 : i32 to index
      %get3A_850 = tpu.vector_load %arg15[%get3A_847, %get3A_848, %get3A_849] {strides = array<i32>} : memref<16x16x128xi32, #tpu.memory_space<vmem>>, vector<16xi32>,
      %add3A_851 = arith.addi %add3A_843, %get3A_850 : vector<16xi32>
      %multiple_of3A_852 = arith.constant 48 : i32
      %multiple_of3A_853 = tpu.assume_multiple %multiple_of3A_852, 8 : i32
      %get3A_854 = arith.constant 15 : i32
      %get3A_855 = arith.index_cast %get3A_854 : i32 to index
      %get3A_856 = arith.index_cast %arg1 : i32 to index
      %get3A_857 = arith.index_cast %multiple_of3A_853 : i32 to index
      %get3A_858 = tpu.vector_load %arg15[%get3A_855, %get3A_856, %get3A_857] {strides = array<i32>} : memref<16x16x128xi32, #tpu.memory_space<vmem>>, vector<16xi32>,
      %add3A_859 = arith.addi %add3A_851, %get3A_858 : vector<16xi32>
      %multiple_of3A_860 = arith.constant 48 : i32
      %multiple_of3A_861 = tpu.assume_multiple %multiple_of3A_860, 8 : i32
      %swap3A_862 = arith.index_cast %multiple_of3A_861 : i32 to index
      %swap3A_863 = tpu.vector_load %arg16[%swap3A_862] {strides = array<i32>} : memref<128xi32, #tpu.memory_space<vmem>>, vector<16xi32>,
      tpu.vector_store %arg16[%swap3A_862], %add3A_859 {strides = array<i32>} : memref<128xi32, #tpu.memory_space<vmem>>, vector<16xi32>,
      %broadcast_in_dim3A_864 = arith.constant 0 : i32
      %broadcast_in_dim3A_865 = vector.broadcast %broadcast_in_dim3A_864 : i32 to vector<16xi32>
      %multiple_of3A_866 = arith.constant 64 : i32
      %multiple_of3A_867 = tpu.assume_multiple %multiple_of3A_866, 8 : i32
      %get3A_868 = arith.constant 0 : i32
      %get3A_869 = arith.index_cast %get3A_868 : i32 to index
      %get3A_870 = arith.index_cast %arg1 : i32 to index
      %get3A_871 = arith.index_cast %multiple_of3A_867 : i32 to index
      %get3A_872 = tpu.vector_load %arg15[%get3A_869, %get3A_870, %get3A_871] {strides = array<i32>} : memref<16x16x128xi32, #tpu.memory_space<vmem>>, vector<16xi32>,
      %add3A_873 = arith.addi %broadcast_in_dim3A_865, %get3A_872 : vector<16xi32>
      %multiple_of3A_874 = arith.constant 64 : i32
      %multiple_of3A_875 = tpu.assume_multiple %multiple_of3A_874, 8 : i32
      %get3A_876 = arith.constant 1 : i32
      %get3A_877 = arith.index_cast %get3A_876 : i32 to index
      %get3A_878 = arith.index_cast %arg1 : i32 to index
      %get3A_879 = arith.index_cast %multiple_of3A_875 : i32 to index
      %get3A_880 = tpu.vector_load %arg15[%get3A_877, %get3A_878, %get3A_879] {strides = array<i32>} : memref<16x16x128xi32, #tpu.memory_space<vmem>>, vector<16xi32>,
      %add3A_881 = arith.addi %add3A_873, %get3A_880 : vector<16xi32>
      %multiple_of3A_882 = arith.constant 64 : i32
      %multiple_of3A_883 = tpu.assume_multiple %multiple_of3A_882, 8 : i32
      %get3A_884 = arith.constant 2 : i32
      %get3A_885 = arith.index_cast %get3A_884 : i32 to index
      %get3A_886 = arith.index_cast %arg1 : i32 to index
      %get3A_887 = arith.index_cast %multiple_of3A_883 : i32 to index
      %get3A_888 = tpu.vector_load %arg15[%get3A_885, %get3A_886, %get3A_887] {strides = array<i32>} : memref<16x16x128xi32, #tpu.memory_space<vmem>>, vector<16xi32>,
      %add3A_889 = arith.addi %add3A_881, %get3A_888 : vector<16xi32>
      %multiple_of3A_890 = arith.constant 64 : i32
      %multiple_of3A_891 = tpu.assume_multiple %multiple_of3A_890, 8 : i32
      %get3A_892 = arith.constant 3 : i32
      %get3A_893 = arith.index_cast %get3A_892 : i32 to index
      %get3A_894 = arith.index_cast %arg1 : i32 to index
      %get3A_895 = arith.index_cast %multiple_of3A_891 : i32 to index
      %get3A_896 = tpu.vector_load %arg15[%get3A_893, %get3A_894, %get3A_895] {strides = array<i32>} : memref<16x16x128xi32, #tpu.memory_space<vmem>>, vector<16xi32>,
      %add3A_897 = arith.addi %add3A_889, %get3A_896 : vector<16xi32>
      %multiple_of3A_898 = arith.constant 64 : i32
      %multiple_of3A_899 = tpu.assume_multiple %multiple_of3A_898, 8 : i32
      %get3A_900 = arith.constant 4 : i32
      %get3A_901 = arith.index_cast %get3A_900 : i32 to index
      %get3A_902 = arith.index_cast %arg1 : i32 to index
      %get3A_903 = arith.index_cast %multiple_of3A_899 : i32 to index
      %get3A_904 = tpu.vector_load %arg15[%get3A_901, %get3A_902, %get3A_903] {strides = array<i32>} : memref<16x16x128xi32, #tpu.memory_space<vmem>>, vector<16xi32>,
      %add3A_905 = arith.addi %add3A_897, %get3A_904 : vector<16xi32>
      %multiple_of3A_906 = arith.constant 64 : i32
      %multiple_of3A_907 = tpu.assume_multiple %multiple_of3A_906, 8 : i32
      %get3A_908 = arith.constant 5 : i32
      %get3A_909 = arith.index_cast %get3A_908 : i32 to index
      %get3A_910 = arith.index_cast %arg1 : i32 to index
      %get3A_911 = arith.index_cast %multiple_of3A_907 : i32 to index
      %get3A_912 = tpu.vector_load %arg15[%get3A_909, %get3A_910, %get3A_911] {strides = array<i32>} : memref<16x16x128xi32, #tpu.memory_space<vmem>>, vector<16xi32>,
      %add3A_913 = arith.addi %add3A_905, %get3A_912 : vector<16xi32>
      %multiple_of3A_914 = arith.constant 64 : i32
      %multiple_of3A_915 = tpu.assume_multiple %multiple_of3A_914, 8 : i32
      %get3A_916 = arith.constant 6 : i32
      %get3A_917 = arith.index_cast %get3A_916 : i32 to index
      %get3A_918 = arith.index_cast %arg1 : i32 to index
      %get3A_919 = arith.index_cast %multiple_of3A_915 : i32 to index
      %get3A_920 = tpu.vector_load %arg15[%get3A_917, %get3A_918, %get3A_919] {strides = array<i32>} : memref<16x16x128xi32, #tpu.memory_space<vmem>>, vector<16xi32>,
      %add3A_921 = arith.addi %add3A_913, %get3A_920 : vector<16xi32>
      %multiple_of3A_922 = arith.constant 64 : i32
      %multiple_of3A_923 = tpu.assume_multiple %multiple_of3A_922, 8 : i32
      %get3A_924 = arith.constant 7 : i32
      %get3A_925 = arith.index_cast %get3A_924 : i32 to index
      %get3A_926 = arith.index_cast %arg1 : i32 to index
      %get3A_927 = arith.index_cast %multiple_of3A_923 : i32 to index
      %get3A_928 = tpu.vector_load %arg15[%get3A_925, %get3A_926, %get3A_927] {strides = array<i32>} : memref<16x16x128xi32, #tpu.memory_space<vmem>>, vector<16xi32>,
      %add3A_929 = arith.addi %add3A_921, %get3A_928 : vector<16xi32>
      %multiple_of3A_930 = arith.constant 64 : i32
      %multiple_of3A_931 = tpu.assume_multiple %multiple_of3A_930, 8 : i32
      %get3A_932 = arith.constant 8 : i32
      %get3A_933 = arith.index_cast %get3A_932 : i32 to index
      %get3A_934 = arith.index_cast %arg1 : i32 to index
      %get3A_935 = arith.index_cast %multiple_of3A_931 : i32 to index
      %get3A_936 = tpu.vector_load %arg15[%get3A_933, %get3A_934, %get3A_935] {strides = array<i32>} : memref<16x16x128xi32, #tpu.memory_space<vmem>>, vector<16xi32>,
      %add3A_937 = arith.addi %add3A_929, %get3A_936 : vector<16xi32>
      %multiple_of3A_938 = arith.constant 64 : i32
      %multiple_of3A_939 = tpu.assume_multiple %multiple_of3A_938, 8 : i32
      %get3A_940 = arith.constant 9 : i32
      %get3A_941 = arith.index_cast %get3A_940 : i32 to index
      %get3A_942 = arith.index_cast %arg1 : i32 to index
      %get3A_943 = arith.index_cast %multiple_of3A_939 : i32 to index
      %get3A_944 = tpu.vector_load %arg15[%get3A_941, %get3A_942, %get3A_943] {strides = array<i32>} : memref<16x16x128xi32, #tpu.memory_space<vmem>>, vector<16xi32>,
      %add3A_945 = arith.addi %add3A_937, %get3A_944 : vector<16xi32>
      %multiple_of3A_946 = arith.constant 64 : i32
      %multiple_of3A_947 = tpu.assume_multiple %multiple_of3A_946, 8 : i32
      %get3A_948 = arith.constant 10 : i32
      %get3A_949 = arith.index_cast %get3A_948 : i32 to index
      %get3A_950 = arith.index_cast %arg1 : i32 to index
      %get3A_951 = arith.index_cast %multiple_of3A_947 : i32 to index
      %get3A_952 = tpu.vector_load %arg15[%get3A_949, %get3A_950, %get3A_951] {strides = array<i32>} : memref<16x16x128xi32, #tpu.memory_space<vmem>>, vector<16xi32>,
      %add3A_953 = arith.addi %add3A_945, %get3A_952 : vector<16xi32>
      %multiple_of3A_954 = arith.constant 64 : i32
      %multiple_of3A_955 = tpu.assume_multiple %multiple_of3A_954, 8 : i32
      %get3A_956 = arith.constant 11 : i32
      %get3A_957 = arith.index_cast %get3A_956 : i32 to index
      %get3A_958 = arith.index_cast %arg1 : i32 to index
      %get3A_959 = arith.index_cast %multiple_of3A_955 : i32 to index
      %get3A_960 = tpu.vector_load %arg15[%get3A_957, %get3A_958, %get3A_959] {strides = array<i32>} : memref<16x16x128xi32, #tpu.memory_space<vmem>>, vector<16xi32>,
      %add3A_961 = arith.addi %add3A_953, %get3A_960 : vector<16xi32>
      %multiple_of3A_962 = arith.constant 64 : i32
      %multiple_of3A_963 = tpu.assume_multiple %multiple_of3A_962, 8 : i32
      %get3A_964 = arith.constant 12 : i32
      %get3A_965 = arith.index_cast %get3A_964 : i32 to index
      %get3A_966 = arith.index_cast %arg1 : i32 to index
      %get3A_967 = arith.index_cast %multiple_of3A_963 : i32 to index
      %get3A_968 = tpu.vector_load %arg15[%get3A_965, %get3A_966, %get3A_967] {strides = array<i32>} : memref<16x16x128xi32, #tpu.memory_space<vmem>>, vector<16xi32>,
      %add3A_969 = arith.addi %add3A_961, %get3A_968 : vector<16xi32>
      %multiple_of3A_970 = arith.constant 64 : i32
      %multiple_of3A_971 = tpu.assume_multiple %multiple_of3A_970, 8 : i32
      %get3A_972 = arith.constant 13 : i32
      %get3A_973 = arith.index_cast %get3A_972 : i32 to index
      %get3A_974 = arith.index_cast %arg1 : i32 to index
      %get3A_975 = arith.index_cast %multiple_of3A_971 : i32 to index
      %get3A_976 = tpu.vector_load %arg15[%get3A_973, %get3A_974, %get3A_975] {strides = array<i32>} : memref<16x16x128xi32, #tpu.memory_space<vmem>>, vector<16xi32>,
      %add3A_977 = arith.addi %add3A_969, %get3A_976 : vector<16xi32>
      %multiple_of3A_978 = arith.constant 64 : i32
      %multiple_of3A_979 = tpu.assume_multiple %multiple_of3A_978, 8 : i32
      %get3A_980 = arith.constant 14 : i32
      %get3A_981 = arith.index_cast %get3A_980 : i32 to index
      %get3A_982 = arith.index_cast %arg1 : i32 to index
      %get3A_983 = arith.index_cast %multiple_of3A_979 : i32 to index
      %get3A_984 = tpu.vector_load %arg15[%get3A_981, %get3A_982, %get3A_983] {strides = array<i32>} : memref<16x16x128xi32, #tpu.memory_space<vmem>>, vector<16xi32>,
      %add3A_985 = arith.addi %add3A_977, %get3A_984 : vector<16xi32>
      %multiple_of3A_986 = arith.constant 64 : i32
      %multiple_of3A_987 = tpu.assume_multiple %multiple_of3A_986, 8 : i32
      %get3A_988 = arith.constant 15 : i32
      %get3A_989 = arith.index_cast %get3A_988 : i32 to index
      %get3A_990 = arith.index_cast %arg1 : i32 to index
      %get3A_991 = arith.index_cast %multiple_of3A_987 : i32 to index
      %get3A_992 = tpu.vector_load %arg15[%get3A_989, %get3A_990, %get3A_991] {strides = array<i32>} : memref<16x16x128xi32, #tpu.memory_space<vmem>>, vector<16xi32>,
      %add3A_993 = arith.addi %add3A_985, %get3A_992 : vector<16xi32>
      %multiple_of3A_994 = arith.constant 64 : i32
      %multiple_of3A_995 = tpu.assume_multiple %multiple_of3A_994, 8 : i32
      %swap3A_996 = arith.index_cast %multiple_of3A_995 : i32 to index
      %swap3A_997 = tpu.vector_load %arg16[%swap3A_996] {strides = array<i32>} : memref<128xi32, #tpu.memory_space<vmem>>, vector<16xi32>,
      tpu.vector_store %arg16[%swap3A_996], %add3A_993 {strides = array<i32>} : memref<128xi32, #tpu.memory_space<vmem>>, vector<16xi32>,
      %broadcast_in_dim3A_998 = arith.constant 0 : i32
      %broadcast_in_dim3A_999 = vector.broadcast %broadcast_in_dim3A_998 : i32 to vector<16xi32>
      %multiple_of3A_1000 = arith.constant 80 : i32
      %multiple_of3A_1001 = tpu.assume_multiple %multiple_of3A_1000, 8 : i32
      %get3A_1002 = arith.constant 0 : i32
      %get3A_1003 = arith.index_cast %get3A_1002 : i32 to index
      %get3A_1004 = arith.index_cast %arg1 : i32 to index
      %get3A_1005 = arith.index_cast %multiple_of3A_1001 : i32 to index
      %get3A_1006 = tpu.vector_load %arg15[%get3A_1003, %get3A_1004, %get3A_1005] {strides = array<i32>} : memref<16x16x128xi32, #tpu.memory_space<vmem>>, vector<16xi32>,
      %add3A_1007 = arith.addi %broadcast_in_dim3A_999, %get3A_1006 : vector<16xi32>
      %multiple_of3A_1008 = arith.constant 80 : i32
      %multiple_of3A_1009 = tpu.assume_multiple %multiple_of3A_1008, 8 : i32
      %get3A_1010 = arith.constant 1 : i32
      %get3A_1011 = arith.index_cast %get3A_1010 : i32 to index
      %get3A_1012 = arith.index_cast %arg1 : i32 to index
      %get3A_1013 = arith.index_cast %multiple_of3A_1009 : i32 to index
      %get3A_1014 = tpu.vector_load %arg15[%get3A_1011, %get3A_1012, %get3A_1013] {strides = array<i32>} : memref<16x16x128xi32, #tpu.memory_space<vmem>>, vector<16xi32>,
      %add3A_1015 = arith.addi %add3A_1007, %get3A_1014 : vector<16xi32>
      %multiple_of3A_1016 = arith.constant 80 : i32
      %multiple_of3A_1017 = tpu.assume_multiple %multiple_of3A_1016, 8 : i32
      %get3A_1018 = arith.constant 2 : i32
      %get3A_1019 = arith.index_cast %get3A_1018 : i32 to index
      %get3A_1020 = arith.index_cast %arg1 : i32 to index
      %get3A_1021 = arith.index_cast %multiple_of3A_1017 : i32 to index
      %get3A_1022 = tpu.vector_load %arg15[%get3A_1019, %get3A_1020, %get3A_1021] {strides = array<i32>} : memref<16x16x128xi32, #tpu.memory_space<vmem>>, vector<16xi32>,
      %add3A_1023 = arith.addi %add3A_1015, %get3A_1022 : vector<16xi32>
      %multiple_of3A_1024 = arith.constant 80 : i32
      %multiple_of3A_1025 = tpu.assume_multiple %multiple_of3A_1024, 8 : i32
      %get3A_1026 = arith.constant 3 : i32
      %get3A_1027 = arith.index_cast %get3A_1026 : i32 to index
      %get3A_1028 = arith.index_cast %arg1 : i32 to index
      %get3A_1029 = arith.index_cast %multiple_of3A_1025 : i32 to index
      %get3A_1030 = tpu.vector_load %arg15[%get3A_1027, %get3A_1028, %get3A_1029] {strides = array<i32>} : memref<16x16x128xi32, #tpu.memory_space<vmem>>, vector<16xi32>,
      %add3A_1031 = arith.addi %add3A_1023, %get3A_1030 : vector<16xi32>
      %multiple_of3A_1032 = arith.constant 80 : i32
      %multiple_of3A_1033 = tpu.assume_multiple %multiple_of3A_1032, 8 : i32
      %get3A_1034 = arith.constant 4 : i32
      %get3A_1035 = arith.index_cast %get3A_1034 : i32 to index
      %get3A_1036 = arith.index_cast %arg1 : i32 to index
      %get3A_1037 = arith.index_cast %multiple_of3A_1033 : i32 to index
      %get3A_1038 = tpu.vector_load %arg15[%get3A_1035, %get3A_1036, %get3A_1037] {strides = array<i32>} : memref<16x16x128xi32, #tpu.memory_space<vmem>>, vector<16xi32>,
      %add3A_1039 = arith.addi %add3A_1031, %get3A_1038 : vector<16xi32>
      %multiple_of3A_1040 = arith.constant 80 : i32
      %multiple_of3A_1041 = tpu.assume_multiple %multiple_of3A_1040, 8 : i32
      %get3A_1042 = arith.constant 5 : i32
      %get3A_1043 = arith.index_cast %get3A_1042 : i32 to index
      %get3A_1044 = arith.index_cast %arg1 : i32 to index
      %get3A_1045 = arith.index_cast %multiple_of3A_1041 : i32 to index
      %get3A_1046 = tpu.vector_load %arg15[%get3A_1043, %get3A_1044, %get3A_1045] {strides = array<i32>} : memref<16x16x128xi32, #tpu.memory_space<vmem>>, vector<16xi32>,
      %add3A_1047 = arith.addi %add3A_1039, %get3A_1046 : vector<16xi32>
      %multiple_of3A_1048 = arith.constant 80 : i32
      %multiple_of3A_1049 = tpu.assume_multiple %multiple_of3A_1048, 8 : i32
      %get3A_1050 = arith.constant 6 : i32
      %get3A_1051 = arith.index_cast %get3A_1050 : i32 to index
      %get3A_1052 = arith.index_cast %arg1 : i32 to index
      %get3A_1053 = arith.index_cast %multiple_of3A_1049 : i32 to index
      %get3A_1054 = tpu.vector_load %arg15[%get3A_1051, %get3A_1052, %get3A_1053] {strides = array<i32>} : memref<16x16x128xi32, #tpu.memory_space<vmem>>, vector<16xi32>,
      %add3A_1055 = arith.addi %add3A_1047, %get3A_1054 : vector<16xi32>
      %multiple_of3A_1056 = arith.constant 80 : i32
      %multiple_of3A_1057 = tpu.assume_multiple %multiple_of3A_1056, 8 : i32
      %get3A_1058 = arith.constant 7 : i32
      %get3A_1059 = arith.index_cast %get3A_1058 : i32 to index
      %get3A_1060 = arith.index_cast %arg1 : i32 to index
      %get3A_1061 = arith.index_cast %multiple_of3A_1057 : i32 to index
      %get3A_1062 = tpu.vector_load %arg15[%get3A_1059, %get3A_1060, %get3A_1061] {strides = array<i32>} : memref<16x16x128xi32, #tpu.memory_space<vmem>>, vector<16xi32>,
      %add3A_1063 = arith.addi %add3A_1055, %get3A_1062 : vector<16xi32>
      %multiple_of3A_1064 = arith.constant 80 : i32
      %multiple_of3A_1065 = tpu.assume_multiple %multiple_of3A_1064, 8 : i32
      %get3A_1066 = arith.constant 8 : i32
      %get3A_1067 = arith.index_cast %get3A_1066 : i32 to index
      %get3A_1068 = arith.index_cast %arg1 : i32 to index
      %get3A_1069 = arith.index_cast %multiple_of3A_1065 : i32 to index
      %get3A_1070 = tpu.vector_load %arg15[%get3A_1067, %get3A_1068, %get3A_1069] {strides = array<i32>} : memref<16x16x128xi32, #tpu.memory_space<vmem>>, vector<16xi32>,
      %add3A_1071 = arith.addi %add3A_1063, %get3A_1070 : vector<16xi32>
      %multiple_of3A_1072 = arith.constant 80 : i32
      %multiple_of3A_1073 = tpu.assume_multiple %multiple_of3A_1072, 8 : i32
      %get3A_1074 = arith.constant 9 : i32
      %get3A_1075 = arith.index_cast %get3A_1074 : i32 to index
      %get3A_1076 = arith.index_cast %arg1 : i32 to index
      %get3A_1077 = arith.index_cast %multiple_of3A_1073 : i32 to index
      %get3A_1078 = tpu.vector_load %arg15[%get3A_1075, %get3A_1076, %get3A_1077] {strides = array<i32>} : memref<16x16x128xi32, #tpu.memory_space<vmem>>, vector<16xi32>,
      %add3A_1079 = arith.addi %add3A_1071, %get3A_1078 : vector<16xi32>
      %multiple_of3A_1080 = arith.constant 80 : i32
      %multiple_of3A_1081 = tpu.assume_multiple %multiple_of3A_1080, 8 : i32
      %get3A_1082 = arith.constant 10 : i32
      %get3A_1083 = arith.index_cast %get3A_1082 : i32 to index
      %get3A_1084 = arith.index_cast %arg1 : i32 to index
      %get3A_1085 = arith.index_cast %multiple_of3A_1081 : i32 to index
      %get3A_1086 = tpu.vector_load %arg15[%get3A_1083, %get3A_1084, %get3A_1085] {strides = array<i32>} : memref<16x16x128xi32, #tpu.memory_space<vmem>>, vector<16xi32>,
      %add3A_1087 = arith.addi %add3A_1079, %get3A_1086 : vector<16xi32>
      %multiple_of3A_1088 = arith.constant 80 : i32
      %multiple_of3A_1089 = tpu.assume_multiple %multiple_of3A_1088, 8 : i32
      %get3A_1090 = arith.constant 11 : i32
      %get3A_1091 = arith.index_cast %get3A_1090 : i32 to index
      %get3A_1092 = arith.index_cast %arg1 : i32 to index
      %get3A_1093 = arith.index_cast %multiple_of3A_1089 : i32 to index
      %get3A_1094 = tpu.vector_load %arg15[%get3A_1091, %get3A_1092, %get3A_1093] {strides = array<i32>} : memref<16x16x128xi32, #tpu.memory_space<vmem>>, vector<16xi32>,
      %add3A_1095 = arith.addi %add3A_1087, %get3A_1094 : vector<16xi32>
      %multiple_of3A_1096 = arith.constant 80 : i32
      %multiple_of3A_1097 = tpu.assume_multiple %multiple_of3A_1096, 8 : i32
      %get3A_1098 = arith.constant 12 : i32
      %get3A_1099 = arith.index_cast %get3A_1098 : i32 to index
      %get3A_1100 = arith.index_cast %arg1 : i32 to index
      %get3A_1101 = arith.index_cast %multiple_of3A_1097 : i32 to index
      %get3A_1102 = tpu.vector_load %arg15[%get3A_1099, %get3A_1100, %get3A_1101] {strides = array<i32>} : memref<16x16x128xi32, #tpu.memory_space<vmem>>, vector<16xi32>,
      %add3A_1103 = arith.addi %add3A_1095, %get3A_1102 : vector<16xi32>
      %multiple_of3A_1104 = arith.constant 80 : i32
      %multiple_of3A_1105 = tpu.assume_multiple %multiple_of3A_1104, 8 : i32
      %get3A_1106 = arith.constant 13 : i32
      %get3A_1107 = arith.index_cast %get3A_1106 : i32 to index
      %get3A_1108 = arith.index_cast %arg1 : i32 to index
      %get3A_1109 = arith.index_cast %multiple_of3A_1105 : i32 to index
      %get3A_1110 = tpu.vector_load %arg15[%get3A_1107, %get3A_1108, %get3A_1109] {strides = array<i32>} : memref<16x16x128xi32, #tpu.memory_space<vmem>>, vector<16xi32>,
      %add3A_1111 = arith.addi %add3A_1103, %get3A_1110 : vector<16xi32>
      %multiple_of3A_1112 = arith.constant 80 : i32
      %multiple_of3A_1113 = tpu.assume_multiple %multiple_of3A_1112, 8 : i32
      %get3A_1114 = arith.constant 14 : i32
      %get3A_1115 = arith.index_cast %get3A_1114 : i32 to index
      %get3A_1116 = arith.index_cast %arg1 : i32 to index
      %get3A_1117 = arith.index_cast %multiple_of3A_1113 : i32 to index
      %get3A_1118 = tpu.vector_load %arg15[%get3A_1115, %get3A_1116, %get3A_1117] {strides = array<i32>} : memref<16x16x128xi32, #tpu.memory_space<vmem>>, vector<16xi32>,
      %add3A_1119 = arith.addi %add3A_1111, %get3A_1118 : vector<16xi32>
      %multiple_of3A_1120 = arith.constant 80 : i32
      %multiple_of3A_1121 = tpu.assume_multiple %multiple_of3A_1120, 8 : i32
      %get3A_1122 = arith.constant 15 : i32
      %get3A_1123 = arith.index_cast %get3A_1122 : i32 to index
      %get3A_1124 = arith.index_cast %arg1 : i32 to index
      %get3A_1125 = arith.index_cast %multiple_of3A_1121 : i32 to index
      %get3A_1126 = tpu.vector_load %arg15[%get3A_1123, %get3A_1124, %get3A_1125] {strides = array<i32>} : memref<16x16x128xi32, #tpu.memory_space<vmem>>, vector<16xi32>,
      %add3A_1127 = arith.addi %add3A_1119, %get3A_1126 : vector<16xi32>
      %multiple_of3A_1128 = arith.constant 80 : i32
      %multiple_of3A_1129 = tpu.assume_multiple %multiple_of3A_1128, 8 : i32
      %swap3A_1130 = arith.index_cast %multiple_of3A_1129 : i32 to index
      %swap3A_1131 = tpu.vector_load %arg16[%swap3A_1130] {strides = array<i32>} : memref<128xi32, #tpu.memory_space<vmem>>, vector<16xi32>,
      tpu.vector_store %arg16[%swap3A_1130], %add3A_1127 {strides = array<i32>} : memref<128xi32, #tpu.memory_space<vmem>>, vector<16xi32>,
      %broadcast_in_dim3A_1132 = arith.constant 0 : i32
      %broadcast_in_dim3A_1133 = vector.broadcast %broadcast_in_dim3A_1132 : i32 to vector<16xi32>
      %multiple_of3A_1134 = arith.constant 96 : i32
      %multiple_of3A_1135 = tpu.assume_multiple %multiple_of3A_1134, 8 : i32
      %get3A_1136 = arith.constant 0 : i32
      %get3A_1137 = arith.index_cast %get3A_1136 : i32 to index
      %get3A_1138 = arith.index_cast %arg1 : i32 to index
      %get3A_1139 = arith.index_cast %multiple_of3A_1135 : i32 to index
      %get3A_1140 = tpu.vector_load %arg15[%get3A_1137, %get3A_1138, %get3A_1139] {strides = array<i32>} : memref<16x16x128xi32, #tpu.memory_space<vmem>>, vector<16xi32>,
      %add3A_1141 = arith.addi %broadcast_in_dim3A_1133, %get3A_1140 : vector<16xi32>
      %multiple_of3A_1142 = arith.constant 96 : i32
      %multiple_of3A_1143 = tpu.assume_multiple %multiple_of3A_1142, 8 : i32
      %get3A_1144 = arith.constant 1 : i32
      %get3A_1145 = arith.index_cast %get3A_1144 : i32 to index
      %get3A_1146 = arith.index_cast %arg1 : i32 to index
      %get3A_1147 = arith.index_cast %multiple_of3A_1143 : i32 to index
      %get3A_1148 = tpu.vector_load %arg15[%get3A_1145, %get3A_1146, %get3A_1147] {strides = array<i32>} : memref<16x16x128xi32, #tpu.memory_space<vmem>>, vector<16xi32>,
      %add3A_1149 = arith.addi %add3A_1141, %get3A_1148 : vector<16xi32>
      %multiple_of3A_1150 = arith.constant 96 : i32
      %multiple_of3A_1151 = tpu.assume_multiple %multiple_of3A_1150, 8 : i32
      %get3A_1152 = arith.constant 2 : i32
      %get3A_1153 = arith.index_cast %get3A_1152 : i32 to index
      %get3A_1154 = arith.index_cast %arg1 : i32 to index
      %get3A_1155 = arith.index_cast %multiple_of3A_1151 : i32 to index
      %get3A_1156 = tpu.vector_load %arg15[%get3A_1153, %get3A_1154, %get3A_1155] {strides = array<i32>} : memref<16x16x128xi32, #tpu.memory_space<vmem>>, vector<16xi32>,
      %add3A_1157 = arith.addi %add3A_1149, %get3A_1156 : vector<16xi32>
      %multiple_of3A_1158 = arith.constant 96 : i32
      %multiple_of3A_1159 = tpu.assume_multiple %multiple_of3A_1158, 8 : i32
      %get3A_1160 = arith.constant 3 : i32
      %get3A_1161 = arith.index_cast %get3A_1160 : i32 to index
      %get3A_1162 = arith.index_cast %arg1 : i32 to index
      %get3A_1163 = arith.index_cast %multiple_of3A_1159 : i32 to index
      %get3A_1164 = tpu.vector_load %arg15[%get3A_1161, %get3A_1162, %get3A_1163] {strides = array<i32>} : memref<16x16x128xi32, #tpu.memory_space<vmem>>, vector<16xi32>,
      %add3A_1165 = arith.addi %add3A_1157, %get3A_1164 : vector<16xi32>
      %multiple_of3A_1166 = arith.constant 96 : i32
      %multiple_of3A_1167 = tpu.assume_multiple %multiple_of3A_1166, 8 : i32
      %get3A_1168 = arith.constant 4 : i32
      %get3A_1169 = arith.index_cast %get3A_1168 : i32 to index
      %get3A_1170 = arith.index_cast %arg1 : i32 to index
      %get3A_1171 = arith.index_cast %multiple_of3A_1167 : i32 to index
      %get3A_1172 = tpu.vector_load %arg15[%get3A_1169, %get3A_1170, %get3A_1171] {strides = array<i32>} : memref<16x16x128xi32, #tpu.memory_space<vmem>>, vector<16xi32>,
      %add3A_1173 = arith.addi %add3A_1165, %get3A_1172 : vector<16xi32>
      %multiple_of3A_1174 = arith.constant 96 : i32
      %multiple_of3A_1175 = tpu.assume_multiple %multiple_of3A_1174, 8 : i32
      %get3A_1176 = arith.constant 5 : i32
      %get3A_1177 = arith.index_cast %get3A_1176 : i32 to index
      %get3A_1178 = arith.index_cast %arg1 : i32 to index
      %get3A_1179 = arith.index_cast %multiple_of3A_1175 : i32 to index
      %get3A_1180 = tpu.vector_load %arg15[%get3A_1177, %get3A_1178, %get3A_1179] {strides = array<i32>} : memref<16x16x128xi32, #tpu.memory_space<vmem>>, vector<16xi32>,
      %add3A_1181 = arith.addi %add3A_1173, %get3A_1180 : vector<16xi32>
      %multiple_of3A_1182 = arith.constant 96 : i32
      %multiple_of3A_1183 = tpu.assume_multiple %multiple_of3A_1182, 8 : i32
      %get3A_1184 = arith.constant 6 : i32
      %get3A_1185 = arith.index_cast %get3A_1184 : i32 to index
      %get3A_1186 = arith.index_cast %arg1 : i32 to index
      %get3A_1187 = arith.index_cast %multiple_of3A_1183 : i32 to index
      %get3A_1188 = tpu.vector_load %arg15[%get3A_1185, %get3A_1186, %get3A_1187] {strides = array<i32>} : memref<16x16x128xi32, #tpu.memory_space<vmem>>, vector<16xi32>,
      %add3A_1189 = arith.addi %add3A_1181, %get3A_1188 : vector<16xi32>
      %multiple_of3A_1190 = arith.constant 96 : i32
      %multiple_of3A_1191 = tpu.assume_multiple %multiple_of3A_1190, 8 : i32
      %get3A_1192 = arith.constant 7 : i32
      %get3A_1193 = arith.index_cast %get3A_1192 : i32 to index
      %get3A_1194 = arith.index_cast %arg1 : i32 to index
      %get3A_1195 = arith.index_cast %multiple_of3A_1191 : i32 to index
      %get3A_1196 = tpu.vector_load %arg15[%get3A_1193, %get3A_1194, %get3A_1195] {strides = array<i32>} : memref<16x16x128xi32, #tpu.memory_space<vmem>>, vector<16xi32>,
      %add3A_1197 = arith.addi %add3A_1189, %get3A_1196 : vector<16xi32>
      %multiple_of3A_1198 = arith.constant 96 : i32
      %multiple_of3A_1199 = tpu.assume_multiple %multiple_of3A_1198, 8 : i32
      %get3A_1200 = arith.constant 8 : i32
      %get3A_1201 = arith.index_cast %get3A_1200 : i32 to index
      %get3A_1202 = arith.index_cast %arg1 : i32 to index
      %get3A_1203 = arith.index_cast %multiple_of3A_1199 : i32 to index
      %get3A_1204 = tpu.vector_load %arg15[%get3A_1201, %get3A_1202, %get3A_1203] {strides = array<i32>} : memref<16x16x128xi32, #tpu.memory_space<vmem>>, vector<16xi32>,
      %add3A_1205 = arith.addi %add3A_1197, %get3A_1204 : vector<16xi32>
      %multiple_of3A_1206 = arith.constant 96 : i32
      %multiple_of3A_1207 = tpu.assume_multiple %multiple_of3A_1206, 8 : i32
      %get3A_1208 = arith.constant 9 : i32
      %get3A_1209 = arith.index_cast %get3A_1208 : i32 to index
      %get3A_1210 = arith.index_cast %arg1 : i32 to index
      %get3A_1211 = arith.index_cast %multiple_of3A_1207 : i32 to index
      %get3A_1212 = tpu.vector_load %arg15[%get3A_1209, %get3A_1210, %get3A_1211] {strides = array<i32>} : memref<16x16x128xi32, #tpu.memory_space<vmem>>, vector<16xi32>,
      %add3A_1213 = arith.addi %add3A_1205, %get3A_1212 : vector<16xi32>
      %multiple_of3A_1214 = arith.constant 96 : i32
      %multiple_of3A_1215 = tpu.assume_multiple %multiple_of3A_1214, 8 : i32
      %get3A_1216 = arith.constant 10 : i32
      %get3A_1217 = arith.index_cast %get3A_1216 : i32 to index
      %get3A_1218 = arith.index_cast %arg1 : i32 to index
      %get3A_1219 = arith.index_cast %multiple_of3A_1215 : i32 to index
      %get3A_1220 = tpu.vector_load %arg15[%get3A_1217, %get3A_1218, %get3A_1219] {strides = array<i32>} : memref<16x16x128xi32, #tpu.memory_space<vmem>>, vector<16xi32>,
      %add3A_1221 = arith.addi %add3A_1213, %get3A_1220 : vector<16xi32>
      %multiple_of3A_1222 = arith.constant 96 : i32
      %multiple_of3A_1223 = tpu.assume_multiple %multiple_of3A_1222, 8 : i32
      %get3A_1224 = arith.constant 11 : i32
      %get3A_1225 = arith.index_cast %get3A_1224 : i32 to index
      %get3A_1226 = arith.index_cast %arg1 : i32 to index
      %get3A_1227 = arith.index_cast %multiple_of3A_1223 : i32 to index
      %get3A_1228 = tpu.vector_load %arg15[%get3A_1225, %get3A_1226, %get3A_1227] {strides = array<i32>} : memref<16x16x128xi32, #tpu.memory_space<vmem>>, vector<16xi32>,
      %add3A_1229 = arith.addi %add3A_1221, %get3A_1228 : vector<16xi32>
      %multiple_of3A_1230 = arith.constant 96 : i32
      %multiple_of3A_1231 = tpu.assume_multiple %multiple_of3A_1230, 8 : i32
      %get3A_1232 = arith.constant 12 : i32
      %get3A_1233 = arith.index_cast %get3A_1232 : i32 to index
      %get3A_1234 = arith.index_cast %arg1 : i32 to index
      %get3A_1235 = arith.index_cast %multiple_of3A_1231 : i32 to index
      %get3A_1236 = tpu.vector_load %arg15[%get3A_1233, %get3A_1234, %get3A_1235] {strides = array<i32>} : memref<16x16x128xi32, #tpu.memory_space<vmem>>, vector<16xi32>,
      %add3A_1237 = arith.addi %add3A_1229, %get3A_1236 : vector<16xi32>
      %multiple_of3A_1238 = arith.constant 96 : i32
      %multiple_of3A_1239 = tpu.assume_multiple %multiple_of3A_1238, 8 : i32
      %get3A_1240 = arith.constant 13 : i32
      %get3A_1241 = arith.index_cast %get3A_1240 : i32 to index
      %get3A_1242 = arith.index_cast %arg1 : i32 to index
      %get3A_1243 = arith.index_cast %multiple_of3A_1239 : i32 to index
      %get3A_1244 = tpu.vector_load %arg15[%get3A_1241, %get3A_1242, %get3A_1243] {strides = array<i32>} : memref<16x16x128xi32, #tpu.memory_space<vmem>>, vector<16xi32>,
      %add3A_1245 = arith.addi %add3A_1237, %get3A_1244 : vector<16xi32>
      %multiple_of3A_1246 = arith.constant 96 : i32
      %multiple_of3A_1247 = tpu.assume_multiple %multiple_of3A_1246, 8 : i32
      %get3A_1248 = arith.constant 14 : i32
      %get3A_1249 = arith.index_cast %get3A_1248 : i32 to index
      %get3A_1250 = arith.index_cast %arg1 : i32 to index
      %get3A_1251 = arith.index_cast %multiple_of3A_1247 : i32 to index
      %get3A_1252 = tpu.vector_load %arg15[%get3A_1249, %get3A_1250, %get3A_1251] {strides = array<i32>} : memref<16x16x128xi32, #tpu.memory_space<vmem>>, vector<16xi32>,
      %add3A_1253 = arith.addi %add3A_1245, %get3A_1252 : vector<16xi32>
      %multiple_of3A_1254 = arith.constant 96 : i32
      %multiple_of3A_1255 = tpu.assume_multiple %multiple_of3A_1254, 8 : i32
      %get3A_1256 = arith.constant 15 : i32
      %get3A_1257 = arith.index_cast %get3A_1256 : i32 to index
      %get3A_1258 = arith.index_cast %arg1 : i32 to index
      %get3A_1259 = arith.index_cast %multiple_of3A_1255 : i32 to index
      %get3A_1260 = tpu.vector_load %arg15[%get3A_1257, %get3A_1258, %get3A_1259] {strides = array<i32>} : memref<16x16x128xi32, #tpu.memory_space<vmem>>, vector<16xi32>,
      %add3A_1261 = arith.addi %add3A_1253, %get3A_1260 : vector<16xi32>
      %multiple_of3A_1262 = arith.constant 96 : i32
      %multiple_of3A_1263 = tpu.assume_multiple %multiple_of3A_1262, 8 : i32
      %swap3A_1264 = arith.index_cast %multiple_of3A_1263 : i32 to index
      %swap3A_1265 = tpu.vector_load %arg16[%swap3A_1264] {strides = array<i32>} : memref<128xi32, #tpu.memory_space<vmem>>, vector<16xi32>,
      tpu.vector_store %arg16[%swap3A_1264], %add3A_1261 {strides = array<i32>} : memref<128xi32, #tpu.memory_space<vmem>>, vector<16xi32>,
      %broadcast_in_dim3A_1266 = arith.constant 0 : i32
      %broadcast_in_dim3A_1267 = vector.broadcast %broadcast_in_dim3A_1266 : i32 to vector<16xi32>
      %multiple_of3A_1268 = arith.constant 112 : i32
      %multiple_of3A_1269 = tpu.assume_multiple %multiple_of3A_1268, 8 : i32
      %get3A_1270 = arith.constant 0 : i32
      %get3A_1271 = arith.index_cast %get3A_1270 : i32 to index
      %get3A_1272 = arith.index_cast %arg1 : i32 to index
      %get3A_1273 = arith.index_cast %multiple_of3A_1269 : i32 to index
      %get3A_1274 = tpu.vector_load %arg15[%get3A_1271, %get3A_1272, %get3A_1273] {strides = array<i32>} : memref<16x16x128xi32, #tpu.memory_space<vmem>>, vector<16xi32>,
      %add3A_1275 = arith.addi %broadcast_in_dim3A_1267, %get3A_1274 : vector<16xi32>
      %multiple_of3A_1276 = arith.constant 112 : i32
      %multiple_of3A_1277 = tpu.assume_multiple %multiple_of3A_1276, 8 : i32
      %get3A_1278 = arith.constant 1 : i32
      %get3A_1279 = arith.index_cast %get3A_1278 : i32 to index
      %get3A_1280 = arith.index_cast %arg1 : i32 to index
      %get3A_1281 = arith.index_cast %multiple_of3A_1277 : i32 to index
      %get3A_1282 = tpu.vector_load %arg15[%get3A_1279, %get3A_1280, %get3A_1281] {strides = array<i32>} : memref<16x16x128xi32, #tpu.memory_space<vmem>>, vector<16xi32>,
      %add3A_1283 = arith.addi %add3A_1275, %get3A_1282 : vector<16xi32>
      %multiple_of3A_1284 = arith.constant 112 : i32
      %multiple_of3A_1285 = tpu.assume_multiple %multiple_of3A_1284, 8 : i32
      %get3A_1286 = arith.constant 2 : i32
      %get3A_1287 = arith.index_cast %get3A_1286 : i32 to index
      %get3A_1288 = arith.index_cast %arg1 : i32 to index
      %get3A_1289 = arith.index_cast %multiple_of3A_1285 : i32 to index
      %get3A_1290 = tpu.vector_load %arg15[%get3A_1287, %get3A_1288, %get3A_1289] {strides = array<i32>} : memref<16x16x128xi32, #tpu.memory_space<vmem>>, vector<16xi32>,
      %add3A_1291 = arith.addi %add3A_1283, %get3A_1290 : vector<16xi32>
      %multiple_of3A_1292 = arith.constant 112 : i32
      %multiple_of3A_1293 = tpu.assume_multiple %multiple_of3A_1292, 8 : i32
      %get3A_1294 = arith.constant 3 : i32
      %get3A_1295 = arith.index_cast %get3A_1294 : i32 to index
      %get3A_1296 = arith.index_cast %arg1 : i32 to index
      %get3A_1297 = arith.index_cast %multiple_of3A_1293 : i32 to index
      %get3A_1298 = tpu.vector_load %arg15[%get3A_1295, %get3A_1296, %get3A_1297] {strides = array<i32>} : memref<16x16x128xi32, #tpu.memory_space<vmem>>, vector<16xi32>,
      %add3A_1299 = arith.addi %add3A_1291, %get3A_1298 : vector<16xi32>
      %multiple_of3A_1300 = arith.constant 112 : i32
      %multiple_of3A_1301 = tpu.assume_multiple %multiple_of3A_1300, 8 : i32
      %get3A_1302 = arith.constant 4 : i32
      %get3A_1303 = arith.index_cast %get3A_1302 : i32 to index
      %get3A_1304 = arith.index_cast %arg1 : i32 to index
      %get3A_1305 = arith.index_cast %multiple_of3A_1301 : i32 to index
      %get3A_1306 = tpu.vector_load %arg15[%get3A_1303, %get3A_1304, %get3A_1305] {strides = array<i32>} : memref<16x16x128xi32, #tpu.memory_space<vmem>>, vector<16xi32>,
      %add3A_1307 = arith.addi %add3A_1299, %get3A_1306 : vector<16xi32>
      %multiple_of3A_1308 = arith.constant 112 : i32
      %multiple_of3A_1309 = tpu.assume_multiple %multiple_of3A_1308, 8 : i32
      %get3A_1310 = arith.constant 5 : i32
      %get3A_1311 = arith.index_cast %get3A_1310 : i32 to index
      %get3A_1312 = arith.index_cast %arg1 : i32 to index
      %get3A_1313 = arith.index_cast %multiple_of3A_1309 : i32 to index
      %get3A_1314 = tpu.vector_load %arg15[%get3A_1311, %get3A_1312, %get3A_1313] {strides = array<i32>} : memref<16x16x128xi32, #tpu.memory_space<vmem>>, vector<16xi32>,
      %add3A_1315 = arith.addi %add3A_1307, %get3A_1314 : vector<16xi32>
      %multiple_of3A_1316 = arith.constant 112 : i32
      %multiple_of3A_1317 = tpu.assume_multiple %multiple_of3A_1316, 8 : i32
      %get3A_1318 = arith.constant 6 : i32
      %get3A_1319 = arith.index_cast %get3A_1318 : i32 to index
      %get3A_1320 = arith.index_cast %arg1 : i32 to index
      %get3A_1321 = arith.index_cast %multiple_of3A_1317 : i32 to index
      %get3A_1322 = tpu.vector_load %arg15[%get3A_1319, %get3A_1320, %get3A_1321] {strides = array<i32>} : memref<16x16x128xi32, #tpu.memory_space<vmem>>, vector<16xi32>,
      %add3A_1323 = arith.addi %add3A_1315, %get3A_1322 : vector<16xi32>
      %multiple_of3A_1324 = arith.constant 112 : i32
      %multiple_of3A_1325 = tpu.assume_multiple %multiple_of3A_1324, 8 : i32
      %get3A_1326 = arith.constant 7 : i32
      %get3A_1327 = arith.index_cast %get3A_1326 : i32 to index
      %get3A_1328 = arith.index_cast %arg1 : i32 to index
      %get3A_1329 = arith.index_cast %multiple_of3A_1325 : i32 to index
      %get3A_1330 = tpu.vector_load %arg15[%get3A_1327, %get3A_1328, %get3A_1329] {strides = array<i32>} : memref<16x16x128xi32, #tpu.memory_space<vmem>>, vector<16xi32>,
      %add3A_1331 = arith.addi %add3A_1323, %get3A_1330 : vector<16xi32>
      %multiple_of3A_1332 = arith.constant 112 : i32
      %multiple_of3A_1333 = tpu.assume_multiple %multiple_of3A_1332, 8 : i32
      %get3A_1334 = arith.constant 8 : i32
      %get3A_1335 = arith.index_cast %get3A_1334 : i32 to index
      %get3A_1336 = arith.index_cast %arg1 : i32 to index
      %get3A_1337 = arith.index_cast %multiple_of3A_1333 : i32 to index
      %get3A_1338 = tpu.vector_load %arg15[%get3A_1335, %get3A_1336, %get3A_1337] {strides = array<i32>} : memref<16x16x128xi32, #tpu.memory_space<vmem>>, vector<16xi32>,
      %add3A_1339 = arith.addi %add3A_1331, %get3A_1338 : vector<16xi32>
      %multiple_of3A_1340 = arith.constant 112 : i32
      %multiple_of3A_1341 = tpu.assume_multiple %multiple_of3A_1340, 8 : i32
      %get3A_1342 = arith.constant 9 : i32
      %get3A_1343 = arith.index_cast %get3A_1342 : i32 to index
      %get3A_1344 = arith.index_cast %arg1 : i32 to index
      %get3A_1345 = arith.index_cast %multiple_of3A_1341 : i32 to index
      %get3A_1346 = tpu.vector_load %arg15[%get3A_1343, %get3A_1344, %get3A_1345] {strides = array<i32>} : memref<16x16x128xi32, #tpu.memory_space<vmem>>, vector<16xi32>,
      %add3A_1347 = arith.addi %add3A_1339, %get3A_1346 : vector<16xi32>
      %multiple_of3A_1348 = arith.constant 112 : i32
      %multiple_of3A_1349 = tpu.assume_multiple %multiple_of3A_1348, 8 : i32
      %get3A_1350 = arith.constant 10 : i32
      %get3A_1351 = arith.index_cast %get3A_1350 : i32 to index
      %get3A_1352 = arith.index_cast %arg1 : i32 to index
      %get3A_1353 = arith.index_cast %multiple_of3A_1349 : i32 to index
      %get3A_1354 = tpu.vector_load %arg15[%get3A_1351, %get3A_1352, %get3A_1353] {strides = array<i32>} : memref<16x16x128xi32, #tpu.memory_space<vmem>>, vector<16xi32>,
      %add3A_1355 = arith.addi %add3A_1347, %get3A_1354 : vector<16xi32>
      %multiple_of3A_1356 = arith.constant 112 : i32
      %multiple_of3A_1357 = tpu.assume_multiple %multiple_of3A_1356, 8 : i32
      %get3A_1358 = arith.constant 11 : i32
      %get3A_1359 = arith.index_cast %get3A_1358 : i32 to index
      %get3A_1360 = arith.index_cast %arg1 : i32 to index
      %get3A_1361 = arith.index_cast %multiple_of3A_1357 : i32 to index
      %get3A_1362 = tpu.vector_load %arg15[%get3A_1359, %get3A_1360, %get3A_1361] {strides = array<i32>} : memref<16x16x128xi32, #tpu.memory_space<vmem>>, vector<16xi32>,
      %add3A_1363 = arith.addi %add3A_1355, %get3A_1362 : vector<16xi32>
      %multiple_of3A_1364 = arith.constant 112 : i32
      %multiple_of3A_1365 = tpu.assume_multiple %multiple_of3A_1364, 8 : i32
      %get3A_1366 = arith.constant 12 : i32
      %get3A_1367 = arith.index_cast %get3A_1366 : i32 to index
      %get3A_1368 = arith.index_cast %arg1 : i32 to index
      %get3A_1369 = arith.index_cast %multiple_of3A_1365 : i32 to index
      %get3A_1370 = tpu.vector_load %arg15[%get3A_1367, %get3A_1368, %get3A_1369] {strides = array<i32>} : memref<16x16x128xi32, #tpu.memory_space<vmem>>, vector<16xi32>,
      %add3A_1371 = arith.addi %add3A_1363, %get3A_1370 : vector<16xi32>
      %multiple_of3A_1372 = arith.constant 112 : i32
      %multiple_of3A_1373 = tpu.assume_multiple %multiple_of3A_1372, 8 : i32
      %get3A_1374 = arith.constant 13 : i32
      %get3A_1375 = arith.index_cast %get3A_1374 : i32 to index
      %get3A_1376 = arith.index_cast %arg1 : i32 to index
      %get3A_1377 = arith.index_cast %multiple_of3A_1373 : i32 to index
      %get3A_1378 = tpu.vector_load %arg15[%get3A_1375, %get3A_1376, %get3A_1377] {strides = array<i32>} : memref<16x16x128xi32, #tpu.memory_space<vmem>>, vector<16xi32>,
      %add3A_1379 = arith.addi %add3A_1371, %get3A_1378 : vector<16xi32>
      %multiple_of3A_1380 = arith.constant 112 : i32
      %multiple_of3A_1381 = tpu.assume_multiple %multiple_of3A_1380, 8 : i32
      %get3A_1382 = arith.constant 14 : i32
      %get3A_1383 = arith.index_cast %get3A_1382 : i32 to index
      %get3A_1384 = arith.index_cast %arg1 : i32 to index
      %get3A_1385 = arith.index_cast %multiple_of3A_1381 : i32 to index
      %get3A_1386 = tpu.vector_load %arg15[%get3A_1383, %get3A_1384, %get3A_1385] {strides = array<i32>} : memref<16x16x128xi32, #tpu.memory_space<vmem>>, vector<16xi32>,
      %add3A_1387 = arith.addi %add3A_1379, %get3A_1386 : vector<16xi32>
      %multiple_of3A_1388 = arith.constant 112 : i32
      %multiple_of3A_1389 = tpu.assume_multiple %multiple_of3A_1388, 8 : i32
      %get3A_1390 = arith.constant 15 : i32
      %get3A_1391 = arith.index_cast %get3A_1390 : i32 to index
      %get3A_1392 = arith.index_cast %arg1 : i32 to index
      %get3A_1393 = arith.index_cast %multiple_of3A_1389 : i32 to index
      %get3A_1394 = tpu.vector_load %arg15[%get3A_1391, %get3A_1392, %get3A_1393] {strides = array<i32>} : memref<16x16x128xi32, #tpu.memory_space<vmem>>, vector<16xi32>,
      %add3A_1395 = arith.addi %add3A_1387, %get3A_1394 : vector<16xi32>
      %multiple_of3A_1396 = arith.constant 112 : i32
      %multiple_of3A_1397 = tpu.assume_multiple %multiple_of3A_1396, 8 : i32
      %swap3A_1398 = arith.index_cast %multiple_of3A_1397 : i32 to index
      %swap3A_1399 = tpu.vector_load %arg16[%swap3A_1398] {strides = array<i32>} : memref<128xi32, #tpu.memory_space<vmem>>, vector<16xi32>,
      tpu.vector_store %arg16[%swap3A_1398], %add3A_1395 {strides = array<i32>} : memref<128xi32, #tpu.memory_space<vmem>>, vector<16xi32>,
      "tpu.region"() ({
        %run_scoped3A = tpu.sem_alloc : memref<!tpu.dma_semaphore, #tpu.memory_space<semaphore_mem>>
        %dma_start3A = arith.constant 0 : i32
        %dma_start3A_2482 = tpu.memref_slice %arg6[%arg1, %dma_start3A] : memref<16x128xi32, #tpu.memory_space<hbm>> -> memref<1x128xi32, #tpu.memory_space<hbm>>
        %dma_start3A_2483 = tpu.memref_squeeze %dma_start3A_2482 : memref<1x128xi32, #tpu.memory_space<hbm>> -> memref<128xi32, #tpu.memory_space<hbm>>
        %dma_start3A_2484 = arith.constant 0 : i32
        %dma_start3A_2485 = tpu.memref_slice %arg6[%arg1, %dma_start3A_2484] : memref<16x128xi32, #tpu.memory_space<hbm>> -> memref<1x128xi32, #tpu.memory_space<hbm>>
        %dma_start3A_2486 = tpu.memref_squeeze %dma_start3A_2485 : memref<1x128xi32, #tpu.memory_space<hbm>> -> memref<128xi32, #tpu.memory_space<hbm>>
        tpu.enqueue_dma source(%arg16 : memref<128xi32, #tpu.memory_space<vmem>>) target(%dma_start3A_2486 : memref<128xi32, #tpu.memory_space<hbm>>) target_semaphore(%run_scoped3A : memref<!tpu.dma_semaphore, #tpu.memory_space<semaphore_mem>>)
        %dma_wait3A = arith.constant 0 : i32
        %dma_wait3A_2487 = tpu.memref_slice %arg6[%arg1, %dma_wait3A] : memref<16x128xi32, #tpu.memory_space<hbm>> -> memref<1x128xi32, #tpu.memory_space<hbm>>
        %dma_wait3A_2488 = tpu.memref_squeeze %dma_wait3A_2487 : memref<1x128xi32, #tpu.memory_space<hbm>> -> memref<128xi32, #tpu.memory_space<hbm>>
        %dma_wait3A_2489 = arith.constant 0 : i32
        %dma_wait3A_2490 = tpu.memref_slice %arg6[%arg1, %dma_wait3A_2489] : memref<16x128xi32, #tpu.memory_space<hbm>> -> memref<1x128xi32, #tpu.memory_space<hbm>>
        %dma_wait3A_2491 = tpu.memref_squeeze %dma_wait3A_2490 : memref<1x128xi32, #tpu.memory_space<hbm>> -> memref<128xi32, #tpu.memory_space<hbm>>
        tpu.wait_dma2 semaphore(%run_scoped3A : memref<!tpu.dma_semaphore, #tpu.memory_space<semaphore_mem>>) src(%arg16 : memref<128xi32, #tpu.memory_space<vmem>>) dst(%dma_wait3A_2491 : memref<128xi32, #tpu.memory_space<hbm>>)
        tpu.yield
      }) : () -> ()
      "tpu.region"() ({
        %run_scoped3A = tpu.sem_alloc : memref<!tpu.dma_semaphore, #tpu.memory_space<semaphore_mem>>
        tpu.enqueue_dma source(%arg21 : memref<16x16x128xi32, #tpu.memory_space<vmem_shared>>) target(%arg15 : memref<16x16x128xi32, #tpu.memory_space<vmem>>) target_semaphore(%run_scoped3A : memref<!tpu.dma_semaphore, #tpu.memory_space<semaphore_mem>>)
        tpu.wait_dma2 semaphore(%run_scoped3A : memref<!tpu.dma_semaphore, #tpu.memory_space<semaphore_mem>>) src(%arg21 : memref<16x16x128xi32, #tpu.memory_space<vmem_shared>>) dst(%arg15 : memref<16x16x128xi32, #tpu.memory_space<vmem>>)
        tpu.yield
      }) : () -> ()
      %broadcast_in_dim3A_1400 = arith.constant 0 : i32
      %broadcast_in_dim3A_1401 = vector.broadcast %broadcast_in_dim3A_1400 : i32 to vector<16xi32>
      %multiple_of3A_1402 = arith.constant 0 : i32
      %multiple_of3A_1403 = tpu.assume_multiple %multiple_of3A_1402, 8 : i32
      %get3A_1404 = arith.constant 0 : i32
      %get3A_1405 = arith.index_cast %get3A_1404 : i32 to index
      %get3A_1406 = arith.index_cast %arg1 : i32 to index
      %get3A_1407 = arith.index_cast %multiple_of3A_1403 : i32 to index
      %get3A_1408 = tpu.vector_load %arg15[%get3A_1405, %get3A_1406, %get3A_1407] {strides = array<i32>} : memref<16x16x128xi32, #tpu.memory_space<vmem>>, vector<16xi32>,
      %add3A_1409 = arith.addi %broadcast_in_dim3A_1401, %get3A_1408 : vector<16xi32>
      %multiple_of3A_1410 = arith.constant 0 : i32
      %multiple_of3A_1411 = tpu.assume_multiple %multiple_of3A_1410, 8 : i32
      %get3A_1412 = arith.constant 1 : i32
      %get3A_1413 = arith.index_cast %get3A_1412 : i32 to index
      %get3A_1414 = arith.index_cast %arg1 : i32 to index
      %get3A_1415 = arith.index_cast %multiple_of3A_1411 : i32 to index
      %get3A_1416 = tpu.vector_load %arg15[%get3A_1413, %get3A_1414, %get3A_1415] {strides = array<i32>} : memref<16x16x128xi32, #tpu.memory_space<vmem>>, vector<16xi32>,
      %add3A_1417 = arith.addi %add3A_1409, %get3A_1416 : vector<16xi32>
      %multiple_of3A_1418 = arith.constant 0 : i32
      %multiple_of3A_1419 = tpu.assume_multiple %multiple_of3A_1418, 8 : i32
      %get3A_1420 = arith.constant 2 : i32
      %get3A_1421 = arith.index_cast %get3A_1420 : i32 to index
      %get3A_1422 = arith.index_cast %arg1 : i32 to index
      %get3A_1423 = arith.index_cast %multiple_of3A_1419 : i32 to index
      %get3A_1424 = tpu.vector_load %arg15[%get3A_1421, %get3A_1422, %get3A_1423] {strides = array<i32>} : memref<16x16x128xi32, #tpu.memory_space<vmem>>, vector<16xi32>,
      %add3A_1425 = arith.addi %add3A_1417, %get3A_1424 : vector<16xi32>
      %multiple_of3A_1426 = arith.constant 0 : i32
      %multiple_of3A_1427 = tpu.assume_multiple %multiple_of3A_1426, 8 : i32
      %get3A_1428 = arith.constant 3 : i32
      %get3A_1429 = arith.index_cast %get3A_1428 : i32 to index
      %get3A_1430 = arith.index_cast %arg1 : i32 to index
      %get3A_1431 = arith.index_cast %multiple_of3A_1427 : i32 to index
      %get3A_1432 = tpu.vector_load %arg15[%get3A_1429, %get3A_1430, %get3A_1431] {strides = array<i32>} : memref<16x16x128xi32, #tpu.memory_space<vmem>>, vector<16xi32>,
      %add3A_1433 = arith.addi %add3A_1425, %get3A_1432 : vector<16xi32>
      %multiple_of3A_1434 = arith.constant 0 : i32
      %multiple_of3A_1435 = tpu.assume_multiple %multiple_of3A_1434, 8 : i32
      %get3A_1436 = arith.constant 4 : i32
      %get3A_1437 = arith.index_cast %get3A_1436 : i32 to index
      %get3A_1438 = arith.index_cast %arg1 : i32 to index
      %get3A_1439 = arith.index_cast %multiple_of3A_1435 : i32 to index
      %get3A_1440 = tpu.vector_load %arg15[%get3A_1437, %get3A_1438, %get3A_1439] {strides = array<i32>} : memref<16x16x128xi32, #tpu.memory_space<vmem>>, vector<16xi32>,
      %add3A_1441 = arith.addi %add3A_1433, %get3A_1440 : vector<16xi32>
      %multiple_of3A_1442 = arith.constant 0 : i32
      %multiple_of3A_1443 = tpu.assume_multiple %multiple_of3A_1442, 8 : i32
      %get3A_1444 = arith.constant 5 : i32
      %get3A_1445 = arith.index_cast %get3A_1444 : i32 to index
      %get3A_1446 = arith.index_cast %arg1 : i32 to index
      %get3A_1447 = arith.index_cast %multiple_of3A_1443 : i32 to index
      %get3A_1448 = tpu.vector_load %arg15[%get3A_1445, %get3A_1446, %get3A_1447] {strides = array<i32>} : memref<16x16x128xi32, #tpu.memory_space<vmem>>, vector<16xi32>,
      %add3A_1449 = arith.addi %add3A_1441, %get3A_1448 : vector<16xi32>
      %multiple_of3A_1450 = arith.constant 0 : i32
      %multiple_of3A_1451 = tpu.assume_multiple %multiple_of3A_1450, 8 : i32
      %get3A_1452 = arith.constant 6 : i32
      %get3A_1453 = arith.index_cast %get3A_1452 : i32 to index
      %get3A_1454 = arith.index_cast %arg1 : i32 to index
      %get3A_1455 = arith.index_cast %multiple_of3A_1451 : i32 to index
      %get3A_1456 = tpu.vector_load %arg15[%get3A_1453, %get3A_1454, %get3A_1455] {strides = array<i32>} : memref<16x16x128xi32, #tpu.memory_space<vmem>>, vector<16xi32>,
      %add3A_1457 = arith.addi %add3A_1449, %get3A_1456 : vector<16xi32>
      %multiple_of3A_1458 = arith.constant 0 : i32
      %multiple_of3A_1459 = tpu.assume_multiple %multiple_of3A_1458, 8 : i32
      %get3A_1460 = arith.constant 7 : i32
      %get3A_1461 = arith.index_cast %get3A_1460 : i32 to index
      %get3A_1462 = arith.index_cast %arg1 : i32 to index
      %get3A_1463 = arith.index_cast %multiple_of3A_1459 : i32 to index
      %get3A_1464 = tpu.vector_load %arg15[%get3A_1461, %get3A_1462, %get3A_1463] {strides = array<i32>} : memref<16x16x128xi32, #tpu.memory_space<vmem>>, vector<16xi32>,
      %add3A_1465 = arith.addi %add3A_1457, %get3A_1464 : vector<16xi32>
      %multiple_of3A_1466 = arith.constant 0 : i32
      %multiple_of3A_1467 = tpu.assume_multiple %multiple_of3A_1466, 8 : i32
      %get3A_1468 = arith.constant 8 : i32
      %get3A_1469 = arith.index_cast %get3A_1468 : i32 to index
      %get3A_1470 = arith.index_cast %arg1 : i32 to index
      %get3A_1471 = arith.index_cast %multiple_of3A_1467 : i32 to index
      %get3A_1472 = tpu.vector_load %arg15[%get3A_1469, %get3A_1470, %get3A_1471] {strides = array<i32>} : memref<16x16x128xi32, #tpu.memory_space<vmem>>, vector<16xi32>,
      %add3A_1473 = arith.addi %add3A_1465, %get3A_1472 : vector<16xi32>
      %multiple_of3A_1474 = arith.constant 0 : i32
      %multiple_of3A_1475 = tpu.assume_multiple %multiple_of3A_1474, 8 : i32
      %get3A_1476 = arith.constant 9 : i32
      %get3A_1477 = arith.index_cast %get3A_1476 : i32 to index
      %get3A_1478 = arith.index_cast %arg1 : i32 to index
      %get3A_1479 = arith.index_cast %multiple_of3A_1475 : i32 to index
      %get3A_1480 = tpu.vector_load %arg15[%get3A_1477, %get3A_1478, %get3A_1479] {strides = array<i32>} : memref<16x16x128xi32, #tpu.memory_space<vmem>>, vector<16xi32>,
      %add3A_1481 = arith.addi %add3A_1473, %get3A_1480 : vector<16xi32>
      %multiple_of3A_1482 = arith.constant 0 : i32
      %multiple_of3A_1483 = tpu.assume_multiple %multiple_of3A_1482, 8 : i32
      %get3A_1484 = arith.constant 10 : i32
      %get3A_1485 = arith.index_cast %get3A_1484 : i32 to index
      %get3A_1486 = arith.index_cast %arg1 : i32 to index
      %get3A_1487 = arith.index_cast %multiple_of3A_1483 : i32 to index
      %get3A_1488 = tpu.vector_load %arg15[%get3A_1485, %get3A_1486, %get3A_1487] {strides = array<i32>} : memref<16x16x128xi32, #tpu.memory_space<vmem>>, vector<16xi32>,
      %add3A_1489 = arith.addi %add3A_1481, %get3A_1488 : vector<16xi32>
      %multiple_of3A_1490 = arith.constant 0 : i32
      %multiple_of3A_1491 = tpu.assume_multiple %multiple_of3A_1490, 8 : i32
      %get3A_1492 = arith.constant 11 : i32
      %get3A_1493 = arith.index_cast %get3A_1492 : i32 to index
      %get3A_1494 = arith.index_cast %arg1 : i32 to index
      %get3A_1495 = arith.index_cast %multiple_of3A_1491 : i32 to index
      %get3A_1496 = tpu.vector_load %arg15[%get3A_1493, %get3A_1494, %get3A_1495] {strides = array<i32>} : memref<16x16x128xi32, #tpu.memory_space<vmem>>, vector<16xi32>,
      %add3A_1497 = arith.addi %add3A_1489, %get3A_1496 : vector<16xi32>
      %multiple_of3A_1498 = arith.constant 0 : i32
      %multiple_of3A_1499 = tpu.assume_multiple %multiple_of3A_1498, 8 : i32
      %get3A_1500 = arith.constant 12 : i32
      %get3A_1501 = arith.index_cast %get3A_1500 : i32 to index
      %get3A_1502 = arith.index_cast %arg1 : i32 to index
      %get3A_1503 = arith.index_cast %multiple_of3A_1499 : i32 to index
      %get3A_1504 = tpu.vector_load %arg15[%get3A_1501, %get3A_1502, %get3A_1503] {strides = array<i32>} : memref<16x16x128xi32, #tpu.memory_space<vmem>>, vector<16xi32>,
      %add3A_1505 = arith.addi %add3A_1497, %get3A_1504 : vector<16xi32>
      %multiple_of3A_1506 = arith.constant 0 : i32
      %multiple_of3A_1507 = tpu.assume_multiple %multiple_of3A_1506, 8 : i32
      %get3A_1508 = arith.constant 13 : i32
      %get3A_1509 = arith.index_cast %get3A_1508 : i32 to index
      %get3A_1510 = arith.index_cast %arg1 : i32 to index
      %get3A_1511 = arith.index_cast %multiple_of3A_1507 : i32 to index
      %get3A_1512 = tpu.vector_load %arg15[%get3A_1509, %get3A_1510, %get3A_1511] {strides = array<i32>} : memref<16x16x128xi32, #tpu.memory_space<vmem>>, vector<16xi32>,
      %add3A_1513 = arith.addi %add3A_1505, %get3A_1512 : vector<16xi32>
      %multiple_of3A_1514 = arith.constant 0 : i32
      %multiple_of3A_1515 = tpu.assume_multiple %multiple_of3A_1514, 8 : i32
      %get3A_1516 = arith.constant 14 : i32
      %get3A_1517 = arith.index_cast %get3A_1516 : i32 to index
      %get3A_1518 = arith.index_cast %arg1 : i32 to index
      %get3A_1519 = arith.index_cast %multiple_of3A_1515 : i32 to index
      %get3A_1520 = tpu.vector_load %arg15[%get3A_1517, %get3A_1518, %get3A_1519] {strides = array<i32>} : memref<16x16x128xi32, #tpu.memory_space<vmem>>, vector<16xi32>,
      %add3A_1521 = arith.addi %add3A_1513, %get3A_1520 : vector<16xi32>
      %multiple_of3A_1522 = arith.constant 0 : i32
      %multiple_of3A_1523 = tpu.assume_multiple %multiple_of3A_1522, 8 : i32
      %get3A_1524 = arith.constant 15 : i32
      %get3A_1525 = arith.index_cast %get3A_1524 : i32 to index
      %get3A_1526 = arith.index_cast %arg1 : i32 to index
      %get3A_1527 = arith.index_cast %multiple_of3A_1523 : i32 to index
      %get3A_1528 = tpu.vector_load %arg15[%get3A_1525, %get3A_1526, %get3A_1527] {strides = array<i32>} : memref<16x16x128xi32, #tpu.memory_space<vmem>>, vector<16xi32>,
      %add3A_1529 = arith.addi %add3A_1521, %get3A_1528 : vector<16xi32>
      %multiple_of3A_1530 = arith.constant 0 : i32
      %multiple_of3A_1531 = tpu.assume_multiple %multiple_of3A_1530, 8 : i32
      %swap3A_1532 = arith.index_cast %multiple_of3A_1531 : i32 to index
      %swap3A_1533 = tpu.vector_load %arg16[%swap3A_1532] {strides = array<i32>} : memref<128xi32, #tpu.memory_space<vmem>>, vector<16xi32>,
      tpu.vector_store %arg16[%swap3A_1532], %add3A_1529 {strides = array<i32>} : memref<128xi32, #tpu.memory_space<vmem>>, vector<16xi32>,
      %broadcast_in_dim3A_1534 = arith.constant 0 : i32
      %broadcast_in_dim3A_1535 = vector.broadcast %broadcast_in_dim3A_1534 : i32 to vector<16xi32>
      %multiple_of3A_1536 = arith.constant 16 : i32
      %multiple_of3A_1537 = tpu.assume_multiple %multiple_of3A_1536, 8 : i32
      %get3A_1538 = arith.constant 0 : i32
      %get3A_1539 = arith.index_cast %get3A_1538 : i32 to index
      %get3A_1540 = arith.index_cast %arg1 : i32 to index
      %get3A_1541 = arith.index_cast %multiple_of3A_1537 : i32 to index
      %get3A_1542 = tpu.vector_load %arg15[%get3A_1539, %get3A_1540, %get3A_1541] {strides = array<i32>} : memref<16x16x128xi32, #tpu.memory_space<vmem>>, vector<16xi32>,
      %add3A_1543 = arith.addi %broadcast_in_dim3A_1535, %get3A_1542 : vector<16xi32>
      %multiple_of3A_1544 = arith.constant 16 : i32
      %multiple_of3A_1545 = tpu.assume_multiple %multiple_of3A_1544, 8 : i32
      %get3A_1546 = arith.constant 1 : i32
      %get3A_1547 = arith.index_cast %get3A_1546 : i32 to index
      %get3A_1548 = arith.index_cast %arg1 : i32 to index
      %get3A_1549 = arith.index_cast %multiple_of3A_1545 : i32 to index
      %get3A_1550 = tpu.vector_load %arg15[%get3A_1547, %get3A_1548, %get3A_1549] {strides = array<i32>} : memref<16x16x128xi32, #tpu.memory_space<vmem>>, vector<16xi32>,
      %add3A_1551 = arith.addi %add3A_1543, %get3A_1550 : vector<16xi32>
      %multiple_of3A_1552 = arith.constant 16 : i32
      %multiple_of3A_1553 = tpu.assume_multiple %multiple_of3A_1552, 8 : i32
      %get3A_1554 = arith.constant 2 : i32
      %get3A_1555 = arith.index_cast %get3A_1554 : i32 to index
      %get3A_1556 = arith.index_cast %arg1 : i32 to index
      %get3A_1557 = arith.index_cast %multiple_of3A_1553 : i32 to index
      %get3A_1558 = tpu.vector_load %arg15[%get3A_1555, %get3A_1556, %get3A_1557] {strides = array<i32>} : memref<16x16x128xi32, #tpu.memory_space<vmem>>, vector<16xi32>,
      %add3A_1559 = arith.addi %add3A_1551, %get3A_1558 : vector<16xi32>
      %multiple_of3A_1560 = arith.constant 16 : i32
      %multiple_of3A_1561 = tpu.assume_multiple %multiple_of3A_1560, 8 : i32
      %get3A_1562 = arith.constant 3 : i32
      %get3A_1563 = arith.index_cast %get3A_1562 : i32 to index
      %get3A_1564 = arith.index_cast %arg1 : i32 to index
      %get3A_1565 = arith.index_cast %multiple_of3A_1561 : i32 to index
      %get3A_1566 = tpu.vector_load %arg15[%get3A_1563, %get3A_1564, %get3A_1565] {strides = array<i32>} : memref<16x16x128xi32, #tpu.memory_space<vmem>>, vector<16xi32>,
      %add3A_1567 = arith.addi %add3A_1559, %get3A_1566 : vector<16xi32>
      %multiple_of3A_1568 = arith.constant 16 : i32
      %multiple_of3A_1569 = tpu.assume_multiple %multiple_of3A_1568, 8 : i32
      %get3A_1570 = arith.constant 4 : i32
      %get3A_1571 = arith.index_cast %get3A_1570 : i32 to index
      %get3A_1572 = arith.index_cast %arg1 : i32 to index
      %get3A_1573 = arith.index_cast %multiple_of3A_1569 : i32 to index
      %get3A_1574 = tpu.vector_load %arg15[%get3A_1571, %get3A_1572, %get3A_1573] {strides = array<i32>} : memref<16x16x128xi32, #tpu.memory_space<vmem>>, vector<16xi32>,
      %add3A_1575 = arith.addi %add3A_1567, %get3A_1574 : vector<16xi32>
      %multiple_of3A_1576 = arith.constant 16 : i32
      %multiple_of3A_1577 = tpu.assume_multiple %multiple_of3A_1576, 8 : i32
      %get3A_1578 = arith.constant 5 : i32
      %get3A_1579 = arith.index_cast %get3A_1578 : i32 to index
      %get3A_1580 = arith.index_cast %arg1 : i32 to index
      %get3A_1581 = arith.index_cast %multiple_of3A_1577 : i32 to index
      %get3A_1582 = tpu.vector_load %arg15[%get3A_1579, %get3A_1580, %get3A_1581] {strides = array<i32>} : memref<16x16x128xi32, #tpu.memory_space<vmem>>, vector<16xi32>,
      %add3A_1583 = arith.addi %add3A_1575, %get3A_1582 : vector<16xi32>
      %multiple_of3A_1584 = arith.constant 16 : i32
      %multiple_of3A_1585 = tpu.assume_multiple %multiple_of3A_1584, 8 : i32
      %get3A_1586 = arith.constant 6 : i32
      %get3A_1587 = arith.index_cast %get3A_1586 : i32 to index
      %get3A_1588 = arith.index_cast %arg1 : i32 to index
      %get3A_1589 = arith.index_cast %multiple_of3A_1585 : i32 to index
      %get3A_1590 = tpu.vector_load %arg15[%get3A_1587, %get3A_1588, %get3A_1589] {strides = array<i32>} : memref<16x16x128xi32, #tpu.memory_space<vmem>>, vector<16xi32>,
      %add3A_1591 = arith.addi %add3A_1583, %get3A_1590 : vector<16xi32>
      %multiple_of3A_1592 = arith.constant 16 : i32
      %multiple_of3A_1593 = tpu.assume_multiple %multiple_of3A_1592, 8 : i32
      %get3A_1594 = arith.constant 7 : i32
      %get3A_1595 = arith.index_cast %get3A_1594 : i32 to index
      %get3A_1596 = arith.index_cast %arg1 : i32 to index
      %get3A_1597 = arith.index_cast %multiple_of3A_1593 : i32 to index
      %get3A_1598 = tpu.vector_load %arg15[%get3A_1595, %get3A_1596, %get3A_1597] {strides = array<i32>} : memref<16x16x128xi32, #tpu.memory_space<vmem>>, vector<16xi32>,
      %add3A_1599 = arith.addi %add3A_1591, %get3A_1598 : vector<16xi32>
      %multiple_of3A_1600 = arith.constant 16 : i32
      %multiple_of3A_1601 = tpu.assume_multiple %multiple_of3A_1600, 8 : i32
      %get3A_1602 = arith.constant 8 : i32
      %get3A_1603 = arith.index_cast %get3A_1602 : i32 to index
      %get3A_1604 = arith.index_cast %arg1 : i32 to index
      %get3A_1605 = arith.index_cast %multiple_of3A_1601 : i32 to index
      %get3A_1606 = tpu.vector_load %arg15[%get3A_1603, %get3A_1604, %get3A_1605] {strides = array<i32>} : memref<16x16x128xi32, #tpu.memory_space<vmem>>, vector<16xi32>,
      %add3A_1607 = arith.addi %add3A_1599, %get3A_1606 : vector<16xi32>
      %multiple_of3A_1608 = arith.constant 16 : i32
      %multiple_of3A_1609 = tpu.assume_multiple %multiple_of3A_1608, 8 : i32
      %get3A_1610 = arith.constant 9 : i32
      %get3A_1611 = arith.index_cast %get3A_1610 : i32 to index
      %get3A_1612 = arith.index_cast %arg1 : i32 to index
      %get3A_1613 = arith.index_cast %multiple_of3A_1609 : i32 to index
      %get3A_1614 = tpu.vector_load %arg15[%get3A_1611, %get3A_1612, %get3A_1613] {strides = array<i32>} : memref<16x16x128xi32, #tpu.memory_space<vmem>>, vector<16xi32>,
      %add3A_1615 = arith.addi %add3A_1607, %get3A_1614 : vector<16xi32>
      %multiple_of3A_1616 = arith.constant 16 : i32
      %multiple_of3A_1617 = tpu.assume_multiple %multiple_of3A_1616, 8 : i32
      %get3A_1618 = arith.constant 10 : i32
      %get3A_1619 = arith.index_cast %get3A_1618 : i32 to index
      %get3A_1620 = arith.index_cast %arg1 : i32 to index
      %get3A_1621 = arith.index_cast %multiple_of3A_1617 : i32 to index
      %get3A_1622 = tpu.vector_load %arg15[%get3A_1619, %get3A_1620, %get3A_1621] {strides = array<i32>} : memref<16x16x128xi32, #tpu.memory_space<vmem>>, vector<16xi32>,
      %add3A_1623 = arith.addi %add3A_1615, %get3A_1622 : vector<16xi32>
      %multiple_of3A_1624 = arith.constant 16 : i32
      %multiple_of3A_1625 = tpu.assume_multiple %multiple_of3A_1624, 8 : i32
      %get3A_1626 = arith.constant 11 : i32
      %get3A_1627 = arith.index_cast %get3A_1626 : i32 to index
      %get3A_1628 = arith.index_cast %arg1 : i32 to index
      %get3A_1629 = arith.index_cast %multiple_of3A_1625 : i32 to index
      %get3A_1630 = tpu.vector_load %arg15[%get3A_1627, %get3A_1628, %get3A_1629] {strides = array<i32>} : memref<16x16x128xi32, #tpu.memory_space<vmem>>, vector<16xi32>,
      %add3A_1631 = arith.addi %add3A_1623, %get3A_1630 : vector<16xi32>
      %multiple_of3A_1632 = arith.constant 16 : i32
      %multiple_of3A_1633 = tpu.assume_multiple %multiple_of3A_1632, 8 : i32
      %get3A_1634 = arith.constant 12 : i32
      %get3A_1635 = arith.index_cast %get3A_1634 : i32 to index
      %get3A_1636 = arith.index_cast %arg1 : i32 to index
      %get3A_1637 = arith.index_cast %multiple_of3A_1633 : i32 to index
      %get3A_1638 = tpu.vector_load %arg15[%get3A_1635, %get3A_1636, %get3A_1637] {strides = array<i32>} : memref<16x16x128xi32, #tpu.memory_space<vmem>>, vector<16xi32>,
      %add3A_1639 = arith.addi %add3A_1631, %get3A_1638 : vector<16xi32>
      %multiple_of3A_1640 = arith.constant 16 : i32
      %multiple_of3A_1641 = tpu.assume_multiple %multiple_of3A_1640, 8 : i32
      %get3A_1642 = arith.constant 13 : i32
      %get3A_1643 = arith.index_cast %get3A_1642 : i32 to index
      %get3A_1644 = arith.index_cast %arg1 : i32 to index
      %get3A_1645 = arith.index_cast %multiple_of3A_1641 : i32 to index
      %get3A_1646 = tpu.vector_load %arg15[%get3A_1643, %get3A_1644, %get3A_1645] {strides = array<i32>} : memref<16x16x128xi32, #tpu.memory_space<vmem>>, vector<16xi32>,
      %add3A_1647 = arith.addi %add3A_1639, %get3A_1646 : vector<16xi32>
      %multiple_of3A_1648 = arith.constant 16 : i32
      %multiple_of3A_1649 = tpu.assume_multiple %multiple_of3A_1648, 8 : i32
      %get3A_1650 = arith.constant 14 : i32
      %get3A_1651 = arith.index_cast %get3A_1650 : i32 to index
      %get3A_1652 = arith.index_cast %arg1 : i32 to index
      %get3A_1653 = arith.index_cast %multiple_of3A_1649 : i32 to index
      %get3A_1654 = tpu.vector_load %arg15[%get3A_1651, %get3A_1652, %get3A_1653] {strides = array<i32>} : memref<16x16x128xi32, #tpu.memory_space<vmem>>, vector<16xi32>,
      %add3A_1655 = arith.addi %add3A_1647, %get3A_1654 : vector<16xi32>
      %multiple_of3A_1656 = arith.constant 16 : i32
      %multiple_of3A_1657 = tpu.assume_multiple %multiple_of3A_1656, 8 : i32
      %get3A_1658 = arith.constant 15 : i32
      %get3A_1659 = arith.index_cast %get3A_1658 : i32 to index
      %get3A_1660 = arith.index_cast %arg1 : i32 to index
      %get3A_1661 = arith.index_cast %multiple_of3A_1657 : i32 to index
      %get3A_1662 = tpu.vector_load %arg15[%get3A_1659, %get3A_1660, %get3A_1661] {strides = array<i32>} : memref<16x16x128xi32, #tpu.memory_space<vmem>>, vector<16xi32>,
      %add3A_1663 = arith.addi %add3A_1655, %get3A_1662 : vector<16xi32>
      %multiple_of3A_1664 = arith.constant 16 : i32
      %multiple_of3A_1665 = tpu.assume_multiple %multiple_of3A_1664, 8 : i32
      %swap3A_1666 = arith.index_cast %multiple_of3A_1665 : i32 to index
      %swap3A_1667 = tpu.vector_load %arg16[%swap3A_1666] {strides = array<i32>} : memref<128xi32, #tpu.memory_space<vmem>>, vector<16xi32>,
      tpu.vector_store %arg16[%swap3A_1666], %add3A_1663 {strides = array<i32>} : memref<128xi32, #tpu.memory_space<vmem>>, vector<16xi32>,
      %broadcast_in_dim3A_1668 = arith.constant 0 : i32
      %broadcast_in_dim3A_1669 = vector.broadcast %broadcast_in_dim3A_1668 : i32 to vector<16xi32>
      %multiple_of3A_1670 = arith.constant 32 : i32
      %multiple_of3A_1671 = tpu.assume_multiple %multiple_of3A_1670, 8 : i32
      %get3A_1672 = arith.constant 0 : i32
      %get3A_1673 = arith.index_cast %get3A_1672 : i32 to index
      %get3A_1674 = arith.index_cast %arg1 : i32 to index
      %get3A_1675 = arith.index_cast %multiple_of3A_1671 : i32 to index
      %get3A_1676 = tpu.vector_load %arg15[%get3A_1673, %get3A_1674, %get3A_1675] {strides = array<i32>} : memref<16x16x128xi32, #tpu.memory_space<vmem>>, vector<16xi32>,
      %add3A_1677 = arith.addi %broadcast_in_dim3A_1669, %get3A_1676 : vector<16xi32>
      %multiple_of3A_1678 = arith.constant 32 : i32
      %multiple_of3A_1679 = tpu.assume_multiple %multiple_of3A_1678, 8 : i32
      %get3A_1680 = arith.constant 1 : i32
      %get3A_1681 = arith.index_cast %get3A_1680 : i32 to index
      %get3A_1682 = arith.index_cast %arg1 : i32 to index
      %get3A_1683 = arith.index_cast %multiple_of3A_1679 : i32 to index
      %get3A_1684 = tpu.vector_load %arg15[%get3A_1681, %get3A_1682, %get3A_1683] {strides = array<i32>} : memref<16x16x128xi32, #tpu.memory_space<vmem>>, vector<16xi32>,
      %add3A_1685 = arith.addi %add3A_1677, %get3A_1684 : vector<16xi32>
      %multiple_of3A_1686 = arith.constant 32 : i32
      %multiple_of3A_1687 = tpu.assume_multiple %multiple_of3A_1686, 8 : i32
      %get3A_1688 = arith.constant 2 : i32
      %get3A_1689 = arith.index_cast %get3A_1688 : i32 to index
      %get3A_1690 = arith.index_cast %arg1 : i32 to index
      %get3A_1691 = arith.index_cast %multiple_of3A_1687 : i32 to index
      %get3A_1692 = tpu.vector_load %arg15[%get3A_1689, %get3A_1690, %get3A_1691] {strides = array<i32>} : memref<16x16x128xi32, #tpu.memory_space<vmem>>, vector<16xi32>,
      %add3A_1693 = arith.addi %add3A_1685, %get3A_1692 : vector<16xi32>
      %multiple_of3A_1694 = arith.constant 32 : i32
      %multiple_of3A_1695 = tpu.assume_multiple %multiple_of3A_1694, 8 : i32
      %get3A_1696 = arith.constant 3 : i32
      %get3A_1697 = arith.index_cast %get3A_1696 : i32 to index
      %get3A_1698 = arith.index_cast %arg1 : i32 to index
      %get3A_1699 = arith.index_cast %multiple_of3A_1695 : i32 to index
      %get3A_1700 = tpu.vector_load %arg15[%get3A_1697, %get3A_1698, %get3A_1699] {strides = array<i32>} : memref<16x16x128xi32, #tpu.memory_space<vmem>>, vector<16xi32>,
      %add3A_1701 = arith.addi %add3A_1693, %get3A_1700 : vector<16xi32>
      %multiple_of3A_1702 = arith.constant 32 : i32
      %multiple_of3A_1703 = tpu.assume_multiple %multiple_of3A_1702, 8 : i32
      %get3A_1704 = arith.constant 4 : i32
      %get3A_1705 = arith.index_cast %get3A_1704 : i32 to index
      %get3A_1706 = arith.index_cast %arg1 : i32 to index
      %get3A_1707 = arith.index_cast %multiple_of3A_1703 : i32 to index
      %get3A_1708 = tpu.vector_load %arg15[%get3A_1705, %get3A_1706, %get3A_1707] {strides = array<i32>} : memref<16x16x128xi32, #tpu.memory_space<vmem>>, vector<16xi32>,
      %add3A_1709 = arith.addi %add3A_1701, %get3A_1708 : vector<16xi32>
      %multiple_of3A_1710 = arith.constant 32 : i32
      %multiple_of3A_1711 = tpu.assume_multiple %multiple_of3A_1710, 8 : i32
      %get3A_1712 = arith.constant 5 : i32
      %get3A_1713 = arith.index_cast %get3A_1712 : i32 to index
      %get3A_1714 = arith.index_cast %arg1 : i32 to index
      %get3A_1715 = arith.index_cast %multiple_of3A_1711 : i32 to index
      %get3A_1716 = tpu.vector_load %arg15[%get3A_1713, %get3A_1714, %get3A_1715] {strides = array<i32>} : memref<16x16x128xi32, #tpu.memory_space<vmem>>, vector<16xi32>,
      %add3A_1717 = arith.addi %add3A_1709, %get3A_1716 : vector<16xi32>
      %multiple_of3A_1718 = arith.constant 32 : i32
      %multiple_of3A_1719 = tpu.assume_multiple %multiple_of3A_1718, 8 : i32
      %get3A_1720 = arith.constant 6 : i32
      %get3A_1721 = arith.index_cast %get3A_1720 : i32 to index
      %get3A_1722 = arith.index_cast %arg1 : i32 to index
      %get3A_1723 = arith.index_cast %multiple_of3A_1719 : i32 to index
      %get3A_1724 = tpu.vector_load %arg15[%get3A_1721, %get3A_1722, %get3A_1723] {strides = array<i32>} : memref<16x16x128xi32, #tpu.memory_space<vmem>>, vector<16xi32>,
      %add3A_1725 = arith.addi %add3A_1717, %get3A_1724 : vector<16xi32>
      %multiple_of3A_1726 = arith.constant 32 : i32
      %multiple_of3A_1727 = tpu.assume_multiple %multiple_of3A_1726, 8 : i32
      %get3A_1728 = arith.constant 7 : i32
      %get3A_1729 = arith.index_cast %get3A_1728 : i32 to index
      %get3A_1730 = arith.index_cast %arg1 : i32 to index
      %get3A_1731 = arith.index_cast %multiple_of3A_1727 : i32 to index
      %get3A_1732 = tpu.vector_load %arg15[%get3A_1729, %get3A_1730, %get3A_1731] {strides = array<i32>} : memref<16x16x128xi32, #tpu.memory_space<vmem>>, vector<16xi32>,
      %add3A_1733 = arith.addi %add3A_1725, %get3A_1732 : vector<16xi32>
      %multiple_of3A_1734 = arith.constant 32 : i32
      %multiple_of3A_1735 = tpu.assume_multiple %multiple_of3A_1734, 8 : i32
      %get3A_1736 = arith.constant 8 : i32
      %get3A_1737 = arith.index_cast %get3A_1736 : i32 to index
      %get3A_1738 = arith.index_cast %arg1 : i32 to index
      %get3A_1739 = arith.index_cast %multiple_of3A_1735 : i32 to index
      %get3A_1740 = tpu.vector_load %arg15[%get3A_1737, %get3A_1738, %get3A_1739] {strides = array<i32>} : memref<16x16x128xi32, #tpu.memory_space<vmem>>, vector<16xi32>,
      %add3A_1741 = arith.addi %add3A_1733, %get3A_1740 : vector<16xi32>
      %multiple_of3A_1742 = arith.constant 32 : i32
      %multiple_of3A_1743 = tpu.assume_multiple %multiple_of3A_1742, 8 : i32
      %get3A_1744 = arith.constant 9 : i32
      %get3A_1745 = arith.index_cast %get3A_1744 : i32 to index
      %get3A_1746 = arith.index_cast %arg1 : i32 to index
      %get3A_1747 = arith.index_cast %multiple_of3A_1743 : i32 to index
      %get3A_1748 = tpu.vector_load %arg15[%get3A_1745, %get3A_1746, %get3A_1747] {strides = array<i32>} : memref<16x16x128xi32, #tpu.memory_space<vmem>>, vector<16xi32>,
      %add3A_1749 = arith.addi %add3A_1741, %get3A_1748 : vector<16xi32>
      %multiple_of3A_1750 = arith.constant 32 : i32
      %multiple_of3A_1751 = tpu.assume_multiple %multiple_of3A_1750, 8 : i32
      %get3A_1752 = arith.constant 10 : i32
      %get3A_1753 = arith.index_cast %get3A_1752 : i32 to index
      %get3A_1754 = arith.index_cast %arg1 : i32 to index
      %get3A_1755 = arith.index_cast %multiple_of3A_1751 : i32 to index
      %get3A_1756 = tpu.vector_load %arg15[%get3A_1753, %get3A_1754, %get3A_1755] {strides = array<i32>} : memref<16x16x128xi32, #tpu.memory_space<vmem>>, vector<16xi32>,
      %add3A_1757 = arith.addi %add3A_1749, %get3A_1756 : vector<16xi32>
      %multiple_of3A_1758 = arith.constant 32 : i32
      %multiple_of3A_1759 = tpu.assume_multiple %multiple_of3A_1758, 8 : i32
      %get3A_1760 = arith.constant 11 : i32
      %get3A_1761 = arith.index_cast %get3A_1760 : i32 to index
      %get3A_1762 = arith.index_cast %arg1 : i32 to index
      %get3A_1763 = arith.index_cast %multiple_of3A_1759 : i32 to index
      %get3A_1764 = tpu.vector_load %arg15[%get3A_1761, %get3A_1762, %get3A_1763] {strides = array<i32>} : memref<16x16x128xi32, #tpu.memory_space<vmem>>, vector<16xi32>,
      %add3A_1765 = arith.addi %add3A_1757, %get3A_1764 : vector<16xi32>
      %multiple_of3A_1766 = arith.constant 32 : i32
      %multiple_of3A_1767 = tpu.assume_multiple %multiple_of3A_1766, 8 : i32
      %get3A_1768 = arith.constant 12 : i32
      %get3A_1769 = arith.index_cast %get3A_1768 : i32 to index
      %get3A_1770 = arith.index_cast %arg1 : i32 to index
      %get3A_1771 = arith.index_cast %multiple_of3A_1767 : i32 to index
      %get3A_1772 = tpu.vector_load %arg15[%get3A_1769, %get3A_1770, %get3A_1771] {strides = array<i32>} : memref<16x16x128xi32, #tpu.memory_space<vmem>>, vector<16xi32>,
      %add3A_1773 = arith.addi %add3A_1765, %get3A_1772 : vector<16xi32>
      %multiple_of3A_1774 = arith.constant 32 : i32
      %multiple_of3A_1775 = tpu.assume_multiple %multiple_of3A_1774, 8 : i32
      %get3A_1776 = arith.constant 13 : i32
      %get3A_1777 = arith.index_cast %get3A_1776 : i32 to index
      %get3A_1778 = arith.index_cast %arg1 : i32 to index
      %get3A_1779 = arith.index_cast %multiple_of3A_1775 : i32 to index
      %get3A_1780 = tpu.vector_load %arg15[%get3A_1777, %get3A_1778, %get3A_1779] {strides = array<i32>} : memref<16x16x128xi32, #tpu.memory_space<vmem>>, vector<16xi32>,
      %add3A_1781 = arith.addi %add3A_1773, %get3A_1780 : vector<16xi32>
      %multiple_of3A_1782 = arith.constant 32 : i32
      %multiple_of3A_1783 = tpu.assume_multiple %multiple_of3A_1782, 8 : i32
      %get3A_1784 = arith.constant 14 : i32
      %get3A_1785 = arith.index_cast %get3A_1784 : i32 to index
      %get3A_1786 = arith.index_cast %arg1 : i32 to index
      %get3A_1787 = arith.index_cast %multiple_of3A_1783 : i32 to index
      %get3A_1788 = tpu.vector_load %arg15[%get3A_1785, %get3A_1786, %get3A_1787] {strides = array<i32>} : memref<16x16x128xi32, #tpu.memory_space<vmem>>, vector<16xi32>,
      %add3A_1789 = arith.addi %add3A_1781, %get3A_1788 : vector<16xi32>
      %multiple_of3A_1790 = arith.constant 32 : i32
      %multiple_of3A_1791 = tpu.assume_multiple %multiple_of3A_1790, 8 : i32
      %get3A_1792 = arith.constant 15 : i32
      %get3A_1793 = arith.index_cast %get3A_1792 : i32 to index
      %get3A_1794 = arith.index_cast %arg1 : i32 to index
      %get3A_1795 = arith.index_cast %multiple_of3A_1791 : i32 to index
      %get3A_1796 = tpu.vector_load %arg15[%get3A_1793, %get3A_1794, %get3A_1795] {strides = array<i32>} : memref<16x16x128xi32, #tpu.memory_space<vmem>>, vector<16xi32>,
      %add3A_1797 = arith.addi %add3A_1789, %get3A_1796 : vector<16xi32>
      %multiple_of3A_1798 = arith.constant 32 : i32
      %multiple_of3A_1799 = tpu.assume_multiple %multiple_of3A_1798, 8 : i32
      %swap3A_1800 = arith.index_cast %multiple_of3A_1799 : i32 to index
      %swap3A_1801 = tpu.vector_load %arg16[%swap3A_1800] {strides = array<i32>} : memref<128xi32, #tpu.memory_space<vmem>>, vector<16xi32>,
      tpu.vector_store %arg16[%swap3A_1800], %add3A_1797 {strides = array<i32>} : memref<128xi32, #tpu.memory_space<vmem>>, vector<16xi32>,
      %broadcast_in_dim3A_1802 = arith.constant 0 : i32
      %broadcast_in_dim3A_1803 = vector.broadcast %broadcast_in_dim3A_1802 : i32 to vector<16xi32>
      %multiple_of3A_1804 = arith.constant 48 : i32
      %multiple_of3A_1805 = tpu.assume_multiple %multiple_of3A_1804, 8 : i32
      %get3A_1806 = arith.constant 0 : i32
      %get3A_1807 = arith.index_cast %get3A_1806 : i32 to index
      %get3A_1808 = arith.index_cast %arg1 : i32 to index
      %get3A_1809 = arith.index_cast %multiple_of3A_1805 : i32 to index
      %get3A_1810 = tpu.vector_load %arg15[%get3A_1807, %get3A_1808, %get3A_1809] {strides = array<i32>} : memref<16x16x128xi32, #tpu.memory_space<vmem>>, vector<16xi32>,
      %add3A_1811 = arith.addi %broadcast_in_dim3A_1803, %get3A_1810 : vector<16xi32>
      %multiple_of3A_1812 = arith.constant 48 : i32
      %multiple_of3A_1813 = tpu.assume_multiple %multiple_of3A_1812, 8 : i32
      %get3A_1814 = arith.constant 1 : i32
      %get3A_1815 = arith.index_cast %get3A_1814 : i32 to index
      %get3A_1816 = arith.index_cast %arg1 : i32 to index
      %get3A_1817 = arith.index_cast %multiple_of3A_1813 : i32 to index
      %get3A_1818 = tpu.vector_load %arg15[%get3A_1815, %get3A_1816, %get3A_1817] {strides = array<i32>} : memref<16x16x128xi32, #tpu.memory_space<vmem>>, vector<16xi32>,
      %add3A_1819 = arith.addi %add3A_1811, %get3A_1818 : vector<16xi32>
      %multiple_of3A_1820 = arith.constant 48 : i32
      %multiple_of3A_1821 = tpu.assume_multiple %multiple_of3A_1820, 8 : i32
      %get3A_1822 = arith.constant 2 : i32
      %get3A_1823 = arith.index_cast %get3A_1822 : i32 to index
      %get3A_1824 = arith.index_cast %arg1 : i32 to index
      %get3A_1825 = arith.index_cast %multiple_of3A_1821 : i32 to index
      %get3A_1826 = tpu.vector_load %arg15[%get3A_1823, %get3A_1824, %get3A_1825] {strides = array<i32>} : memref<16x16x128xi32, #tpu.memory_space<vmem>>, vector<16xi32>,
      %add3A_1827 = arith.addi %add3A_1819, %get3A_1826 : vector<16xi32>
      %multiple_of3A_1828 = arith.constant 48 : i32
      %multiple_of3A_1829 = tpu.assume_multiple %multiple_of3A_1828, 8 : i32
      %get3A_1830 = arith.constant 3 : i32
      %get3A_1831 = arith.index_cast %get3A_1830 : i32 to index
      %get3A_1832 = arith.index_cast %arg1 : i32 to index
      %get3A_1833 = arith.index_cast %multiple_of3A_1829 : i32 to index
      %get3A_1834 = tpu.vector_load %arg15[%get3A_1831, %get3A_1832, %get3A_1833] {strides = array<i32>} : memref<16x16x128xi32, #tpu.memory_space<vmem>>, vector<16xi32>,
      %add3A_1835 = arith.addi %add3A_1827, %get3A_1834 : vector<16xi32>
      %multiple_of3A_1836 = arith.constant 48 : i32
      %multiple_of3A_1837 = tpu.assume_multiple %multiple_of3A_1836, 8 : i32
      %get3A_1838 = arith.constant 4 : i32
      %get3A_1839 = arith.index_cast %get3A_1838 : i32 to index
      %get3A_1840 = arith.index_cast %arg1 : i32 to index
      %get3A_1841 = arith.index_cast %multiple_of3A_1837 : i32 to index
      %get3A_1842 = tpu.vector_load %arg15[%get3A_1839, %get3A_1840, %get3A_1841] {strides = array<i32>} : memref<16x16x128xi32, #tpu.memory_space<vmem>>, vector<16xi32>,
      %add3A_1843 = arith.addi %add3A_1835, %get3A_1842 : vector<16xi32>
      %multiple_of3A_1844 = arith.constant 48 : i32
      %multiple_of3A_1845 = tpu.assume_multiple %multiple_of3A_1844, 8 : i32
      %get3A_1846 = arith.constant 5 : i32
      %get3A_1847 = arith.index_cast %get3A_1846 : i32 to index
      %get3A_1848 = arith.index_cast %arg1 : i32 to index
      %get3A_1849 = arith.index_cast %multiple_of3A_1845 : i32 to index
      %get3A_1850 = tpu.vector_load %arg15[%get3A_1847, %get3A_1848, %get3A_1849] {strides = array<i32>} : memref<16x16x128xi32, #tpu.memory_space<vmem>>, vector<16xi32>,
      %add3A_1851 = arith.addi %add3A_1843, %get3A_1850 : vector<16xi32>
      %multiple_of3A_1852 = arith.constant 48 : i32
      %multiple_of3A_1853 = tpu.assume_multiple %multiple_of3A_1852, 8 : i32
      %get3A_1854 = arith.constant 6 : i32
      %get3A_1855 = arith.index_cast %get3A_1854 : i32 to index
      %get3A_1856 = arith.index_cast %arg1 : i32 to index
      %get3A_1857 = arith.index_cast %multiple_of3A_1853 : i32 to index
      %get3A_1858 = tpu.vector_load %arg15[%get3A_1855, %get3A_1856, %get3A_1857] {strides = array<i32>} : memref<16x16x128xi32, #tpu.memory_space<vmem>>, vector<16xi32>,
      %add3A_1859 = arith.addi %add3A_1851, %get3A_1858 : vector<16xi32>
      %multiple_of3A_1860 = arith.constant 48 : i32
      %multiple_of3A_1861 = tpu.assume_multiple %multiple_of3A_1860, 8 : i32
      %get3A_1862 = arith.constant 7 : i32
      %get3A_1863 = arith.index_cast %get3A_1862 : i32 to index
      %get3A_1864 = arith.index_cast %arg1 : i32 to index
      %get3A_1865 = arith.index_cast %multiple_of3A_1861 : i32 to index
      %get3A_1866 = tpu.vector_load %arg15[%get3A_1863, %get3A_1864, %get3A_1865] {strides = array<i32>} : memref<16x16x128xi32, #tpu.memory_space<vmem>>, vector<16xi32>,
      %add3A_1867 = arith.addi %add3A_1859, %get3A_1866 : vector<16xi32>
      %multiple_of3A_1868 = arith.constant 48 : i32
      %multiple_of3A_1869 = tpu.assume_multiple %multiple_of3A_1868, 8 : i32
      %get3A_1870 = arith.constant 8 : i32
      %get3A_1871 = arith.index_cast %get3A_1870 : i32 to index
      %get3A_1872 = arith.index_cast %arg1 : i32 to index
      %get3A_1873 = arith.index_cast %multiple_of3A_1869 : i32 to index
      %get3A_1874 = tpu.vector_load %arg15[%get3A_1871, %get3A_1872, %get3A_1873] {strides = array<i32>} : memref<16x16x128xi32, #tpu.memory_space<vmem>>, vector<16xi32>,
      %add3A_1875 = arith.addi %add3A_1867, %get3A_1874 : vector<16xi32>
      %multiple_of3A_1876 = arith.constant 48 : i32
      %multiple_of3A_1877 = tpu.assume_multiple %multiple_of3A_1876, 8 : i32
      %get3A_1878 = arith.constant 9 : i32
      %get3A_1879 = arith.index_cast %get3A_1878 : i32 to index
      %get3A_1880 = arith.index_cast %arg1 : i32 to index
      %get3A_1881 = arith.index_cast %multiple_of3A_1877 : i32 to index
      %get3A_1882 = tpu.vector_load %arg15[%get3A_1879, %get3A_1880, %get3A_1881] {strides = array<i32>} : memref<16x16x128xi32, #tpu.memory_space<vmem>>, vector<16xi32>,
      %add3A_1883 = arith.addi %add3A_1875, %get3A_1882 : vector<16xi32>
      %multiple_of3A_1884 = arith.constant 48 : i32
      %multiple_of3A_1885 = tpu.assume_multiple %multiple_of3A_1884, 8 : i32
      %get3A_1886 = arith.constant 10 : i32
      %get3A_1887 = arith.index_cast %get3A_1886 : i32 to index
      %get3A_1888 = arith.index_cast %arg1 : i32 to index
      %get3A_1889 = arith.index_cast %multiple_of3A_1885 : i32 to index
      %get3A_1890 = tpu.vector_load %arg15[%get3A_1887, %get3A_1888, %get3A_1889] {strides = array<i32>} : memref<16x16x128xi32, #tpu.memory_space<vmem>>, vector<16xi32>,
      %add3A_1891 = arith.addi %add3A_1883, %get3A_1890 : vector<16xi32>
      %multiple_of3A_1892 = arith.constant 48 : i32
      %multiple_of3A_1893 = tpu.assume_multiple %multiple_of3A_1892, 8 : i32
      %get3A_1894 = arith.constant 11 : i32
      %get3A_1895 = arith.index_cast %get3A_1894 : i32 to index
      %get3A_1896 = arith.index_cast %arg1 : i32 to index
      %get3A_1897 = arith.index_cast %multiple_of3A_1893 : i32 to index
      %get3A_1898 = tpu.vector_load %arg15[%get3A_1895, %get3A_1896, %get3A_1897] {strides = array<i32>} : memref<16x16x128xi32, #tpu.memory_space<vmem>>, vector<16xi32>,
      %add3A_1899 = arith.addi %add3A_1891, %get3A_1898 : vector<16xi32>
      %multiple_of3A_1900 = arith.constant 48 : i32
      %multiple_of3A_1901 = tpu.assume_multiple %multiple_of3A_1900, 8 : i32
      %get3A_1902 = arith.constant 12 : i32
      %get3A_1903 = arith.index_cast %get3A_1902 : i32 to index
      %get3A_1904 = arith.index_cast %arg1 : i32 to index
      %get3A_1905 = arith.index_cast %multiple_of3A_1901 : i32 to index
      %get3A_1906 = tpu.vector_load %arg15[%get3A_1903, %get3A_1904, %get3A_1905] {strides = array<i32>} : memref<16x16x128xi32, #tpu.memory_space<vmem>>, vector<16xi32>,
      %add3A_1907 = arith.addi %add3A_1899, %get3A_1906 : vector<16xi32>
      %multiple_of3A_1908 = arith.constant 48 : i32
      %multiple_of3A_1909 = tpu.assume_multiple %multiple_of3A_1908, 8 : i32
      %get3A_1910 = arith.constant 13 : i32
      %get3A_1911 = arith.index_cast %get3A_1910 : i32 to index
      %get3A_1912 = arith.index_cast %arg1 : i32 to index
      %get3A_1913 = arith.index_cast %multiple_of3A_1909 : i32 to index
      %get3A_1914 = tpu.vector_load %arg15[%get3A_1911, %get3A_1912, %get3A_1913] {strides = array<i32>} : memref<16x16x128xi32, #tpu.memory_space<vmem>>, vector<16xi32>,
      %add3A_1915 = arith.addi %add3A_1907, %get3A_1914 : vector<16xi32>
      %multiple_of3A_1916 = arith.constant 48 : i32
      %multiple_of3A_1917 = tpu.assume_multiple %multiple_of3A_1916, 8 : i32
      %get3A_1918 = arith.constant 14 : i32
      %get3A_1919 = arith.index_cast %get3A_1918 : i32 to index
      %get3A_1920 = arith.index_cast %arg1 : i32 to index
      %get3A_1921 = arith.index_cast %multiple_of3A_1917 : i32 to index
      %get3A_1922 = tpu.vector_load %arg15[%get3A_1919, %get3A_1920, %get3A_1921] {strides = array<i32>} : memref<16x16x128xi32, #tpu.memory_space<vmem>>, vector<16xi32>,
      %add3A_1923 = arith.addi %add3A_1915, %get3A_1922 : vector<16xi32>
      %multiple_of3A_1924 = arith.constant 48 : i32
      %multiple_of3A_1925 = tpu.assume_multiple %multiple_of3A_1924, 8 : i32
      %get3A_1926 = arith.constant 15 : i32
      %get3A_1927 = arith.index_cast %get3A_1926 : i32 to index
      %get3A_1928 = arith.index_cast %arg1 : i32 to index
      %get3A_1929 = arith.index_cast %multiple_of3A_1925 : i32 to index
      %get3A_1930 = tpu.vector_load %arg15[%get3A_1927, %get3A_1928, %get3A_1929] {strides = array<i32>} : memref<16x16x128xi32, #tpu.memory_space<vmem>>, vector<16xi32>,
      %add3A_1931 = arith.addi %add3A_1923, %get3A_1930 : vector<16xi32>
      %multiple_of3A_1932 = arith.constant 48 : i32
      %multiple_of3A_1933 = tpu.assume_multiple %multiple_of3A_1932, 8 : i32
      %swap3A_1934 = arith.index_cast %multiple_of3A_1933 : i32 to index
      %swap3A_1935 = tpu.vector_load %arg16[%swap3A_1934] {strides = array<i32>} : memref<128xi32, #tpu.memory_space<vmem>>, vector<16xi32>,
      tpu.vector_store %arg16[%swap3A_1934], %add3A_1931 {strides = array<i32>} : memref<128xi32, #tpu.memory_space<vmem>>, vector<16xi32>,
      %broadcast_in_dim3A_1936 = arith.constant 0 : i32
      %broadcast_in_dim3A_1937 = vector.broadcast %broadcast_in_dim3A_1936 : i32 to vector<16xi32>
      %multiple_of3A_1938 = arith.constant 64 : i32
      %multiple_of3A_1939 = tpu.assume_multiple %multiple_of3A_1938, 8 : i32
      %get3A_1940 = arith.constant 0 : i32
      %get3A_1941 = arith.index_cast %get3A_1940 : i32 to index
      %get3A_1942 = arith.index_cast %arg1 : i32 to index
      %get3A_1943 = arith.index_cast %multiple_of3A_1939 : i32 to index
      %get3A_1944 = tpu.vector_load %arg15[%get3A_1941, %get3A_1942, %get3A_1943] {strides = array<i32>} : memref<16x16x128xi32, #tpu.memory_space<vmem>>, vector<16xi32>,
      %add3A_1945 = arith.addi %broadcast_in_dim3A_1937, %get3A_1944 : vector<16xi32>
      %multiple_of3A_1946 = arith.constant 64 : i32
      %multiple_of3A_1947 = tpu.assume_multiple %multiple_of3A_1946, 8 : i32
      %get3A_1948 = arith.constant 1 : i32
      %get3A_1949 = arith.index_cast %get3A_1948 : i32 to index
      %get3A_1950 = arith.index_cast %arg1 : i32 to index
      %get3A_1951 = arith.index_cast %multiple_of3A_1947 : i32 to index
      %get3A_1952 = tpu.vector_load %arg15[%get3A_1949, %get3A_1950, %get3A_1951] {strides = array<i32>} : memref<16x16x128xi32, #tpu.memory_space<vmem>>, vector<16xi32>,
      %add3A_1953 = arith.addi %add3A_1945, %get3A_1952 : vector<16xi32>
      %multiple_of3A_1954 = arith.constant 64 : i32
      %multiple_of3A_1955 = tpu.assume_multiple %multiple_of3A_1954, 8 : i32
      %get3A_1956 = arith.constant 2 : i32
      %get3A_1957 = arith.index_cast %get3A_1956 : i32 to index
      %get3A_1958 = arith.index_cast %arg1 : i32 to index
      %get3A_1959 = arith.index_cast %multiple_of3A_1955 : i32 to index
      %get3A_1960 = tpu.vector_load %arg15[%get3A_1957, %get3A_1958, %get3A_1959] {strides = array<i32>} : memref<16x16x128xi32, #tpu.memory_space<vmem>>, vector<16xi32>,
      %add3A_1961 = arith.addi %add3A_1953, %get3A_1960 : vector<16xi32>
      %multiple_of3A_1962 = arith.constant 64 : i32
      %multiple_of3A_1963 = tpu.assume_multiple %multiple_of3A_1962, 8 : i32
      %get3A_1964 = arith.constant 3 : i32
      %get3A_1965 = arith.index_cast %get3A_1964 : i32 to index
      %get3A_1966 = arith.index_cast %arg1 : i32 to index
      %get3A_1967 = arith.index_cast %multiple_of3A_1963 : i32 to index
      %get3A_1968 = tpu.vector_load %arg15[%get3A_1965, %get3A_1966, %get3A_1967] {strides = array<i32>} : memref<16x16x128xi32, #tpu.memory_space<vmem>>, vector<16xi32>,
      %add3A_1969 = arith.addi %add3A_1961, %get3A_1968 : vector<16xi32>
      %multiple_of3A_1970 = arith.constant 64 : i32
      %multiple_of3A_1971 = tpu.assume_multiple %multiple_of3A_1970, 8 : i32
      %get3A_1972 = arith.constant 4 : i32
      %get3A_1973 = arith.index_cast %get3A_1972 : i32 to index
      %get3A_1974 = arith.index_cast %arg1 : i32 to index
      %get3A_1975 = arith.index_cast %multiple_of3A_1971 : i32 to index
      %get3A_1976 = tpu.vector_load %arg15[%get3A_1973, %get3A_1974, %get3A_1975] {strides = array<i32>} : memref<16x16x128xi32, #tpu.memory_space<vmem>>, vector<16xi32>,
      %add3A_1977 = arith.addi %add3A_1969, %get3A_1976 : vector<16xi32>
      %multiple_of3A_1978 = arith.constant 64 : i32
      %multiple_of3A_1979 = tpu.assume_multiple %multiple_of3A_1978, 8 : i32
      %get3A_1980 = arith.constant 5 : i32
      %get3A_1981 = arith.index_cast %get3A_1980 : i32 to index
      %get3A_1982 = arith.index_cast %arg1 : i32 to index
      %get3A_1983 = arith.index_cast %multiple_of3A_1979 : i32 to index
      %get3A_1984 = tpu.vector_load %arg15[%get3A_1981, %get3A_1982, %get3A_1983] {strides = array<i32>} : memref<16x16x128xi32, #tpu.memory_space<vmem>>, vector<16xi32>,
      %add3A_1985 = arith.addi %add3A_1977, %get3A_1984 : vector<16xi32>
      %multiple_of3A_1986 = arith.constant 64 : i32
      %multiple_of3A_1987 = tpu.assume_multiple %multiple_of3A_1986, 8 : i32
      %get3A_1988 = arith.constant 6 : i32
      %get3A_1989 = arith.index_cast %get3A_1988 : i32 to index
      %get3A_1990 = arith.index_cast %arg1 : i32 to index
      %get3A_1991 = arith.index_cast %multiple_of3A_1987 : i32 to index
      %get3A_1992 = tpu.vector_load %arg15[%get3A_1989, %get3A_1990, %get3A_1991] {strides = array<i32>} : memref<16x16x128xi32, #tpu.memory_space<vmem>>, vector<16xi32>,
      %add3A_1993 = arith.addi %add3A_1985, %get3A_1992 : vector<16xi32>
      %multiple_of3A_1994 = arith.constant 64 : i32
      %multiple_of3A_1995 = tpu.assume_multiple %multiple_of3A_1994, 8 : i32
      %get3A_1996 = arith.constant 7 : i32
      %get3A_1997 = arith.index_cast %get3A_1996 : i32 to index
      %get3A_1998 = arith.index_cast %arg1 : i32 to index
      %get3A_1999 = arith.index_cast %multiple_of3A_1995 : i32 to index
      %get3A_2000 = tpu.vector_load %arg15[%get3A_1997, %get3A_1998, %get3A_1999] {strides = array<i32>} : memref<16x16x128xi32, #tpu.memory_space<vmem>>, vector<16xi32>,
      %add3A_2001 = arith.addi %add3A_1993, %get3A_2000 : vector<16xi32>
      %multiple_of3A_2002 = arith.constant 64 : i32
      %multiple_of3A_2003 = tpu.assume_multiple %multiple_of3A_2002, 8 : i32
      %get3A_2004 = arith.constant 8 : i32
      %get3A_2005 = arith.index_cast %get3A_2004 : i32 to index
      %get3A_2006 = arith.index_cast %arg1 : i32 to index
      %get3A_2007 = arith.index_cast %multiple_of3A_2003 : i32 to index
      %get3A_2008 = tpu.vector_load %arg15[%get3A_2005, %get3A_2006, %get3A_2007] {strides = array<i32>} : memref<16x16x128xi32, #tpu.memory_space<vmem>>, vector<16xi32>,
      %add3A_2009 = arith.addi %add3A_2001, %get3A_2008 : vector<16xi32>
      %multiple_of3A_2010 = arith.constant 64 : i32
      %multiple_of3A_2011 = tpu.assume_multiple %multiple_of3A_2010, 8 : i32
      %get3A_2012 = arith.constant 9 : i32
      %get3A_2013 = arith.index_cast %get3A_2012 : i32 to index
      %get3A_2014 = arith.index_cast %arg1 : i32 to index
      %get3A_2015 = arith.index_cast %multiple_of3A_2011 : i32 to index
      %get3A_2016 = tpu.vector_load %arg15[%get3A_2013, %get3A_2014, %get3A_2015] {strides = array<i32>} : memref<16x16x128xi32, #tpu.memory_space<vmem>>, vector<16xi32>,
      %add3A_2017 = arith.addi %add3A_2009, %get3A_2016 : vector<16xi32>
      %multiple_of3A_2018 = arith.constant 64 : i32
      %multiple_of3A_2019 = tpu.assume_multiple %multiple_of3A_2018, 8 : i32
      %get3A_2020 = arith.constant 10 : i32
      %get3A_2021 = arith.index_cast %get3A_2020 : i32 to index
      %get3A_2022 = arith.index_cast %arg1 : i32 to index
      %get3A_2023 = arith.index_cast %multiple_of3A_2019 : i32 to index
      %get3A_2024 = tpu.vector_load %arg15[%get3A_2021, %get3A_2022, %get3A_2023] {strides = array<i32>} : memref<16x16x128xi32, #tpu.memory_space<vmem>>, vector<16xi32>,
      %add3A_2025 = arith.addi %add3A_2017, %get3A_2024 : vector<16xi32>
      %multiple_of3A_2026 = arith.constant 64 : i32
      %multiple_of3A_2027 = tpu.assume_multiple %multiple_of3A_2026, 8 : i32
      %get3A_2028 = arith.constant 11 : i32
      %get3A_2029 = arith.index_cast %get3A_2028 : i32 to index
      %get3A_2030 = arith.index_cast %arg1 : i32 to index
      %get3A_2031 = arith.index_cast %multiple_of3A_2027 : i32 to index
      %get3A_2032 = tpu.vector_load %arg15[%get3A_2029, %get3A_2030, %get3A_2031] {strides = array<i32>} : memref<16x16x128xi32, #tpu.memory_space<vmem>>, vector<16xi32>,
      %add3A_2033 = arith.addi %add3A_2025, %get3A_2032 : vector<16xi32>
      %multiple_of3A_2034 = arith.constant 64 : i32
      %multiple_of3A_2035 = tpu.assume_multiple %multiple_of3A_2034, 8 : i32
      %get3A_2036 = arith.constant 12 : i32
      %get3A_2037 = arith.index_cast %get3A_2036 : i32 to index
      %get3A_2038 = arith.index_cast %arg1 : i32 to index
      %get3A_2039 = arith.index_cast %multiple_of3A_2035 : i32 to index
      %get3A_2040 = tpu.vector_load %arg15[%get3A_2037, %get3A_2038, %get3A_2039] {strides = array<i32>} : memref<16x16x128xi32, #tpu.memory_space<vmem>>, vector<16xi32>,
      %add3A_2041 = arith.addi %add3A_2033, %get3A_2040 : vector<16xi32>
      %multiple_of3A_2042 = arith.constant 64 : i32
      %multiple_of3A_2043 = tpu.assume_multiple %multiple_of3A_2042, 8 : i32
      %get3A_2044 = arith.constant 13 : i32
      %get3A_2045 = arith.index_cast %get3A_2044 : i32 to index
      %get3A_2046 = arith.index_cast %arg1 : i32 to index
      %get3A_2047 = arith.index_cast %multiple_of3A_2043 : i32 to index
      %get3A_2048 = tpu.vector_load %arg15[%get3A_2045, %get3A_2046, %get3A_2047] {strides = array<i32>} : memref<16x16x128xi32, #tpu.memory_space<vmem>>, vector<16xi32>,
      %add3A_2049 = arith.addi %add3A_2041, %get3A_2048 : vector<16xi32>
      %multiple_of3A_2050 = arith.constant 64 : i32
      %multiple_of3A_2051 = tpu.assume_multiple %multiple_of3A_2050, 8 : i32
      %get3A_2052 = arith.constant 14 : i32
      %get3A_2053 = arith.index_cast %get3A_2052 : i32 to index
      %get3A_2054 = arith.index_cast %arg1 : i32 to index
      %get3A_2055 = arith.index_cast %multiple_of3A_2051 : i32 to index
      %get3A_2056 = tpu.vector_load %arg15[%get3A_2053, %get3A_2054, %get3A_2055] {strides = array<i32>} : memref<16x16x128xi32, #tpu.memory_space<vmem>>, vector<16xi32>,
      %add3A_2057 = arith.addi %add3A_2049, %get3A_2056 : vector<16xi32>
      %multiple_of3A_2058 = arith.constant 64 : i32
      %multiple_of3A_2059 = tpu.assume_multiple %multiple_of3A_2058, 8 : i32
      %get3A_2060 = arith.constant 15 : i32
      %get3A_2061 = arith.index_cast %get3A_2060 : i32 to index
      %get3A_2062 = arith.index_cast %arg1 : i32 to index
      %get3A_2063 = arith.index_cast %multiple_of3A_2059 : i32 to index
      %get3A_2064 = tpu.vector_load %arg15[%get3A_2061, %get3A_2062, %get3A_2063] {strides = array<i32>} : memref<16x16x128xi32, #tpu.memory_space<vmem>>, vector<16xi32>,
      %add3A_2065 = arith.addi %add3A_2057, %get3A_2064 : vector<16xi32>
      %multiple_of3A_2066 = arith.constant 64 : i32
      %multiple_of3A_2067 = tpu.assume_multiple %multiple_of3A_2066, 8 : i32
      %swap3A_2068 = arith.index_cast %multiple_of3A_2067 : i32 to index
      %swap3A_2069 = tpu.vector_load %arg16[%swap3A_2068] {strides = array<i32>} : memref<128xi32, #tpu.memory_space<vmem>>, vector<16xi32>,
      tpu.vector_store %arg16[%swap3A_2068], %add3A_2065 {strides = array<i32>} : memref<128xi32, #tpu.memory_space<vmem>>, vector<16xi32>,
      %broadcast_in_dim3A_2070 = arith.constant 0 : i32
      %broadcast_in_dim3A_2071 = vector.broadcast %broadcast_in_dim3A_2070 : i32 to vector<16xi32>
      %multiple_of3A_2072 = arith.constant 80 : i32
      %multiple_of3A_2073 = tpu.assume_multiple %multiple_of3A_2072, 8 : i32
      %get3A_2074 = arith.constant 0 : i32
      %get3A_2075 = arith.index_cast %get3A_2074 : i32 to index
      %get3A_2076 = arith.index_cast %arg1 : i32 to index
      %get3A_2077 = arith.index_cast %multiple_of3A_2073 : i32 to index
      %get3A_2078 = tpu.vector_load %arg15[%get3A_2075, %get3A_2076, %get3A_2077] {strides = array<i32>} : memref<16x16x128xi32, #tpu.memory_space<vmem>>, vector<16xi32>,
      %add3A_2079 = arith.addi %broadcast_in_dim3A_2071, %get3A_2078 : vector<16xi32>
      %multiple_of3A_2080 = arith.constant 80 : i32
      %multiple_of3A_2081 = tpu.assume_multiple %multiple_of3A_2080, 8 : i32
      %get3A_2082 = arith.constant 1 : i32
      %get3A_2083 = arith.index_cast %get3A_2082 : i32 to index
      %get3A_2084 = arith.index_cast %arg1 : i32 to index
      %get3A_2085 = arith.index_cast %multiple_of3A_2081 : i32 to index
      %get3A_2086 = tpu.vector_load %arg15[%get3A_2083, %get3A_2084, %get3A_2085] {strides = array<i32>} : memref<16x16x128xi32, #tpu.memory_space<vmem>>, vector<16xi32>,
      %add3A_2087 = arith.addi %add3A_2079, %get3A_2086 : vector<16xi32>
      %multiple_of3A_2088 = arith.constant 80 : i32
      %multiple_of3A_2089 = tpu.assume_multiple %multiple_of3A_2088, 8 : i32
      %get3A_2090 = arith.constant 2 : i32
      %get3A_2091 = arith.index_cast %get3A_2090 : i32 to index
      %get3A_2092 = arith.index_cast %arg1 : i32 to index
      %get3A_2093 = arith.index_cast %multiple_of3A_2089 : i32 to index
      %get3A_2094 = tpu.vector_load %arg15[%get3A_2091, %get3A_2092, %get3A_2093] {strides = array<i32>} : memref<16x16x128xi32, #tpu.memory_space<vmem>>, vector<16xi32>,
      %add3A_2095 = arith.addi %add3A_2087, %get3A_2094 : vector<16xi32>
      %multiple_of3A_2096 = arith.constant 80 : i32
      %multiple_of3A_2097 = tpu.assume_multiple %multiple_of3A_2096, 8 : i32
      %get3A_2098 = arith.constant 3 : i32
      %get3A_2099 = arith.index_cast %get3A_2098 : i32 to index
      %get3A_2100 = arith.index_cast %arg1 : i32 to index
      %get3A_2101 = arith.index_cast %multiple_of3A_2097 : i32 to index
      %get3A_2102 = tpu.vector_load %arg15[%get3A_2099, %get3A_2100, %get3A_2101] {strides = array<i32>} : memref<16x16x128xi32, #tpu.memory_space<vmem>>, vector<16xi32>,
      %add3A_2103 = arith.addi %add3A_2095, %get3A_2102 : vector<16xi32>
      %multiple_of3A_2104 = arith.constant 80 : i32
      %multiple_of3A_2105 = tpu.assume_multiple %multiple_of3A_2104, 8 : i32
      %get3A_2106 = arith.constant 4 : i32
      %get3A_2107 = arith.index_cast %get3A_2106 : i32 to index
      %get3A_2108 = arith.index_cast %arg1 : i32 to index
      %get3A_2109 = arith.index_cast %multiple_of3A_2105 : i32 to index
      %get3A_2110 = tpu.vector_load %arg15[%get3A_2107, %get3A_2108, %get3A_2109] {strides = array<i32>} : memref<16x16x128xi32, #tpu.memory_space<vmem>>, vector<16xi32>,
      %add3A_2111 = arith.addi %add3A_2103, %get3A_2110 : vector<16xi32>
      %multiple_of3A_2112 = arith.constant 80 : i32
      %multiple_of3A_2113 = tpu.assume_multiple %multiple_of3A_2112, 8 : i32
      %get3A_2114 = arith.constant 5 : i32
      %get3A_2115 = arith.index_cast %get3A_2114 : i32 to index
      %get3A_2116 = arith.index_cast %arg1 : i32 to index
      %get3A_2117 = arith.index_cast %multiple_of3A_2113 : i32 to index
      %get3A_2118 = tpu.vector_load %arg15[%get3A_2115, %get3A_2116, %get3A_2117] {strides = array<i32>} : memref<16x16x128xi32, #tpu.memory_space<vmem>>, vector<16xi32>,
      %add3A_2119 = arith.addi %add3A_2111, %get3A_2118 : vector<16xi32>
      %multiple_of3A_2120 = arith.constant 80 : i32
      %multiple_of3A_2121 = tpu.assume_multiple %multiple_of3A_2120, 8 : i32
      %get3A_2122 = arith.constant 6 : i32
      %get3A_2123 = arith.index_cast %get3A_2122 : i32 to index
      %get3A_2124 = arith.index_cast %arg1 : i32 to index
      %get3A_2125 = arith.index_cast %multiple_of3A_2121 : i32 to index
      %get3A_2126 = tpu.vector_load %arg15[%get3A_2123, %get3A_2124, %get3A_2125] {strides = array<i32>} : memref<16x16x128xi32, #tpu.memory_space<vmem>>, vector<16xi32>,
      %add3A_2127 = arith.addi %add3A_2119, %get3A_2126 : vector<16xi32>
      %multiple_of3A_2128 = arith.constant 80 : i32
      %multiple_of3A_2129 = tpu.assume_multiple %multiple_of3A_2128, 8 : i32
      %get3A_2130 = arith.constant 7 : i32
      %get3A_2131 = arith.index_cast %get3A_2130 : i32 to index
      %get3A_2132 = arith.index_cast %arg1 : i32 to index
      %get3A_2133 = arith.index_cast %multiple_of3A_2129 : i32 to index
      %get3A_2134 = tpu.vector_load %arg15[%get3A_2131, %get3A_2132, %get3A_2133] {strides = array<i32>} : memref<16x16x128xi32, #tpu.memory_space<vmem>>, vector<16xi32>,
      %add3A_2135 = arith.addi %add3A_2127, %get3A_2134 : vector<16xi32>
      %multiple_of3A_2136 = arith.constant 80 : i32
      %multiple_of3A_2137 = tpu.assume_multiple %multiple_of3A_2136, 8 : i32
      %get3A_2138 = arith.constant 8 : i32
      %get3A_2139 = arith.index_cast %get3A_2138 : i32 to index
      %get3A_2140 = arith.index_cast %arg1 : i32 to index
      %get3A_2141 = arith.index_cast %multiple_of3A_2137 : i32 to index
      %get3A_2142 = tpu.vector_load %arg15[%get3A_2139, %get3A_2140, %get3A_2141] {strides = array<i32>} : memref<16x16x128xi32, #tpu.memory_space<vmem>>, vector<16xi32>,
      %add3A_2143 = arith.addi %add3A_2135, %get3A_2142 : vector<16xi32>
      %multiple_of3A_2144 = arith.constant 80 : i32
      %multiple_of3A_2145 = tpu.assume_multiple %multiple_of3A_2144, 8 : i32
      %get3A_2146 = arith.constant 9 : i32
      %get3A_2147 = arith.index_cast %get3A_2146 : i32 to index
      %get3A_2148 = arith.index_cast %arg1 : i32 to index
      %get3A_2149 = arith.index_cast %multiple_of3A_2145 : i32 to index
      %get3A_2150 = tpu.vector_load %arg15[%get3A_2147, %get3A_2148, %get3A_2149] {strides = array<i32>} : memref<16x16x128xi32, #tpu.memory_space<vmem>>, vector<16xi32>,
      %add3A_2151 = arith.addi %add3A_2143, %get3A_2150 : vector<16xi32>
      %multiple_of3A_2152 = arith.constant 80 : i32
      %multiple_of3A_2153 = tpu.assume_multiple %multiple_of3A_2152, 8 : i32
      %get3A_2154 = arith.constant 10 : i32
      %get3A_2155 = arith.index_cast %get3A_2154 : i32 to index
      %get3A_2156 = arith.index_cast %arg1 : i32 to index
      %get3A_2157 = arith.index_cast %multiple_of3A_2153 : i32 to index
      %get3A_2158 = tpu.vector_load %arg15[%get3A_2155, %get3A_2156, %get3A_2157] {strides = array<i32>} : memref<16x16x128xi32, #tpu.memory_space<vmem>>, vector<16xi32>,
      %add3A_2159 = arith.addi %add3A_2151, %get3A_2158 : vector<16xi32>
      %multiple_of3A_2160 = arith.constant 80 : i32
      %multiple_of3A_2161 = tpu.assume_multiple %multiple_of3A_2160, 8 : i32
      %get3A_2162 = arith.constant 11 : i32
      %get3A_2163 = arith.index_cast %get3A_2162 : i32 to index
      %get3A_2164 = arith.index_cast %arg1 : i32 to index
      %get3A_2165 = arith.index_cast %multiple_of3A_2161 : i32 to index
      %get3A_2166 = tpu.vector_load %arg15[%get3A_2163, %get3A_2164, %get3A_2165] {strides = array<i32>} : memref<16x16x128xi32, #tpu.memory_space<vmem>>, vector<16xi32>,
      %add3A_2167 = arith.addi %add3A_2159, %get3A_2166 : vector<16xi32>
      %multiple_of3A_2168 = arith.constant 80 : i32
      %multiple_of3A_2169 = tpu.assume_multiple %multiple_of3A_2168, 8 : i32
      %get3A_2170 = arith.constant 12 : i32
      %get3A_2171 = arith.index_cast %get3A_2170 : i32 to index
      %get3A_2172 = arith.index_cast %arg1 : i32 to index
      %get3A_2173 = arith.index_cast %multiple_of3A_2169 : i32 to index
      %get3A_2174 = tpu.vector_load %arg15[%get3A_2171, %get3A_2172, %get3A_2173] {strides = array<i32>} : memref<16x16x128xi32, #tpu.memory_space<vmem>>, vector<16xi32>,
      %add3A_2175 = arith.addi %add3A_2167, %get3A_2174 : vector<16xi32>
      %multiple_of3A_2176 = arith.constant 80 : i32
      %multiple_of3A_2177 = tpu.assume_multiple %multiple_of3A_2176, 8 : i32
      %get3A_2178 = arith.constant 13 : i32
      %get3A_2179 = arith.index_cast %get3A_2178 : i32 to index
      %get3A_2180 = arith.index_cast %arg1 : i32 to index
      %get3A_2181 = arith.index_cast %multiple_of3A_2177 : i32 to index
      %get3A_2182 = tpu.vector_load %arg15[%get3A_2179, %get3A_2180, %get3A_2181] {strides = array<i32>} : memref<16x16x128xi32, #tpu.memory_space<vmem>>, vector<16xi32>,
      %add3A_2183 = arith.addi %add3A_2175, %get3A_2182 : vector<16xi32>
      %multiple_of3A_2184 = arith.constant 80 : i32
      %multiple_of3A_2185 = tpu.assume_multiple %multiple_of3A_2184, 8 : i32
      %get3A_2186 = arith.constant 14 : i32
      %get3A_2187 = arith.index_cast %get3A_2186 : i32 to index
      %get3A_2188 = arith.index_cast %arg1 : i32 to index
      %get3A_2189 = arith.index_cast %multiple_of3A_2185 : i32 to index
      %get3A_2190 = tpu.vector_load %arg15[%get3A_2187, %get3A_2188, %get3A_2189] {strides = array<i32>} : memref<16x16x128xi32, #tpu.memory_space<vmem>>, vector<16xi32>,
      %add3A_2191 = arith.addi %add3A_2183, %get3A_2190 : vector<16xi32>
      %multiple_of3A_2192 = arith.constant 80 : i32
      %multiple_of3A_2193 = tpu.assume_multiple %multiple_of3A_2192, 8 : i32
      %get3A_2194 = arith.constant 15 : i32
      %get3A_2195 = arith.index_cast %get3A_2194 : i32 to index
      %get3A_2196 = arith.index_cast %arg1 : i32 to index
      %get3A_2197 = arith.index_cast %multiple_of3A_2193 : i32 to index
      %get3A_2198 = tpu.vector_load %arg15[%get3A_2195, %get3A_2196, %get3A_2197] {strides = array<i32>} : memref<16x16x128xi32, #tpu.memory_space<vmem>>, vector<16xi32>,
      %add3A_2199 = arith.addi %add3A_2191, %get3A_2198 : vector<16xi32>
      %multiple_of3A_2200 = arith.constant 80 : i32
      %multiple_of3A_2201 = tpu.assume_multiple %multiple_of3A_2200, 8 : i32
      %swap3A_2202 = arith.index_cast %multiple_of3A_2201 : i32 to index
      %swap3A_2203 = tpu.vector_load %arg16[%swap3A_2202] {strides = array<i32>} : memref<128xi32, #tpu.memory_space<vmem>>, vector<16xi32>,
      tpu.vector_store %arg16[%swap3A_2202], %add3A_2199 {strides = array<i32>} : memref<128xi32, #tpu.memory_space<vmem>>, vector<16xi32>,
      %broadcast_in_dim3A_2204 = arith.constant 0 : i32
      %broadcast_in_dim3A_2205 = vector.broadcast %broadcast_in_dim3A_2204 : i32 to vector<16xi32>
      %multiple_of3A_2206 = arith.constant 96 : i32
      %multiple_of3A_2207 = tpu.assume_multiple %multiple_of3A_2206, 8 : i32
      %get3A_2208 = arith.constant 0 : i32
      %get3A_2209 = arith.index_cast %get3A_2208 : i32 to index
      %get3A_2210 = arith.index_cast %arg1 : i32 to index
      %get3A_2211 = arith.index_cast %multiple_of3A_2207 : i32 to index
      %get3A_2212 = tpu.vector_load %arg15[%get3A_2209, %get3A_2210, %get3A_2211] {strides = array<i32>} : memref<16x16x128xi32, #tpu.memory_space<vmem>>, vector<16xi32>,
      %add3A_2213 = arith.addi %broadcast_in_dim3A_2205, %get3A_2212 : vector<16xi32>
      %multiple_of3A_2214 = arith.constant 96 : i32
      %multiple_of3A_2215 = tpu.assume_multiple %multiple_of3A_2214, 8 : i32
      %get3A_2216 = arith.constant 1 : i32
      %get3A_2217 = arith.index_cast %get3A_2216 : i32 to index
      %get3A_2218 = arith.index_cast %arg1 : i32 to index
      %get3A_2219 = arith.index_cast %multiple_of3A_2215 : i32 to index
      %get3A_2220 = tpu.vector_load %arg15[%get3A_2217, %get3A_2218, %get3A_2219] {strides = array<i32>} : memref<16x16x128xi32, #tpu.memory_space<vmem>>, vector<16xi32>,
      %add3A_2221 = arith.addi %add3A_2213, %get3A_2220 : vector<16xi32>
      %multiple_of3A_2222 = arith.constant 96 : i32
      %multiple_of3A_2223 = tpu.assume_multiple %multiple_of3A_2222, 8 : i32
      %get3A_2224 = arith.constant 2 : i32
      %get3A_2225 = arith.index_cast %get3A_2224 : i32 to index
      %get3A_2226 = arith.index_cast %arg1 : i32 to index
      %get3A_2227 = arith.index_cast %multiple_of3A_2223 : i32 to index
      %get3A_2228 = tpu.vector_load %arg15[%get3A_2225, %get3A_2226, %get3A_2227] {strides = array<i32>} : memref<16x16x128xi32, #tpu.memory_space<vmem>>, vector<16xi32>,
      %add3A_2229 = arith.addi %add3A_2221, %get3A_2228 : vector<16xi32>
      %multiple_of3A_2230 = arith.constant 96 : i32
      %multiple_of3A_2231 = tpu.assume_multiple %multiple_of3A_2230, 8 : i32
      %get3A_2232 = arith.constant 3 : i32
      %get3A_2233 = arith.index_cast %get3A_2232 : i32 to index
      %get3A_2234 = arith.index_cast %arg1 : i32 to index
      %get3A_2235 = arith.index_cast %multiple_of3A_2231 : i32 to index
      %get3A_2236 = tpu.vector_load %arg15[%get3A_2233, %get3A_2234, %get3A_2235] {strides = array<i32>} : memref<16x16x128xi32, #tpu.memory_space<vmem>>, vector<16xi32>,
      %add3A_2237 = arith.addi %add3A_2229, %get3A_2236 : vector<16xi32>
      %multiple_of3A_2238 = arith.constant 96 : i32
      %multiple_of3A_2239 = tpu.assume_multiple %multiple_of3A_2238, 8 : i32
      %get3A_2240 = arith.constant 4 : i32
      %get3A_2241 = arith.index_cast %get3A_2240 : i32 to index
      %get3A_2242 = arith.index_cast %arg1 : i32 to index
      %get3A_2243 = arith.index_cast %multiple_of3A_2239 : i32 to index
      %get3A_2244 = tpu.vector_load %arg15[%get3A_2241, %get3A_2242, %get3A_2243] {strides = array<i32>} : memref<16x16x128xi32, #tpu.memory_space<vmem>>, vector<16xi32>,
      %add3A_2245 = arith.addi %add3A_2237, %get3A_2244 : vector<16xi32>
      %multiple_of3A_2246 = arith.constant 96 : i32
      %multiple_of3A_2247 = tpu.assume_multiple %multiple_of3A_2246, 8 : i32
      %get3A_2248 = arith.constant 5 : i32
      %get3A_2249 = arith.index_cast %get3A_2248 : i32 to index
      %get3A_2250 = arith.index_cast %arg1 : i32 to index
      %get3A_2251 = arith.index_cast %multiple_of3A_2247 : i32 to index
      %get3A_2252 = tpu.vector_load %arg15[%get3A_2249, %get3A_2250, %get3A_2251] {strides = array<i32>} : memref<16x16x128xi32, #tpu.memory_space<vmem>>, vector<16xi32>,
      %add3A_2253 = arith.addi %add3A_2245, %get3A_2252 : vector<16xi32>
      %multiple_of3A_2254 = arith.constant 96 : i32
      %multiple_of3A_2255 = tpu.assume_multiple %multiple_of3A_2254, 8 : i32
      %get3A_2256 = arith.constant 6 : i32
      %get3A_2257 = arith.index_cast %get3A_2256 : i32 to index
      %get3A_2258 = arith.index_cast %arg1 : i32 to index
      %get3A_2259 = arith.index_cast %multiple_of3A_2255 : i32 to index
      %get3A_2260 = tpu.vector_load %arg15[%get3A_2257, %get3A_2258, %get3A_2259] {strides = array<i32>} : memref<16x16x128xi32, #tpu.memory_space<vmem>>, vector<16xi32>,
      %add3A_2261 = arith.addi %add3A_2253, %get3A_2260 : vector<16xi32>
      %multiple_of3A_2262 = arith.constant 96 : i32
      %multiple_of3A_2263 = tpu.assume_multiple %multiple_of3A_2262, 8 : i32
      %get3A_2264 = arith.constant 7 : i32
      %get3A_2265 = arith.index_cast %get3A_2264 : i32 to index
      %get3A_2266 = arith.index_cast %arg1 : i32 to index
      %get3A_2267 = arith.index_cast %multiple_of3A_2263 : i32 to index
      %get3A_2268 = tpu.vector_load %arg15[%get3A_2265, %get3A_2266, %get3A_2267] {strides = array<i32>} : memref<16x16x128xi32, #tpu.memory_space<vmem>>, vector<16xi32>,
      %add3A_2269 = arith.addi %add3A_2261, %get3A_2268 : vector<16xi32>
      %multiple_of3A_2270 = arith.constant 96 : i32
      %multiple_of3A_2271 = tpu.assume_multiple %multiple_of3A_2270, 8 : i32
      %get3A_2272 = arith.constant 8 : i32
      %get3A_2273 = arith.index_cast %get3A_2272 : i32 to index
      %get3A_2274 = arith.index_cast %arg1 : i32 to index
      %get3A_2275 = arith.index_cast %multiple_of3A_2271 : i32 to index
      %get3A_2276 = tpu.vector_load %arg15[%get3A_2273, %get3A_2274, %get3A_2275] {strides = array<i32>} : memref<16x16x128xi32, #tpu.memory_space<vmem>>, vector<16xi32>,
      %add3A_2277 = arith.addi %add3A_2269, %get3A_2276 : vector<16xi32>
      %multiple_of3A_2278 = arith.constant 96 : i32
      %multiple_of3A_2279 = tpu.assume_multiple %multiple_of3A_2278, 8 : i32
      %get3A_2280 = arith.constant 9 : i32
      %get3A_2281 = arith.index_cast %get3A_2280 : i32 to index
      %get3A_2282 = arith.index_cast %arg1 : i32 to index
      %get3A_2283 = arith.index_cast %multiple_of3A_2279 : i32 to index
      %get3A_2284 = tpu.vector_load %arg15[%get3A_2281, %get3A_2282, %get3A_2283] {strides = array<i32>} : memref<16x16x128xi32, #tpu.memory_space<vmem>>, vector<16xi32>,
      %add3A_2285 = arith.addi %add3A_2277, %get3A_2284 : vector<16xi32>
      %multiple_of3A_2286 = arith.constant 96 : i32
      %multiple_of3A_2287 = tpu.assume_multiple %multiple_of3A_2286, 8 : i32
      %get3A_2288 = arith.constant 10 : i32
      %get3A_2289 = arith.index_cast %get3A_2288 : i32 to index
      %get3A_2290 = arith.index_cast %arg1 : i32 to index
      %get3A_2291 = arith.index_cast %multiple_of3A_2287 : i32 to index
      %get3A_2292 = tpu.vector_load %arg15[%get3A_2289, %get3A_2290, %get3A_2291] {strides = array<i32>} : memref<16x16x128xi32, #tpu.memory_space<vmem>>, vector<16xi32>,
      %add3A_2293 = arith.addi %add3A_2285, %get3A_2292 : vector<16xi32>
      %multiple_of3A_2294 = arith.constant 96 : i32
      %multiple_of3A_2295 = tpu.assume_multiple %multiple_of3A_2294, 8 : i32
      %get3A_2296 = arith.constant 11 : i32
      %get3A_2297 = arith.index_cast %get3A_2296 : i32 to index
      %get3A_2298 = arith.index_cast %arg1 : i32 to index
      %get3A_2299 = arith.index_cast %multiple_of3A_2295 : i32 to index
      %get3A_2300 = tpu.vector_load %arg15[%get3A_2297, %get3A_2298, %get3A_2299] {strides = array<i32>} : memref<16x16x128xi32, #tpu.memory_space<vmem>>, vector<16xi32>,
      %add3A_2301 = arith.addi %add3A_2293, %get3A_2300 : vector<16xi32>
      %multiple_of3A_2302 = arith.constant 96 : i32
      %multiple_of3A_2303 = tpu.assume_multiple %multiple_of3A_2302, 8 : i32
      %get3A_2304 = arith.constant 12 : i32
      %get3A_2305 = arith.index_cast %get3A_2304 : i32 to index
      %get3A_2306 = arith.index_cast %arg1 : i32 to index
      %get3A_2307 = arith.index_cast %multiple_of3A_2303 : i32 to index
      %get3A_2308 = tpu.vector_load %arg15[%get3A_2305, %get3A_2306, %get3A_2307] {strides = array<i32>} : memref<16x16x128xi32, #tpu.memory_space<vmem>>, vector<16xi32>,
      %add3A_2309 = arith.addi %add3A_2301, %get3A_2308 : vector<16xi32>
      %multiple_of3A_2310 = arith.constant 96 : i32
      %multiple_of3A_2311 = tpu.assume_multiple %multiple_of3A_2310, 8 : i32
      %get3A_2312 = arith.constant 13 : i32
      %get3A_2313 = arith.index_cast %get3A_2312 : i32 to index
      %get3A_2314 = arith.index_cast %arg1 : i32 to index
      %get3A_2315 = arith.index_cast %multiple_of3A_2311 : i32 to index
      %get3A_2316 = tpu.vector_load %arg15[%get3A_2313, %get3A_2314, %get3A_2315] {strides = array<i32>} : memref<16x16x128xi32, #tpu.memory_space<vmem>>, vector<16xi32>,
      %add3A_2317 = arith.addi %add3A_2309, %get3A_2316 : vector<16xi32>
      %multiple_of3A_2318 = arith.constant 96 : i32
      %multiple_of3A_2319 = tpu.assume_multiple %multiple_of3A_2318, 8 : i32
      %get3A_2320 = arith.constant 14 : i32
      %get3A_2321 = arith.index_cast %get3A_2320 : i32 to index
      %get3A_2322 = arith.index_cast %arg1 : i32 to index
      %get3A_2323 = arith.index_cast %multiple_of3A_2319 : i32 to index
      %get3A_2324 = tpu.vector_load %arg15[%get3A_2321, %get3A_2322, %get3A_2323] {strides = array<i32>} : memref<16x16x128xi32, #tpu.memory_space<vmem>>, vector<16xi32>,
      %add3A_2325 = arith.addi %add3A_2317, %get3A_2324 : vector<16xi32>
      %multiple_of3A_2326 = arith.constant 96 : i32
      %multiple_of3A_2327 = tpu.assume_multiple %multiple_of3A_2326, 8 : i32
      %get3A_2328 = arith.constant 15 : i32
      %get3A_2329 = arith.index_cast %get3A_2328 : i32 to index
      %get3A_2330 = arith.index_cast %arg1 : i32 to index
      %get3A_2331 = arith.index_cast %multiple_of3A_2327 : i32 to index
      %get3A_2332 = tpu.vector_load %arg15[%get3A_2329, %get3A_2330, %get3A_2331] {strides = array<i32>} : memref<16x16x128xi32, #tpu.memory_space<vmem>>, vector<16xi32>,
      %add3A_2333 = arith.addi %add3A_2325, %get3A_2332 : vector<16xi32>
      %multiple_of3A_2334 = arith.constant 96 : i32
      %multiple_of3A_2335 = tpu.assume_multiple %multiple_of3A_2334, 8 : i32
      %swap3A_2336 = arith.index_cast %multiple_of3A_2335 : i32 to index
      %swap3A_2337 = tpu.vector_load %arg16[%swap3A_2336] {strides = array<i32>} : memref<128xi32, #tpu.memory_space<vmem>>, vector<16xi32>,
      tpu.vector_store %arg16[%swap3A_2336], %add3A_2333 {strides = array<i32>} : memref<128xi32, #tpu.memory_space<vmem>>, vector<16xi32>,
      %broadcast_in_dim3A_2338 = arith.constant 0 : i32
      %broadcast_in_dim3A_2339 = vector.broadcast %broadcast_in_dim3A_2338 : i32 to vector<16xi32>
      %multiple_of3A_2340 = arith.constant 112 : i32
      %multiple_of3A_2341 = tpu.assume_multiple %multiple_of3A_2340, 8 : i32
      %get3A_2342 = arith.constant 0 : i32
      %get3A_2343 = arith.index_cast %get3A_2342 : i32 to index
      %get3A_2344 = arith.index_cast %arg1 : i32 to index
      %get3A_2345 = arith.index_cast %multiple_of3A_2341 : i32 to index
      %get3A_2346 = tpu.vector_load %arg15[%get3A_2343, %get3A_2344, %get3A_2345] {strides = array<i32>} : memref<16x16x128xi32, #tpu.memory_space<vmem>>, vector<16xi32>,
      %add3A_2347 = arith.addi %broadcast_in_dim3A_2339, %get3A_2346 : vector<16xi32>
      %multiple_of3A_2348 = arith.constant 112 : i32
      %multiple_of3A_2349 = tpu.assume_multiple %multiple_of3A_2348, 8 : i32
      %get3A_2350 = arith.constant 1 : i32
      %get3A_2351 = arith.index_cast %get3A_2350 : i32 to index
      %get3A_2352 = arith.index_cast %arg1 : i32 to index
      %get3A_2353 = arith.index_cast %multiple_of3A_2349 : i32 to index
      %get3A_2354 = tpu.vector_load %arg15[%get3A_2351, %get3A_2352, %get3A_2353] {strides = array<i32>} : memref<16x16x128xi32, #tpu.memory_space<vmem>>, vector<16xi32>,
      %add3A_2355 = arith.addi %add3A_2347, %get3A_2354 : vector<16xi32>
      %multiple_of3A_2356 = arith.constant 112 : i32
      %multiple_of3A_2357 = tpu.assume_multiple %multiple_of3A_2356, 8 : i32
      %get3A_2358 = arith.constant 2 : i32
      %get3A_2359 = arith.index_cast %get3A_2358 : i32 to index
      %get3A_2360 = arith.index_cast %arg1 : i32 to index
      %get3A_2361 = arith.index_cast %multiple_of3A_2357 : i32 to index
      %get3A_2362 = tpu.vector_load %arg15[%get3A_2359, %get3A_2360, %get3A_2361] {strides = array<i32>} : memref<16x16x128xi32, #tpu.memory_space<vmem>>, vector<16xi32>,
      %add3A_2363 = arith.addi %add3A_2355, %get3A_2362 : vector<16xi32>
      %multiple_of3A_2364 = arith.constant 112 : i32
      %multiple_of3A_2365 = tpu.assume_multiple %multiple_of3A_2364, 8 : i32
      %get3A_2366 = arith.constant 3 : i32
      %get3A_2367 = arith.index_cast %get3A_2366 : i32 to index
      %get3A_2368 = arith.index_cast %arg1 : i32 to index
      %get3A_2369 = arith.index_cast %multiple_of3A_2365 : i32 to index
      %get3A_2370 = tpu.vector_load %arg15[%get3A_2367, %get3A_2368, %get3A_2369] {strides = array<i32>} : memref<16x16x128xi32, #tpu.memory_space<vmem>>, vector<16xi32>,
      %add3A_2371 = arith.addi %add3A_2363, %get3A_2370 : vector<16xi32>
      %multiple_of3A_2372 = arith.constant 112 : i32
      %multiple_of3A_2373 = tpu.assume_multiple %multiple_of3A_2372, 8 : i32
      %get3A_2374 = arith.constant 4 : i32
      %get3A_2375 = arith.index_cast %get3A_2374 : i32 to index
      %get3A_2376 = arith.index_cast %arg1 : i32 to index
      %get3A_2377 = arith.index_cast %multiple_of3A_2373 : i32 to index
      %get3A_2378 = tpu.vector_load %arg15[%get3A_2375, %get3A_2376, %get3A_2377] {strides = array<i32>} : memref<16x16x128xi32, #tpu.memory_space<vmem>>, vector<16xi32>,
      %add3A_2379 = arith.addi %add3A_2371, %get3A_2378 : vector<16xi32>
      %multiple_of3A_2380 = arith.constant 112 : i32
      %multiple_of3A_2381 = tpu.assume_multiple %multiple_of3A_2380, 8 : i32
      %get3A_2382 = arith.constant 5 : i32
      %get3A_2383 = arith.index_cast %get3A_2382 : i32 to index
      %get3A_2384 = arith.index_cast %arg1 : i32 to index
      %get3A_2385 = arith.index_cast %multiple_of3A_2381 : i32 to index
      %get3A_2386 = tpu.vector_load %arg15[%get3A_2383, %get3A_2384, %get3A_2385] {strides = array<i32>} : memref<16x16x128xi32, #tpu.memory_space<vmem>>, vector<16xi32>,
      %add3A_2387 = arith.addi %add3A_2379, %get3A_2386 : vector<16xi32>
      %multiple_of3A_2388 = arith.constant 112 : i32
      %multiple_of3A_2389 = tpu.assume_multiple %multiple_of3A_2388, 8 : i32
      %get3A_2390 = arith.constant 6 : i32
      %get3A_2391 = arith.index_cast %get3A_2390 : i32 to index
      %get3A_2392 = arith.index_cast %arg1 : i32 to index
      %get3A_2393 = arith.index_cast %multiple_of3A_2389 : i32 to index
      %get3A_2394 = tpu.vector_load %arg15[%get3A_2391, %get3A_2392, %get3A_2393] {strides = array<i32>} : memref<16x16x128xi32, #tpu.memory_space<vmem>>, vector<16xi32>,
      %add3A_2395 = arith.addi %add3A_2387, %get3A_2394 : vector<16xi32>
      %multiple_of3A_2396 = arith.constant 112 : i32
      %multiple_of3A_2397 = tpu.assume_multiple %multiple_of3A_2396, 8 : i32
      %get3A_2398 = arith.constant 7 : i32
      %get3A_2399 = arith.index_cast %get3A_2398 : i32 to index
      %get3A_2400 = arith.index_cast %arg1 : i32 to index
      %get3A_2401 = arith.index_cast %multiple_of3A_2397 : i32 to index
      %get3A_2402 = tpu.vector_load %arg15[%get3A_2399, %get3A_2400, %get3A_2401] {strides = array<i32>} : memref<16x16x128xi32, #tpu.memory_space<vmem>>, vector<16xi32>,
      %add3A_2403 = arith.addi %add3A_2395, %get3A_2402 : vector<16xi32>
      %multiple_of3A_2404 = arith.constant 112 : i32
      %multiple_of3A_2405 = tpu.assume_multiple %multiple_of3A_2404, 8 : i32
      %get3A_2406 = arith.constant 8 : i32
      %get3A_2407 = arith.index_cast %get3A_2406 : i32 to index
      %get3A_2408 = arith.index_cast %arg1 : i32 to index
      %get3A_2409 = arith.index_cast %multiple_of3A_2405 : i32 to index
      %get3A_2410 = tpu.vector_load %arg15[%get3A_2407, %get3A_2408, %get3A_2409] {strides = array<i32>} : memref<16x16x128xi32, #tpu.memory_space<vmem>>, vector<16xi32>,
      %add3A_2411 = arith.addi %add3A_2403, %get3A_2410 : vector<16xi32>
      %multiple_of3A_2412 = arith.constant 112 : i32
      %multiple_of3A_2413 = tpu.assume_multiple %multiple_of3A_2412, 8 : i32
      %get3A_2414 = arith.constant 9 : i32
      %get3A_2415 = arith.index_cast %get3A_2414 : i32 to index
      %get3A_2416 = arith.index_cast %arg1 : i32 to index
      %get3A_2417 = arith.index_cast %multiple_of3A_2413 : i32 to index
      %get3A_2418 = tpu.vector_load %arg15[%get3A_2415, %get3A_2416, %get3A_2417] {strides = array<i32>} : memref<16x16x128xi32, #tpu.memory_space<vmem>>, vector<16xi32>,
      %add3A_2419 = arith.addi %add3A_2411, %get3A_2418 : vector<16xi32>
      %multiple_of3A_2420 = arith.constant 112 : i32
      %multiple_of3A_2421 = tpu.assume_multiple %multiple_of3A_2420, 8 : i32
      %get3A_2422 = arith.constant 10 : i32
      %get3A_2423 = arith.index_cast %get3A_2422 : i32 to index
      %get3A_2424 = arith.index_cast %arg1 : i32 to index
      %get3A_2425 = arith.index_cast %multiple_of3A_2421 : i32 to index
      %get3A_2426 = tpu.vector_load %arg15[%get3A_2423, %get3A_2424, %get3A_2425] {strides = array<i32>} : memref<16x16x128xi32, #tpu.memory_space<vmem>>, vector<16xi32>,
      %add3A_2427 = arith.addi %add3A_2419, %get3A_2426 : vector<16xi32>
      %multiple_of3A_2428 = arith.constant 112 : i32
      %multiple_of3A_2429 = tpu.assume_multiple %multiple_of3A_2428, 8 : i32
      %get3A_2430 = arith.constant 11 : i32
      %get3A_2431 = arith.index_cast %get3A_2430 : i32 to index
      %get3A_2432 = arith.index_cast %arg1 : i32 to index
      %get3A_2433 = arith.index_cast %multiple_of3A_2429 : i32 to index
      %get3A_2434 = tpu.vector_load %arg15[%get3A_2431, %get3A_2432, %get3A_2433] {strides = array<i32>} : memref<16x16x128xi32, #tpu.memory_space<vmem>>, vector<16xi32>,
      %add3A_2435 = arith.addi %add3A_2427, %get3A_2434 : vector<16xi32>
      %multiple_of3A_2436 = arith.constant 112 : i32
      %multiple_of3A_2437 = tpu.assume_multiple %multiple_of3A_2436, 8 : i32
      %get3A_2438 = arith.constant 12 : i32
      %get3A_2439 = arith.index_cast %get3A_2438 : i32 to index
      %get3A_2440 = arith.index_cast %arg1 : i32 to index
      %get3A_2441 = arith.index_cast %multiple_of3A_2437 : i32 to index
      %get3A_2442 = tpu.vector_load %arg15[%get3A_2439, %get3A_2440, %get3A_2441] {strides = array<i32>} : memref<16x16x128xi32, #tpu.memory_space<vmem>>, vector<16xi32>,
      %add3A_2443 = arith.addi %add3A_2435, %get3A_2442 : vector<16xi32>
      %multiple_of3A_2444 = arith.constant 112 : i32
      %multiple_of3A_2445 = tpu.assume_multiple %multiple_of3A_2444, 8 : i32
      %get3A_2446 = arith.constant 13 : i32
      %get3A_2447 = arith.index_cast %get3A_2446 : i32 to index
      %get3A_2448 = arith.index_cast %arg1 : i32 to index
      %get3A_2449 = arith.index_cast %multiple_of3A_2445 : i32 to index
      %get3A_2450 = tpu.vector_load %arg15[%get3A_2447, %get3A_2448, %get3A_2449] {strides = array<i32>} : memref<16x16x128xi32, #tpu.memory_space<vmem>>, vector<16xi32>,
      %add3A_2451 = arith.addi %add3A_2443, %get3A_2450 : vector<16xi32>
      %multiple_of3A_2452 = arith.constant 112 : i32
      %multiple_of3A_2453 = tpu.assume_multiple %multiple_of3A_2452, 8 : i32
      %get3A_2454 = arith.constant 14 : i32
      %get3A_2455 = arith.index_cast %get3A_2454 : i32 to index
      %get3A_2456 = arith.index_cast %arg1 : i32 to index
      %get3A_2457 = arith.index_cast %multiple_of3A_2453 : i32 to index
      %get3A_2458 = tpu.vector_load %arg15[%get3A_2455, %get3A_2456, %get3A_2457] {strides = array<i32>} : memref<16x16x128xi32, #tpu.memory_space<vmem>>, vector<16xi32>,
      %add3A_2459 = arith.addi %add3A_2451, %get3A_2458 : vector<16xi32>
      %multiple_of3A_2460 = arith.constant 112 : i32
      %multiple_of3A_2461 = tpu.assume_multiple %multiple_of3A_2460, 8 : i32
      %get3A_2462 = arith.constant 15 : i32
      %get3A_2463 = arith.index_cast %get3A_2462 : i32 to index
      %get3A_2464 = arith.index_cast %arg1 : i32 to index
      %get3A_2465 = arith.index_cast %multiple_of3A_2461 : i32 to index
      %get3A_2466 = tpu.vector_load %arg15[%get3A_2463, %get3A_2464, %get3A_2465] {strides = array<i32>} : memref<16x16x128xi32, #tpu.memory_space<vmem>>, vector<16xi32>,
      %add3A_2467 = arith.addi %add3A_2459, %get3A_2466 : vector<16xi32>
      %multiple_of3A_2468 = arith.constant 112 : i32
      %multiple_of3A_2469 = tpu.assume_multiple %multiple_of3A_2468, 8 : i32
      %swap3A_2470 = arith.index_cast %multiple_of3A_2469 : i32 to index
      %swap3A_2471 = tpu.vector_load %arg16[%swap3A_2470] {strides = array<i32>} : memref<128xi32, #tpu.memory_space<vmem>>, vector<16xi32>,
      tpu.vector_store %arg16[%swap3A_2470], %add3A_2467 {strides = array<i32>} : memref<128xi32, #tpu.memory_space<vmem>>, vector<16xi32>,
      "tpu.region"() ({
        %run_scoped3A = tpu.sem_alloc : memref<!tpu.dma_semaphore, #tpu.memory_space<semaphore_mem>>
        %dma_start3A = arith.constant 0 : i32
        %dma_start3A_2482 = tpu.memref_slice %arg7[%arg1, %dma_start3A] : memref<16x128xi32, #tpu.memory_space<hbm>> -> memref<1x128xi32, #tpu.memory_space<hbm>>
        %dma_start3A_2483 = tpu.memref_squeeze %dma_start3A_2482 : memref<1x128xi32, #tpu.memory_space<hbm>> -> memref<128xi32, #tpu.memory_space<hbm>>
        %dma_start3A_2484 = arith.constant 0 : i32
        %dma_start3A_2485 = tpu.memref_slice %arg7[%arg1, %dma_start3A_2484] : memref<16x128xi32, #tpu.memory_space<hbm>> -> memref<1x128xi32, #tpu.memory_space<hbm>>
        %dma_start3A_2486 = tpu.memref_squeeze %dma_start3A_2485 : memref<1x128xi32, #tpu.memory_space<hbm>> -> memref<128xi32, #tpu.memory_space<hbm>>
        tpu.enqueue_dma source(%arg16 : memref<128xi32, #tpu.memory_space<vmem>>) target(%dma_start3A_2486 : memref<128xi32, #tpu.memory_space<hbm>>) target_semaphore(%run_scoped3A : memref<!tpu.dma_semaphore, #tpu.memory_space<semaphore_mem>>)
        %dma_wait3A = arith.constant 0 : i32
        %dma_wait3A_2487 = tpu.memref_slice %arg7[%arg1, %dma_wait3A] : memref<16x128xi32, #tpu.memory_space<hbm>> -> memref<1x128xi32, #tpu.memory_space<hbm>>
        %dma_wait3A_2488 = tpu.memref_squeeze %dma_wait3A_2487 : memref<1x128xi32, #tpu.memory_space<hbm>> -> memref<128xi32, #tpu.memory_space<hbm>>
        %dma_wait3A_2489 = arith.constant 0 : i32
        %dma_wait3A_2490 = tpu.memref_slice %arg7[%arg1, %dma_wait3A_2489] : memref<16x128xi32, #tpu.memory_space<hbm>> -> memref<1x128xi32, #tpu.memory_space<hbm>>
        %dma_wait3A_2491 = tpu.memref_squeeze %dma_wait3A_2490 : memref<1x128xi32, #tpu.memory_space<hbm>> -> memref<128xi32, #tpu.memory_space<hbm>>
        tpu.wait_dma2 semaphore(%run_scoped3A : memref<!tpu.dma_semaphore, #tpu.memory_space<semaphore_mem>>) src(%arg16 : memref<128xi32, #tpu.memory_space<vmem>>) dst(%dma_wait3A_2491 : memref<128xi32, #tpu.memory_space<hbm>>)
        tpu.yield
      }) : () -> ()
      %eq3A_2472 = arith.constant 0 : i32
      %eq3A_2473 = arith.cmpi eq, %arg1, %eq3A_2472 : i32
      %convert_element_type3A_2474 = arith.extui %eq3A_2473 : i1 to i32
      %cond3A_2475 = arith.constant 0 : i32
      %cond3A_2476 = arith.cmpi ne, %convert_element_type3A_2474, %cond3A_2475 : i32
      scf.if %cond3A_2476 {
        %jit3A_2482 = arith.constant 128 : i32
        %div3A_2483 = vector.broadcast %jit3A_2482 : i32 to vector<16xi32>
        %div3A_2484 = arith.divsi %sub3A_219, %div3A_2483 : vector<16xi32>
        %sign3A_2485 = arith.constant 0 : i32
        %sign3A_2486 = vector.broadcast %sign3A_2485 : i32 to vector<16xi32>
        %sign3A_2487 = arith.cmpi sgt, %sub3A_219, %sign3A_2486 : vector<16xi32>
        %sign3A_2488 = arith.extui %sign3A_2487 : vector<16xi1> to vector<16xi32>
        %sign3A_2489 = arith.constant 0 : i32
        %sign3A_2490 = vector.broadcast %sign3A_2489 : i32 to vector<16xi32>
        %sign3A_2491 = arith.cmpi slt, %sub3A_219, %sign3A_2490 : vector<16xi32>
        %sign3A_2492 = arith.extui %sign3A_2491 : vector<16xi1> to vector<16xi32>
        %sign3A_2493 = arith.subi %sign3A_2488, %sign3A_2492 : vector<16xi32>
        %sign3A_2494 = arith.constant 0 : i32
        %sign3A_2495 = arith.cmpi sgt, %jit3A_2482, %sign3A_2494 : i32
        %sign3A_2496 = arith.extui %sign3A_2495 : i1 to i32
        %sign3A_2497 = arith.constant 0 : i32
        %sign3A_2498 = arith.cmpi slt, %jit3A_2482, %sign3A_2497 : i32
        %sign3A_2499 = arith.extui %sign3A_2498 : i1 to i32
        %sign3A_2500 = arith.subi %sign3A_2496, %sign3A_2499 : i32
        %ne3A_2501 = vector.broadcast %sign3A_2500 : i32 to vector<16xi32>
        %ne3A_2502 = arith.cmpi ne, %sign3A_2493, %ne3A_2501 : vector<16xi32>
        %rem3A_2503 = vector.broadcast %jit3A_2482 : i32 to vector<16xi32>
        %rem3A_2504 = arith.remsi %sub3A_219, %rem3A_2503 : vector<16xi32>
        %ne3A_2505 = arith.constant 0 : i32
        %ne3A_2506 = vector.broadcast %ne3A_2505 : i32 to vector<16xi32>
        %ne3A_2507 = arith.cmpi ne, %rem3A_2504, %ne3A_2506 : vector<16xi32>
        %and3A_2508 = arith.andi %ne3A_2502, %ne3A_2507 : vector<16xi1>
        %sub3A_2509 = arith.constant 1 : i32
        %sub3A_2510 = vector.broadcast %sub3A_2509 : i32 to vector<16xi32>
        %sub3A_2511 = arith.subi %div3A_2484, %sub3A_2510 : vector<16xi32>
        %select_n3A_2512 = arith.select %and3A_2508, %sub3A_2511, %div3A_2484 : vector<16xi1>, vector<16xi32>
        %add3A_2513 = arith.constant 0 : i32
        %add3A_2514 = vector.broadcast %add3A_2513 : i32 to vector<16xi32>
        %add3A_2515 = arith.addi %add3A_2514, %iota3A : vector<16xi32>
        %broadcast_in_dim3A_2516 = arith.constant -1 : i32
        %broadcast_in_dim3A_2517 = vector.broadcast %broadcast_in_dim3A_2516 : i32 to vector<16xi32>
        %eq3A_2518 = arith.constant 0 : i32
        %eq3A_2519 = vector.broadcast %eq3A_2518 : i32 to vector<16xi32>
        %eq3A_2520 = arith.cmpi eq, %iota3A, %eq3A_2519 : vector<16xi32>
        %jit3A_2521 = arith.constant 0 : i32
        %broadcast_in_dim3A_2522 = vector.broadcast %jit3A_2521 : i32 to vector<16xi32>
        %select_n3A_2523 = arith.select %eq3A_2520, %select_n3A_2512, %broadcast_in_dim3A_2522 : vector<16xi1>, vector<16xi32>
        %reduce_sum3A_2524 = arith.constant true
        %reduce_sum3A_2525 = vector.broadcast %reduce_sum3A_2524 : i1 to vector<16xi1>
        %reduce_sum3A_2526 = tpu.scan <sum>, %select_n3A_2523 masked %reduce_sum3A_2525 : vector<16xi32>, vector<16xi1> -> vector<16xi32>
        %reduce_sum3A_2527 = vector.extract %reduce_sum3A_2526[15] : i32 from vector<16xi32>
        %ge3A = vector.broadcast %reduce_sum3A_2527 : i32 to vector<16xi32>
        %ge3A_2528 = arith.cmpi sge, %add3A_2515, %ge3A : vector<16xi32>
        %jit3A_2529 = arith.constant 1 : i32
        %jit3A_2530 = arith.constant 0 : i32
        %broadcast_in_dim3A_2531 = vector.broadcast %jit3A_2529 : i32 to vector<16xi32>
        %broadcast_in_dim3A_2532 = vector.broadcast %jit3A_2530 : i32 to vector<16xi32>
        %select_n3A_2533 = arith.select %ge3A_2528, %broadcast_in_dim3A_2531, %broadcast_in_dim3A_2532 : vector<16xi1>, vector<16xi32>
        %add3A_2534 = arith.addi %broadcast_in_dim3A_2517, %select_n3A_2533 : vector<16xi32>
        %eq3A_2535 = arith.constant 1 : i32
        %eq3A_2536 = vector.broadcast %eq3A_2535 : i32 to vector<16xi32>
        %eq3A_2537 = arith.cmpi eq, %iota3A, %eq3A_2536 : vector<16xi32>
        %jit3A_2538 = arith.constant 0 : i32
        %broadcast_in_dim3A_2539 = vector.broadcast %jit3A_2538 : i32 to vector<16xi32>
        %select_n3A_2540 = arith.select %eq3A_2537, %select_n3A_2512, %broadcast_in_dim3A_2539 : vector<16xi1>, vector<16xi32>
        %reduce_sum3A_2541 = arith.constant true
        %reduce_sum3A_2542 = vector.broadcast %reduce_sum3A_2541 : i1 to vector<16xi1>
        %reduce_sum3A_2543 = tpu.scan <sum>, %select_n3A_2540 masked %reduce_sum3A_2542 : vector<16xi32>, vector<16xi1> -> vector<16xi32>
        %reduce_sum3A_2544 = vector.extract %reduce_sum3A_2543[15] : i32 from vector<16xi32>
        %ge3A_2545 = vector.broadcast %reduce_sum3A_2544 : i32 to vector<16xi32>
        %ge3A_2546 = arith.cmpi sge, %add3A_2515, %ge3A_2545 : vector<16xi32>
        %jit3A_2547 = arith.constant 1 : i32
        %jit3A_2548 = arith.constant 0 : i32
        %broadcast_in_dim3A_2549 = vector.broadcast %jit3A_2547 : i32 to vector<16xi32>
        %broadcast_in_dim3A_2550 = vector.broadcast %jit3A_2548 : i32 to vector<16xi32>
        %select_n3A_2551 = arith.select %ge3A_2546, %broadcast_in_dim3A_2549, %broadcast_in_dim3A_2550 : vector<16xi1>, vector<16xi32>
        %add3A_2552 = arith.addi %add3A_2534, %select_n3A_2551 : vector<16xi32>
        %eq3A_2553 = arith.constant 2 : i32
        %eq3A_2554 = vector.broadcast %eq3A_2553 : i32 to vector<16xi32>
        %eq3A_2555 = arith.cmpi eq, %iota3A, %eq3A_2554 : vector<16xi32>
        %jit3A_2556 = arith.constant 0 : i32
        %broadcast_in_dim3A_2557 = vector.broadcast %jit3A_2556 : i32 to vector<16xi32>
        %select_n3A_2558 = arith.select %eq3A_2555, %select_n3A_2512, %broadcast_in_dim3A_2557 : vector<16xi1>, vector<16xi32>
        %reduce_sum3A_2559 = arith.constant true
        %reduce_sum3A_2560 = vector.broadcast %reduce_sum3A_2559 : i1 to vector<16xi1>
        %reduce_sum3A_2561 = tpu.scan <sum>, %select_n3A_2558 masked %reduce_sum3A_2560 : vector<16xi32>, vector<16xi1> -> vector<16xi32>
        %reduce_sum3A_2562 = vector.extract %reduce_sum3A_2561[15] : i32 from vector<16xi32>
        %ge3A_2563 = vector.broadcast %reduce_sum3A_2562 : i32 to vector<16xi32>
        %ge3A_2564 = arith.cmpi sge, %add3A_2515, %ge3A_2563 : vector<16xi32>
        %jit3A_2565 = arith.constant 1 : i32
        %jit3A_2566 = arith.constant 0 : i32
        %broadcast_in_dim3A_2567 = vector.broadcast %jit3A_2565 : i32 to vector<16xi32>
        %broadcast_in_dim3A_2568 = vector.broadcast %jit3A_2566 : i32 to vector<16xi32>
        %select_n3A_2569 = arith.select %ge3A_2564, %broadcast_in_dim3A_2567, %broadcast_in_dim3A_2568 : vector<16xi1>, vector<16xi32>
        %add3A_2570 = arith.addi %add3A_2552, %select_n3A_2569 : vector<16xi32>
        %eq3A_2571 = arith.constant 3 : i32
        %eq3A_2572 = vector.broadcast %eq3A_2571 : i32 to vector<16xi32>
        %eq3A_2573 = arith.cmpi eq, %iota3A, %eq3A_2572 : vector<16xi32>
        %jit3A_2574 = arith.constant 0 : i32
        %broadcast_in_dim3A_2575 = vector.broadcast %jit3A_2574 : i32 to vector<16xi32>
        %select_n3A_2576 = arith.select %eq3A_2573, %select_n3A_2512, %broadcast_in_dim3A_2575 : vector<16xi1>, vector<16xi32>
        %reduce_sum3A_2577 = arith.constant true
        %reduce_sum3A_2578 = vector.broadcast %reduce_sum3A_2577 : i1 to vector<16xi1>
        %reduce_sum3A_2579 = tpu.scan <sum>, %select_n3A_2576 masked %reduce_sum3A_2578 : vector<16xi32>, vector<16xi1> -> vector<16xi32>
        %reduce_sum3A_2580 = vector.extract %reduce_sum3A_2579[15] : i32 from vector<16xi32>
        %ge3A_2581 = vector.broadcast %reduce_sum3A_2580 : i32 to vector<16xi32>
        %ge3A_2582 = arith.cmpi sge, %add3A_2515, %ge3A_2581 : vector<16xi32>
        %jit3A_2583 = arith.constant 1 : i32
        %jit3A_2584 = arith.constant 0 : i32
        %broadcast_in_dim3A_2585 = vector.broadcast %jit3A_2583 : i32 to vector<16xi32>
        %broadcast_in_dim3A_2586 = vector.broadcast %jit3A_2584 : i32 to vector<16xi32>
        %select_n3A_2587 = arith.select %ge3A_2582, %broadcast_in_dim3A_2585, %broadcast_in_dim3A_2586 : vector<16xi1>, vector<16xi32>
        %add3A_2588 = arith.addi %add3A_2570, %select_n3A_2587 : vector<16xi32>
        %eq3A_2589 = arith.constant 4 : i32
        %eq3A_2590 = vector.broadcast %eq3A_2589 : i32 to vector<16xi32>
        %eq3A_2591 = arith.cmpi eq, %iota3A, %eq3A_2590 : vector<16xi32>
        %jit3A_2592 = arith.constant 0 : i32
        %broadcast_in_dim3A_2593 = vector.broadcast %jit3A_2592 : i32 to vector<16xi32>
        %select_n3A_2594 = arith.select %eq3A_2591, %select_n3A_2512, %broadcast_in_dim3A_2593 : vector<16xi1>, vector<16xi32>
        %reduce_sum3A_2595 = arith.constant true
        %reduce_sum3A_2596 = vector.broadcast %reduce_sum3A_2595 : i1 to vector<16xi1>
        %reduce_sum3A_2597 = tpu.scan <sum>, %select_n3A_2594 masked %reduce_sum3A_2596 : vector<16xi32>, vector<16xi1> -> vector<16xi32>
        %reduce_sum3A_2598 = vector.extract %reduce_sum3A_2597[15] : i32 from vector<16xi32>
        %ge3A_2599 = vector.broadcast %reduce_sum3A_2598 : i32 to vector<16xi32>
        %ge3A_2600 = arith.cmpi sge, %add3A_2515, %ge3A_2599 : vector<16xi32>
        %jit3A_2601 = arith.constant 1 : i32
        %jit3A_2602 = arith.constant 0 : i32
        %broadcast_in_dim3A_2603 = vector.broadcast %jit3A_2601 : i32 to vector<16xi32>
        %broadcast_in_dim3A_2604 = vector.broadcast %jit3A_2602 : i32 to vector<16xi32>
        %select_n3A_2605 = arith.select %ge3A_2600, %broadcast_in_dim3A_2603, %broadcast_in_dim3A_2604 : vector<16xi1>, vector<16xi32>
        %add3A_2606 = arith.addi %add3A_2588, %select_n3A_2605 : vector<16xi32>
        %eq3A_2607 = arith.constant 5 : i32
        %eq3A_2608 = vector.broadcast %eq3A_2607 : i32 to vector<16xi32>
        %eq3A_2609 = arith.cmpi eq, %iota3A, %eq3A_2608 : vector<16xi32>
        %jit3A_2610 = arith.constant 0 : i32
        %broadcast_in_dim3A_2611 = vector.broadcast %jit3A_2610 : i32 to vector<16xi32>
        %select_n3A_2612 = arith.select %eq3A_2609, %select_n3A_2512, %broadcast_in_dim3A_2611 : vector<16xi1>, vector<16xi32>
        %reduce_sum3A_2613 = arith.constant true
        %reduce_sum3A_2614 = vector.broadcast %reduce_sum3A_2613 : i1 to vector<16xi1>
        %reduce_sum3A_2615 = tpu.scan <sum>, %select_n3A_2612 masked %reduce_sum3A_2614 : vector<16xi32>, vector<16xi1> -> vector<16xi32>
        %reduce_sum3A_2616 = vector.extract %reduce_sum3A_2615[15] : i32 from vector<16xi32>
        %ge3A_2617 = vector.broadcast %reduce_sum3A_2616 : i32 to vector<16xi32>
        %ge3A_2618 = arith.cmpi sge, %add3A_2515, %ge3A_2617 : vector<16xi32>
        %jit3A_2619 = arith.constant 1 : i32
        %jit3A_2620 = arith.constant 0 : i32
        %broadcast_in_dim3A_2621 = vector.broadcast %jit3A_2619 : i32 to vector<16xi32>
        %broadcast_in_dim3A_2622 = vector.broadcast %jit3A_2620 : i32 to vector<16xi32>
        %select_n3A_2623 = arith.select %ge3A_2618, %broadcast_in_dim3A_2621, %broadcast_in_dim3A_2622 : vector<16xi1>, vector<16xi32>
        %add3A_2624 = arith.addi %add3A_2606, %select_n3A_2623 : vector<16xi32>
        %eq3A_2625 = arith.constant 6 : i32
        %eq3A_2626 = vector.broadcast %eq3A_2625 : i32 to vector<16xi32>
        %eq3A_2627 = arith.cmpi eq, %iota3A, %eq3A_2626 : vector<16xi32>
        %jit3A_2628 = arith.constant 0 : i32
        %broadcast_in_dim3A_2629 = vector.broadcast %jit3A_2628 : i32 to vector<16xi32>
        %select_n3A_2630 = arith.select %eq3A_2627, %select_n3A_2512, %broadcast_in_dim3A_2629 : vector<16xi1>, vector<16xi32>
        %reduce_sum3A_2631 = arith.constant true
        %reduce_sum3A_2632 = vector.broadcast %reduce_sum3A_2631 : i1 to vector<16xi1>
        %reduce_sum3A_2633 = tpu.scan <sum>, %select_n3A_2630 masked %reduce_sum3A_2632 : vector<16xi32>, vector<16xi1> -> vector<16xi32>
        %reduce_sum3A_2634 = vector.extract %reduce_sum3A_2633[15] : i32 from vector<16xi32>
        %ge3A_2635 = vector.broadcast %reduce_sum3A_2634 : i32 to vector<16xi32>
        %ge3A_2636 = arith.cmpi sge, %add3A_2515, %ge3A_2635 : vector<16xi32>
        %jit3A_2637 = arith.constant 1 : i32
        %jit3A_2638 = arith.constant 0 : i32
        %broadcast_in_dim3A_2639 = vector.broadcast %jit3A_2637 : i32 to vector<16xi32>
        %broadcast_in_dim3A_2640 = vector.broadcast %jit3A_2638 : i32 to vector<16xi32>
        %select_n3A_2641 = arith.select %ge3A_2636, %broadcast_in_dim3A_2639, %broadcast_in_dim3A_2640 : vector<16xi1>, vector<16xi32>
        %add3A_2642 = arith.addi %add3A_2624, %select_n3A_2641 : vector<16xi32>
        %eq3A_2643 = arith.constant 7 : i32
        %eq3A_2644 = vector.broadcast %eq3A_2643 : i32 to vector<16xi32>
        %eq3A_2645 = arith.cmpi eq, %iota3A, %eq3A_2644 : vector<16xi32>
        %jit3A_2646 = arith.constant 0 : i32
        %broadcast_in_dim3A_2647 = vector.broadcast %jit3A_2646 : i32 to vector<16xi32>
        %select_n3A_2648 = arith.select %eq3A_2645, %select_n3A_2512, %broadcast_in_dim3A_2647 : vector<16xi1>, vector<16xi32>
        %reduce_sum3A_2649 = arith.constant true
        %reduce_sum3A_2650 = vector.broadcast %reduce_sum3A_2649 : i1 to vector<16xi1>
        %reduce_sum3A_2651 = tpu.scan <sum>, %select_n3A_2648 masked %reduce_sum3A_2650 : vector<16xi32>, vector<16xi1> -> vector<16xi32>
        %reduce_sum3A_2652 = vector.extract %reduce_sum3A_2651[15] : i32 from vector<16xi32>
        %ge3A_2653 = vector.broadcast %reduce_sum3A_2652 : i32 to vector<16xi32>
        %ge3A_2654 = arith.cmpi sge, %add3A_2515, %ge3A_2653 : vector<16xi32>
        %jit3A_2655 = arith.constant 1 : i32
        %jit3A_2656 = arith.constant 0 : i32
        %broadcast_in_dim3A_2657 = vector.broadcast %jit3A_2655 : i32 to vector<16xi32>
        %broadcast_in_dim3A_2658 = vector.broadcast %jit3A_2656 : i32 to vector<16xi32>
        %select_n3A_2659 = arith.select %ge3A_2654, %broadcast_in_dim3A_2657, %broadcast_in_dim3A_2658 : vector<16xi1>, vector<16xi32>
        %add3A_2660 = arith.addi %add3A_2642, %select_n3A_2659 : vector<16xi32>
        %eq3A_2661 = arith.constant 8 : i32
        %eq3A_2662 = vector.broadcast %eq3A_2661 : i32 to vector<16xi32>
        %eq3A_2663 = arith.cmpi eq, %iota3A, %eq3A_2662 : vector<16xi32>
        %jit3A_2664 = arith.constant 0 : i32
        %broadcast_in_dim3A_2665 = vector.broadcast %jit3A_2664 : i32 to vector<16xi32>
        %select_n3A_2666 = arith.select %eq3A_2663, %select_n3A_2512, %broadcast_in_dim3A_2665 : vector<16xi1>, vector<16xi32>
        %reduce_sum3A_2667 = arith.constant true
        %reduce_sum3A_2668 = vector.broadcast %reduce_sum3A_2667 : i1 to vector<16xi1>
        %reduce_sum3A_2669 = tpu.scan <sum>, %select_n3A_2666 masked %reduce_sum3A_2668 : vector<16xi32>, vector<16xi1> -> vector<16xi32>
        %reduce_sum3A_2670 = vector.extract %reduce_sum3A_2669[15] : i32 from vector<16xi32>
        %ge3A_2671 = vector.broadcast %reduce_sum3A_2670 : i32 to vector<16xi32>
        %ge3A_2672 = arith.cmpi sge, %add3A_2515, %ge3A_2671 : vector<16xi32>
        %jit3A_2673 = arith.constant 1 : i32
        %jit3A_2674 = arith.constant 0 : i32
        %broadcast_in_dim3A_2675 = vector.broadcast %jit3A_2673 : i32 to vector<16xi32>
        %broadcast_in_dim3A_2676 = vector.broadcast %jit3A_2674 : i32 to vector<16xi32>
        %select_n3A_2677 = arith.select %ge3A_2672, %broadcast_in_dim3A_2675, %broadcast_in_dim3A_2676 : vector<16xi1>, vector<16xi32>
        %add3A_2678 = arith.addi %add3A_2660, %select_n3A_2677 : vector<16xi32>
        %eq3A_2679 = arith.constant 9 : i32
        %eq3A_2680 = vector.broadcast %eq3A_2679 : i32 to vector<16xi32>
        %eq3A_2681 = arith.cmpi eq, %iota3A, %eq3A_2680 : vector<16xi32>
        %jit3A_2682 = arith.constant 0 : i32
        %broadcast_in_dim3A_2683 = vector.broadcast %jit3A_2682 : i32 to vector<16xi32>
        %select_n3A_2684 = arith.select %eq3A_2681, %select_n3A_2512, %broadcast_in_dim3A_2683 : vector<16xi1>, vector<16xi32>
        %reduce_sum3A_2685 = arith.constant true
        %reduce_sum3A_2686 = vector.broadcast %reduce_sum3A_2685 : i1 to vector<16xi1>
        %reduce_sum3A_2687 = tpu.scan <sum>, %select_n3A_2684 masked %reduce_sum3A_2686 : vector<16xi32>, vector<16xi1> -> vector<16xi32>
        %reduce_sum3A_2688 = vector.extract %reduce_sum3A_2687[15] : i32 from vector<16xi32>
        %ge3A_2689 = vector.broadcast %reduce_sum3A_2688 : i32 to vector<16xi32>
        %ge3A_2690 = arith.cmpi sge, %add3A_2515, %ge3A_2689 : vector<16xi32>
        %jit3A_2691 = arith.constant 1 : i32
        %jit3A_2692 = arith.constant 0 : i32
        %broadcast_in_dim3A_2693 = vector.broadcast %jit3A_2691 : i32 to vector<16xi32>
        %broadcast_in_dim3A_2694 = vector.broadcast %jit3A_2692 : i32 to vector<16xi32>
        %select_n3A_2695 = arith.select %ge3A_2690, %broadcast_in_dim3A_2693, %broadcast_in_dim3A_2694 : vector<16xi1>, vector<16xi32>
        %add3A_2696 = arith.addi %add3A_2678, %select_n3A_2695 : vector<16xi32>
        %eq3A_2697 = arith.constant 10 : i32
        %eq3A_2698 = vector.broadcast %eq3A_2697 : i32 to vector<16xi32>
        %eq3A_2699 = arith.cmpi eq, %iota3A, %eq3A_2698 : vector<16xi32>
        %jit3A_2700 = arith.constant 0 : i32
        %broadcast_in_dim3A_2701 = vector.broadcast %jit3A_2700 : i32 to vector<16xi32>
        %select_n3A_2702 = arith.select %eq3A_2699, %select_n3A_2512, %broadcast_in_dim3A_2701 : vector<16xi1>, vector<16xi32>
        %reduce_sum3A_2703 = arith.constant true
        %reduce_sum3A_2704 = vector.broadcast %reduce_sum3A_2703 : i1 to vector<16xi1>
        %reduce_sum3A_2705 = tpu.scan <sum>, %select_n3A_2702 masked %reduce_sum3A_2704 : vector<16xi32>, vector<16xi1> -> vector<16xi32>
        %reduce_sum3A_2706 = vector.extract %reduce_sum3A_2705[15] : i32 from vector<16xi32>
        %ge3A_2707 = vector.broadcast %reduce_sum3A_2706 : i32 to vector<16xi32>
        %ge3A_2708 = arith.cmpi sge, %add3A_2515, %ge3A_2707 : vector<16xi32>
        %jit3A_2709 = arith.constant 1 : i32
        %jit3A_2710 = arith.constant 0 : i32
        %broadcast_in_dim3A_2711 = vector.broadcast %jit3A_2709 : i32 to vector<16xi32>
        %broadcast_in_dim3A_2712 = vector.broadcast %jit3A_2710 : i32 to vector<16xi32>
        %select_n3A_2713 = arith.select %ge3A_2708, %broadcast_in_dim3A_2711, %broadcast_in_dim3A_2712 : vector<16xi1>, vector<16xi32>
        %add3A_2714 = arith.addi %add3A_2696, %select_n3A_2713 : vector<16xi32>
        %eq3A_2715 = arith.constant 11 : i32
        %eq3A_2716 = vector.broadcast %eq3A_2715 : i32 to vector<16xi32>
        %eq3A_2717 = arith.cmpi eq, %iota3A, %eq3A_2716 : vector<16xi32>
        %jit3A_2718 = arith.constant 0 : i32
        %broadcast_in_dim3A_2719 = vector.broadcast %jit3A_2718 : i32 to vector<16xi32>
        %select_n3A_2720 = arith.select %eq3A_2717, %select_n3A_2512, %broadcast_in_dim3A_2719 : vector<16xi1>, vector<16xi32>
        %reduce_sum3A_2721 = arith.constant true
        %reduce_sum3A_2722 = vector.broadcast %reduce_sum3A_2721 : i1 to vector<16xi1>
        %reduce_sum3A_2723 = tpu.scan <sum>, %select_n3A_2720 masked %reduce_sum3A_2722 : vector<16xi32>, vector<16xi1> -> vector<16xi32>
        %reduce_sum3A_2724 = vector.extract %reduce_sum3A_2723[15] : i32 from vector<16xi32>
        %ge3A_2725 = vector.broadcast %reduce_sum3A_2724 : i32 to vector<16xi32>
        %ge3A_2726 = arith.cmpi sge, %add3A_2515, %ge3A_2725 : vector<16xi32>
        %jit3A_2727 = arith.constant 1 : i32
        %jit3A_2728 = arith.constant 0 : i32
        %broadcast_in_dim3A_2729 = vector.broadcast %jit3A_2727 : i32 to vector<16xi32>
        %broadcast_in_dim3A_2730 = vector.broadcast %jit3A_2728 : i32 to vector<16xi32>
        %select_n3A_2731 = arith.select %ge3A_2726, %broadcast_in_dim3A_2729, %broadcast_in_dim3A_2730 : vector<16xi1>, vector<16xi32>
        %add3A_2732 = arith.addi %add3A_2714, %select_n3A_2731 : vector<16xi32>
        %eq3A_2733 = arith.constant 12 : i32
        %eq3A_2734 = vector.broadcast %eq3A_2733 : i32 to vector<16xi32>
        %eq3A_2735 = arith.cmpi eq, %iota3A, %eq3A_2734 : vector<16xi32>
        %jit3A_2736 = arith.constant 0 : i32
        %broadcast_in_dim3A_2737 = vector.broadcast %jit3A_2736 : i32 to vector<16xi32>
        %select_n3A_2738 = arith.select %eq3A_2735, %select_n3A_2512, %broadcast_in_dim3A_2737 : vector<16xi1>, vector<16xi32>
        %reduce_sum3A_2739 = arith.constant true
        %reduce_sum3A_2740 = vector.broadcast %reduce_sum3A_2739 : i1 to vector<16xi1>
        %reduce_sum3A_2741 = tpu.scan <sum>, %select_n3A_2738 masked %reduce_sum3A_2740 : vector<16xi32>, vector<16xi1> -> vector<16xi32>
        %reduce_sum3A_2742 = vector.extract %reduce_sum3A_2741[15] : i32 from vector<16xi32>
        %ge3A_2743 = vector.broadcast %reduce_sum3A_2742 : i32 to vector<16xi32>
        %ge3A_2744 = arith.cmpi sge, %add3A_2515, %ge3A_2743 : vector<16xi32>
        %jit3A_2745 = arith.constant 1 : i32
        %jit3A_2746 = arith.constant 0 : i32
        %broadcast_in_dim3A_2747 = vector.broadcast %jit3A_2745 : i32 to vector<16xi32>
        %broadcast_in_dim3A_2748 = vector.broadcast %jit3A_2746 : i32 to vector<16xi32>
        %select_n3A_2749 = arith.select %ge3A_2744, %broadcast_in_dim3A_2747, %broadcast_in_dim3A_2748 : vector<16xi1>, vector<16xi32>
        %add3A_2750 = arith.addi %add3A_2732, %select_n3A_2749 : vector<16xi32>
        %eq3A_2751 = arith.constant 13 : i32
        %eq3A_2752 = vector.broadcast %eq3A_2751 : i32 to vector<16xi32>
        %eq3A_2753 = arith.cmpi eq, %iota3A, %eq3A_2752 : vector<16xi32>
        %jit3A_2754 = arith.constant 0 : i32
        %broadcast_in_dim3A_2755 = vector.broadcast %jit3A_2754 : i32 to vector<16xi32>
        %select_n3A_2756 = arith.select %eq3A_2753, %select_n3A_2512, %broadcast_in_dim3A_2755 : vector<16xi1>, vector<16xi32>
        %reduce_sum3A_2757 = arith.constant true
        %reduce_sum3A_2758 = vector.broadcast %reduce_sum3A_2757 : i1 to vector<16xi1>
        %reduce_sum3A_2759 = tpu.scan <sum>, %select_n3A_2756 masked %reduce_sum3A_2758 : vector<16xi32>, vector<16xi1> -> vector<16xi32>
        %reduce_sum3A_2760 = vector.extract %reduce_sum3A_2759[15] : i32 from vector<16xi32>
        %ge3A_2761 = vector.broadcast %reduce_sum3A_2760 : i32 to vector<16xi32>
        %ge3A_2762 = arith.cmpi sge, %add3A_2515, %ge3A_2761 : vector<16xi32>
        %jit3A_2763 = arith.constant 1 : i32
        %jit3A_2764 = arith.constant 0 : i32
        %broadcast_in_dim3A_2765 = vector.broadcast %jit3A_2763 : i32 to vector<16xi32>
        %broadcast_in_dim3A_2766 = vector.broadcast %jit3A_2764 : i32 to vector<16xi32>
        %select_n3A_2767 = arith.select %ge3A_2762, %broadcast_in_dim3A_2765, %broadcast_in_dim3A_2766 : vector<16xi1>, vector<16xi32>
        %add3A_2768 = arith.addi %add3A_2750, %select_n3A_2767 : vector<16xi32>
        %eq3A_2769 = arith.constant 14 : i32
        %eq3A_2770 = vector.broadcast %eq3A_2769 : i32 to vector<16xi32>
        %eq3A_2771 = arith.cmpi eq, %iota3A, %eq3A_2770 : vector<16xi32>
        %jit3A_2772 = arith.constant 0 : i32
        %broadcast_in_dim3A_2773 = vector.broadcast %jit3A_2772 : i32 to vector<16xi32>
        %select_n3A_2774 = arith.select %eq3A_2771, %select_n3A_2512, %broadcast_in_dim3A_2773 : vector<16xi1>, vector<16xi32>
        %reduce_sum3A_2775 = arith.constant true
        %reduce_sum3A_2776 = vector.broadcast %reduce_sum3A_2775 : i1 to vector<16xi1>
        %reduce_sum3A_2777 = tpu.scan <sum>, %select_n3A_2774 masked %reduce_sum3A_2776 : vector<16xi32>, vector<16xi1> -> vector<16xi32>
        %reduce_sum3A_2778 = vector.extract %reduce_sum3A_2777[15] : i32 from vector<16xi32>
        %ge3A_2779 = vector.broadcast %reduce_sum3A_2778 : i32 to vector<16xi32>
        %ge3A_2780 = arith.cmpi sge, %add3A_2515, %ge3A_2779 : vector<16xi32>
        %jit3A_2781 = arith.constant 1 : i32
        %jit3A_2782 = arith.constant 0 : i32
        %broadcast_in_dim3A_2783 = vector.broadcast %jit3A_2781 : i32 to vector<16xi32>
        %broadcast_in_dim3A_2784 = vector.broadcast %jit3A_2782 : i32 to vector<16xi32>
        %select_n3A_2785 = arith.select %ge3A_2780, %broadcast_in_dim3A_2783, %broadcast_in_dim3A_2784 : vector<16xi1>, vector<16xi32>
        %add3A_2786 = arith.addi %add3A_2768, %select_n3A_2785 : vector<16xi32>
        %eq3A_2787 = arith.constant 15 : i32
        %eq3A_2788 = vector.broadcast %eq3A_2787 : i32 to vector<16xi32>
        %eq3A_2789 = arith.cmpi eq, %iota3A, %eq3A_2788 : vector<16xi32>
        %jit3A_2790 = arith.constant 0 : i32
        %broadcast_in_dim3A_2791 = vector.broadcast %jit3A_2790 : i32 to vector<16xi32>
        %select_n3A_2792 = arith.select %eq3A_2789, %select_n3A_2512, %broadcast_in_dim3A_2791 : vector<16xi1>, vector<16xi32>
        %reduce_sum3A_2793 = arith.constant true
        %reduce_sum3A_2794 = vector.broadcast %reduce_sum3A_2793 : i1 to vector<16xi1>
        %reduce_sum3A_2795 = tpu.scan <sum>, %select_n3A_2792 masked %reduce_sum3A_2794 : vector<16xi32>, vector<16xi1> -> vector<16xi32>
        %reduce_sum3A_2796 = vector.extract %reduce_sum3A_2795[15] : i32 from vector<16xi32>
        %ge3A_2797 = vector.broadcast %reduce_sum3A_2796 : i32 to vector<16xi32>
        %ge3A_2798 = arith.cmpi sge, %add3A_2515, %ge3A_2797 : vector<16xi32>
        %jit3A_2799 = arith.constant 1 : i32
        %jit3A_2800 = arith.constant 0 : i32
        %broadcast_in_dim3A_2801 = vector.broadcast %jit3A_2799 : i32 to vector<16xi32>
        %broadcast_in_dim3A_2802 = vector.broadcast %jit3A_2800 : i32 to vector<16xi32>
        %select_n3A_2803 = arith.select %ge3A_2798, %broadcast_in_dim3A_2801, %broadcast_in_dim3A_2802 : vector<16xi1>, vector<16xi32>
        %add3A_2804 = arith.addi %add3A_2786, %select_n3A_2803 : vector<16xi32>
        %multiple_of3A_2805 = arith.constant 0 : i32
        %multiple_of3A_2806 = tpu.assume_multiple %multiple_of3A_2805, 8 : i32
        %swap3A_2807 = arith.index_cast %multiple_of3A_2806 : i32 to index
        %swap3A_2808 = tpu.vector_load %arg17[%swap3A_2807] {strides = array<i32>} : memref<64xi32, #tpu.memory_space<vmem>>, vector<16xi32>,
        tpu.vector_store %arg17[%swap3A_2807], %add3A_2804 {strides = array<i32>} : memref<64xi32, #tpu.memory_space<vmem>>, vector<16xi32>,
        %add3A_2809 = arith.constant 16 : i32
        %add3A_2810 = vector.broadcast %add3A_2809 : i32 to vector<16xi32>
        %add3A_2811 = arith.addi %add3A_2810, %iota3A : vector<16xi32>
        %broadcast_in_dim3A_2812 = arith.constant -1 : i32
        %broadcast_in_dim3A_2813 = vector.broadcast %broadcast_in_dim3A_2812 : i32 to vector<16xi32>
        %eq3A_2814 = arith.constant 0 : i32
        %eq3A_2815 = vector.broadcast %eq3A_2814 : i32 to vector<16xi32>
        %eq3A_2816 = arith.cmpi eq, %iota3A, %eq3A_2815 : vector<16xi32>
        %jit3A_2817 = arith.constant 0 : i32
        %broadcast_in_dim3A_2818 = vector.broadcast %jit3A_2817 : i32 to vector<16xi32>
        %select_n3A_2819 = arith.select %eq3A_2816, %select_n3A_2512, %broadcast_in_dim3A_2818 : vector<16xi1>, vector<16xi32>
        %reduce_sum3A_2820 = arith.constant true
        %reduce_sum3A_2821 = vector.broadcast %reduce_sum3A_2820 : i1 to vector<16xi1>
        %reduce_sum3A_2822 = tpu.scan <sum>, %select_n3A_2819 masked %reduce_sum3A_2821 : vector<16xi32>, vector<16xi1> -> vector<16xi32>
        %reduce_sum3A_2823 = vector.extract %reduce_sum3A_2822[15] : i32 from vector<16xi32>
        %ge3A_2824 = vector.broadcast %reduce_sum3A_2823 : i32 to vector<16xi32>
        %ge3A_2825 = arith.cmpi sge, %add3A_2811, %ge3A_2824 : vector<16xi32>
        %jit3A_2826 = arith.constant 1 : i32
        %jit3A_2827 = arith.constant 0 : i32
        %broadcast_in_dim3A_2828 = vector.broadcast %jit3A_2826 : i32 to vector<16xi32>
        %broadcast_in_dim3A_2829 = vector.broadcast %jit3A_2827 : i32 to vector<16xi32>
        %select_n3A_2830 = arith.select %ge3A_2825, %broadcast_in_dim3A_2828, %broadcast_in_dim3A_2829 : vector<16xi1>, vector<16xi32>
        %add3A_2831 = arith.addi %broadcast_in_dim3A_2813, %select_n3A_2830 : vector<16xi32>
        %eq3A_2832 = arith.constant 1 : i32
        %eq3A_2833 = vector.broadcast %eq3A_2832 : i32 to vector<16xi32>
        %eq3A_2834 = arith.cmpi eq, %iota3A, %eq3A_2833 : vector<16xi32>
        %jit3A_2835 = arith.constant 0 : i32
        %broadcast_in_dim3A_2836 = vector.broadcast %jit3A_2835 : i32 to vector<16xi32>
        %select_n3A_2837 = arith.select %eq3A_2834, %select_n3A_2512, %broadcast_in_dim3A_2836 : vector<16xi1>, vector<16xi32>
        %reduce_sum3A_2838 = arith.constant true
        %reduce_sum3A_2839 = vector.broadcast %reduce_sum3A_2838 : i1 to vector<16xi1>
        %reduce_sum3A_2840 = tpu.scan <sum>, %select_n3A_2837 masked %reduce_sum3A_2839 : vector<16xi32>, vector<16xi1> -> vector<16xi32>
        %reduce_sum3A_2841 = vector.extract %reduce_sum3A_2840[15] : i32 from vector<16xi32>
        %ge3A_2842 = vector.broadcast %reduce_sum3A_2841 : i32 to vector<16xi32>
        %ge3A_2843 = arith.cmpi sge, %add3A_2811, %ge3A_2842 : vector<16xi32>
        %jit3A_2844 = arith.constant 1 : i32
        %jit3A_2845 = arith.constant 0 : i32
        %broadcast_in_dim3A_2846 = vector.broadcast %jit3A_2844 : i32 to vector<16xi32>
        %broadcast_in_dim3A_2847 = vector.broadcast %jit3A_2845 : i32 to vector<16xi32>
        %select_n3A_2848 = arith.select %ge3A_2843, %broadcast_in_dim3A_2846, %broadcast_in_dim3A_2847 : vector<16xi1>, vector<16xi32>
        %add3A_2849 = arith.addi %add3A_2831, %select_n3A_2848 : vector<16xi32>
        %eq3A_2850 = arith.constant 2 : i32
        %eq3A_2851 = vector.broadcast %eq3A_2850 : i32 to vector<16xi32>
        %eq3A_2852 = arith.cmpi eq, %iota3A, %eq3A_2851 : vector<16xi32>
        %jit3A_2853 = arith.constant 0 : i32
        %broadcast_in_dim3A_2854 = vector.broadcast %jit3A_2853 : i32 to vector<16xi32>
        %select_n3A_2855 = arith.select %eq3A_2852, %select_n3A_2512, %broadcast_in_dim3A_2854 : vector<16xi1>, vector<16xi32>
        %reduce_sum3A_2856 = arith.constant true
        %reduce_sum3A_2857 = vector.broadcast %reduce_sum3A_2856 : i1 to vector<16xi1>
        %reduce_sum3A_2858 = tpu.scan <sum>, %select_n3A_2855 masked %reduce_sum3A_2857 : vector<16xi32>, vector<16xi1> -> vector<16xi32>
        %reduce_sum3A_2859 = vector.extract %reduce_sum3A_2858[15] : i32 from vector<16xi32>
        %ge3A_2860 = vector.broadcast %reduce_sum3A_2859 : i32 to vector<16xi32>
        %ge3A_2861 = arith.cmpi sge, %add3A_2811, %ge3A_2860 : vector<16xi32>
        %jit3A_2862 = arith.constant 1 : i32
        %jit3A_2863 = arith.constant 0 : i32
        %broadcast_in_dim3A_2864 = vector.broadcast %jit3A_2862 : i32 to vector<16xi32>
        %broadcast_in_dim3A_2865 = vector.broadcast %jit3A_2863 : i32 to vector<16xi32>
        %select_n3A_2866 = arith.select %ge3A_2861, %broadcast_in_dim3A_2864, %broadcast_in_dim3A_2865 : vector<16xi1>, vector<16xi32>
        %add3A_2867 = arith.addi %add3A_2849, %select_n3A_2866 : vector<16xi32>
        %eq3A_2868 = arith.constant 3 : i32
        %eq3A_2869 = vector.broadcast %eq3A_2868 : i32 to vector<16xi32>
        %eq3A_2870 = arith.cmpi eq, %iota3A, %eq3A_2869 : vector<16xi32>
        %jit3A_2871 = arith.constant 0 : i32
        %broadcast_in_dim3A_2872 = vector.broadcast %jit3A_2871 : i32 to vector<16xi32>
        %select_n3A_2873 = arith.select %eq3A_2870, %select_n3A_2512, %broadcast_in_dim3A_2872 : vector<16xi1>, vector<16xi32>
        %reduce_sum3A_2874 = arith.constant true
        %reduce_sum3A_2875 = vector.broadcast %reduce_sum3A_2874 : i1 to vector<16xi1>
        %reduce_sum3A_2876 = tpu.scan <sum>, %select_n3A_2873 masked %reduce_sum3A_2875 : vector<16xi32>, vector<16xi1> -> vector<16xi32>
        %reduce_sum3A_2877 = vector.extract %reduce_sum3A_2876[15] : i32 from vector<16xi32>
        %ge3A_2878 = vector.broadcast %reduce_sum3A_2877 : i32 to vector<16xi32>
        %ge3A_2879 = arith.cmpi sge, %add3A_2811, %ge3A_2878 : vector<16xi32>
        %jit3A_2880 = arith.constant 1 : i32
        %jit3A_2881 = arith.constant 0 : i32
        %broadcast_in_dim3A_2882 = vector.broadcast %jit3A_2880 : i32 to vector<16xi32>
        %broadcast_in_dim3A_2883 = vector.broadcast %jit3A_2881 : i32 to vector<16xi32>
        %select_n3A_2884 = arith.select %ge3A_2879, %broadcast_in_dim3A_2882, %broadcast_in_dim3A_2883 : vector<16xi1>, vector<16xi32>
        %add3A_2885 = arith.addi %add3A_2867, %select_n3A_2884 : vector<16xi32>
        %eq3A_2886 = arith.constant 4 : i32
        %eq3A_2887 = vector.broadcast %eq3A_2886 : i32 to vector<16xi32>
        %eq3A_2888 = arith.cmpi eq, %iota3A, %eq3A_2887 : vector<16xi32>
        %jit3A_2889 = arith.constant 0 : i32
        %broadcast_in_dim3A_2890 = vector.broadcast %jit3A_2889 : i32 to vector<16xi32>
        %select_n3A_2891 = arith.select %eq3A_2888, %select_n3A_2512, %broadcast_in_dim3A_2890 : vector<16xi1>, vector<16xi32>
        %reduce_sum3A_2892 = arith.constant true
        %reduce_sum3A_2893 = vector.broadcast %reduce_sum3A_2892 : i1 to vector<16xi1>
        %reduce_sum3A_2894 = tpu.scan <sum>, %select_n3A_2891 masked %reduce_sum3A_2893 : vector<16xi32>, vector<16xi1> -> vector<16xi32>
        %reduce_sum3A_2895 = vector.extract %reduce_sum3A_2894[15] : i32 from vector<16xi32>
        %ge3A_2896 = vector.broadcast %reduce_sum3A_2895 : i32 to vector<16xi32>
        %ge3A_2897 = arith.cmpi sge, %add3A_2811, %ge3A_2896 : vector<16xi32>
        %jit3A_2898 = arith.constant 1 : i32
        %jit3A_2899 = arith.constant 0 : i32
        %broadcast_in_dim3A_2900 = vector.broadcast %jit3A_2898 : i32 to vector<16xi32>
        %broadcast_in_dim3A_2901 = vector.broadcast %jit3A_2899 : i32 to vector<16xi32>
        %select_n3A_2902 = arith.select %ge3A_2897, %broadcast_in_dim3A_2900, %broadcast_in_dim3A_2901 : vector<16xi1>, vector<16xi32>
        %add3A_2903 = arith.addi %add3A_2885, %select_n3A_2902 : vector<16xi32>
        %eq3A_2904 = arith.constant 5 : i32
        %eq3A_2905 = vector.broadcast %eq3A_2904 : i32 to vector<16xi32>
        %eq3A_2906 = arith.cmpi eq, %iota3A, %eq3A_2905 : vector<16xi32>
        %jit3A_2907 = arith.constant 0 : i32
        %broadcast_in_dim3A_2908 = vector.broadcast %jit3A_2907 : i32 to vector<16xi32>
        %select_n3A_2909 = arith.select %eq3A_2906, %select_n3A_2512, %broadcast_in_dim3A_2908 : vector<16xi1>, vector<16xi32>
        %reduce_sum3A_2910 = arith.constant true
        %reduce_sum3A_2911 = vector.broadcast %reduce_sum3A_2910 : i1 to vector<16xi1>
        %reduce_sum3A_2912 = tpu.scan <sum>, %select_n3A_2909 masked %reduce_sum3A_2911 : vector<16xi32>, vector<16xi1> -> vector<16xi32>
        %reduce_sum3A_2913 = vector.extract %reduce_sum3A_2912[15] : i32 from vector<16xi32>
        %ge3A_2914 = vector.broadcast %reduce_sum3A_2913 : i32 to vector<16xi32>
        %ge3A_2915 = arith.cmpi sge, %add3A_2811, %ge3A_2914 : vector<16xi32>
        %jit3A_2916 = arith.constant 1 : i32
        %jit3A_2917 = arith.constant 0 : i32
        %broadcast_in_dim3A_2918 = vector.broadcast %jit3A_2916 : i32 to vector<16xi32>
        %broadcast_in_dim3A_2919 = vector.broadcast %jit3A_2917 : i32 to vector<16xi32>
        %select_n3A_2920 = arith.select %ge3A_2915, %broadcast_in_dim3A_2918, %broadcast_in_dim3A_2919 : vector<16xi1>, vector<16xi32>
        %add3A_2921 = arith.addi %add3A_2903, %select_n3A_2920 : vector<16xi32>
        %eq3A_2922 = arith.constant 6 : i32
        %eq3A_2923 = vector.broadcast %eq3A_2922 : i32 to vector<16xi32>
        %eq3A_2924 = arith.cmpi eq, %iota3A, %eq3A_2923 : vector<16xi32>
        %jit3A_2925 = arith.constant 0 : i32
        %broadcast_in_dim3A_2926 = vector.broadcast %jit3A_2925 : i32 to vector<16xi32>
        %select_n3A_2927 = arith.select %eq3A_2924, %select_n3A_2512, %broadcast_in_dim3A_2926 : vector<16xi1>, vector<16xi32>
        %reduce_sum3A_2928 = arith.constant true
        %reduce_sum3A_2929 = vector.broadcast %reduce_sum3A_2928 : i1 to vector<16xi1>
        %reduce_sum3A_2930 = tpu.scan <sum>, %select_n3A_2927 masked %reduce_sum3A_2929 : vector<16xi32>, vector<16xi1> -> vector<16xi32>
        %reduce_sum3A_2931 = vector.extract %reduce_sum3A_2930[15] : i32 from vector<16xi32>
        %ge3A_2932 = vector.broadcast %reduce_sum3A_2931 : i32 to vector<16xi32>
        %ge3A_2933 = arith.cmpi sge, %add3A_2811, %ge3A_2932 : vector<16xi32>
        %jit3A_2934 = arith.constant 1 : i32
        %jit3A_2935 = arith.constant 0 : i32
        %broadcast_in_dim3A_2936 = vector.broadcast %jit3A_2934 : i32 to vector<16xi32>
        %broadcast_in_dim3A_2937 = vector.broadcast %jit3A_2935 : i32 to vector<16xi32>
        %select_n3A_2938 = arith.select %ge3A_2933, %broadcast_in_dim3A_2936, %broadcast_in_dim3A_2937 : vector<16xi1>, vector<16xi32>
        %add3A_2939 = arith.addi %add3A_2921, %select_n3A_2938 : vector<16xi32>
        %eq3A_2940 = arith.constant 7 : i32
        %eq3A_2941 = vector.broadcast %eq3A_2940 : i32 to vector<16xi32>
        %eq3A_2942 = arith.cmpi eq, %iota3A, %eq3A_2941 : vector<16xi32>
        %jit3A_2943 = arith.constant 0 : i32
        %broadcast_in_dim3A_2944 = vector.broadcast %jit3A_2943 : i32 to vector<16xi32>
        %select_n3A_2945 = arith.select %eq3A_2942, %select_n3A_2512, %broadcast_in_dim3A_2944 : vector<16xi1>, vector<16xi32>
        %reduce_sum3A_2946 = arith.constant true
        %reduce_sum3A_2947 = vector.broadcast %reduce_sum3A_2946 : i1 to vector<16xi1>
        %reduce_sum3A_2948 = tpu.scan <sum>, %select_n3A_2945 masked %reduce_sum3A_2947 : vector<16xi32>, vector<16xi1> -> vector<16xi32>
        %reduce_sum3A_2949 = vector.extract %reduce_sum3A_2948[15] : i32 from vector<16xi32>
        %ge3A_2950 = vector.broadcast %reduce_sum3A_2949 : i32 to vector<16xi32>
        %ge3A_2951 = arith.cmpi sge, %add3A_2811, %ge3A_2950 : vector<16xi32>
        %jit3A_2952 = arith.constant 1 : i32
        %jit3A_2953 = arith.constant 0 : i32
        %broadcast_in_dim3A_2954 = vector.broadcast %jit3A_2952 : i32 to vector<16xi32>
        %broadcast_in_dim3A_2955 = vector.broadcast %jit3A_2953 : i32 to vector<16xi32>
        %select_n3A_2956 = arith.select %ge3A_2951, %broadcast_in_dim3A_2954, %broadcast_in_dim3A_2955 : vector<16xi1>, vector<16xi32>
        %add3A_2957 = arith.addi %add3A_2939, %select_n3A_2956 : vector<16xi32>
        %eq3A_2958 = arith.constant 8 : i32
        %eq3A_2959 = vector.broadcast %eq3A_2958 : i32 to vector<16xi32>
        %eq3A_2960 = arith.cmpi eq, %iota3A, %eq3A_2959 : vector<16xi32>
        %jit3A_2961 = arith.constant 0 : i32
        %broadcast_in_dim3A_2962 = vector.broadcast %jit3A_2961 : i32 to vector<16xi32>
        %select_n3A_2963 = arith.select %eq3A_2960, %select_n3A_2512, %broadcast_in_dim3A_2962 : vector<16xi1>, vector<16xi32>
        %reduce_sum3A_2964 = arith.constant true
        %reduce_sum3A_2965 = vector.broadcast %reduce_sum3A_2964 : i1 to vector<16xi1>
        %reduce_sum3A_2966 = tpu.scan <sum>, %select_n3A_2963 masked %reduce_sum3A_2965 : vector<16xi32>, vector<16xi1> -> vector<16xi32>
        %reduce_sum3A_2967 = vector.extract %reduce_sum3A_2966[15] : i32 from vector<16xi32>
        %ge3A_2968 = vector.broadcast %reduce_sum3A_2967 : i32 to vector<16xi32>
        %ge3A_2969 = arith.cmpi sge, %add3A_2811, %ge3A_2968 : vector<16xi32>
        %jit3A_2970 = arith.constant 1 : i32
        %jit3A_2971 = arith.constant 0 : i32
        %broadcast_in_dim3A_2972 = vector.broadcast %jit3A_2970 : i32 to vector<16xi32>
        %broadcast_in_dim3A_2973 = vector.broadcast %jit3A_2971 : i32 to vector<16xi32>
        %select_n3A_2974 = arith.select %ge3A_2969, %broadcast_in_dim3A_2972, %broadcast_in_dim3A_2973 : vector<16xi1>, vector<16xi32>
        %add3A_2975 = arith.addi %add3A_2957, %select_n3A_2974 : vector<16xi32>
        %eq3A_2976 = arith.constant 9 : i32
        %eq3A_2977 = vector.broadcast %eq3A_2976 : i32 to vector<16xi32>
        %eq3A_2978 = arith.cmpi eq, %iota3A, %eq3A_2977 : vector<16xi32>
        %jit3A_2979 = arith.constant 0 : i32
        %broadcast_in_dim3A_2980 = vector.broadcast %jit3A_2979 : i32 to vector<16xi32>
        %select_n3A_2981 = arith.select %eq3A_2978, %select_n3A_2512, %broadcast_in_dim3A_2980 : vector<16xi1>, vector<16xi32>
        %reduce_sum3A_2982 = arith.constant true
        %reduce_sum3A_2983 = vector.broadcast %reduce_sum3A_2982 : i1 to vector<16xi1>
        %reduce_sum3A_2984 = tpu.scan <sum>, %select_n3A_2981 masked %reduce_sum3A_2983 : vector<16xi32>, vector<16xi1> -> vector<16xi32>
        %reduce_sum3A_2985 = vector.extract %reduce_sum3A_2984[15] : i32 from vector<16xi32>
        %ge3A_2986 = vector.broadcast %reduce_sum3A_2985 : i32 to vector<16xi32>
        %ge3A_2987 = arith.cmpi sge, %add3A_2811, %ge3A_2986 : vector<16xi32>
        %jit3A_2988 = arith.constant 1 : i32
        %jit3A_2989 = arith.constant 0 : i32
        %broadcast_in_dim3A_2990 = vector.broadcast %jit3A_2988 : i32 to vector<16xi32>
        %broadcast_in_dim3A_2991 = vector.broadcast %jit3A_2989 : i32 to vector<16xi32>
        %select_n3A_2992 = arith.select %ge3A_2987, %broadcast_in_dim3A_2990, %broadcast_in_dim3A_2991 : vector<16xi1>, vector<16xi32>
        %add3A_2993 = arith.addi %add3A_2975, %select_n3A_2992 : vector<16xi32>
        %eq3A_2994 = arith.constant 10 : i32
        %eq3A_2995 = vector.broadcast %eq3A_2994 : i32 to vector<16xi32>
        %eq3A_2996 = arith.cmpi eq, %iota3A, %eq3A_2995 : vector<16xi32>
        %jit3A_2997 = arith.constant 0 : i32
        %broadcast_in_dim3A_2998 = vector.broadcast %jit3A_2997 : i32 to vector<16xi32>
        %select_n3A_2999 = arith.select %eq3A_2996, %select_n3A_2512, %broadcast_in_dim3A_2998 : vector<16xi1>, vector<16xi32>
        %reduce_sum3A_3000 = arith.constant true
        %reduce_sum3A_3001 = vector.broadcast %reduce_sum3A_3000 : i1 to vector<16xi1>
        %reduce_sum3A_3002 = tpu.scan <sum>, %select_n3A_2999 masked %reduce_sum3A_3001 : vector<16xi32>, vector<16xi1> -> vector<16xi32>
        %reduce_sum3A_3003 = vector.extract %reduce_sum3A_3002[15] : i32 from vector<16xi32>
        %ge3A_3004 = vector.broadcast %reduce_sum3A_3003 : i32 to vector<16xi32>
        %ge3A_3005 = arith.cmpi sge, %add3A_2811, %ge3A_3004 : vector<16xi32>
        %jit3A_3006 = arith.constant 1 : i32
        %jit3A_3007 = arith.constant 0 : i32
        %broadcast_in_dim3A_3008 = vector.broadcast %jit3A_3006 : i32 to vector<16xi32>
        %broadcast_in_dim3A_3009 = vector.broadcast %jit3A_3007 : i32 to vector<16xi32>
        %select_n3A_3010 = arith.select %ge3A_3005, %broadcast_in_dim3A_3008, %broadcast_in_dim3A_3009 : vector<16xi1>, vector<16xi32>
        %add3A_3011 = arith.addi %add3A_2993, %select_n3A_3010 : vector<16xi32>
        %eq3A_3012 = arith.constant 11 : i32
        %eq3A_3013 = vector.broadcast %eq3A_3012 : i32 to vector<16xi32>
        %eq3A_3014 = arith.cmpi eq, %iota3A, %eq3A_3013 : vector<16xi32>
        %jit3A_3015 = arith.constant 0 : i32
        %broadcast_in_dim3A_3016 = vector.broadcast %jit3A_3015 : i32 to vector<16xi32>
        %select_n3A_3017 = arith.select %eq3A_3014, %select_n3A_2512, %broadcast_in_dim3A_3016 : vector<16xi1>, vector<16xi32>
        %reduce_sum3A_3018 = arith.constant true
        %reduce_sum3A_3019 = vector.broadcast %reduce_sum3A_3018 : i1 to vector<16xi1>
        %reduce_sum3A_3020 = tpu.scan <sum>, %select_n3A_3017 masked %reduce_sum3A_3019 : vector<16xi32>, vector<16xi1> -> vector<16xi32>
        %reduce_sum3A_3021 = vector.extract %reduce_sum3A_3020[15] : i32 from vector<16xi32>
        %ge3A_3022 = vector.broadcast %reduce_sum3A_3021 : i32 to vector<16xi32>
        %ge3A_3023 = arith.cmpi sge, %add3A_2811, %ge3A_3022 : vector<16xi32>
        %jit3A_3024 = arith.constant 1 : i32
        %jit3A_3025 = arith.constant 0 : i32
        %broadcast_in_dim3A_3026 = vector.broadcast %jit3A_3024 : i32 to vector<16xi32>
        %broadcast_in_dim3A_3027 = vector.broadcast %jit3A_3025 : i32 to vector<16xi32>
        %select_n3A_3028 = arith.select %ge3A_3023, %broadcast_in_dim3A_3026, %broadcast_in_dim3A_3027 : vector<16xi1>, vector<16xi32>
        %add3A_3029 = arith.addi %add3A_3011, %select_n3A_3028 : vector<16xi32>
        %eq3A_3030 = arith.constant 12 : i32
        %eq3A_3031 = vector.broadcast %eq3A_3030 : i32 to vector<16xi32>
        %eq3A_3032 = arith.cmpi eq, %iota3A, %eq3A_3031 : vector<16xi32>
        %jit3A_3033 = arith.constant 0 : i32
        %broadcast_in_dim3A_3034 = vector.broadcast %jit3A_3033 : i32 to vector<16xi32>
        %select_n3A_3035 = arith.select %eq3A_3032, %select_n3A_2512, %broadcast_in_dim3A_3034 : vector<16xi1>, vector<16xi32>
        %reduce_sum3A_3036 = arith.constant true
        %reduce_sum3A_3037 = vector.broadcast %reduce_sum3A_3036 : i1 to vector<16xi1>
        %reduce_sum3A_3038 = tpu.scan <sum>, %select_n3A_3035 masked %reduce_sum3A_3037 : vector<16xi32>, vector<16xi1> -> vector<16xi32>
        %reduce_sum3A_3039 = vector.extract %reduce_sum3A_3038[15] : i32 from vector<16xi32>
        %ge3A_3040 = vector.broadcast %reduce_sum3A_3039 : i32 to vector<16xi32>
        %ge3A_3041 = arith.cmpi sge, %add3A_2811, %ge3A_3040 : vector<16xi32>
        %jit3A_3042 = arith.constant 1 : i32
        %jit3A_3043 = arith.constant 0 : i32
        %broadcast_in_dim3A_3044 = vector.broadcast %jit3A_3042 : i32 to vector<16xi32>
        %broadcast_in_dim3A_3045 = vector.broadcast %jit3A_3043 : i32 to vector<16xi32>
        %select_n3A_3046 = arith.select %ge3A_3041, %broadcast_in_dim3A_3044, %broadcast_in_dim3A_3045 : vector<16xi1>, vector<16xi32>
        %add3A_3047 = arith.addi %add3A_3029, %select_n3A_3046 : vector<16xi32>
        %eq3A_3048 = arith.constant 13 : i32
        %eq3A_3049 = vector.broadcast %eq3A_3048 : i32 to vector<16xi32>
        %eq3A_3050 = arith.cmpi eq, %iota3A, %eq3A_3049 : vector<16xi32>
        %jit3A_3051 = arith.constant 0 : i32
        %broadcast_in_dim3A_3052 = vector.broadcast %jit3A_3051 : i32 to vector<16xi32>
        %select_n3A_3053 = arith.select %eq3A_3050, %select_n3A_2512, %broadcast_in_dim3A_3052 : vector<16xi1>, vector<16xi32>
        %reduce_sum3A_3054 = arith.constant true
        %reduce_sum3A_3055 = vector.broadcast %reduce_sum3A_3054 : i1 to vector<16xi1>
        %reduce_sum3A_3056 = tpu.scan <sum>, %select_n3A_3053 masked %reduce_sum3A_3055 : vector<16xi32>, vector<16xi1> -> vector<16xi32>
        %reduce_sum3A_3057 = vector.extract %reduce_sum3A_3056[15] : i32 from vector<16xi32>
        %ge3A_3058 = vector.broadcast %reduce_sum3A_3057 : i32 to vector<16xi32>
        %ge3A_3059 = arith.cmpi sge, %add3A_2811, %ge3A_3058 : vector<16xi32>
        %jit3A_3060 = arith.constant 1 : i32
        %jit3A_3061 = arith.constant 0 : i32
        %broadcast_in_dim3A_3062 = vector.broadcast %jit3A_3060 : i32 to vector<16xi32>
        %broadcast_in_dim3A_3063 = vector.broadcast %jit3A_3061 : i32 to vector<16xi32>
        %select_n3A_3064 = arith.select %ge3A_3059, %broadcast_in_dim3A_3062, %broadcast_in_dim3A_3063 : vector<16xi1>, vector<16xi32>
        %add3A_3065 = arith.addi %add3A_3047, %select_n3A_3064 : vector<16xi32>
        %eq3A_3066 = arith.constant 14 : i32
        %eq3A_3067 = vector.broadcast %eq3A_3066 : i32 to vector<16xi32>
        %eq3A_3068 = arith.cmpi eq, %iota3A, %eq3A_3067 : vector<16xi32>
        %jit3A_3069 = arith.constant 0 : i32
        %broadcast_in_dim3A_3070 = vector.broadcast %jit3A_3069 : i32 to vector<16xi32>
        %select_n3A_3071 = arith.select %eq3A_3068, %select_n3A_2512, %broadcast_in_dim3A_3070 : vector<16xi1>, vector<16xi32>
        %reduce_sum3A_3072 = arith.constant true
        %reduce_sum3A_3073 = vector.broadcast %reduce_sum3A_3072 : i1 to vector<16xi1>
        %reduce_sum3A_3074 = tpu.scan <sum>, %select_n3A_3071 masked %reduce_sum3A_3073 : vector<16xi32>, vector<16xi1> -> vector<16xi32>
        %reduce_sum3A_3075 = vector.extract %reduce_sum3A_3074[15] : i32 from vector<16xi32>
        %ge3A_3076 = vector.broadcast %reduce_sum3A_3075 : i32 to vector<16xi32>
        %ge3A_3077 = arith.cmpi sge, %add3A_2811, %ge3A_3076 : vector<16xi32>
        %jit3A_3078 = arith.constant 1 : i32
        %jit3A_3079 = arith.constant 0 : i32
        %broadcast_in_dim3A_3080 = vector.broadcast %jit3A_3078 : i32 to vector<16xi32>
        %broadcast_in_dim3A_3081 = vector.broadcast %jit3A_3079 : i32 to vector<16xi32>
        %select_n3A_3082 = arith.select %ge3A_3077, %broadcast_in_dim3A_3080, %broadcast_in_dim3A_3081 : vector<16xi1>, vector<16xi32>
        %add3A_3083 = arith.addi %add3A_3065, %select_n3A_3082 : vector<16xi32>
        %eq3A_3084 = arith.constant 15 : i32
        %eq3A_3085 = vector.broadcast %eq3A_3084 : i32 to vector<16xi32>
        %eq3A_3086 = arith.cmpi eq, %iota3A, %eq3A_3085 : vector<16xi32>
        %jit3A_3087 = arith.constant 0 : i32
        %broadcast_in_dim3A_3088 = vector.broadcast %jit3A_3087 : i32 to vector<16xi32>
        %select_n3A_3089 = arith.select %eq3A_3086, %select_n3A_2512, %broadcast_in_dim3A_3088 : vector<16xi1>, vector<16xi32>
        %reduce_sum3A_3090 = arith.constant true
        %reduce_sum3A_3091 = vector.broadcast %reduce_sum3A_3090 : i1 to vector<16xi1>
        %reduce_sum3A_3092 = tpu.scan <sum>, %select_n3A_3089 masked %reduce_sum3A_3091 : vector<16xi32>, vector<16xi1> -> vector<16xi32>
        %reduce_sum3A_3093 = vector.extract %reduce_sum3A_3092[15] : i32 from vector<16xi32>
        %ge3A_3094 = vector.broadcast %reduce_sum3A_3093 : i32 to vector<16xi32>
        %ge3A_3095 = arith.cmpi sge, %add3A_2811, %ge3A_3094 : vector<16xi32>
        %jit3A_3096 = arith.constant 1 : i32
        %jit3A_3097 = arith.constant 0 : i32
        %broadcast_in_dim3A_3098 = vector.broadcast %jit3A_3096 : i32 to vector<16xi32>
        %broadcast_in_dim3A_3099 = vector.broadcast %jit3A_3097 : i32 to vector<16xi32>
        %select_n3A_3100 = arith.select %ge3A_3095, %broadcast_in_dim3A_3098, %broadcast_in_dim3A_3099 : vector<16xi1>, vector<16xi32>
        %add3A_3101 = arith.addi %add3A_3083, %select_n3A_3100 : vector<16xi32>
        %multiple_of3A_3102 = arith.constant 16 : i32
        %multiple_of3A_3103 = tpu.assume_multiple %multiple_of3A_3102, 8 : i32
        %swap3A_3104 = arith.index_cast %multiple_of3A_3103 : i32 to index
        %swap3A_3105 = tpu.vector_load %arg17[%swap3A_3104] {strides = array<i32>} : memref<64xi32, #tpu.memory_space<vmem>>, vector<16xi32>,
        tpu.vector_store %arg17[%swap3A_3104], %add3A_3101 {strides = array<i32>} : memref<64xi32, #tpu.memory_space<vmem>>, vector<16xi32>,
        %add3A_3106 = arith.constant 32 : i32
        %add3A_3107 = vector.broadcast %add3A_3106 : i32 to vector<16xi32>
        %add3A_3108 = arith.addi %add3A_3107, %iota3A : vector<16xi32>
        %broadcast_in_dim3A_3109 = arith.constant -1 : i32
        %broadcast_in_dim3A_3110 = vector.broadcast %broadcast_in_dim3A_3109 : i32 to vector<16xi32>
        %eq3A_3111 = arith.constant 0 : i32
        %eq3A_3112 = vector.broadcast %eq3A_3111 : i32 to vector<16xi32>
        %eq3A_3113 = arith.cmpi eq, %iota3A, %eq3A_3112 : vector<16xi32>
        %jit3A_3114 = arith.constant 0 : i32
        %broadcast_in_dim3A_3115 = vector.broadcast %jit3A_3114 : i32 to vector<16xi32>
        %select_n3A_3116 = arith.select %eq3A_3113, %select_n3A_2512, %broadcast_in_dim3A_3115 : vector<16xi1>, vector<16xi32>
        %reduce_sum3A_3117 = arith.constant true
        %reduce_sum3A_3118 = vector.broadcast %reduce_sum3A_3117 : i1 to vector<16xi1>
        %reduce_sum3A_3119 = tpu.scan <sum>, %select_n3A_3116 masked %reduce_sum3A_3118 : vector<16xi32>, vector<16xi1> -> vector<16xi32>
        %reduce_sum3A_3120 = vector.extract %reduce_sum3A_3119[15] : i32 from vector<16xi32>
        %ge3A_3121 = vector.broadcast %reduce_sum3A_3120 : i32 to vector<16xi32>
        %ge3A_3122 = arith.cmpi sge, %add3A_3108, %ge3A_3121 : vector<16xi32>
        %jit3A_3123 = arith.constant 1 : i32
        %jit3A_3124 = arith.constant 0 : i32
        %broadcast_in_dim3A_3125 = vector.broadcast %jit3A_3123 : i32 to vector<16xi32>
        %broadcast_in_dim3A_3126 = vector.broadcast %jit3A_3124 : i32 to vector<16xi32>
        %select_n3A_3127 = arith.select %ge3A_3122, %broadcast_in_dim3A_3125, %broadcast_in_dim3A_3126 : vector<16xi1>, vector<16xi32>
        %add3A_3128 = arith.addi %broadcast_in_dim3A_3110, %select_n3A_3127 : vector<16xi32>
        %eq3A_3129 = arith.constant 1 : i32
        %eq3A_3130 = vector.broadcast %eq3A_3129 : i32 to vector<16xi32>
        %eq3A_3131 = arith.cmpi eq, %iota3A, %eq3A_3130 : vector<16xi32>
        %jit3A_3132 = arith.constant 0 : i32
        %broadcast_in_dim3A_3133 = vector.broadcast %jit3A_3132 : i32 to vector<16xi32>
        %select_n3A_3134 = arith.select %eq3A_3131, %select_n3A_2512, %broadcast_in_dim3A_3133 : vector<16xi1>, vector<16xi32>
        %reduce_sum3A_3135 = arith.constant true
        %reduce_sum3A_3136 = vector.broadcast %reduce_sum3A_3135 : i1 to vector<16xi1>
        %reduce_sum3A_3137 = tpu.scan <sum>, %select_n3A_3134 masked %reduce_sum3A_3136 : vector<16xi32>, vector<16xi1> -> vector<16xi32>
        %reduce_sum3A_3138 = vector.extract %reduce_sum3A_3137[15] : i32 from vector<16xi32>
        %ge3A_3139 = vector.broadcast %reduce_sum3A_3138 : i32 to vector<16xi32>
        %ge3A_3140 = arith.cmpi sge, %add3A_3108, %ge3A_3139 : vector<16xi32>
        %jit3A_3141 = arith.constant 1 : i32
        %jit3A_3142 = arith.constant 0 : i32
        %broadcast_in_dim3A_3143 = vector.broadcast %jit3A_3141 : i32 to vector<16xi32>
        %broadcast_in_dim3A_3144 = vector.broadcast %jit3A_3142 : i32 to vector<16xi32>
        %select_n3A_3145 = arith.select %ge3A_3140, %broadcast_in_dim3A_3143, %broadcast_in_dim3A_3144 : vector<16xi1>, vector<16xi32>
        %add3A_3146 = arith.addi %add3A_3128, %select_n3A_3145 : vector<16xi32>
        %eq3A_3147 = arith.constant 2 : i32
        %eq3A_3148 = vector.broadcast %eq3A_3147 : i32 to vector<16xi32>
        %eq3A_3149 = arith.cmpi eq, %iota3A, %eq3A_3148 : vector<16xi32>
        %jit3A_3150 = arith.constant 0 : i32
        %broadcast_in_dim3A_3151 = vector.broadcast %jit3A_3150 : i32 to vector<16xi32>
        %select_n3A_3152 = arith.select %eq3A_3149, %select_n3A_2512, %broadcast_in_dim3A_3151 : vector<16xi1>, vector<16xi32>
        %reduce_sum3A_3153 = arith.constant true
        %reduce_sum3A_3154 = vector.broadcast %reduce_sum3A_3153 : i1 to vector<16xi1>
        %reduce_sum3A_3155 = tpu.scan <sum>, %select_n3A_3152 masked %reduce_sum3A_3154 : vector<16xi32>, vector<16xi1> -> vector<16xi32>
        %reduce_sum3A_3156 = vector.extract %reduce_sum3A_3155[15] : i32 from vector<16xi32>
        %ge3A_3157 = vector.broadcast %reduce_sum3A_3156 : i32 to vector<16xi32>
        %ge3A_3158 = arith.cmpi sge, %add3A_3108, %ge3A_3157 : vector<16xi32>
        %jit3A_3159 = arith.constant 1 : i32
        %jit3A_3160 = arith.constant 0 : i32
        %broadcast_in_dim3A_3161 = vector.broadcast %jit3A_3159 : i32 to vector<16xi32>
        %broadcast_in_dim3A_3162 = vector.broadcast %jit3A_3160 : i32 to vector<16xi32>
        %select_n3A_3163 = arith.select %ge3A_3158, %broadcast_in_dim3A_3161, %broadcast_in_dim3A_3162 : vector<16xi1>, vector<16xi32>
        %add3A_3164 = arith.addi %add3A_3146, %select_n3A_3163 : vector<16xi32>
        %eq3A_3165 = arith.constant 3 : i32
        %eq3A_3166 = vector.broadcast %eq3A_3165 : i32 to vector<16xi32>
        %eq3A_3167 = arith.cmpi eq, %iota3A, %eq3A_3166 : vector<16xi32>
        %jit3A_3168 = arith.constant 0 : i32
        %broadcast_in_dim3A_3169 = vector.broadcast %jit3A_3168 : i32 to vector<16xi32>
        %select_n3A_3170 = arith.select %eq3A_3167, %select_n3A_2512, %broadcast_in_dim3A_3169 : vector<16xi1>, vector<16xi32>
        %reduce_sum3A_3171 = arith.constant true
        %reduce_sum3A_3172 = vector.broadcast %reduce_sum3A_3171 : i1 to vector<16xi1>
        %reduce_sum3A_3173 = tpu.scan <sum>, %select_n3A_3170 masked %reduce_sum3A_3172 : vector<16xi32>, vector<16xi1> -> vector<16xi32>
        %reduce_sum3A_3174 = vector.extract %reduce_sum3A_3173[15] : i32 from vector<16xi32>
        %ge3A_3175 = vector.broadcast %reduce_sum3A_3174 : i32 to vector<16xi32>
        %ge3A_3176 = arith.cmpi sge, %add3A_3108, %ge3A_3175 : vector<16xi32>
        %jit3A_3177 = arith.constant 1 : i32
        %jit3A_3178 = arith.constant 0 : i32
        %broadcast_in_dim3A_3179 = vector.broadcast %jit3A_3177 : i32 to vector<16xi32>
        %broadcast_in_dim3A_3180 = vector.broadcast %jit3A_3178 : i32 to vector<16xi32>
        %select_n3A_3181 = arith.select %ge3A_3176, %broadcast_in_dim3A_3179, %broadcast_in_dim3A_3180 : vector<16xi1>, vector<16xi32>
        %add3A_3182 = arith.addi %add3A_3164, %select_n3A_3181 : vector<16xi32>
        %eq3A_3183 = arith.constant 4 : i32
        %eq3A_3184 = vector.broadcast %eq3A_3183 : i32 to vector<16xi32>
        %eq3A_3185 = arith.cmpi eq, %iota3A, %eq3A_3184 : vector<16xi32>
        %jit3A_3186 = arith.constant 0 : i32
        %broadcast_in_dim3A_3187 = vector.broadcast %jit3A_3186 : i32 to vector<16xi32>
        %select_n3A_3188 = arith.select %eq3A_3185, %select_n3A_2512, %broadcast_in_dim3A_3187 : vector<16xi1>, vector<16xi32>
        %reduce_sum3A_3189 = arith.constant true
        %reduce_sum3A_3190 = vector.broadcast %reduce_sum3A_3189 : i1 to vector<16xi1>
        %reduce_sum3A_3191 = tpu.scan <sum>, %select_n3A_3188 masked %reduce_sum3A_3190 : vector<16xi32>, vector<16xi1> -> vector<16xi32>
        %reduce_sum3A_3192 = vector.extract %reduce_sum3A_3191[15] : i32 from vector<16xi32>
        %ge3A_3193 = vector.broadcast %reduce_sum3A_3192 : i32 to vector<16xi32>
        %ge3A_3194 = arith.cmpi sge, %add3A_3108, %ge3A_3193 : vector<16xi32>
        %jit3A_3195 = arith.constant 1 : i32
        %jit3A_3196 = arith.constant 0 : i32
        %broadcast_in_dim3A_3197 = vector.broadcast %jit3A_3195 : i32 to vector<16xi32>
        %broadcast_in_dim3A_3198 = vector.broadcast %jit3A_3196 : i32 to vector<16xi32>
        %select_n3A_3199 = arith.select %ge3A_3194, %broadcast_in_dim3A_3197, %broadcast_in_dim3A_3198 : vector<16xi1>, vector<16xi32>
        %add3A_3200 = arith.addi %add3A_3182, %select_n3A_3199 : vector<16xi32>
        %eq3A_3201 = arith.constant 5 : i32
        %eq3A_3202 = vector.broadcast %eq3A_3201 : i32 to vector<16xi32>
        %eq3A_3203 = arith.cmpi eq, %iota3A, %eq3A_3202 : vector<16xi32>
        %jit3A_3204 = arith.constant 0 : i32
        %broadcast_in_dim3A_3205 = vector.broadcast %jit3A_3204 : i32 to vector<16xi32>
        %select_n3A_3206 = arith.select %eq3A_3203, %select_n3A_2512, %broadcast_in_dim3A_3205 : vector<16xi1>, vector<16xi32>
        %reduce_sum3A_3207 = arith.constant true
        %reduce_sum3A_3208 = vector.broadcast %reduce_sum3A_3207 : i1 to vector<16xi1>
        %reduce_sum3A_3209 = tpu.scan <sum>, %select_n3A_3206 masked %reduce_sum3A_3208 : vector<16xi32>, vector<16xi1> -> vector<16xi32>
        %reduce_sum3A_3210 = vector.extract %reduce_sum3A_3209[15] : i32 from vector<16xi32>
        %ge3A_3211 = vector.broadcast %reduce_sum3A_3210 : i32 to vector<16xi32>
        %ge3A_3212 = arith.cmpi sge, %add3A_3108, %ge3A_3211 : vector<16xi32>
        %jit3A_3213 = arith.constant 1 : i32
        %jit3A_3214 = arith.constant 0 : i32
        %broadcast_in_dim3A_3215 = vector.broadcast %jit3A_3213 : i32 to vector<16xi32>
        %broadcast_in_dim3A_3216 = vector.broadcast %jit3A_3214 : i32 to vector<16xi32>
        %select_n3A_3217 = arith.select %ge3A_3212, %broadcast_in_dim3A_3215, %broadcast_in_dim3A_3216 : vector<16xi1>, vector<16xi32>
        %add3A_3218 = arith.addi %add3A_3200, %select_n3A_3217 : vector<16xi32>
        %eq3A_3219 = arith.constant 6 : i32
        %eq3A_3220 = vector.broadcast %eq3A_3219 : i32 to vector<16xi32>
        %eq3A_3221 = arith.cmpi eq, %iota3A, %eq3A_3220 : vector<16xi32>
        %jit3A_3222 = arith.constant 0 : i32
        %broadcast_in_dim3A_3223 = vector.broadcast %jit3A_3222 : i32 to vector<16xi32>
        %select_n3A_3224 = arith.select %eq3A_3221, %select_n3A_2512, %broadcast_in_dim3A_3223 : vector<16xi1>, vector<16xi32>
        %reduce_sum3A_3225 = arith.constant true
        %reduce_sum3A_3226 = vector.broadcast %reduce_sum3A_3225 : i1 to vector<16xi1>
        %reduce_sum3A_3227 = tpu.scan <sum>, %select_n3A_3224 masked %reduce_sum3A_3226 : vector<16xi32>, vector<16xi1> -> vector<16xi32>
        %reduce_sum3A_3228 = vector.extract %reduce_sum3A_3227[15] : i32 from vector<16xi32>
        %ge3A_3229 = vector.broadcast %reduce_sum3A_3228 : i32 to vector<16xi32>
        %ge3A_3230 = arith.cmpi sge, %add3A_3108, %ge3A_3229 : vector<16xi32>
        %jit3A_3231 = arith.constant 1 : i32
        %jit3A_3232 = arith.constant 0 : i32
        %broadcast_in_dim3A_3233 = vector.broadcast %jit3A_3231 : i32 to vector<16xi32>
        %broadcast_in_dim3A_3234 = vector.broadcast %jit3A_3232 : i32 to vector<16xi32>
        %select_n3A_3235 = arith.select %ge3A_3230, %broadcast_in_dim3A_3233, %broadcast_in_dim3A_3234 : vector<16xi1>, vector<16xi32>
        %add3A_3236 = arith.addi %add3A_3218, %select_n3A_3235 : vector<16xi32>
        %eq3A_3237 = arith.constant 7 : i32
        %eq3A_3238 = vector.broadcast %eq3A_3237 : i32 to vector<16xi32>
        %eq3A_3239 = arith.cmpi eq, %iota3A, %eq3A_3238 : vector<16xi32>
        %jit3A_3240 = arith.constant 0 : i32
        %broadcast_in_dim3A_3241 = vector.broadcast %jit3A_3240 : i32 to vector<16xi32>
        %select_n3A_3242 = arith.select %eq3A_3239, %select_n3A_2512, %broadcast_in_dim3A_3241 : vector<16xi1>, vector<16xi32>
        %reduce_sum3A_3243 = arith.constant true
        %reduce_sum3A_3244 = vector.broadcast %reduce_sum3A_3243 : i1 to vector<16xi1>
        %reduce_sum3A_3245 = tpu.scan <sum>, %select_n3A_3242 masked %reduce_sum3A_3244 : vector<16xi32>, vector<16xi1> -> vector<16xi32>
        %reduce_sum3A_3246 = vector.extract %reduce_sum3A_3245[15] : i32 from vector<16xi32>
        %ge3A_3247 = vector.broadcast %reduce_sum3A_3246 : i32 to vector<16xi32>
        %ge3A_3248 = arith.cmpi sge, %add3A_3108, %ge3A_3247 : vector<16xi32>
        %jit3A_3249 = arith.constant 1 : i32
        %jit3A_3250 = arith.constant 0 : i32
        %broadcast_in_dim3A_3251 = vector.broadcast %jit3A_3249 : i32 to vector<16xi32>
        %broadcast_in_dim3A_3252 = vector.broadcast %jit3A_3250 : i32 to vector<16xi32>
        %select_n3A_3253 = arith.select %ge3A_3248, %broadcast_in_dim3A_3251, %broadcast_in_dim3A_3252 : vector<16xi1>, vector<16xi32>
        %add3A_3254 = arith.addi %add3A_3236, %select_n3A_3253 : vector<16xi32>
        %eq3A_3255 = arith.constant 8 : i32
        %eq3A_3256 = vector.broadcast %eq3A_3255 : i32 to vector<16xi32>
        %eq3A_3257 = arith.cmpi eq, %iota3A, %eq3A_3256 : vector<16xi32>
        %jit3A_3258 = arith.constant 0 : i32
        %broadcast_in_dim3A_3259 = vector.broadcast %jit3A_3258 : i32 to vector<16xi32>
        %select_n3A_3260 = arith.select %eq3A_3257, %select_n3A_2512, %broadcast_in_dim3A_3259 : vector<16xi1>, vector<16xi32>
        %reduce_sum3A_3261 = arith.constant true
        %reduce_sum3A_3262 = vector.broadcast %reduce_sum3A_3261 : i1 to vector<16xi1>
        %reduce_sum3A_3263 = tpu.scan <sum>, %select_n3A_3260 masked %reduce_sum3A_3262 : vector<16xi32>, vector<16xi1> -> vector<16xi32>
        %reduce_sum3A_3264 = vector.extract %reduce_sum3A_3263[15] : i32 from vector<16xi32>
        %ge3A_3265 = vector.broadcast %reduce_sum3A_3264 : i32 to vector<16xi32>
        %ge3A_3266 = arith.cmpi sge, %add3A_3108, %ge3A_3265 : vector<16xi32>
        %jit3A_3267 = arith.constant 1 : i32
        %jit3A_3268 = arith.constant 0 : i32
        %broadcast_in_dim3A_3269 = vector.broadcast %jit3A_3267 : i32 to vector<16xi32>
        %broadcast_in_dim3A_3270 = vector.broadcast %jit3A_3268 : i32 to vector<16xi32>
        %select_n3A_3271 = arith.select %ge3A_3266, %broadcast_in_dim3A_3269, %broadcast_in_dim3A_3270 : vector<16xi1>, vector<16xi32>
        %add3A_3272 = arith.addi %add3A_3254, %select_n3A_3271 : vector<16xi32>
        %eq3A_3273 = arith.constant 9 : i32
        %eq3A_3274 = vector.broadcast %eq3A_3273 : i32 to vector<16xi32>
        %eq3A_3275 = arith.cmpi eq, %iota3A, %eq3A_3274 : vector<16xi32>
        %jit3A_3276 = arith.constant 0 : i32
        %broadcast_in_dim3A_3277 = vector.broadcast %jit3A_3276 : i32 to vector<16xi32>
        %select_n3A_3278 = arith.select %eq3A_3275, %select_n3A_2512, %broadcast_in_dim3A_3277 : vector<16xi1>, vector<16xi32>
        %reduce_sum3A_3279 = arith.constant true
        %reduce_sum3A_3280 = vector.broadcast %reduce_sum3A_3279 : i1 to vector<16xi1>
        %reduce_sum3A_3281 = tpu.scan <sum>, %select_n3A_3278 masked %reduce_sum3A_3280 : vector<16xi32>, vector<16xi1> -> vector<16xi32>
        %reduce_sum3A_3282 = vector.extract %reduce_sum3A_3281[15] : i32 from vector<16xi32>
        %ge3A_3283 = vector.broadcast %reduce_sum3A_3282 : i32 to vector<16xi32>
        %ge3A_3284 = arith.cmpi sge, %add3A_3108, %ge3A_3283 : vector<16xi32>
        %jit3A_3285 = arith.constant 1 : i32
        %jit3A_3286 = arith.constant 0 : i32
        %broadcast_in_dim3A_3287 = vector.broadcast %jit3A_3285 : i32 to vector<16xi32>
        %broadcast_in_dim3A_3288 = vector.broadcast %jit3A_3286 : i32 to vector<16xi32>
        %select_n3A_3289 = arith.select %ge3A_3284, %broadcast_in_dim3A_3287, %broadcast_in_dim3A_3288 : vector<16xi1>, vector<16xi32>
        %add3A_3290 = arith.addi %add3A_3272, %select_n3A_3289 : vector<16xi32>
        %eq3A_3291 = arith.constant 10 : i32
        %eq3A_3292 = vector.broadcast %eq3A_3291 : i32 to vector<16xi32>
        %eq3A_3293 = arith.cmpi eq, %iota3A, %eq3A_3292 : vector<16xi32>
        %jit3A_3294 = arith.constant 0 : i32
        %broadcast_in_dim3A_3295 = vector.broadcast %jit3A_3294 : i32 to vector<16xi32>
        %select_n3A_3296 = arith.select %eq3A_3293, %select_n3A_2512, %broadcast_in_dim3A_3295 : vector<16xi1>, vector<16xi32>
        %reduce_sum3A_3297 = arith.constant true
        %reduce_sum3A_3298 = vector.broadcast %reduce_sum3A_3297 : i1 to vector<16xi1>
        %reduce_sum3A_3299 = tpu.scan <sum>, %select_n3A_3296 masked %reduce_sum3A_3298 : vector<16xi32>, vector<16xi1> -> vector<16xi32>
        %reduce_sum3A_3300 = vector.extract %reduce_sum3A_3299[15] : i32 from vector<16xi32>
        %ge3A_3301 = vector.broadcast %reduce_sum3A_3300 : i32 to vector<16xi32>
        %ge3A_3302 = arith.cmpi sge, %add3A_3108, %ge3A_3301 : vector<16xi32>
        %jit3A_3303 = arith.constant 1 : i32
        %jit3A_3304 = arith.constant 0 : i32
        %broadcast_in_dim3A_3305 = vector.broadcast %jit3A_3303 : i32 to vector<16xi32>
        %broadcast_in_dim3A_3306 = vector.broadcast %jit3A_3304 : i32 to vector<16xi32>
        %select_n3A_3307 = arith.select %ge3A_3302, %broadcast_in_dim3A_3305, %broadcast_in_dim3A_3306 : vector<16xi1>, vector<16xi32>
        %add3A_3308 = arith.addi %add3A_3290, %select_n3A_3307 : vector<16xi32>
        %eq3A_3309 = arith.constant 11 : i32
        %eq3A_3310 = vector.broadcast %eq3A_3309 : i32 to vector<16xi32>
        %eq3A_3311 = arith.cmpi eq, %iota3A, %eq3A_3310 : vector<16xi32>
        %jit3A_3312 = arith.constant 0 : i32
        %broadcast_in_dim3A_3313 = vector.broadcast %jit3A_3312 : i32 to vector<16xi32>
        %select_n3A_3314 = arith.select %eq3A_3311, %select_n3A_2512, %broadcast_in_dim3A_3313 : vector<16xi1>, vector<16xi32>
        %reduce_sum3A_3315 = arith.constant true
        %reduce_sum3A_3316 = vector.broadcast %reduce_sum3A_3315 : i1 to vector<16xi1>
        %reduce_sum3A_3317 = tpu.scan <sum>, %select_n3A_3314 masked %reduce_sum3A_3316 : vector<16xi32>, vector<16xi1> -> vector<16xi32>
        %reduce_sum3A_3318 = vector.extract %reduce_sum3A_3317[15] : i32 from vector<16xi32>
        %ge3A_3319 = vector.broadcast %reduce_sum3A_3318 : i32 to vector<16xi32>
        %ge3A_3320 = arith.cmpi sge, %add3A_3108, %ge3A_3319 : vector<16xi32>
        %jit3A_3321 = arith.constant 1 : i32
        %jit3A_3322 = arith.constant 0 : i32
        %broadcast_in_dim3A_3323 = vector.broadcast %jit3A_3321 : i32 to vector<16xi32>
        %broadcast_in_dim3A_3324 = vector.broadcast %jit3A_3322 : i32 to vector<16xi32>
        %select_n3A_3325 = arith.select %ge3A_3320, %broadcast_in_dim3A_3323, %broadcast_in_dim3A_3324 : vector<16xi1>, vector<16xi32>
        %add3A_3326 = arith.addi %add3A_3308, %select_n3A_3325 : vector<16xi32>
        %eq3A_3327 = arith.constant 12 : i32
        %eq3A_3328 = vector.broadcast %eq3A_3327 : i32 to vector<16xi32>
        %eq3A_3329 = arith.cmpi eq, %iota3A, %eq3A_3328 : vector<16xi32>
        %jit3A_3330 = arith.constant 0 : i32
        %broadcast_in_dim3A_3331 = vector.broadcast %jit3A_3330 : i32 to vector<16xi32>
        %select_n3A_3332 = arith.select %eq3A_3329, %select_n3A_2512, %broadcast_in_dim3A_3331 : vector<16xi1>, vector<16xi32>
        %reduce_sum3A_3333 = arith.constant true
        %reduce_sum3A_3334 = vector.broadcast %reduce_sum3A_3333 : i1 to vector<16xi1>
        %reduce_sum3A_3335 = tpu.scan <sum>, %select_n3A_3332 masked %reduce_sum3A_3334 : vector<16xi32>, vector<16xi1> -> vector<16xi32>
        %reduce_sum3A_3336 = vector.extract %reduce_sum3A_3335[15] : i32 from vector<16xi32>
        %ge3A_3337 = vector.broadcast %reduce_sum3A_3336 : i32 to vector<16xi32>
        %ge3A_3338 = arith.cmpi sge, %add3A_3108, %ge3A_3337 : vector<16xi32>
        %jit3A_3339 = arith.constant 1 : i32
        %jit3A_3340 = arith.constant 0 : i32
        %broadcast_in_dim3A_3341 = vector.broadcast %jit3A_3339 : i32 to vector<16xi32>
        %broadcast_in_dim3A_3342 = vector.broadcast %jit3A_3340 : i32 to vector<16xi32>
        %select_n3A_3343 = arith.select %ge3A_3338, %broadcast_in_dim3A_3341, %broadcast_in_dim3A_3342 : vector<16xi1>, vector<16xi32>
        %add3A_3344 = arith.addi %add3A_3326, %select_n3A_3343 : vector<16xi32>
        %eq3A_3345 = arith.constant 13 : i32
        %eq3A_3346 = vector.broadcast %eq3A_3345 : i32 to vector<16xi32>
        %eq3A_3347 = arith.cmpi eq, %iota3A, %eq3A_3346 : vector<16xi32>
        %jit3A_3348 = arith.constant 0 : i32
        %broadcast_in_dim3A_3349 = vector.broadcast %jit3A_3348 : i32 to vector<16xi32>
        %select_n3A_3350 = arith.select %eq3A_3347, %select_n3A_2512, %broadcast_in_dim3A_3349 : vector<16xi1>, vector<16xi32>
        %reduce_sum3A_3351 = arith.constant true
        %reduce_sum3A_3352 = vector.broadcast %reduce_sum3A_3351 : i1 to vector<16xi1>
        %reduce_sum3A_3353 = tpu.scan <sum>, %select_n3A_3350 masked %reduce_sum3A_3352 : vector<16xi32>, vector<16xi1> -> vector<16xi32>
        %reduce_sum3A_3354 = vector.extract %reduce_sum3A_3353[15] : i32 from vector<16xi32>
        %ge3A_3355 = vector.broadcast %reduce_sum3A_3354 : i32 to vector<16xi32>
        %ge3A_3356 = arith.cmpi sge, %add3A_3108, %ge3A_3355 : vector<16xi32>
        %jit3A_3357 = arith.constant 1 : i32
        %jit3A_3358 = arith.constant 0 : i32
        %broadcast_in_dim3A_3359 = vector.broadcast %jit3A_3357 : i32 to vector<16xi32>
        %broadcast_in_dim3A_3360 = vector.broadcast %jit3A_3358 : i32 to vector<16xi32>
        %select_n3A_3361 = arith.select %ge3A_3356, %broadcast_in_dim3A_3359, %broadcast_in_dim3A_3360 : vector<16xi1>, vector<16xi32>
        %add3A_3362 = arith.addi %add3A_3344, %select_n3A_3361 : vector<16xi32>
        %eq3A_3363 = arith.constant 14 : i32
        %eq3A_3364 = vector.broadcast %eq3A_3363 : i32 to vector<16xi32>
        %eq3A_3365 = arith.cmpi eq, %iota3A, %eq3A_3364 : vector<16xi32>
        %jit3A_3366 = arith.constant 0 : i32
        %broadcast_in_dim3A_3367 = vector.broadcast %jit3A_3366 : i32 to vector<16xi32>
        %select_n3A_3368 = arith.select %eq3A_3365, %select_n3A_2512, %broadcast_in_dim3A_3367 : vector<16xi1>, vector<16xi32>
        %reduce_sum3A_3369 = arith.constant true
        %reduce_sum3A_3370 = vector.broadcast %reduce_sum3A_3369 : i1 to vector<16xi1>
        %reduce_sum3A_3371 = tpu.scan <sum>, %select_n3A_3368 masked %reduce_sum3A_3370 : vector<16xi32>, vector<16xi1> -> vector<16xi32>
        %reduce_sum3A_3372 = vector.extract %reduce_sum3A_3371[15] : i32 from vector<16xi32>
        %ge3A_3373 = vector.broadcast %reduce_sum3A_3372 : i32 to vector<16xi32>
        %ge3A_3374 = arith.cmpi sge, %add3A_3108, %ge3A_3373 : vector<16xi32>
        %jit3A_3375 = arith.constant 1 : i32
        %jit3A_3376 = arith.constant 0 : i32
        %broadcast_in_dim3A_3377 = vector.broadcast %jit3A_3375 : i32 to vector<16xi32>
        %broadcast_in_dim3A_3378 = vector.broadcast %jit3A_3376 : i32 to vector<16xi32>
        %select_n3A_3379 = arith.select %ge3A_3374, %broadcast_in_dim3A_3377, %broadcast_in_dim3A_3378 : vector<16xi1>, vector<16xi32>
        %add3A_3380 = arith.addi %add3A_3362, %select_n3A_3379 : vector<16xi32>
        %eq3A_3381 = arith.constant 15 : i32
        %eq3A_3382 = vector.broadcast %eq3A_3381 : i32 to vector<16xi32>
        %eq3A_3383 = arith.cmpi eq, %iota3A, %eq3A_3382 : vector<16xi32>
        %jit3A_3384 = arith.constant 0 : i32
        %broadcast_in_dim3A_3385 = vector.broadcast %jit3A_3384 : i32 to vector<16xi32>
        %select_n3A_3386 = arith.select %eq3A_3383, %select_n3A_2512, %broadcast_in_dim3A_3385 : vector<16xi1>, vector<16xi32>
        %reduce_sum3A_3387 = arith.constant true
        %reduce_sum3A_3388 = vector.broadcast %reduce_sum3A_3387 : i1 to vector<16xi1>
        %reduce_sum3A_3389 = tpu.scan <sum>, %select_n3A_3386 masked %reduce_sum3A_3388 : vector<16xi32>, vector<16xi1> -> vector<16xi32>
        %reduce_sum3A_3390 = vector.extract %reduce_sum3A_3389[15] : i32 from vector<16xi32>
        %ge3A_3391 = vector.broadcast %reduce_sum3A_3390 : i32 to vector<16xi32>
        %ge3A_3392 = arith.cmpi sge, %add3A_3108, %ge3A_3391 : vector<16xi32>
        %jit3A_3393 = arith.constant 1 : i32
        %jit3A_3394 = arith.constant 0 : i32
        %broadcast_in_dim3A_3395 = vector.broadcast %jit3A_3393 : i32 to vector<16xi32>
        %broadcast_in_dim3A_3396 = vector.broadcast %jit3A_3394 : i32 to vector<16xi32>
        %select_n3A_3397 = arith.select %ge3A_3392, %broadcast_in_dim3A_3395, %broadcast_in_dim3A_3396 : vector<16xi1>, vector<16xi32>
        %add3A_3398 = arith.addi %add3A_3380, %select_n3A_3397 : vector<16xi32>
        %multiple_of3A_3399 = arith.constant 32 : i32
        %multiple_of3A_3400 = tpu.assume_multiple %multiple_of3A_3399, 8 : i32
        %swap3A_3401 = arith.index_cast %multiple_of3A_3400 : i32 to index
        %swap3A_3402 = tpu.vector_load %arg17[%swap3A_3401] {strides = array<i32>} : memref<64xi32, #tpu.memory_space<vmem>>, vector<16xi32>,
        tpu.vector_store %arg17[%swap3A_3401], %add3A_3398 {strides = array<i32>} : memref<64xi32, #tpu.memory_space<vmem>>, vector<16xi32>,
        %eq3A_3403 = arith.constant 0 : i32
        %eq3A_3404 = vector.broadcast %eq3A_3403 : i32 to vector<16xi32>
        %eq3A_3405 = arith.cmpi eq, %iota3A, %eq3A_3404 : vector<16xi32>
        %broadcast_in_dim3A_3406 = vector.broadcast %select_n3A_295 : i32 to vector<16xi32>
        %jit3A_3407 = arith.constant 0 : i32
        %broadcast_in_dim3A_3408 = vector.broadcast %jit3A_3407 : i32 to vector<16xi32>
        %select_n3A_3409 = arith.select %eq3A_3405, %broadcast_in_dim3A_3406, %broadcast_in_dim3A_3408 : vector<16xi1>, vector<16xi32>
        %multiple_of3A_3410 = arith.constant 48 : i32
        %multiple_of3A_3411 = tpu.assume_multiple %multiple_of3A_3410, 8 : i32
        %swap3A_3412 = arith.index_cast %multiple_of3A_3411 : i32 to index
        %swap3A_3413 = tpu.vector_load %arg17[%swap3A_3412] {strides = array<i32>} : memref<64xi32, #tpu.memory_space<vmem>>, vector<16xi32>,
        tpu.vector_store %arg17[%swap3A_3412], %select_n3A_3409 {strides = array<i32>} : memref<64xi32, #tpu.memory_space<vmem>>, vector<16xi32>,
        "tpu.region"() ({
          %run_scoped3A = tpu.sem_alloc : memref<!tpu.dma_semaphore, #tpu.memory_space<semaphore_mem>>
          tpu.enqueue_dma source(%arg17 : memref<64xi32, #tpu.memory_space<vmem>>) target(%arg5 : memref<64xi32, #tpu.memory_space<hbm>>) target_semaphore(%run_scoped3A : memref<!tpu.dma_semaphore, #tpu.memory_space<semaphore_mem>>)
          tpu.wait_dma2 semaphore(%run_scoped3A : memref<!tpu.dma_semaphore, #tpu.memory_space<semaphore_mem>>) src(%arg17 : memref<64xi32, #tpu.memory_space<vmem>>) dst(%arg5 : memref<64xi32, #tpu.memory_space<hbm>>)
          tpu.yield
        }) : () -> ()
      } else {
      }
      %eq3A_2477 = arith.constant 1 : i32
      %eq3A_2478 = arith.cmpi eq, %arg1, %eq3A_2477 : i32
      %convert_element_type3A_2479 = arith.extui %eq3A_2478 : i1 to i32
      %cond3A_2480 = arith.constant 0 : i32
      %cond3A_2481 = arith.cmpi ne, %convert_element_type3A_2479, %cond3A_2480 : i32
      scf.if %cond3A_2481 {
        %broadcast_in_dim3A_2482 = arith.constant 0 : i32
        %broadcast_in_dim3A_2483 = vector.broadcast %broadcast_in_dim3A_2482 : i32 to vector<16xi32>
        %multiple_of3A_2484 = arith.constant 0 : i32
        %multiple_of3A_2485 = tpu.assume_multiple %multiple_of3A_2484, 8 : i32
        %swap3A_2486 = arith.index_cast %multiple_of3A_2485 : i32 to index
        %swap3A_2487 = tpu.vector_load %arg18[%swap3A_2486] {strides = array<i32>} : memref<128xi32, #tpu.memory_space<vmem>>, vector<16xi32>,
        tpu.vector_store %arg18[%swap3A_2486], %broadcast_in_dim3A_2483 {strides = array<i32>} : memref<128xi32, #tpu.memory_space<vmem>>, vector<16xi32>,
        %broadcast_in_dim3A_2488 = arith.constant 0 : i32
        %broadcast_in_dim3A_2489 = vector.broadcast %broadcast_in_dim3A_2488 : i32 to vector<16xi32>
        %multiple_of3A_2490 = arith.constant 16 : i32
        %multiple_of3A_2491 = tpu.assume_multiple %multiple_of3A_2490, 8 : i32
        %swap3A_2492 = arith.index_cast %multiple_of3A_2491 : i32 to index
        %swap3A_2493 = tpu.vector_load %arg18[%swap3A_2492] {strides = array<i32>} : memref<128xi32, #tpu.memory_space<vmem>>, vector<16xi32>,
        tpu.vector_store %arg18[%swap3A_2492], %broadcast_in_dim3A_2489 {strides = array<i32>} : memref<128xi32, #tpu.memory_space<vmem>>, vector<16xi32>,
        %broadcast_in_dim3A_2494 = arith.constant 0 : i32
        %broadcast_in_dim3A_2495 = vector.broadcast %broadcast_in_dim3A_2494 : i32 to vector<16xi32>
        %multiple_of3A_2496 = arith.constant 32 : i32
        %multiple_of3A_2497 = tpu.assume_multiple %multiple_of3A_2496, 8 : i32
        %swap3A_2498 = arith.index_cast %multiple_of3A_2497 : i32 to index
        %swap3A_2499 = tpu.vector_load %arg18[%swap3A_2498] {strides = array<i32>} : memref<128xi32, #tpu.memory_space<vmem>>, vector<16xi32>,
        tpu.vector_store %arg18[%swap3A_2498], %broadcast_in_dim3A_2495 {strides = array<i32>} : memref<128xi32, #tpu.memory_space<vmem>>, vector<16xi32>,
        %broadcast_in_dim3A_2500 = arith.constant 0 : i32
        %broadcast_in_dim3A_2501 = vector.broadcast %broadcast_in_dim3A_2500 : i32 to vector<16xi32>
        %multiple_of3A_2502 = arith.constant 48 : i32
        %multiple_of3A_2503 = tpu.assume_multiple %multiple_of3A_2502, 8 : i32
        %swap3A_2504 = arith.index_cast %multiple_of3A_2503 : i32 to index
        %swap3A_2505 = tpu.vector_load %arg18[%swap3A_2504] {strides = array<i32>} : memref<128xi32, #tpu.memory_space<vmem>>, vector<16xi32>,
        tpu.vector_store %arg18[%swap3A_2504], %broadcast_in_dim3A_2501 {strides = array<i32>} : memref<128xi32, #tpu.memory_space<vmem>>, vector<16xi32>,
        %broadcast_in_dim3A_2506 = arith.constant 0 : i32
        %broadcast_in_dim3A_2507 = vector.broadcast %broadcast_in_dim3A_2506 : i32 to vector<16xi32>
        %multiple_of3A_2508 = arith.constant 64 : i32
        %multiple_of3A_2509 = tpu.assume_multiple %multiple_of3A_2508, 8 : i32
        %swap3A_2510 = arith.index_cast %multiple_of3A_2509 : i32 to index
        %swap3A_2511 = tpu.vector_load %arg18[%swap3A_2510] {strides = array<i32>} : memref<128xi32, #tpu.memory_space<vmem>>, vector<16xi32>,
        tpu.vector_store %arg18[%swap3A_2510], %broadcast_in_dim3A_2507 {strides = array<i32>} : memref<128xi32, #tpu.memory_space<vmem>>, vector<16xi32>,
        %broadcast_in_dim3A_2512 = arith.constant 0 : i32
        %broadcast_in_dim3A_2513 = vector.broadcast %broadcast_in_dim3A_2512 : i32 to vector<16xi32>
        %multiple_of3A_2514 = arith.constant 80 : i32
        %multiple_of3A_2515 = tpu.assume_multiple %multiple_of3A_2514, 8 : i32
        %swap3A_2516 = arith.index_cast %multiple_of3A_2515 : i32 to index
        %swap3A_2517 = tpu.vector_load %arg18[%swap3A_2516] {strides = array<i32>} : memref<128xi32, #tpu.memory_space<vmem>>, vector<16xi32>,
        tpu.vector_store %arg18[%swap3A_2516], %broadcast_in_dim3A_2513 {strides = array<i32>} : memref<128xi32, #tpu.memory_space<vmem>>, vector<16xi32>,
        %broadcast_in_dim3A_2518 = arith.constant 0 : i32
        %broadcast_in_dim3A_2519 = vector.broadcast %broadcast_in_dim3A_2518 : i32 to vector<16xi32>
        %multiple_of3A_2520 = arith.constant 96 : i32
        %multiple_of3A_2521 = tpu.assume_multiple %multiple_of3A_2520, 8 : i32
        %swap3A_2522 = arith.index_cast %multiple_of3A_2521 : i32 to index
        %swap3A_2523 = tpu.vector_load %arg18[%swap3A_2522] {strides = array<i32>} : memref<128xi32, #tpu.memory_space<vmem>>, vector<16xi32>,
        tpu.vector_store %arg18[%swap3A_2522], %broadcast_in_dim3A_2519 {strides = array<i32>} : memref<128xi32, #tpu.memory_space<vmem>>, vector<16xi32>,
        %broadcast_in_dim3A_2524 = arith.constant 0 : i32
        %broadcast_in_dim3A_2525 = vector.broadcast %broadcast_in_dim3A_2524 : i32 to vector<16xi32>
        %multiple_of3A_2526 = arith.constant 112 : i32
        %multiple_of3A_2527 = tpu.assume_multiple %multiple_of3A_2526, 8 : i32
        %swap3A_2528 = arith.index_cast %multiple_of3A_2527 : i32 to index
        %swap3A_2529 = tpu.vector_load %arg18[%swap3A_2528] {strides = array<i32>} : memref<128xi32, #tpu.memory_space<vmem>>, vector<16xi32>,
        tpu.vector_store %arg18[%swap3A_2528], %broadcast_in_dim3A_2525 {strides = array<i32>} : memref<128xi32, #tpu.memory_space<vmem>>, vector<16xi32>,
        %while3A_2530 = arith.constant 48 : i32
        %while3A_2531 = arith.constant 0 : i32
        %while3A_2532 = arith.subi %while3A_2530, %select_n3A_295 : i32
        %while3A_2533 = arith.addi %select_n3A_295, %while3A_2532 : i32
        %while3A_2534 = arith.constant 1 : i32
        %while3A_2535 = arith.divsi %while3A_2532, %while3A_2534 : i32
        %while3A_2536 = arith.muli %while3A_2535, %while3A_2534 : i32
        %while3A_2537 = arith.addi %select_n3A_295, %while3A_2536 : i32
        %while3A_2538 = arith.constant 1 : i32
        %while3A_2539 = scf.for %while3A_2542 = %select_n3A_295 to %while3A_2537 step %while3A_2538 iter_args(%while3A_2543 = %while3A_2531) -> (i32)  : i32 {
          %mul3A_2544 = arith.constant 128 : i32
          %mul3A_2545 = arith.muli %while3A_2542, %mul3A_2544 : i32
          %multiple_of3A_2546 = tpu.assume_multiple %mul3A_2545, 8 : i32
          "tpu.region"() ({
            %run_scoped3A = tpu.sem_alloc : memref<!tpu.dma_semaphore, #tpu.memory_space<semaphore_mem>>
            %dma_start3A = tpu.memref_slice %arg4[%multiple_of3A_2546] : memref<6144xi32, #tpu.memory_space<hbm>> -> memref<128xi32, #tpu.memory_space<hbm>>
            %dma_start3A_2548 = tpu.memref_slice %arg4[%multiple_of3A_2546] : memref<6144xi32, #tpu.memory_space<hbm>> -> memref<128xi32, #tpu.memory_space<hbm>>
            tpu.enqueue_dma source(%arg18 : memref<128xi32, #tpu.memory_space<vmem>>) target(%dma_start3A_2548 : memref<128xi32, #tpu.memory_space<hbm>>) target_semaphore(%run_scoped3A : memref<!tpu.dma_semaphore, #tpu.memory_space<semaphore_mem>>)
            %dma_wait3A = tpu.memref_slice %arg4[%multiple_of3A_2546] : memref<6144xi32, #tpu.memory_space<hbm>> -> memref<128xi32, #tpu.memory_space<hbm>>
            %dma_wait3A_2549 = tpu.memref_slice %arg4[%multiple_of3A_2546] : memref<6144xi32, #tpu.memory_space<hbm>> -> memref<128xi32, #tpu.memory_space<hbm>>
            tpu.wait_dma2 semaphore(%run_scoped3A : memref<!tpu.dma_semaphore, #tpu.memory_space<semaphore_mem>>) src(%arg18 : memref<128xi32, #tpu.memory_space<vmem>>) dst(%dma_wait3A_2549 : memref<128xi32, #tpu.memory_space<hbm>>)
            tpu.yield
          }) : () -> ()
          %while3A_2547 = arith.constant 0 : i32
          scf.yield %while3A_2547 : i32
        }
        %while3A_2540 = arith.constant 1 : i32
        %while3A_2541 = scf.for %while3A_2542 = %while3A_2537 to %while3A_2533 step %while3A_2540 iter_args(%while3A_2543 = %while3A_2539) -> (i32)  : i32 {
          %mul3A_2544 = arith.constant 128 : i32
          %mul3A_2545 = arith.muli %while3A_2542, %mul3A_2544 : i32
          %multiple_of3A_2546 = tpu.assume_multiple %mul3A_2545, 8 : i32
          "tpu.region"() ({
            %run_scoped3A = tpu.sem_alloc : memref<!tpu.dma_semaphore, #tpu.memory_space<semaphore_mem>>
            %dma_start3A = tpu.memref_slice %arg4[%multiple_of3A_2546] : memref<6144xi32, #tpu.memory_space<hbm>> -> memref<128xi32, #tpu.memory_space<hbm>>
            %dma_start3A_2548 = tpu.memref_slice %arg4[%multiple_of3A_2546] : memref<6144xi32, #tpu.memory_space<hbm>> -> memref<128xi32, #tpu.memory_space<hbm>>
            tpu.enqueue_dma source(%arg18 : memref<128xi32, #tpu.memory_space<vmem>>) target(%dma_start3A_2548 : memref<128xi32, #tpu.memory_space<hbm>>) target_semaphore(%run_scoped3A : memref<!tpu.dma_semaphore, #tpu.memory_space<semaphore_mem>>)
            %dma_wait3A = tpu.memref_slice %arg4[%multiple_of3A_2546] : memref<6144xi32, #tpu.memory_space<hbm>> -> memref<128xi32, #tpu.memory_space<hbm>>
            %dma_wait3A_2549 = tpu.memref_slice %arg4[%multiple_of3A_2546] : memref<6144xi32, #tpu.memory_space<hbm>> -> memref<128xi32, #tpu.memory_space<hbm>>
            tpu.wait_dma2 semaphore(%run_scoped3A : memref<!tpu.dma_semaphore, #tpu.memory_space<semaphore_mem>>) src(%arg18 : memref<128xi32, #tpu.memory_space<vmem>>) dst(%dma_wait3A_2549 : memref<128xi32, #tpu.memory_space<hbm>>)
            tpu.yield
          }) : () -> ()
          %while3A_2547 = arith.constant 0 : i32
          scf.yield %while3A_2547 : i32
        }
      } else {
      }
    } else {
    }
    return
  }
}

module attributes {stable_mosaic.version = 14 : i64} {
  func.func @_ffn_body(%arg0: i32, %arg1: i32, %arg2: memref<64xi32, #tpu.memory_space<smem>>, %arg3: memref<1x1x128xi32, #tpu.memory_space<vmem>>, %arg4: memref<2048x768xf32, #tpu.memory_space<vmem>>, %arg5: memref<1x1536x768xf32, #tpu.memory_space<vmem>>, %arg6: memref<1x768x1536xf32, #tpu.memory_space<vmem>>, %arg7: memref<128x768xf32, #tpu.memory_space<vmem>>, %arg8: memref<128x768xf32, #tpu.memory_space<vmem>>) attributes {dimension_semantics = [#tpu.dimension_semantics<arbitrary>, #tpu.dimension_semantics<arbitrary>], iteration_bounds = array<i64: 48, 2>, scalar_prefetch = 1 : i64, scratch_operands = 1 : i64, tpu.core_type = #tpu.core_type<tc>, window_params = [{transform_indices = @transform_0, window_bounds = array<i64: 1, 1, 128>}, {pipeline_mode = #tpu.pipeline_mode<synchronous>, transform_indices = @transform_1, window_bounds = array<i64: 2048, 768>}, {transform_indices = @transform_2, window_bounds = array<i64: 1, 1536, 768>}, {transform_indices = @transform_3, window_bounds = array<i64: 1, 768, 1536>}, {transform_indices = @transform_4, window_bounds = array<i64: 128, 768>}]} {
    %get3A = arith.constant 48 : index
    %get3A_0 = memref.load %arg2[%get3A] : memref<64xi32, #tpu.memory_space<smem>>
    %lt3A = arith.cmpi slt, %arg0, %get3A_0 : i32
    %convert_element_type3A = arith.extui %lt3A : i1 to i32
    %cond3A = arith.constant 0 : i32
    %cond3A_1 = arith.cmpi ne, %convert_element_type3A, %cond3A : i32
    scf.if %cond3A_1 {
      %eq3A = arith.constant 0 : i32
      %eq3A_2 = arith.cmpi eq, %arg1, %eq3A : i32
      %convert_element_type3A_3 = arith.extui %eq3A_2 : i1 to i32
      %cond3A_4 = arith.constant 0 : i32
      %cond3A_5 = arith.cmpi ne, %convert_element_type3A_3, %cond3A_4 : i32
      scf.if %cond3A_5 {
        %get3A_41 = arith.constant 0 : index
        %get3A_42 = arith.constant 0 : index
        %get3A_43 = arith.constant 0 : index
        %get3A_44 = vector.load %arg3[%get3A_41, %get3A_42, %get3A_43] : memref<1x1x128xi32, #tpu.memory_space<vmem>>, vector<1x1x128xi32>
        %get3A_45 = vector.shape_cast %get3A_44 : vector<1x1x128xi32> to vector<1x128xi32>
        %iota3A = tpu.iota {dimensions = array<i32: 0>} : vector<2048x128xi32>
        %eq3A_46 = vector.broadcast %get3A_45 : vector<1x128xi32> to vector<2048x128xi32>
        %eq3A_47 = arith.cmpi eq, %iota3A, %eq3A_46 : vector<2048x128xi32>
        %jit3A = arith.constant 1.000000e+00 : f32
        %jit3A_48 = arith.constant 0.000000e+00 : f32
        %broadcast_in_dim3A = vector.broadcast %jit3A : f32 to vector<2048x128xf32>
        %broadcast_in_dim3A_49 = vector.broadcast %jit3A_48 : f32 to vector<2048x128xf32>
        %select_n3A = arith.select %eq3A_47, %broadcast_in_dim3A, %broadcast_in_dim3A_49 : vector<2048x128xi1>, vector<2048x128xf32>
        %get3A_50 = arith.constant 0 : index
        %get3A_51 = arith.constant 0 : index
        %get3A_52 = vector.load %arg4[%get3A_50, %get3A_51] : memref<2048x768xf32, #tpu.memory_space<vmem>>, vector<2048x768xf32>
        %dot_general3A_53 = arith.constant dense<0.000000e+00> : vector<128x768xf32>
        %dot_general3A_54 = tpu.matmul %select_n3A, %get3A_52, %dot_general3A_53 {dimension_numbers = #tpu.dot_dimension_numbers<[0], [0], [1], [1], [0, 1, 1, 1], [], []>, transpose_lhs_hint = false} : vector<2048x128xf32>, vector<2048x768xf32>, vector<128x768xf32> -> vector<128x768xf32>
        %swap3A_55 = arith.constant 0 : index
        %swap3A_56 = arith.constant 0 : index
        %swap3A_57 = vector.load %arg8[%swap3A_55, %swap3A_56] : memref<128x768xf32, #tpu.memory_space<vmem>>, vector<128x768xf32>
        tpu.vector_store %arg8[%swap3A_55, %swap3A_56], %dot_general3A_54 {strides = array<i32>} : memref<128x768xf32, #tpu.memory_space<vmem>>, vector<128x768xf32>,
      } else {
      }
      %get3A_6 = arith.constant 0 : index
      %get3A_7 = arith.constant 0 : index
      %get3A_8 = vector.load %arg8[%get3A_6, %get3A_7] : memref<128x768xf32, #tpu.memory_space<vmem>>, vector<128x768xf32>
      %get3A_9 = arith.constant 0 : index
      %get3A_10 = arith.constant 0 : index
      %get3A_11 = arith.constant 0 : index
      %get3A_12 = vector.load %arg5[%get3A_9, %get3A_10, %get3A_11] : memref<1x1536x768xf32, #tpu.memory_space<vmem>>, vector<1x1536x768xf32>
      %get3A_13 = vector.shape_cast %get3A_12 : vector<1x1536x768xf32> to vector<1536x768xf32>
      %dot_general3A = arith.constant dense<0.000000e+00> : vector<128x1536xf32>
      %dot_general3A_14 = tpu.matmul %get3A_8, %get3A_13, %dot_general3A {dimension_numbers = #tpu.dot_dimension_numbers<[1], [1], [0], [0], [0, 0, 1, 0], [], []>, transpose_lhs_hint = false} : vector<128x768xf32>, vector<1536x768xf32>, vector<128x1536xf32> -> vector<128x1536xf32>
      %mul3A = arith.constant 5.000000e-01 : f32
      %mul3A_15 = vector.broadcast %mul3A : f32 to vector<128x1536xf32>
      %mul3A_16 = arith.mulf %mul3A_15, %dot_general3A_14 : vector<128x1536xf32>
      %mul3A_17 = arith.constant 0.707106769 : f32
      %mul3A_18 = vector.broadcast %mul3A_17 : f32 to vector<128x1536xf32>
      %mul3A_19 = arith.mulf %dot_general3A_14, %mul3A_18 : vector<128x1536xf32>
      %erf3A = math.erf %mul3A_19 : vector<128x1536xf32>
      %add3A = arith.constant 1.000000e+00 : f32
      %add3A_20 = vector.broadcast %add3A : f32 to vector<128x1536xf32>
      %add3A_21 = arith.addf %add3A_20, %erf3A : vector<128x1536xf32>
      %mul3A_22 = arith.mulf %mul3A_16, %add3A_21 : vector<128x1536xf32>
      %get3A_23 = arith.constant 0 : index
      %get3A_24 = arith.constant 0 : index
      %get3A_25 = arith.constant 0 : index
      %get3A_26 = vector.load %arg6[%get3A_23, %get3A_24, %get3A_25] : memref<1x768x1536xf32, #tpu.memory_space<vmem>>, vector<1x768x1536xf32>
      %get3A_27 = vector.shape_cast %get3A_26 : vector<1x768x1536xf32> to vector<768x1536xf32>
      %dot_general3A_28 = arith.constant dense<0.000000e+00> : vector<128x768xf32>
      %dot_general3A_29 = tpu.matmul %mul3A_22, %get3A_27, %dot_general3A_28 {dimension_numbers = #tpu.dot_dimension_numbers<[1], [1], [0], [0], [0, 0, 1, 0], [], []>, transpose_lhs_hint = false} : vector<128x1536xf32>, vector<768x1536xf32>, vector<128x768xf32> -> vector<128x768xf32>
      %eq3A_30 = arith.constant 0 : i32
      %eq3A_31 = arith.cmpi eq, %arg1, %eq3A_30 : i32
      %convert_element_type3A_32 = arith.extui %eq3A_31 : i1 to i32
      %cond3A_33 = arith.constant 0 : i32
      %cond3A_34 = arith.cmpi ne, %convert_element_type3A_32, %cond3A_33 : i32
      scf.if %cond3A_34 {
        %broadcast_in_dim3A = arith.constant 0.000000e+00 : f32
        %broadcast_in_dim3A_41 = vector.broadcast %broadcast_in_dim3A : f32 to vector<128x768xf32>
        %swap3A_42 = arith.constant 0 : index
        %swap3A_43 = arith.constant 0 : index
        %swap3A_44 = vector.load %arg7[%swap3A_42, %swap3A_43] : memref<128x768xf32, #tpu.memory_space<vmem>>, vector<128x768xf32>
        tpu.vector_store %arg7[%swap3A_42, %swap3A_43], %broadcast_in_dim3A_41 {strides = array<i32>} : memref<128x768xf32, #tpu.memory_space<vmem>>, vector<128x768xf32>,
      } else {
      }
      %get3A_35 = arith.constant 0 : index
      %get3A_36 = arith.constant 0 : index
      %get3A_37 = vector.load %arg7[%get3A_35, %get3A_36] : memref<128x768xf32, #tpu.memory_space<vmem>>, vector<128x768xf32>
      %add3A_38 = arith.addf %get3A_37, %dot_general3A_29 : vector<128x768xf32>
      %swap3A = arith.constant 0 : index
      %swap3A_39 = arith.constant 0 : index
      %swap3A_40 = vector.load %arg7[%swap3A, %swap3A_39] : memref<128x768xf32, #tpu.memory_space<vmem>>, vector<128x768xf32>
      tpu.vector_store %arg7[%swap3A, %swap3A_39], %add3A_38 {strides = array<i32>} : memref<128x768xf32, #tpu.memory_space<vmem>>, vector<128x768xf32>,
    } else {
    }
    return
  }
  func.func @transform_0(%arg0: i32, %arg1: i32, %arg2: memref<64xi32, #tpu.memory_space<smem>>) -> (i32, i32, i32) {
    %c0_i32 = arith.constant 0 : i32
    %c0_i32_0 = arith.constant 0 : i32
    %c0_i32_1 = arith.constant 0 : i32
    return %arg0, %c0_i32, %c0_i32_0 : i32, i32, i32
  }
  func.func @transform_1(%arg0: i32, %arg1: i32, %arg2: memref<64xi32, #tpu.memory_space<smem>>) -> (i32, i32) {
    %c0_i32 = arith.constant 0 : i32
    %c0_i32_0 = arith.constant 0 : i32
    %c0_i32_1 = arith.constant 0 : i32
    return %c0_i32, %c0_i32_0 : i32, i32
  }
  func.func @transform_2(%arg0: i32, %arg1: i32, %arg2: memref<64xi32, #tpu.memory_space<smem>>) -> (i32, i32, i32) {
    %get3A = arith.index_cast %arg0 : i32 to index
    %get3A_0 = memref.load %arg2[%get3A] : memref<64xi32, #tpu.memory_space<smem>>
    %c0_i32 = arith.constant 0 : i32
    %c0_i32_1 = arith.constant 0 : i32
    return %get3A_0, %arg1, %c0_i32 : i32, i32, i32
  }
  func.func @transform_3(%arg0: i32, %arg1: i32, %arg2: memref<64xi32, #tpu.memory_space<smem>>) -> (i32, i32, i32) {
    %get3A = arith.index_cast %arg0 : i32 to index
    %get3A_0 = memref.load %arg2[%get3A] : memref<64xi32, #tpu.memory_space<smem>>
    %c0_i32 = arith.constant 0 : i32
    %c0_i32_1 = arith.constant 0 : i32
    return %get3A_0, %c0_i32, %arg1 : i32, i32, i32
  }
  func.func @transform_4(%arg0: i32, %arg1: i32, %arg2: memref<64xi32, #tpu.memory_space<smem>>) -> (i32, i32) {
    %c0_i32 = arith.constant 0 : i32
    %c0_i32_0 = arith.constant 0 : i32
    return %arg0, %c0_i32 : i32, i32
  }
}

module attributes {stable_mosaic.version = 14 : i64} {
  func.func @_router_body(%arg0: memref<2048x768xf32, #tpu.memory_space<vmem>>, %arg1: memref<16x768xf32, #tpu.memory_space<vmem>>, %arg2: memref<2048x1xi32, #tpu.memory_space<vmem>>, %arg3: memref<2048x1xi32, #tpu.memory_space<vmem>>, %arg4: memref<2048x1xf32, #tpu.memory_space<vmem>>, %arg5: memref<2048x1xf32, #tpu.memory_space<vmem>>, %arg6: memref<1x1xf32, #tpu.memory_space<smem>>) attributes {dimension_semantics = [], scalar_prefetch = 0 : i64, scratch_operands = 0 : i64, tpu.core_type = #tpu.core_type<tc>} {
    %get3A = arith.constant 0 : index
    %get3A_0 = arith.constant 0 : index
    %get3A_1 = vector.load %arg0[%get3A, %get3A_0] : memref<2048x768xf32, #tpu.memory_space<vmem>>, vector<2048x768xf32>
    %get3A_2 = arith.constant 0 : index
    %get3A_3 = arith.constant 0 : index
    %get3A_4 = vector.load %arg1[%get3A_2, %get3A_3] : memref<16x768xf32, #tpu.memory_space<vmem>>, vector<16x768xf32>
    %dot_general3A = arith.constant dense<0.000000e+00> : vector<2048x16xf32>
    %dot_general3A_5 = tpu.matmul %get3A_1, %get3A_4, %dot_general3A {dimension_numbers = #tpu.dot_dimension_numbers<[1], [1], [0], [0], [0, 0, 1, 0], [], []>, transpose_lhs_hint = false} : vector<2048x768xf32>, vector<16x768xf32>, vector<2048x16xf32> -> vector<2048x16xf32>
    %reduce_max3A = arith.constant dense<0xFF800000> : vector<2048xf32>
    %reduce_max3A_6 = vector.multi_reduction <maximumf>, %dot_general3A_5, %reduce_max3A [1] : vector<2048x16xf32> to vector<2048xf32>
    %broadcast_in_dim3A = vector.shape_cast %reduce_max3A_6 : vector<2048xf32> to vector<2048x1xf32>
    %sub3A = vector.broadcast %broadcast_in_dim3A : vector<2048x1xf32> to vector<2048x16xf32>
    %sub3A_7 = arith.subf %dot_general3A_5, %sub3A : vector<2048x16xf32>
    %exp3A = math.exp %sub3A_7 : vector<2048x16xf32>
    %reduce_sum3A = arith.constant dense<0.000000e+00> : vector<2048xf32>
    %reduce_sum3A_8 = vector.multi_reduction <add>, %exp3A, %reduce_sum3A [1] : vector<2048x16xf32> to vector<2048xf32>
    %broadcast_in_dim3A_9 = vector.shape_cast %reduce_sum3A_8 : vector<2048xf32> to vector<2048x1xf32>
    %div3A = vector.broadcast %broadcast_in_dim3A_9 : vector<2048x1xf32> to vector<2048x16xf32>
    %div3A_10 = arith.divf %exp3A, %div3A : vector<2048x16xf32>
    %iota3A = tpu.iota {dimensions = array<i32: 1>} : vector<2048x16xi32>
    %reduce_max3A_11 = arith.constant dense<0xFF800000> : vector<2048xf32>
    %reduce_max3A_12 = vector.multi_reduction <maximumf>, %div3A_10, %reduce_max3A_11 [1] : vector<2048x16xf32> to vector<2048xf32>
    %broadcast_in_dim3A_13 = vector.shape_cast %reduce_max3A_12 : vector<2048xf32> to vector<2048x1xf32>
    %ge3A = vector.broadcast %broadcast_in_dim3A_13 : vector<2048x1xf32> to vector<2048x16xf32>
    %ge3A_14 = arith.cmpf oge, %div3A_10, %ge3A : vector<2048x16xf32>
    %jit3A = arith.constant 16 : i32
    %broadcast_in_dim3A_15 = vector.broadcast %jit3A : i32 to vector<2048x16xi32>
    %select_n3A = arith.select %ge3A_14, %iota3A, %broadcast_in_dim3A_15 : vector<2048x16xi1>, vector<2048x16xi32>
    %reduce_min3A = arith.constant dense<2147483647> : vector<2048xi32>
    %reduce_min3A_16 = vector.multi_reduction <minsi>, %select_n3A, %reduce_min3A [1] : vector<2048x16xi32> to vector<2048xi32>
    %broadcast_in_dim3A_17 = vector.shape_cast %reduce_min3A_16 : vector<2048xi32> to vector<2048x1xi32>
    %eq3A = vector.broadcast %broadcast_in_dim3A_17 : vector<2048x1xi32> to vector<2048x16xi32>
    %eq3A_18 = arith.cmpi eq, %iota3A, %eq3A : vector<2048x16xi32>
    %jit3A_19 = arith.constant -1.000000e+00 : f32
    %broadcast_in_dim3A_20 = vector.broadcast %jit3A_19 : f32 to vector<2048x16xf32>
    %select_n3A_21 = arith.select %eq3A_18, %broadcast_in_dim3A_20, %div3A_10 : vector<2048x16xi1>, vector<2048x16xf32>
    %reduce_max3A_22 = arith.constant dense<0xFF800000> : vector<2048xf32>
    %reduce_max3A_23 = vector.multi_reduction <maximumf>, %select_n3A_21, %reduce_max3A_22 [1] : vector<2048x16xf32> to vector<2048xf32>
    %broadcast_in_dim3A_24 = vector.shape_cast %reduce_max3A_23 : vector<2048xf32> to vector<2048x1xf32>
    %ge3A_25 = vector.broadcast %broadcast_in_dim3A_24 : vector<2048x1xf32> to vector<2048x16xf32>
    %ge3A_26 = arith.cmpf oge, %select_n3A_21, %ge3A_25 : vector<2048x16xf32>
    %jit3A_27 = arith.constant 16 : i32
    %broadcast_in_dim3A_28 = vector.broadcast %jit3A_27 : i32 to vector<2048x16xi32>
    %select_n3A_29 = arith.select %ge3A_26, %iota3A, %broadcast_in_dim3A_28 : vector<2048x16xi1>, vector<2048x16xi32>
    %reduce_min3A_30 = arith.constant dense<2147483647> : vector<2048xi32>
    %reduce_min3A_31 = vector.multi_reduction <minsi>, %select_n3A_29, %reduce_min3A_30 [1] : vector<2048x16xi32> to vector<2048xi32>
    %broadcast_in_dim3A_32 = vector.shape_cast %reduce_min3A_31 : vector<2048xi32> to vector<2048x1xi32>
    %add3A = arith.addf %broadcast_in_dim3A_13, %broadcast_in_dim3A_24 : vector<2048x1xf32>
    %swap3A = arith.constant 0 : index
    %swap3A_33 = arith.constant 0 : index
    %swap3A_34 = vector.load %arg2[%swap3A, %swap3A_33] : memref<2048x1xi32, #tpu.memory_space<vmem>>, vector<2048x1xi32>
    tpu.vector_store %arg2[%swap3A, %swap3A_33], %broadcast_in_dim3A_17 {strides = array<i32>} : memref<2048x1xi32, #tpu.memory_space<vmem>>, vector<2048x1xi32>,
    %swap3A_35 = arith.constant 0 : index
    %swap3A_36 = arith.constant 0 : index
    %swap3A_37 = vector.load %arg3[%swap3A_35, %swap3A_36] : memref<2048x1xi32, #tpu.memory_space<vmem>>, vector<2048x1xi32>
    tpu.vector_store %arg3[%swap3A_35, %swap3A_36], %broadcast_in_dim3A_32 {strides = array<i32>} : memref<2048x1xi32, #tpu.memory_space<vmem>>, vector<2048x1xi32>,
    %div3A_38 = arith.divf %broadcast_in_dim3A_13, %add3A : vector<2048x1xf32>
    %swap3A_39 = arith.constant 0 : index
    %swap3A_40 = arith.constant 0 : index
    %swap3A_41 = vector.load %arg4[%swap3A_39, %swap3A_40] : memref<2048x1xf32, #tpu.memory_space<vmem>>, vector<2048x1xf32>
    tpu.vector_store %arg4[%swap3A_39, %swap3A_40], %div3A_38 {strides = array<i32>} : memref<2048x1xf32, #tpu.memory_space<vmem>>, vector<2048x1xf32>,
    %div3A_42 = arith.divf %broadcast_in_dim3A_24, %add3A : vector<2048x1xf32>
    %swap3A_43 = arith.constant 0 : index
    %swap3A_44 = arith.constant 0 : index
    %swap3A_45 = vector.load %arg5[%swap3A_43, %swap3A_44] : memref<2048x1xf32, #tpu.memory_space<vmem>>, vector<2048x1xf32>
    tpu.vector_store %arg5[%swap3A_43, %swap3A_44], %div3A_42 {strides = array<i32>} : memref<2048x1xf32, #tpu.memory_space<vmem>>, vector<2048x1xf32>,
    %reduce_sum3A_46 = arith.constant dense<0.000000e+00> : vector<16xf32>
    %reduce_sum3A_47 = vector.multi_reduction <add>, %div3A_10, %reduce_sum3A_46 [0] : vector<2048x16xf32> to vector<16xf32>
    %broadcast_in_dim3A_48 = vector.shape_cast %reduce_sum3A_47 : vector<16xf32> to vector<1x16xf32>
    %mul3A = arith.constant 4.8828125E-4 : f32
    %mul3A_49 = vector.broadcast %mul3A : f32 to vector<1x16xf32>
    %mul3A_50 = arith.mulf %broadcast_in_dim3A_48, %mul3A_49 : vector<1x16xf32>
    %mul3A_51 = arith.mulf %mul3A_50, %mul3A_50 : vector<1x16xf32>
    %reduce_sum3A_52 = vector.shape_cast %mul3A_51 : vector<1x16xf32> to vector<1x1x16xf32>
    %reduce_sum3A_53 = arith.constant dense<0.000000e+00> : vector<1xf32>
    %reduce_sum3A_54 = vector.multi_reduction <add>, %reduce_sum3A_52, %reduce_sum3A_53 [1, 2] : vector<1x1x16xf32> to vector<1xf32>
    %reduce_sum3A_55 = vector.shape_cast %reduce_sum3A_54 : vector<1xf32> to vector<1x1x1xf32>
    %reduce_sum3A_56 = vector.extract %reduce_sum3A_55[0, 0, 0] : f32 from vector<1x1x1xf32>
    %mul3A_57 = arith.constant 1.600000e+01 : f32
    %mul3A_58 = arith.mulf %mul3A_57, %reduce_sum3A_56 : f32
    %swap3A_59 = arith.constant 0 : index
    %swap3A_60 = arith.constant 0 : index
    %swap3A_61 = memref.load %arg6[%swap3A_59, %swap3A_60] : memref<1x1xf32, #tpu.memory_space<smem>>
    memref.store %mul3A_58, %arg6[%swap3A_59, %swap3A_60] : memref<1x1xf32, #tpu.memory_space<smem>>
    return
  }
}

</mosaic_0001>

<sc_bundles>
// kernel: kernel.6.cloned.1.call-start
scs
__scs_entry_jumppad:
0x0: {  	(pc) =	sbr.rel $0x88, $3  }
0x1: {  	(tag) =	ssettag $0x0;
	lr =	simm.s32 $0x1  }
0x2: {  	[smem:$0x3F9D] =	sst lr;
	_ =	strace $0xD0000000  }
0x3: {  	_ = 	snop  }
0x4: {  	_ = 	snop  }
0x5: {  	_ = 	snop  }
0x6: {  	_ = 	snop  }
0x7: {  	_ = 	snop  }
__scs_overlays_trampoline_lowered:
0x8: {  	[smem:$0x3FAC] =	sst s0  }
0x9: {  	[smem:$0x3FAD] =	sst s1  }
0xa: {  	[smem:$0x3FAE] =	sst s2  }
0xb: {  	[smem:$0x3FAF] =	sst s3  }
0xc: {  	[smem:$0x3FB0] =	sst s4  }
0xd: {  	[smem:$0x3FB1] =	sst s5  }
0xe: {  	[smem:$0x3FB2] =	sst s6  }
0xf: {  	[smem:$0x3FB3] =	sst s7  }
0x10: {  	[smem:$0x3FB4] =	sst s8  }
0x11: {  	[smem:$0x3FB5] =	sst s9;
	s0 =	simm.s32 @!p0 $0x0  }
0x12: {  	s1 =	sld [smem:$0x3F9B];
	s0 =	simm.s32 @p0 $0x1  }
0x13: {  	[smem:$0x3FB6] =	sst s0;
	s0 =	simm.s32 @!p1 $0x0  }
0x14: {  	s2 =	sld [smem:$0x3F9A];
	s0 =	simm.s32 @p1 $0x1  }
0x15: {  	[smem:$0x3FB7] =	sst s0;
	s0 =	simm.s32 @!p2 $0x0  }
0x16: {  	s3 =	sld [smem:$0x3FDB];
	s0 =	simm.s32 @p2 $0x1  }
0x17: {  	s4 =	simm.s32 $0x1BF5;
	[smem:$0x3FB9] =	sst s0  }
0x18: {  	s0 =	sld [smem:$0x3F9C];
	_ =	swait.ge [sflag:s4], $0x0  }
0x19: {  	s7 =	sld [smem:$0x3F9D]  }
0x1a: {  	s8 =	sadd.s32 $0xFFFFE003, lr  }
0x1b: {  	s9 =	sadd.s32 $0xFFFFFEF7, lr;
	s5 =	simm.s32 $0xFFFFFFFF;
	p2 =	slt.u32 s8, $0xFFFFF086  }
0x1c: {  	p1 =	slt.u32 s9, $0xF7A;
	s5 =	simm.s32 @!p2 $0x0  }
0x1d: {  	s5 =	simm.s32 @p1 $0x1;
	p0 =	seq.s32 s7, s2  }
0x1e: {  	s7 =	smul.u32 @!p0 $0xF7A, s2;
	p2 =	seq.s32 @!p0 s5, $0x0  }
0x1f: {  	s9 =	smul.u32 $0xF7A, s1;
	s8 =	simm.s32 @!p0 $0x1BF5;
	p2 =	por !p2, p0  }
0x20: {  	[sflag:s8] =	ssyncset.s32 @!p0 $0xFFFFF086;
	s6 =	sadd.s32 @!p0 s3, s7;
	s7 =	simm.s32 @!p0 $0x108  }
0x21: {  	s3 =	sadd.s32 s3, s9;
	s6 =	sadd.s32 @!p0 $0x88, s6;
	s7 =	simm.s32 @p2 $0x1082  }
0x22: {  	[simem:s7], [sflag:s8] =	dma.local @!p0 [hbm:s6], $0xF7A  }
0x23: {  	s9 =	sor.u32 $0xD0000000, s2;
	s6 =	simm.s32 $0x108;
	_ =	swait.ge @!p0 [sflag:s8], $0x0  }
0x24: {  	s3 =	sadd.s32 $0x88, s3;
	s6 =	simm.s32 @!p1 $0x1082;
	[sflag:s4] =	ssyncset.s32 $0xFFFFF086  }
0x25: {  	[simem:s6], [sflag:s4] =	dma.local [hbm:s3], $0xF7A  }
0x26: {  	[smem:$0x3F9D] =	sst s1;
	(tag) =	ssettag s2;
	_ =	strace s9  }
0x27: {  	s1 =	sld [smem:$0x3FAD]  }
0x28: {  	s2 =	sld [smem:$0x3FAE]  }
0x29: {  	s4 =	sld [smem:$0x3FB0]  }
0x2a: {  	p0 =	seq.s32 s5, $0x0;
	s5 =	sld [smem:$0x3FB1]  }
0x2b: {  	s6 =	sld [smem:$0x3FB2]  }
0x2c: {  	s7 =	sld [smem:$0x3FB3]  }
0x2d: {  	s3 =	simm.s32 $0x108;
	s8 =	sld [smem:$0x3FB4]  }
0x2e: {  	s3 =	simm.s32 @!p0 $0x1082;
	s9 =	sld [smem:$0x3FB5]  }
0x2f: {  	lr =	sadd.s32 s0, s3;
	s0 =	sld [smem:$0x3FAC]  }
0x30: {  	s3 =	sld [smem:$0x3FAF]  }
0x31: {  	[smem:$0x3FB8] =	sst s10  }
0x32: {  	s10 =	sld [smem:$0x3FB6];
	_ =	sdelay $0x3  }
0x33: {  	p0 =	seq.s32 s10, $0x1;
	s10 =	sld [smem:$0x3FB8];
	_ =	sdelay $0x3  }
0x34: {  	[smem:$0x3FB8] =	sst s10  }
0x35: {  	s10 =	sld [smem:$0x3FB7];
	_ =	sdelay $0x3  }
0x36: {  	p1 =	seq.s32 s10, $0x1;
	s10 =	sld [smem:$0x3FB8];
	_ =	sdelay $0x3  }
0x37: {  	[smem:$0x3FB8] =	sst s10  }
0x38: {  	s10 =	sld [smem:$0x3FB9]  }
0x39: {  	_ = 	snop;
	(pc) =	sbr.ind lr, $3  }
0x3a: {  	_ = 	snop  }
0x3b: {  	_ = 	snop  }
0x3c: {  	p2 =	seq.s32 s10, $0x1;
	s10 =	sld [smem:$0x3FB8]  }
0x3d: {  	_ =	shalt  }
0x3e: {  	_ =	shalt  }
0x3f: {  	_ =	shalt  }
0x40: {  	_ =	shalt  }
0x41: {  	_ =	shalt  }
0x42: {  	_ =	shalt  }
0x43: {  	_ =	shalt  }
0x44: {  	_ =	shalt  }
0x45: {  	_ =	shalt  }
0x46: {  	_ =	shalt  }
0x47: {  	_ =	shalt  }
0x48: {  	_ =	shalt  }
0x49: {  	_ =	shalt  }
0x4a: {  	_ =	shalt  }
0x4b: {  	_ =	shalt  }
0x4c: {  	_ =	shalt  }
0x4d: {  	_ =	shalt  }
0x4e: {  	_ =	shalt  }
0x4f: {  	_ =	shalt  }
0x50: {  	_ =	shalt  }
0x51: {  	_ =	shalt  }
0x52: {  	_ =	shalt  }
0x53: {  	_ =	shalt  }
0x54: {  	_ =	shalt  }
0x55: {  	_ =	shalt  }
0x56: {  	_ =	shalt  }
0x57: {  	_ =	shalt  }
0x58: {  	_ =	shalt  }
0x59: {  	_ =	shalt  }
0x5a: {  	_ =	shalt  }
0x5b: {  	_ =	shalt  }
0x5c: {  	_ =	shalt  }
0x5d: {  	_ =	shalt  }
0x5e: {  	_ =	shalt  }
0x5f: {  	_ =	shalt  }
0x60: {  	_ =	shalt  }
0x61: {  	_ =	shalt  }
0x62: {  	_ =	shalt  }
0x63: {  	_ =	shalt  }
0x64: {  	_ =	shalt  }
0x65: {  	_ =	shalt  }
0x66: {  	_ =	shalt  }
0x67: {  	_ =	shalt  }
0x68: {  	_ =	shalt  }
0x69: {  	_ =	shalt  }
0x6a: {  	_ =	shalt  }
0x6b: {  	_ =	shalt  }
0x6c: {  	_ =	shalt  }
0x6d: {  	_ =	shalt  }
0x6e: {  	_ =	shalt  }
0x6f: {  	_ =	shalt  }
0x70: {  	_ =	shalt  }
0x71: {  	_ =	shalt  }
0x72: {  	_ =	shalt  }
0x73: {  	_ =	shalt  }
0x74: {  	_ =	shalt  }
0x75: {  	_ =	shalt  }
0x76: {  	_ =	shalt  }
0x77: {  	_ =	shalt  }
0x78: {  	_ =	shalt  }
0x79: {  	_ =	shalt  }
0x7a: {  	_ =	shalt  }
0x7b: {  	_ =	shalt  }
0x7c: {  	_ =	shalt  }
0x7d: {  	_ =	shalt  }
0x7e: {  	_ =	shalt  }
0x7f: {  	_ =	shalt  }
0x80: {  	_ =	shalt  }
0x81: {  	_ =	shalt  }
0x82: {  	_ =	shalt  }
0x83: {  	_ =	shalt  }
0x84: {  	_ =	shalt  }
0x85: {  	_ =	shalt  }
0x86: {  	_ =	shalt  }
0x87: {  	_ =	shalt  }
.Lfunc_end0:
.L_simem_size_0:
called_computation_lowered:
.L_overlay_start_0:
0x88: {  	s2 =	sld [smem:$0x3FD9]  }
0x89: {  	s3 =	sld [smem:$0x3FFE];
	_ =	sdelay $0x1  }
0x8a: {  	s1 =	srdreg.scid  }
0x8b: {  	s0 =	sand.u32 $0x1, s1  }
0x8c: {  	s14 =	sshll.u32 s0, $0xA;
	s2 =	sadd.s32 s3, s2  }
0x8d: {  	s2 =	sadd.s32 s2, s14  }
0x8e: {  	[smem:$0x3FC4] =	sst s2  }
0x8f: {  	_ = 	snop  }
0x90: {  	s2 =	sld [smem:$0x3FD0];
	_ =	sdelay $0x2  }
0x91: {  	s15 =	simm.s32 $0xA;
	s4 =	simm.s32 $0x10  }
0x92: {  	[smem:s4], [sflag:s15] =	dma.local [hbm:s2], $0x1  }
0x93: {  	_ =	swait.eq [sflag:s15], $0x1  }
0x94: {  	[sflag:s15] =	ssyncset.done $0x0  }
0x95: {  	[sflag:s15] =	ssyncadd.s32 $0xFFFFFFFF  }
0x96: {  	s16 =	sld [smem:$0x10];
	(tm) =	ssettm $0x1  }
0x97: {  	s17 =	sld [smem:$0x3FFB];
	_ =	sdelay $0x3  }
0x98: {  	_ =	strace s17  }
0x99: {  	s3 =	sld [smem:$0x3FFC];
	_ =	sdelay $0x3  }
0x9a: {  	_ =	strace s3  }
0x9b: {  	s3 =	sld [smem:$0x3FFD];
	_ =	sdelay $0x3  }
0x9c: {  	_ =	strace s3  }
0x9d: {  	_ =	strace $0x8FFFFFFF  }
0x9e: {  	s18 =	sld [smem:$0x3FDB];
	_ =	sdelay $0x1  }
0x9f: {  	s19 =	simm.s32 $_scs_section_size  }
0xa0: {  	s5 =	simm.s32 $_size__tile_overlayer_lowered;
	s6 =	simm.s32 $_tile_overlayer_lowered  }
0xa1: {  	s22 =	simm.s32 $0x1BFF;
	s21 =	sshll.u32 s6, $0x1;
	s3 =	sadd.s32 s19, s18  }
0xa2: {  	s7 =	simm.s32 $0x0;
	s20 =	sshll.u32 s5, $0x1;
	s5 =	sadd.s32 s21, s3  }
0xa3: {  	[timem:s7], [sflag:s22] =	dma.local [hbm:s5], s20  }
0xa4: {  	_ =	swait.ge [sflag:s22], s20  }
0xa5: {  	s4 =	ssub.s32 $0x0, s20;
	[sflag:s22] =	ssyncset.done $0x0  }
0xa6: {  	[sflag:s22] =	ssyncadd.s32 s4;
	_ =	sdelay $0x1  }
0xa7: {  	s23 =	simm.s32 $0x1B8B  }
0xa8: {  	_ =	swait.ge [sflag:s23], $0x1  }
0xa9: {  	[sflag:s23] =	ssyncset.done $0x0  }
0xaa: {  	s25 =	simm.s32 $0x1B8E;
	s24 =	sld [smem:$0x3FFE];
	[sflag:s23] =	ssyncadd.s32 $0xFFFFFFFF  }
0xab: {  	s26 =	simm.s32 $execute0_lowered;
	[smem:$0x3FD2] =	sst s25  }
0xac: {  	s5 =	sshll.u32 s26, $0x1;
	_ =	strace $0x80000046;
	[dreg:$0x1] =	wrdreg $0xFFFFFFFF  }
0xad: {  	s28 =	simm.s32 $_size_execute0_lowered;
	s3 =	sadd.s32 s3, s5;
	[dreg:$0x0] =	wrdreg $0x0  }
0xae: {  	s5 =	sshll.u32 s28, $0x1;
	[dreg:$0x2] =	wrdreg s3  }
0xaf: {  	[dreg:$0x3] =	wrdreg s5  }
0xb0: {  	[dreg:$0x4] =	wrdreg $0xC0  }
0xb1: {  	_ =	task [dreg:s7], $0x5FFFF  }
0xb2: {  	[dreg:$0x1] =	wrdreg $0xFFFFFFFF  }
0xb3: {  	[dreg:$0x0] =	wrdreg $0x60  }
0xb4: {  	[dreg:$0x2] =	wrdreg s24  }
0xb5: {  	[dreg:$0x3] =	wrdreg s16  }
0xb6: {  	[dreg:$0x4] =	wrdreg $0xB2000  }
0xb7: {  	[dreg:$0x5] =	wrdreg $0xB2100  }
0xb8: {  	[dreg:$0x6] =	wrdreg $0xBA100  }
0xb9: {  	[dreg:$0x7] =	wrdreg $0x9  }
0xba: {  	_ =	task.clear_ibuf [dreg:s7], $0x8FFFF;
	_ =	strace $0x90000046  }
0xbb: {  	s29 =	simm.s32 $0x9;
	_ =	strace $0x80000048  }
0xbc: {  	_ =	swait.ge [sflag:s29], $0x1  }
0xbd: {  	[sflag:s29] =	ssyncadd.s32 $0xFFFFFFFF  }
0xbe: {  	_ =	strace $0x90000048  }
0xbf: {  	_ =	sfence  }
0xc0: {  	s30 =	sld [smem:$0x0];
	_ =	sdelay $0x2  }
0xc1: {  	s31 =	sshll.u32 s1, $0xD;
	s1 =	sshrl.u32 s1, $0x2  }
0xc2: {  	s3 =	sand.u32 $0x4000, s31;
	s1 =	sadd.s32 s1, s30  }
0xc3: {  	s0 =	sor.u32 s3, s0;
	s1 =	sshll.u32 s1, $0x11  }
0xc4: {  	s0 =	sor.u32 s1, s0  }
0xc5: {  	s0 =	sadd.s32 $0x8F2B, s0  }
0xc6: {  	[sflag:s0] =	ssyncadd.remote.s32 $0x1  }
0xc7: {  	_ =	sfence.sel $0xFFFF  }
0xc8: {  	[dreg:$0x0] =	wrdreg $0xFFFFFFFF;
	(pc) =	sbr.abs _section_cstart, $3  }
0xc9: {  	[dreg:$0x1] =	wrdreg $0xFFFFFFFF  }
0xca: {  	_ =	task.clear_ibuf [dreg:s7], $0x2FFFF;
	_ =	strace $0x9FFFFFFF  }
0xcb: {  	(tm) =	ssettm $0x7FFFFFFF  }
tec
execute0_lowered:
.L_overlay_start_1:
0x0: {  	(tag) =	ssettag $0x1  }
0x1: {  	s1 =	srdreg.scid  }
0x2: {  	s4 =	rddreg [dreg:$0x0];
	s1 =	sand.u32 $0x1, s1  }
0x3: {  	s3 =	rddreg [dreg:$0x1];
	p0 =	seq.s32 s1, $0x1  }
.Ltmp0:
0x4: {  	s12 =	rddreg [dreg:$0x2];
	(pc) =	sbr.rel @p0 .LBB2_19-.Ltmp0, $4  }
0x5: {  	s10 =	rddreg [dreg:$0x3]  }
0x6: {  	s7 =	rddreg [dreg:$0x4];
	s2 =	simm.s32 $0x0  }
0x7: {  	[smem:$0x7FF] =	sst s2  }
0x8: {  	s0 =	rddreg [dreg:$0x5];
	_ =	strace $0x80000047;
	s1 =	stileid.u32  }
0x9: {  	s5 =	sadd.s32 $0x200, s4;
	s6 =	simm.s32 $0x1  }
0xa: {  	[tilespmem:s2], [sflag:$0x1] =	stream.linear.gather [hbm4b:s5+s2], $0x800, $0x38;
	[tilespmem:$0xC210] =	vst v63  }
0xb: {  	_ =	swait.ge [sflag:s6], $0x800  }
0xc: {  	[sflag:s6] =	ssyncset.done $0x0  }
0xd: {  	s29 =	sadd.s32 $0x400, s4;
	s8 =	simm.s32 $0x800;
	[sflag:s6] =	ssyncadd.s32 $0xFFFFF800  }
0xe: {  	[tilespmem:s8], [sflag:$0x1] =	stream.linear.gather [hbm4b:s29+s2], $0x800, $0x38;
	[tilespmem:$0xC210] =	vst v63  }
0xf: {  	_ =	swait.ge [sflag:s6], $0x800  }
0x10: {  	[sflag:s6] =	ssyncset.done $0x0  }
0x11: {  	s14 =	simm.s32 $0x0;
	[sflag:s6] =	ssyncadd.s32 $0xFFFFF800  }
0x12: {  	s30 =	sshll.u32 s1, $0x4;
	s31 =	sshll.u32 s1, $0xB;
	v1 =	vld [tilespmem:s14+$0x0]  }
0x13: {  	s13 =	sadd.s32 s30, s4;
	s5 =	sshll.u32 s1, $0x7;
	s9 =	sadd.s32 s31, s10;
	v4 =	vld [tilespmem:s14+$0x800]  }
0x14: {  	s11 =	sadd.s32 s31, s7;
	s2 =	sadd.s32 $0x600, s4;
	s4 =	sadd.s32 s5, s12  }
0x15: {  	v3 =	vmov s1;
	v0 =	vimm.s32 $0x0;
	v2 =	vimm.s32 $0x0;
	s8 =	sadd.s32 $0x800, s13;
	s6 =	sadd.s32 $0xA00, s13;
	s13 =	simm.s32 $0x40  }
.LBB2_2:
0x16: {  	p0 =	sne.s32 s13, $0x1FC0  }
.Ltmp1:
0x17: {  	s14 =	sshra.s32 s13, $0x2;
	(pc) =	sbr.rel @p0 .LBB2_2-.Ltmp1, $4  }
0x18: {  	s13 =	sadd.s32 $0x40, s13;
	vm0 =	veq.s32 v1, v3;
	v1 =	vld [tilespmem:s14+$0x0];
	vm1 =	veq.s32 v4, v3  }
0x19: {  	v4 =	vld [tilespmem:s14+$0x800];
	vm0 =	vmor vm0, vm1  }
0x1a: {  	v5 =	vsel vm0, $0x1, v0  }
0x1b: {  	v2 =	vadd.s32 v5, v2  }
0x1c: {  	_ =	sdelay $0x1  }
0x1d: {  	vm0 =	veq.s32 v1, v3;
	vm1 =	veq.s32 v4, v3  }
0x1e: {  	vm0 =	vmor vm0, vm1  }
0x1f: {  	v0 =	vsel vm0, $0x1, v0  }
0x20: {  	v0 =	vadd.s32 v0, v2  }
0x21: {  	(xrf0) =	vadd.scan.msk.s32 $0xffff, v0;
	_ =	sdelay $0x5  }
0x22: {  	v0, _, _ =	vpop (xrf0)  }
0x23: {  	v0 =	vbroadcast v0, $0xF;
	_ =	sdelay $0x1  }
0x24: {  	s13 =	simm.s32 $0x2800;
	[tilespmem:$0x2800] =	vst v0  }
0x25: {  	[spmem:s4] =	stream.linear.scatter [tilespmem:s13], [sflag:$0x1], $0x80, $0x38;
	[tilespmem:$0xC210] =	vst v63  }
0x26: {  	s4 =	simm.s32 $0x1  }
0x27: {  	_ =	swait.ge [sflag:s4], $0x80  }
0x28: {  	[sflag:s4] =	ssyncset.done $0x0  }
0x29: {  	[sflag:s4] =	ssyncadd.s32 $0xFFFFFF80  }
0x2a: {  	s26 =	simm.s32 $0x2880;
	[bflag:$0x0] =	sbarrier.arrive $0xFFFF  }
0x2b: {  	[tilespmem:s26], [sflag:$0x1] =	stream.linear.gather [spmem:s12], $0x800, $0x38;
	[tilespmem:$0xC210] =	vst v63  }
0x2c: {  	_ =	swait.ge [sflag:s4], $0x800  }
0x2d: {  	[sflag:s4] =	ssyncset.done $0x0  }
0x2e: {  	[sflag:s4] =	ssyncadd.s32 $0xFFFFF800  }
0x2f: {  	v0 =	vld [tilespmem:$0x2880]  }
0x30: {  	v1 =	vld [tilespmem:$0x2900]  }
0x31: {  	v2 =	vld [tilespmem:$0x2980]  }
0x32: {  	v4 =	vld [tilespmem:$0x2A00]  }
0x33: {  	v5 =	vld [tilespmem:$0x2A80]  }
0x34: {  	vm9 =	vmmov $0x1;
	vm10 =	vcmask $0x308;
	v6 =	vld [tilespmem:$0x2B00]  }
0x35: {  	vm12 =	vcmask $0x70C;
	v7 =	vld [tilespmem:$0x2B80];
	v0 =	vnsel vm9, $0x0, v0;
	v1 =	vsel vm10, $0x0, v1  }
0x36: {  	vm14 =	vcmask $0xB10;
	v8 =	vld [tilespmem:$0x2C00];
	v2 =	vsel vm12, $0x0, v2;
	v0 =	vadd.s32 v1, v0  }
0x37: {  	vm15 =	vcmask $0xF14;
	v1 =	vsel vm14, $0x0, v4;
	v4 =	vld [tilespmem:$0x2C80];
	v0 =	vadd.s32 v2, v0  }
0x38: {  	vm13 =	vcmask $0x1318;
	v2 =	vsel vm15, $0x0, v5;
	v5 =	vld [tilespmem:$0x2D00];
	v0 =	vadd.s32 v1, v0  }
0x39: {  	vm11 =	vcmask $0x171C;
	v1 =	vsel vm13, $0x0, v6;
	v6 =	vld [tilespmem:$0x2D80];
	v0 =	vadd.s32 v2, v0  }
0x3a: {  	vm6 =	vcmask $0x1B20;
	v2 =	vsel vm11, $0x0, v7;
	v7 =	vld [tilespmem:$0x2E00];
	v0 =	vadd.s32 v1, v0  }
0x3b: {  	vm7 =	vcmask $0x1F24;
	v1 =	vsel vm6, $0x0, v8;
	v8 =	vld [tilespmem:$0x2E80];
	v0 =	vadd.s32 v2, v0  }
0x3c: {  	vm8 =	vcmask $0x2328;
	v2 =	vsel vm7, $0x0, v4;
	v4 =	vld [tilespmem:$0x2F00];
	v0 =	vadd.s32 v1, v0  }
0x3d: {  	vm4 =	vcmask $0x272C;
	v1 =	vsel vm8, $0x0, v5;
	v5 =	vld [tilespmem:$0x2F80];
	v0 =	vadd.s32 v2, v0  }
0x3e: {  	vm5 =	vcmask $0x2B30;
	v2 =	vsel vm4, $0x0, v6;
	v6 =	vld [tilespmem:$0x3000];
	v0 =	vadd.s32 v1, v0  }
0x3f: {  	vm0 =	vcmask $0x2F34;
	v1 =	vsel vm5, $0x0, v7;
	v0 =	vadd.s32 v2, v0  }
0x40: {  	v2 =	vsel vm0, $0x0, v8;
	vm0 =	vcmask $0x3338;
	v0 =	vadd.s32 v1, v0  }
0x41: {  	v1 =	vsel vm0, $0x0, v4;
	vm0 =	vcmask $0x373C;
	v0 =	vadd.s32 v2, v0  }
0x42: {  	v2 =	vsel vm0, $0x0, v5;
	vm0 =	vmmov $0x7fff;
	v0 =	vadd.s32 v1, v0  }
0x43: {  	v1 =	vsel vm0, $0x0, v6;
	v0 =	vadd.s32 v2, v0  }
0x44: {  	v0 =	vadd.s32 v1, v0  }
0x45: {  	v0 =	vadd.s32 $0x7F, v0  }
0x46: {  	v1 =	vshra.s32 v0, $0x1F;
	v2 =	vand.u32 $0x7F, v0  }
0x47: {  	vm1 =	vlt.s32 v0, $0x1;
	v1 =	vshrl.u32 v1, $0x19;
	vm2 =	vne.s32 v2, $0x0  }
0x48: {  	v4 =	vimm.s32 $0x0;
	vm1 =	vmand vm1, vm2;
	v0 =	vadd.s32 v1, v0  }
0x49: {  	v1 =	vsel vm1, $0xFFFFFFFF, v4;
	v0 =	vshrl.u32 v0, $0x7  }
0x4a: {  	v0 =	vadd.s32 v1, v0  }
0x4b: {  	v2 =	vshll.u32 v0, $0x7  }
0x4c: {  	(xrf0) =	vadd.scan.msk.s32 $0xffff, v2;
	_ =	sdelay $0x5  }
0x4d: {  	v5 =	vlaneseq.u32;
	v1, _, _ =	vpop (xrf0)  }
0x4e: {  	vm1 =	veq.s32 v3, v5;
	v0 =	vsub.s32 v1, v2  }
0x4f: {  	v6 =	vnsel vm1, $0x0, v0  }
0x50: {  	v7 =	vnsel vm1, $0x0, v2;
	(xrf0) =	vadd.scan.msk.s32 $0xffff, v6  }
0x51: {  	(xrf0) =	vadd.scan.msk.s32 $0xffff, v7;
	_ =	sdelay $0x1  }
0x52: {  	v6 =	vsel vm0, $0x0, v1;
	_ =	sdelay $0x2  }
0x53: {  	(xrf0) =	vadd.scan.msk.s32 $0xffff, v6;
	v6, _, _ =	vpop (xrf0)  }
0x54: {  	v7, _, _ =	vpop (xrf0);
	(v2sf) =	vpush v6, $0xF  }
0x55: {  	(v2sf) =	vpush v7, $0xF;
	_ =	sdelay $0x5  }
0x56: {  	v7, _, _ =	vpop (xrf0)  }
0x57: {  	(v2sf) =	vpush v7, $0xF;
	_ =	sdelay $0x6  }
0x58: {  	s12 =	spop (v2sf)  }
0x59: {  	s28 =	spop (v2sf)  }
0x5a: {  	s15 =	sand.u32 $0x7F, s28  }
0x5b: {  	s14 =	sshra.s32 s28, $0x1F;
	p0 =	slt.s32 s28, $0x1;
	p1 =	sne.s32 s15, $0x0  }
0x5c: {  	s14 =	sshrl.u32 s14, $0x19;
	p0 =	por !p0, !p1  }
0x5d: {  	s13 =	sadd.s32 s14, s28;
	s14 =	simm.s32 $0x1;
	p0 =	por !p0, !p0  }
0x5e: {  	s13 =	sshra.s32 s13, $0x7;
	s14 =	simm.s32 @!p0 $0x0  }
0x5f: {  	s13 =	ssub.s32 s13, s14  }
0x60: {  	s29 =	spop (v2sf);
	p1 =	slt.s32 s13, $0x1  }
.Ltmp2:
0x61: {  	s16 =	sand.u32 $0x7F, s29;
	(pc) =	sbr.rel @p1 .LBB2_6-.Ltmp2, $4  }
0x62: {  	s30 =	sshra.s32 s29, $0x1F;
	p6 =	slt.s32 s29, $0x1;
	p5 =	sne.s32 s16, $0x0  }
0x63: {  	s31 =	sshrl.u32 s30, $0x19;
	p0 =	por !p6, !p5  }
0x64: {  	s14 =	sadd.s32 s31, s29;
	p0 =	por !p0, !p0  }
0x65: {  	s14 =	sshra.s32 s14, $0x7;
	s4 =	simm.s32 @!p0 $0x0  }
0x66: {  	s16 =	sshll.u32 s13, $0x3  }
0x67: {  	p0 =	seq.s32 s16, $0x1  }
.Ltmp3:
0x68: {  	_ = 	snop;
	(pc) =	sbr.rel @p0 .LBB2_6-.Ltmp3, $3  }
0x69: {  	_ =	sdelay $0x1  }
0x6a: {  	s15 =	simm.s32 $0x1000  }
0x6b: {  	s16 =	sadd.s32 $0xFFFFFFFF, s16;
	[tilespmem:s15+$0x0] =	vst v4  }
.LBB2_5:
0x6c: {  	p0 =	seq.s32 s16, $0x1  }
.Ltmp4:
0x6d: {  	_ = 	snop;
	(pc) =	sbr.rel @!p0 .LBB2_5-.Ltmp4, $3  }
0x6e: {  	_ =	sdelay $0x1  }
0x6f: {  	s16 =	sadd.s32 $0xFFFFFFFF, s16;
	s15 =	sadd.s32 $0x10, s15  }
0x70: {  	[tilespmem:s15+$0x0] =	vst v4  }
.LBB2_6:
0x71: {  	s17 =	simm.s32 $0x0  }
0x72: {  	s18 =	simm.s32 $0x800;
	v7 =	vld [tilespmem:s17+$0x0]  }
0x73: {  	v8 =	vld [tilespmem:s18+$0x0];
	_ =	sdelay $0x4  }
0x74: {  	vm1 =	veq.s32 v7, v3;
	vm2 =	veq.s32 v8, v3  }
0x75: {  	vm3 =	vmor vm1, vm2  }
0x76: {  	v7 =	vsel vm3, $0x1, v4  }
0x77: {  	(xrf0) =	vadd.scan.msk.s32 $0xffff, v7;
	_ =	sdelay $0x4  }
0x78: {  	v7 =	vsel vm3, $0xFFFFFFFF, v4  }
0x79: {  	v7 =	vadd.s32 s17, v7;
	v8, _, _ =	vpop (xrf0)  }
0x7a: {  	v7 =	vadd.s32 v8, v7;
	(v2sf) =	vpush v8, $0xF;
	_ =	sdelay $0x1  }
0x7b: {  	v6 =	vbroadcast v6, $0xF;
	_ =	sdelay $0x1  }
0x7c: {  	s16 =	simm.s32 $0x1000;
	v10 =	vor.u32 s17, v5;
	v9 =	vadd.s32 v6, v7  }
0x7d: {  	s15 =	simm.s32 $0x1800;
	[tilespmem:v7+s16+$0x0] =	vst.idx.msk vm3, v10;
	v7 =	vnsel vm1, $0x0, v9  }
0x7e: {  	s4 =	ssub.s32 s14, s4;
	s14 =	simm.s32 $0x2000;
	v9 =	vnsel vm2, $0x0, v9;
	[tilespmem:s15+$0x0] =	vst v7  }
0x7f: {  	s18 =	simm.s32 $0x10;
	[tilespmem:s14+$0x0] =	vst v9  }
0x80: {  	s19 =	simm.s32 $0x810;
	v7 =	vld [tilespmem:s18+$0x0]  }
0x81: {  	s20 =	simm.s32 $0x20;
	s21 =	simm.s32 $0x10;
	v8 =	vld [tilespmem:s19+$0x0]  }
.LBB2_7:
0x82: {  	p0 =	seq.s32 s20, $0x7F0;
	_ =	sdelay $0x3  }
0x83: {  	vm1 =	veq.s32 v7, v3;
	vm2 =	veq.s32 v8, v3  }
0x84: {  	vm3 =	vmor vm1, vm2;
	s22 =	spop (v2sf)  }
0x85: {  	v7 =	vsel vm3, $0xFFFFFFFF, v4;
	v8 =	vsel vm3, $0x1, v4;
	s17 =	sadd.s32 s17, s22  }
0x86: {  	v7 =	vadd.s32 s17, v7;
	(xrf0) =	vadd.scan.msk.s32 $0xffff, v8;
	_ =	sdelay $0x5  }
0x87: {  	v8, _, _ =	vpop (xrf0)  }
0x88: {  	v7 =	vadd.s32 v8, v7;
	(v2sf) =	vpush v8, $0xF  }
0x89: {  	v8 =	vadd.s32 v6, v7  }
0x8a: {  	v9 =	vnsel vm1, $0x0, v8;
	v8 =	vnsel vm2, $0x0, v8;
	_ =	sdelay $0x1  }
0x8b: {  	v10 =	vor.u32 s18, v5;
	s18 =	smov.u32 s20  }
.Ltmp5:
0x8c: {  	s15 =	sadd.s32 $0x10, s15;
	[tilespmem:v7+s16+$0x0] =	vst.idx.msk vm3, v10;
	(pc) =	sbr.rel @!p0 .LBB2_7-.Ltmp5, $4  }
0x8d: {  	s14 =	sadd.s32 $0x10, s14;
	[tilespmem:s15+$0x0] =	vst v9  }
0x8e: {  	s21 =	sadd.s32 $0x10, s21;
	[tilespmem:s14+$0x0] =	vst v8  }
0x8f: {  	s19 =	sadd.s32 $0x10, s19;
	v7 =	vld [tilespmem:s21+$0x0]  }
0x90: {  	s20 =	sadd.s32 $0x10, s20;
	v8 =	vld [tilespmem:s19+$0x0]  }
0x91: {  	_ =	sdelay $0x3  }
0x92: {  	vm1 =	veq.s32 v7, v3;
	vm2 =	veq.s32 v8, v3  }
0x93: {  	vm3 =	vmor vm1, vm2  }
0x94: {  	v3 =	vsel vm3, $0x1, v4  }
0x95: {  	(xrf0) =	vadd.scan.msk.s32 $0xffff, v3;
	_ =	sdelay $0x5  }
0x96: {  	v3, _, _ =	vpop (xrf0)  }
0x97: {  	(v2sf) =	vpush v3, $0xF;
	_ =	sdelay $0x4  }
0x98: {  	s19 =	spop (v2sf)  }
0x99: {  	v63 =	vsel vm3, $0xFFFFFFFF, v4;
	s17 =	sadd.s32 s17, s19  }
0x9a: {  	v4 =	vadd.s32 s17, v63  }
0x9b: {  	v3 =	vadd.s32 v3, v4;
	_ =	sdelay $0x1  }
0x9c: {  	p0 =	sgt.s32 s13, $0x0  }
.Ltmp6:
0x9d: {  	_ = 	snop;
	(pc) =	sbr.rel @!p0 .LBB2_12-.Ltmp6, $4  }
0x9e: {  	v5 =	vor.u32 s18, v5;
	v4 =	vadd.s32 v6, v3  }
0x9f: {  	s15 =	sadd.s32 $0x10, s15;
	v6 =	vnsel vm1, $0x0, v4;
	[tilespmem:v3+s16+$0x0] =	vst.idx.msk vm3, v5  }
0xa0: {  	s14 =	sadd.s32 $0x10, s14;
	v3 =	vnsel vm2, $0x0, v4;
	[tilespmem:s15+$0x0] =	vst v6  }
0xa1: {  	[tilespmem:s14+$0x0] =	vst v3;
	s31 =	spop (v2sf)  }
0xa2: {  	p0 =	sne.s32 s13, $0x1  }
.Ltmp7:
0xa3: {  	_ = 	snop;
	(pc) =	sbr.rel @!p0 .LBB2_11-.Ltmp7, $4  }
0xa4: {  	s15 =	simm.s32 $0x1000;
	s17 =	sshrl.u32 s12, $0x3  }
0xa5: {  	s16 =	simm.s32 $0x0;
	s14 =	simm.s32 $0x1;
	s17 =	sadd.s32 s3, s17  }
0xa6: {  	[hbm4b:s17+s16] =	stream.linear.scatter [tilespmem:s15], [sflag:$0x1], $0x80, $0x38;
	[tilespmem:$0xC210] =	vst v63  }
0xa7: {  	s13 =	sadd.s32 $0xFFFFFFFF, s13;
	s12 =	sadd.s32 $0x80, s12;
	_ =	swait.ge [sflag:s14], $0x80  }
.LBB2_10:
0xa8: {  	s17 =	sshrl.u32 s12, $0x3  }
0xa9: {  	[sflag:s14] =	ssyncset.done $0x0;
	s15 =	sadd.s32 $0x80, s15;
	p0 =	sne.s32 s13, $0x1  }
.Ltmp8:
0xaa: {  	s17 =	sadd.s32 s3, s17;
	[sflag:s14] =	ssyncadd.s32 $0xFFFFFF80;
	(pc) =	sbr.rel @p0 .LBB2_10-.Ltmp8, $3  }
0xab: {  	[hbm4b:s17+s16] =	stream.linear.scatter [tilespmem:s15], [sflag:$0x1], $0x80, $0x38;
	[tilespmem:$0xC210] =	vst v63  }
0xac: {  	s13 =	sadd.s32 $0xFFFFFFFF, s13;
	_ =	sdelay $0x1  }
0xad: {  	s12 =	sadd.s32 $0x80, s12;
	_ =	swait.ge [sflag:s14], $0x80  }
.LBB2_11:
0xae: {  	[sflag:s14] =	ssyncset.done $0x0  }
0xaf: {  	[sflag:s14] =	ssyncadd.s32 $0xFFFFFF80  }
.LBB2_12:
0xb0: {  	s12 =	simm.s32 $0x1800;
	s26 =	simm.s32 $0x1  }
0xb1: {  	[spmem:s9] =	stream.linear.scatter [tilespmem:s12], [sflag:$0x1], $0x800, $0x38;
	[tilespmem:$0xC210] =	vst v63  }
0xb2: {  	_ =	swait.ge [sflag:s26], $0x800  }
0xb3: {  	[sflag:s26] =	ssyncset.done $0x0  }
0xb4: {  	s28 =	simm.s32 $0x2000;
	[sflag:s26] =	ssyncadd.s32 $0xFFFFF800  }
0xb5: {  	[spmem:s11] =	stream.linear.scatter [tilespmem:s28], [sflag:$0x1], $0x800, $0x38;
	[tilespmem:$0xC210] =	vst v63  }
0xb6: {  	_ =	swait.ge [sflag:s26], $0x800  }
0xb7: {  	[sflag:s26] =	ssyncset.done $0x0  }
0xb8: {  	[sflag:s26] =	ssyncadd.s32 $0xFFFFF800  }
0xb9: {  	s29 =	simm.s32 $0x3080;
	[bflag:$0x0] =	sbarrier.arrive $0xFFFF  }
0xba: {  	[tilespmem:s29], [sflag:$0x1] =	stream.linear.gather [spmem:s10], $0x8000, $0x38;
	[tilespmem:$0xC210] =	vst v63  }
0xbb: {  	_ =	swait.ge [sflag:s26], $0x8000  }
0xbc: {  	[sflag:s26] =	ssyncset.done $0x0  }
0xbd: {  	[sflag:s26] =	ssyncadd.s32 $0xFFFF8000  }
0xbe: {  	v3 =	vld [tilespmem:s5+$0x3080]  }
0xbf: {  	v4 =	vld [tilespmem:s5+$0x3880]  }
0xc0: {  	v5 =	vld [tilespmem:s5+$0x4080]  }
0xc1: {  	v6 =	vld [tilespmem:s5+$0x4880]  }
0xc2: {  	v7 =	vld [tilespmem:s5+$0x5080]  }
0xc3: {  	v8 =	vld [tilespmem:s5+$0x5880]  }
0xc4: {  	v37 =	vld [tilespmem:s5+$0x6080];
	v3 =	vadd.s32 v3, v4  }
0xc5: {  	v38 =	vld [tilespmem:s5+$0x6880];
	v3 =	vadd.s32 v5, v3  }
0xc6: {  	v39 =	vld [tilespmem:s5+$0x7080];
	v3 =	vadd.s32 v6, v3  }
0xc7: {  	v40 =	vld [tilespmem:s5+$0x7880];
	v3 =	vadd.s32 v7, v3  }
0xc8: {  	v41 =	vld [tilespmem:s5+$0x8080];
	v3 =	vadd.s32 v8, v3  }
0xc9: {  	v42 =	vld [tilespmem:s5+$0x8880];
	v3 =	vadd.s32 v37, v3  }
0xca: {  	v43 =	vld [tilespmem:s5+$0x9080];
	v3 =	vadd.s32 v38, v3  }
0xcb: {  	v44 =	vld [tilespmem:s5+$0x9880];
	v3 =	vadd.s32 v39, v3  }
0xcc: {  	v45 =	vld [tilespmem:s5+$0xA080];
	v3 =	vadd.s32 v40, v3  }
0xcd: {  	v46 =	vld [tilespmem:s5+$0xA880];
	v3 =	vadd.s32 v41, v3  }
0xce: {  	v3 =	vadd.s32 v42, v3  }
0xcf: {  	v3 =	vadd.s32 v43, v3  }
0xd0: {  	v3 =	vadd.s32 v44, v3  }
0xd1: {  	v3 =	vadd.s32 v45, v3  }
0xd2: {  	v3 =	vadd.s32 v46, v3  }
0xd3: {  	[tilespmem:$0xB080] =	vst v3  }
0xd4: {  	v3 =	vld [tilespmem:s5+$0x3090]  }
0xd5: {  	v47 =	vld [tilespmem:s5+$0x3890]  }
0xd6: {  	v48 =	vld [tilespmem:s5+$0x4090]  }
0xd7: {  	v49 =	vld [tilespmem:s5+$0x4890]  }
0xd8: {  	v50 =	vld [tilespmem:s5+$0x5090]  }
0xd9: {  	v51 =	vld [tilespmem:s5+$0x5890]  }
0xda: {  	v52 =	vld [tilespmem:s5+$0x6090];
	v3 =	vadd.s32 v3, v47  }
0xdb: {  	v53 =	vld [tilespmem:s5+$0x6890];
	v3 =	vadd.s32 v48, v3  }
0xdc: {  	v54 =	vld [tilespmem:s5+$0x7090];
	v3 =	vadd.s32 v49, v3  }
0xdd: {  	v55 =	vld [tilespmem:s5+$0x7890];
	v3 =	vadd.s32 v50, v3  }
0xde: {  	v56 =	vld [tilespmem:s5+$0x8090];
	v3 =	vadd.s32 v51, v3  }
0xdf: {  	v57 =	vld [tilespmem:s5+$0x8890];
	v3 =	vadd.s32 v52, v3  }
0xe0: {  	v58 =	vld [tilespmem:s5+$0x9090];
	v3 =	vadd.s32 v53, v3  }
0xe1: {  	v59 =	vld [tilespmem:s5+$0x9890];
	v3 =	vadd.s32 v54, v3  }
0xe2: {  	v60 =	vld [tilespmem:s5+$0xA090];
	v3 =	vadd.s32 v55, v3  }
0xe3: {  	v61 =	vld [tilespmem:s5+$0xA890];
	v3 =	vadd.s32 v56, v3  }
0xe4: {  	v3 =	vadd.s32 v57, v3  }
0xe5: {  	v3 =	vadd.s32 v58, v3  }
0xe6: {  	v3 =	vadd.s32 v59, v3  }
0xe7: {  	v3 =	vadd.s32 v60, v3  }
0xe8: {  	v3 =	vadd.s32 v61, v3  }
0xe9: {  	[tilespmem:$0xB090] =	vst v3  }
0xea: {  	v3 =	vld [tilespmem:s5+$0x30A0]  }
0xeb: {  	v62 =	vld [tilespmem:s5+$0x38A0]  }
0xec: {  	v63 =	vld [tilespmem:s5+$0x40A0]  }
0xed: {  	v12 =	vld [tilespmem:s5+$0x48A0]  }
0xee: {  	v13 =	vld [tilespmem:s5+$0x50A0]  }
0xef: {  	v14 =	vld [tilespmem:s5+$0x58A0]  }
0xf0: {  	v15 =	vld [tilespmem:s5+$0x60A0];
	v3 =	vadd.s32 v3, v62  }
0xf1: {  	v16 =	vld [tilespmem:s5+$0x68A0];
	v3 =	vadd.s32 v63, v3  }
0xf2: {  	v17 =	vld [tilespmem:s5+$0x70A0];
	v3 =	vadd.s32 v12, v3  }
0xf3: {  	v18 =	vld [tilespmem:s5+$0x78A0];
	v3 =	vadd.s32 v13, v3  }
0xf4: {  	v19 =	vld [tilespmem:s5+$0x80A0];
	v3 =	vadd.s32 v14, v3  }
0xf5: {  	v20 =	vld [tilespmem:s5+$0x88A0];
	v3 =	vadd.s32 v15, v3  }
0xf6: {  	v21 =	vld [tilespmem:s5+$0x90A0];
	v3 =	vadd.s32 v16, v3  }
0xf7: {  	v22 =	vld [tilespmem:s5+$0x98A0];
	v3 =	vadd.s32 v17, v3  }
0xf8: {  	v23 =	vld [tilespmem:s5+$0xA0A0];
	v3 =	vadd.s32 v18, v3  }
0xf9: {  	v24 =	vld [tilespmem:s5+$0xA8A0];
	v3 =	vadd.s32 v19, v3  }
0xfa: {  	v3 =	vadd.s32 v20, v3  }
0xfb: {  	v3 =	vadd.s32 v21, v3  }
0xfc: {  	v3 =	vadd.s32 v22, v3  }
0xfd: {  	v3 =	vadd.s32 v23, v3  }
0xfe: {  	v3 =	vadd.s32 v24, v3  }
0xff: {  	[tilespmem:$0xB0A0] =	vst v3  }
0x100: {  	v3 =	vld [tilespmem:s5+$0x30B0]  }
0x101: {  	v25 =	vld [tilespmem:s5+$0x38B0]  }
0x102: {  	v26 =	vld [tilespmem:s5+$0x40B0]  }
0x103: {  	v27 =	vld [tilespmem:s5+$0x48B0]  }
0x104: {  	v28 =	vld [tilespmem:s5+$0x50B0]  }
0x105: {  	v29 =	vld [tilespmem:s5+$0x58B0]  }
0x106: {  	v30 =	vld [tilespmem:s5+$0x60B0];
	v3 =	vadd.s32 v3, v25  }
0x107: {  	v31 =	vld [tilespmem:s5+$0x68B0];
	v3 =	vadd.s32 v26, v3  }
0x108: {  	v32 =	vld [tilespmem:s5+$0x70B0];
	v3 =	vadd.s32 v27, v3  }
0x109: {  	v33 =	vld [tilespmem:s5+$0x78B0];
	v3 =	vadd.s32 v28, v3  }
0x10a: {  	v34 =	vld [tilespmem:s5+$0x80B0];
	v3 =	vadd.s32 v29, v3  }
0x10b: {  	v35 =	vld [tilespmem:s5+$0x88B0];
	v3 =	vadd.s32 v30, v3  }
0x10c: {  	v36 =	vld [tilespmem:s5+$0x90B0];
	v3 =	vadd.s32 v31, v3  }
0x10d: {  	v37 =	vld [tilespmem:s5+$0x98B0];
	v3 =	vadd.s32 v32, v3  }
0x10e: {  	v38 =	vld [tilespmem:s5+$0xA0B0];
	v3 =	vadd.s32 v33, v3  }
0x10f: {  	v39 =	vld [tilespmem:s5+$0xA8B0];
	v3 =	vadd.s32 v34, v3  }
0x110: {  	v3 =	vadd.s32 v35, v3  }
0x111: {  	v3 =	vadd.s32 v36, v3  }
0x112: {  	v3 =	vadd.s32 v37, v3  }
0x113: {  	v3 =	vadd.s32 v38, v3  }
0x114: {  	v3 =	vadd.s32 v39, v3  }
0x115: {  	[tilespmem:$0xB0B0] =	vst v3  }
0x116: {  	v3 =	vld [tilespmem:s5+$0x30C0]  }
0x117: {  	v40 =	vld [tilespmem:s5+$0x38C0]  }
0x118: {  	v41 =	vld [tilespmem:s5+$0x40C0]  }
0x119: {  	v42 =	vld [tilespmem:s5+$0x48C0]  }
0x11a: {  	v43 =	vld [tilespmem:s5+$0x50C0]  }
0x11b: {  	v44 =	vld [tilespmem:s5+$0x58C0]  }
0x11c: {  	v45 =	vld [tilespmem:s5+$0x60C0];
	v3 =	vadd.s32 v3, v40  }
0x11d: {  	v46 =	vld [tilespmem:s5+$0x68C0];
	v3 =	vadd.s32 v41, v3  }
0x11e: {  	v47 =	vld [tilespmem:s5+$0x70C0];
	v3 =	vadd.s32 v42, v3  }
0x11f: {  	v48 =	vld [tilespmem:s5+$0x78C0];
	v3 =	vadd.s32 v43, v3  }
0x120: {  	v49 =	vld [tilespmem:s5+$0x80C0];
	v3 =	vadd.s32 v44, v3  }
0x121: {  	v50 =	vld [tilespmem:s5+$0x88C0];
	v3 =	vadd.s32 v45, v3  }
0x122: {  	v51 =	vld [tilespmem:s5+$0x90C0];
	v3 =	vadd.s32 v46, v3  }
0x123: {  	v52 =	vld [tilespmem:s5+$0x98C0];
	v3 =	vadd.s32 v47, v3  }
0x124: {  	v53 =	vld [tilespmem:s5+$0xA0C0];
	v3 =	vadd.s32 v48, v3  }
0x125: {  	v54 =	vld [tilespmem:s5+$0xA8C0];
	v3 =	vadd.s32 v49, v3  }
0x126: {  	v3 =	vadd.s32 v50, v3  }
0x127: {  	v3 =	vadd.s32 v51, v3  }
0x128: {  	v3 =	vadd.s32 v52, v3  }
0x129: {  	v3 =	vadd.s32 v53, v3  }
0x12a: {  	v3 =	vadd.s32 v54, v3  }
0x12b: {  	[tilespmem:$0xB0C0] =	vst v3  }
0x12c: {  	v3 =	vld [tilespmem:s5+$0x30D0]  }
0x12d: {  	v55 =	vld [tilespmem:s5+$0x38D0]  }
0x12e: {  	v56 =	vld [tilespmem:s5+$0x40D0]  }
0x12f: {  	v57 =	vld [tilespmem:s5+$0x48D0]  }
0x130: {  	v58 =	vld [tilespmem:s5+$0x50D0]  }
0x131: {  	v59 =	vld [tilespmem:s5+$0x58D0]  }
0x132: {  	v60 =	vld [tilespmem:s5+$0x60D0];
	v3 =	vadd.s32 v3, v55  }
0x133: {  	v61 =	vld [tilespmem:s5+$0x68D0];
	v3 =	vadd.s32 v56, v3  }
0x134: {  	v62 =	vld [tilespmem:s5+$0x70D0];
	v3 =	vadd.s32 v57, v3  }
0x135: {  	v63 =	vld [tilespmem:s5+$0x78D0];
	v3 =	vadd.s32 v58, v3  }
0x136: {  	v12 =	vld [tilespmem:s5+$0x80D0];
	v3 =	vadd.s32 v59, v3  }
0x137: {  	v13 =	vld [tilespmem:s5+$0x88D0];
	v3 =	vadd.s32 v60, v3  }
0x138: {  	v14 =	vld [tilespmem:s5+$0x90D0];
	v3 =	vadd.s32 v61, v3  }
0x139: {  	v15 =	vld [tilespmem:s5+$0x98D0];
	v3 =	vadd.s32 v62, v3  }
0x13a: {  	v16 =	vld [tilespmem:s5+$0xA0D0];
	v3 =	vadd.s32 v63, v3  }
0x13b: {  	v17 =	vld [tilespmem:s5+$0xA8D0];
	v3 =	vadd.s32 v12, v3  }
0x13c: {  	v3 =	vadd.s32 v13, v3  }
0x13d: {  	v3 =	vadd.s32 v14, v3  }
0x13e: {  	v3 =	vadd.s32 v15, v3  }
0x13f: {  	v3 =	vadd.s32 v16, v3  }
0x140: {  	v3 =	vadd.s32 v17, v3  }
0x141: {  	[tilespmem:$0xB0D0] =	vst v3  }
0x142: {  	v3 =	vld [tilespmem:s5+$0x30E0]  }
0x143: {  	v18 =	vld [tilespmem:s5+$0x38E0]  }
0x144: {  	v19 =	vld [tilespmem:s5+$0x40E0]  }
0x145: {  	v20 =	vld [tilespmem:s5+$0x48E0]  }
0x146: {  	v21 =	vld [tilespmem:s5+$0x50E0]  }
0x147: {  	v22 =	vld [tilespmem:s5+$0x58E0]  }
0x148: {  	v23 =	vld [tilespmem:s5+$0x60E0];
	v3 =	vadd.s32 v3, v18  }
0x149: {  	v24 =	vld [tilespmem:s5+$0x68E0];
	v3 =	vadd.s32 v19, v3  }
0x14a: {  	v25 =	vld [tilespmem:s5+$0x70E0];
	v3 =	vadd.s32 v20, v3  }
0x14b: {  	v26 =	vld [tilespmem:s5+$0x78E0];
	v3 =	vadd.s32 v21, v3  }
0x14c: {  	v27 =	vld [tilespmem:s5+$0x80E0];
	v3 =	vadd.s32 v22, v3  }
0x14d: {  	v28 =	vld [tilespmem:s5+$0x88E0];
	v3 =	vadd.s32 v23, v3  }
0x14e: {  	v29 =	vld [tilespmem:s5+$0x90E0];
	v3 =	vadd.s32 v24, v3  }
0x14f: {  	v30 =	vld [tilespmem:s5+$0x98E0];
	v3 =	vadd.s32 v25, v3  }
0x150: {  	v31 =	vld [tilespmem:s5+$0xA0E0];
	v3 =	vadd.s32 v26, v3  }
0x151: {  	v32 =	vld [tilespmem:s5+$0xA8E0];
	v3 =	vadd.s32 v27, v3  }
0x152: {  	v3 =	vadd.s32 v28, v3  }
0x153: {  	v3 =	vadd.s32 v29, v3  }
0x154: {  	v3 =	vadd.s32 v30, v3  }
0x155: {  	v3 =	vadd.s32 v31, v3  }
0x156: {  	v3 =	vadd.s32 v32, v3  }
0x157: {  	[tilespmem:$0xB0E0] =	vst v3  }
0x158: {  	v3 =	vld [tilespmem:s5+$0x30F0]  }
0x159: {  	v33 =	vld [tilespmem:s5+$0x38F0]  }
0x15a: {  	v34 =	vld [tilespmem:s5+$0x40F0]  }
0x15b: {  	v35 =	vld [tilespmem:s5+$0x48F0]  }
0x15c: {  	v36 =	vld [tilespmem:s5+$0x50F0]  }
0x15d: {  	v37 =	vld [tilespmem:s5+$0x58F0]  }
0x15e: {  	v38 =	vld [tilespmem:s5+$0x60F0];
	v3 =	vadd.s32 v3, v33  }
0x15f: {  	v39 =	vld [tilespmem:s5+$0x68F0];
	v3 =	vadd.s32 v34, v3  }
0x160: {  	v40 =	vld [tilespmem:s5+$0x70F0];
	v3 =	vadd.s32 v35, v3  }
0x161: {  	v41 =	vld [tilespmem:s5+$0x78F0];
	v3 =	vadd.s32 v36, v3  }
0x162: {  	v42 =	vld [tilespmem:s5+$0x80F0];
	v3 =	vadd.s32 v37, v3  }
0x163: {  	v43 =	vld [tilespmem:s5+$0x88F0];
	v3 =	vadd.s32 v38, v3  }
0x164: {  	v44 =	vld [tilespmem:s5+$0x90F0];
	v3 =	vadd.s32 v39, v3  }
0x165: {  	v45 =	vld [tilespmem:s5+$0x98F0];
	v3 =	vadd.s32 v40, v3  }
0x166: {  	v46 =	vld [tilespmem:s5+$0xA0F0];
	v3 =	vadd.s32 v41, v3  }
0x167: {  	v47 =	vld [tilespmem:s5+$0xA8F0];
	v3 =	vadd.s32 v42, v3  }
0x168: {  	v3 =	vadd.s32 v43, v3  }
0x169: {  	v3 =	vadd.s32 v44, v3  }
0x16a: {  	v3 =	vadd.s32 v45, v3  }
0x16b: {  	v3 =	vadd.s32 v46, v3  }
0x16c: {  	v3 =	vadd.s32 v47, v3  }
0x16d: {  	s30 =	simm.s32 $0x0;
	s31 =	simm.s32 $0xB080;
	[tilespmem:$0xB0F0] =	vst v3  }
0x16e: {  	[hbm4b:s8+s30] =	stream.linear.scatter [tilespmem:s31], [sflag:$0x1], $0x80, $0x38;
	[tilespmem:$0xC210] =	vst v63  }
0x16f: {  	_ =	swait.ge [sflag:s26], $0x80  }
0x170: {  	[sflag:s26] =	ssyncset.done $0x0  }
0x171: {  	[sflag:s26] =	ssyncadd.s32 $0xFFFFFF80  }
0x172: {  	[tilespmem:s29], [sflag:$0x1] =	stream.linear.gather [spmem:s7], $0x8000, $0x38;
	[tilespmem:$0xC210] =	vst v63  }
0x173: {  	_ =	swait.ge [sflag:s26], $0x8000  }
0x174: {  	[sflag:s26] =	ssyncset.done $0x0  }
0x175: {  	[sflag:s26] =	ssyncadd.s32 $0xFFFF8000  }
0x176: {  	v3 =	vld [tilespmem:s5+$0x3080]  }
0x177: {  	v48 =	vld [tilespmem:s5+$0x3880]  }
0x178: {  	v49 =	vld [tilespmem:s5+$0x4080]  }
0x179: {  	v50 =	vld [tilespmem:s5+$0x4880]  }
0x17a: {  	v51 =	vld [tilespmem:s5+$0x5080]  }
0x17b: {  	v52 =	vld [tilespmem:s5+$0x5880]  }
0x17c: {  	v53 =	vld [tilespmem:s5+$0x6080];
	v3 =	vadd.s32 v3, v48  }
0x17d: {  	v54 =	vld [tilespmem:s5+$0x6880];
	v3 =	vadd.s32 v49, v3  }
0x17e: {  	v55 =	vld [tilespmem:s5+$0x7080];
	v3 =	vadd.s32 v50, v3  }
0x17f: {  	v56 =	vld [tilespmem:s5+$0x7880];
	v3 =	vadd.s32 v51, v3  }
0x180: {  	v57 =	vld [tilespmem:s5+$0x8080];
	v3 =	vadd.s32 v52, v3  }
0x181: {  	v58 =	vld [tilespmem:s5+$0x8880];
	v3 =	vadd.s32 v53, v3  }
0x182: {  	v59 =	vld [tilespmem:s5+$0x9080];
	v3 =	vadd.s32 v54, v3  }
0x183: {  	v60 =	vld [tilespmem:s5+$0x9880];
	v3 =	vadd.s32 v55, v3  }
0x184: {  	v61 =	vld [tilespmem:s5+$0xA080];
	v3 =	vadd.s32 v56, v3  }
0x185: {  	v62 =	vld [tilespmem:s5+$0xA880];
	v3 =	vadd.s32 v57, v3  }
0x186: {  	v3 =	vadd.s32 v58, v3  }
0x187: {  	v3 =	vadd.s32 v59, v3  }
0x188: {  	v3 =	vadd.s32 v60, v3  }
0x189: {  	v3 =	vadd.s32 v61, v3  }
0x18a: {  	v3 =	vadd.s32 v62, v3  }
0x18b: {  	[tilespmem:$0xB080] =	vst v3  }
0x18c: {  	v3 =	vld [tilespmem:s5+$0x3090]  }
0x18d: {  	v63 =	vld [tilespmem:s5+$0x3890]  }
0x18e: {  	v12 =	vld [tilespmem:s5+$0x4090]  }
0x18f: {  	v13 =	vld [tilespmem:s5+$0x4890]  }
0x190: {  	v14 =	vld [tilespmem:s5+$0x5090]  }
0x191: {  	v15 =	vld [tilespmem:s5+$0x5890]  }
0x192: {  	v16 =	vld [tilespmem:s5+$0x6090];
	v3 =	vadd.s32 v3, v63  }
0x193: {  	v17 =	vld [tilespmem:s5+$0x6890];
	v3 =	vadd.s32 v12, v3  }
0x194: {  	v18 =	vld [tilespmem:s5+$0x7090];
	v3 =	vadd.s32 v13, v3  }
0x195: {  	v19 =	vld [tilespmem:s5+$0x7890];
	v3 =	vadd.s32 v14, v3  }
0x196: {  	v20 =	vld [tilespmem:s5+$0x8090];
	v3 =	vadd.s32 v15, v3  }
0x197: {  	v21 =	vld [tilespmem:s5+$0x8890];
	v3 =	vadd.s32 v16, v3  }
0x198: {  	v22 =	vld [tilespmem:s5+$0x9090];
	v3 =	vadd.s32 v17, v3  }
0x199: {  	v23 =	vld [tilespmem:s5+$0x9890];
	v3 =	vadd.s32 v18, v3  }
0x19a: {  	v24 =	vld [tilespmem:s5+$0xA090];
	v3 =	vadd.s32 v19, v3  }
0x19b: {  	v25 =	vld [tilespmem:s5+$0xA890];
	v3 =	vadd.s32 v20, v3  }
0x19c: {  	v3 =	vadd.s32 v21, v3  }
0x19d: {  	v3 =	vadd.s32 v22, v3  }
0x19e: {  	v3 =	vadd.s32 v23, v3  }
0x19f: {  	v3 =	vadd.s32 v24, v3  }
0x1a0: {  	v3 =	vadd.s32 v25, v3  }
0x1a1: {  	[tilespmem:$0xB090] =	vst v3  }
0x1a2: {  	v3 =	vld [tilespmem:s5+$0x30A0]  }
0x1a3: {  	v26 =	vld [tilespmem:s5+$0x38A0]  }
0x1a4: {  	v27 =	vld [tilespmem:s5+$0x40A0]  }
0x1a5: {  	v28 =	vld [tilespmem:s5+$0x48A0]  }
0x1a6: {  	v29 =	vld [tilespmem:s5+$0x50A0]  }
0x1a7: {  	v30 =	vld [tilespmem:s5+$0x58A0]  }
0x1a8: {  	v31 =	vld [tilespmem:s5+$0x60A0];
	v3 =	vadd.s32 v3, v26  }
0x1a9: {  	v32 =	vld [tilespmem:s5+$0x68A0];
	v3 =	vadd.s32 v27, v3  }
0x1aa: {  	v33 =	vld [tilespmem:s5+$0x70A0];
	v3 =	vadd.s32 v28, v3  }
0x1ab: {  	v34 =	vld [tilespmem:s5+$0x78A0];
	v3 =	vadd.s32 v29, v3  }
0x1ac: {  	v35 =	vld [tilespmem:s5+$0x80A0];
	v3 =	vadd.s32 v30, v3  }
0x1ad: {  	v36 =	vld [tilespmem:s5+$0x88A0];
	v3 =	vadd.s32 v31, v3  }
0x1ae: {  	v37 =	vld [tilespmem:s5+$0x90A0];
	v3 =	vadd.s32 v32, v3  }
0x1af: {  	v38 =	vld [tilespmem:s5+$0x98A0];
	v3 =	vadd.s32 v33, v3  }
0x1b0: {  	v39 =	vld [tilespmem:s5+$0xA0A0];
	v3 =	vadd.s32 v34, v3  }
0x1b1: {  	v40 =	vld [tilespmem:s5+$0xA8A0];
	v3 =	vadd.s32 v35, v3  }
0x1b2: {  	v3 =	vadd.s32 v36, v3  }
0x1b3: {  	v3 =	vadd.s32 v37, v3  }
0x1b4: {  	v3 =	vadd.s32 v38, v3  }
0x1b5: {  	v3 =	vadd.s32 v39, v3  }
0x1b6: {  	v3 =	vadd.s32 v40, v3  }
0x1b7: {  	[tilespmem:$0xB0A0] =	vst v3  }
0x1b8: {  	v3 =	vld [tilespmem:s5+$0x30B0]  }
0x1b9: {  	v41 =	vld [tilespmem:s5+$0x38B0]  }
0x1ba: {  	v42 =	vld [tilespmem:s5+$0x40B0]  }
0x1bb: {  	v43 =	vld [tilespmem:s5+$0x48B0]  }
0x1bc: {  	v44 =	vld [tilespmem:s5+$0x50B0]  }
0x1bd: {  	v45 =	vld [tilespmem:s5+$0x58B0]  }
0x1be: {  	v46 =	vld [tilespmem:s5+$0x60B0];
	v3 =	vadd.s32 v3, v41  }
0x1bf: {  	v47 =	vld [tilespmem:s5+$0x68B0];
	v3 =	vadd.s32 v42, v3  }
0x1c0: {  	v48 =	vld [tilespmem:s5+$0x70B0];
	v3 =	vadd.s32 v43, v3  }
0x1c1: {  	v49 =	vld [tilespmem:s5+$0x78B0];
	v3 =	vadd.s32 v44, v3  }
0x1c2: {  	v50 =	vld [tilespmem:s5+$0x80B0];
	v3 =	vadd.s32 v45, v3  }
0x1c3: {  	v51 =	vld [tilespmem:s5+$0x88B0];
	v3 =	vadd.s32 v46, v3  }
0x1c4: {  	v52 =	vld [tilespmem:s5+$0x90B0];
	v3 =	vadd.s32 v47, v3  }
0x1c5: {  	v53 =	vld [tilespmem:s5+$0x98B0];
	v3 =	vadd.s32 v48, v3  }
0x1c6: {  	v54 =	vld [tilespmem:s5+$0xA0B0];
	v3 =	vadd.s32 v49, v3  }
0x1c7: {  	v55 =	vld [tilespmem:s5+$0xA8B0];
	v3 =	vadd.s32 v50, v3  }
0x1c8: {  	v3 =	vadd.s32 v51, v3  }
0x1c9: {  	v3 =	vadd.s32 v52, v3  }
0x1ca: {  	v3 =	vadd.s32 v53, v3  }
0x1cb: {  	v3 =	vadd.s32 v54, v3  }
0x1cc: {  	v3 =	vadd.s32 v55, v3  }
0x1cd: {  	[tilespmem:$0xB0B0] =	vst v3  }
0x1ce: {  	v3 =	vld [tilespmem:s5+$0x30C0]  }
0x1cf: {  	v56 =	vld [tilespmem:s5+$0x38C0]  }
0x1d0: {  	v57 =	vld [tilespmem:s5+$0x40C0]  }
0x1d1: {  	v58 =	vld [tilespmem:s5+$0x48C0]  }
0x1d2: {  	v59 =	vld [tilespmem:s5+$0x50C0]  }
0x1d3: {  	v60 =	vld [tilespmem:s5+$0x58C0]  }
0x1d4: {  	v61 =	vld [tilespmem:s5+$0x60C0];
	v3 =	vadd.s32 v3, v56  }
0x1d5: {  	v62 =	vld [tilespmem:s5+$0x68C0];
	v3 =	vadd.s32 v57, v3  }
0x1d6: {  	v63 =	vld [tilespmem:s5+$0x70C0];
	v3 =	vadd.s32 v58, v3  }
0x1d7: {  	v12 =	vld [tilespmem:s5+$0x78C0];
	v3 =	vadd.s32 v59, v3  }
0x1d8: {  	v13 =	vld [tilespmem:s5+$0x80C0];
	v3 =	vadd.s32 v60, v3  }
0x1d9: {  	v14 =	vld [tilespmem:s5+$0x88C0];
	v3 =	vadd.s32 v61, v3  }
0x1da: {  	v15 =	vld [tilespmem:s5+$0x90C0];
	v3 =	vadd.s32 v62, v3  }
0x1db: {  	v16 =	vld [tilespmem:s5+$0x98C0];
	v3 =	vadd.s32 v63, v3  }
0x1dc: {  	v17 =	vld [tilespmem:s5+$0xA0C0];
	v3 =	vadd.s32 v12, v3  }
0x1dd: {  	v18 =	vld [tilespmem:s5+$0xA8C0];
	v3 =	vadd.s32 v13, v3  }
0x1de: {  	v3 =	vadd.s32 v14, v3  }
0x1df: {  	v3 =	vadd.s32 v15, v3  }
0x1e0: {  	v3 =	vadd.s32 v16, v3  }
0x1e1: {  	v3 =	vadd.s32 v17, v3  }
0x1e2: {  	v3 =	vadd.s32 v18, v3  }
0x1e3: {  	[tilespmem:$0xB0C0] =	vst v3  }
0x1e4: {  	v3 =	vld [tilespmem:s5+$0x30D0]  }
0x1e5: {  	v19 =	vld [tilespmem:s5+$0x38D0]  }
0x1e6: {  	v20 =	vld [tilespmem:s5+$0x40D0]  }
0x1e7: {  	v21 =	vld [tilespmem:s5+$0x48D0]  }
0x1e8: {  	v22 =	vld [tilespmem:s5+$0x50D0]  }
0x1e9: {  	v23 =	vld [tilespmem:s5+$0x58D0]  }
0x1ea: {  	v24 =	vld [tilespmem:s5+$0x60D0];
	v3 =	vadd.s32 v3, v19  }
0x1eb: {  	v25 =	vld [tilespmem:s5+$0x68D0];
	v3 =	vadd.s32 v20, v3  }
0x1ec: {  	v26 =	vld [tilespmem:s5+$0x70D0];
	v3 =	vadd.s32 v21, v3  }
0x1ed: {  	v27 =	vld [tilespmem:s5+$0x78D0];
	v3 =	vadd.s32 v22, v3  }
0x1ee: {  	v28 =	vld [tilespmem:s5+$0x80D0];
	v3 =	vadd.s32 v23, v3  }
0x1ef: {  	v29 =	vld [tilespmem:s5+$0x88D0];
	v3 =	vadd.s32 v24, v3  }
0x1f0: {  	v30 =	vld [tilespmem:s5+$0x90D0];
	v3 =	vadd.s32 v25, v3  }
0x1f1: {  	v31 =	vld [tilespmem:s5+$0x98D0];
	v3 =	vadd.s32 v26, v3  }
0x1f2: {  	v32 =	vld [tilespmem:s5+$0xA0D0];
	v3 =	vadd.s32 v27, v3  }
0x1f3: {  	v33 =	vld [tilespmem:s5+$0xA8D0];
	v3 =	vadd.s32 v28, v3  }
0x1f4: {  	v3 =	vadd.s32 v29, v3  }
0x1f5: {  	v3 =	vadd.s32 v30, v3  }
0x1f6: {  	v3 =	vadd.s32 v31, v3  }
0x1f7: {  	v3 =	vadd.s32 v32, v3  }
0x1f8: {  	v3 =	vadd.s32 v33, v3  }
0x1f9: {  	[tilespmem:$0xB0D0] =	vst v3  }
0x1fa: {  	v3 =	vld [tilespmem:s5+$0x30E0]  }
0x1fb: {  	v34 =	vld [tilespmem:s5+$0x38E0]  }
0x1fc: {  	v35 =	vld [tilespmem:s5+$0x40E0]  }
0x1fd: {  	v36 =	vld [tilespmem:s5+$0x48E0]  }
0x1fe: {  	v37 =	vld [tilespmem:s5+$0x50E0]  }
0x1ff: {  	v38 =	vld [tilespmem:s5+$0x58E0]  }
0x200: {  	v39 =	vld [tilespmem:s5+$0x60E0];
	v3 =	vadd.s32 v3, v34  }
0x201: {  	v40 =	vld [tilespmem:s5+$0x68E0];
	v3 =	vadd.s32 v35, v3  }
0x202: {  	v41 =	vld [tilespmem:s5+$0x70E0];
	v3 =	vadd.s32 v36, v3  }
0x203: {  	v42 =	vld [tilespmem:s5+$0x78E0];
	v3 =	vadd.s32 v37, v3  }
0x204: {  	v43 =	vld [tilespmem:s5+$0x80E0];
	v3 =	vadd.s32 v38, v3  }
0x205: {  	v44 =	vld [tilespmem:s5+$0x88E0];
	v3 =	vadd.s32 v39, v3  }
0x206: {  	v45 =	vld [tilespmem:s5+$0x90E0];
	v3 =	vadd.s32 v40, v3  }
0x207: {  	v46 =	vld [tilespmem:s5+$0x98E0];
	v3 =	vadd.s32 v41, v3  }
0x208: {  	v47 =	vld [tilespmem:s5+$0xA0E0];
	v3 =	vadd.s32 v42, v3  }
0x209: {  	v48 =	vld [tilespmem:s5+$0xA8E0];
	v3 =	vadd.s32 v43, v3  }
0x20a: {  	v3 =	vadd.s32 v44, v3  }
0x20b: {  	v3 =	vadd.s32 v45, v3  }
0x20c: {  	v3 =	vadd.s32 v46, v3  }
0x20d: {  	v3 =	vadd.s32 v47, v3  }
0x20e: {  	v3 =	vadd.s32 v48, v3  }
0x20f: {  	[tilespmem:$0xB0E0] =	vst v3  }
0x210: {  	v3 =	vld [tilespmem:s5+$0x30F0]  }
0x211: {  	v49 =	vld [tilespmem:s5+$0x38F0]  }
0x212: {  	v50 =	vld [tilespmem:s5+$0x40F0]  }
0x213: {  	v51 =	vld [tilespmem:s5+$0x48F0]  }
0x214: {  	v52 =	vld [tilespmem:s5+$0x50F0]  }
0x215: {  	v53 =	vld [tilespmem:s5+$0x58F0]  }
0x216: {  	v54 =	vld [tilespmem:s5+$0x60F0];
	v3 =	vadd.s32 v3, v49  }
0x217: {  	v55 =	vld [tilespmem:s5+$0x68F0];
	v3 =	vadd.s32 v50, v3  }
0x218: {  	v56 =	vld [tilespmem:s5+$0x70F0];
	v3 =	vadd.s32 v51, v3  }
0x219: {  	v57 =	vld [tilespmem:s5+$0x78F0];
	v3 =	vadd.s32 v52, v3  }
0x21a: {  	v58 =	vld [tilespmem:s5+$0x80F0];
	v3 =	vadd.s32 v53, v3  }
0x21b: {  	v59 =	vld [tilespmem:s5+$0x88F0];
	v3 =	vadd.s32 v54, v3  }
0x21c: {  	v60 =	vld [tilespmem:s5+$0x90F0];
	v3 =	vadd.s32 v55, v3  }
0x21d: {  	v61 =	vld [tilespmem:s5+$0x98F0];
	v3 =	vadd.s32 v56, v3  }
0x21e: {  	v62 =	vld [tilespmem:s5+$0xA0F0];
	v3 =	vadd.s32 v57, v3  }
0x21f: {  	v63 =	vld [tilespmem:s5+$0xA8F0];
	v3 =	vadd.s32 v58, v3  }
0x220: {  	v3 =	vadd.s32 v59, v3  }
0x221: {  	v3 =	vadd.s32 v60, v3  }
0x222: {  	v3 =	vadd.s32 v61, v3  }
0x223: {  	v3 =	vadd.s32 v62, v3  }
0x224: {  	p0 =	seq.s32 s1, $0x1;
	v3 =	vadd.s32 v63, v3  }
.Ltmp9:
0x225: {  	[tilespmem:$0xB0F0] =	vst v3;
	(pc) =	sbr.rel @p0 .LBB2_15-.Ltmp9, $4  }
0x226: {  	[hbm4b:s6+s30] =	stream.linear.scatter [tilespmem:s31], [sflag:$0x1], $0x80, $0x38;
	[tilespmem:$0xC210] =	vst v63  }
0x227: {  	_ =	swait.ge [sflag:s26], $0x80  }
0x228: {  	[sflag:s26] =	ssyncset.done $0x0  }
0x229: {  	[sflag:s26] =	ssyncadd.s32 $0xFFFFFF80  }
0x22a: {  	p0 =	sne.s32 s1, $0x0  }
.Ltmp10:
0x22b: {  	_ = 	snop;
	(pc) =	sbr.rel @p0 .LBB2_19-.Ltmp10, $1  }
0x22c: {  	_ =	sdelay $0x3  }
0x22d: {  	v3 =	vimm.s32 $0x0;
	vm1 =	vne.s32 v1, v2  }
0x22e: {  	v4 =	vshra.s32 v0, $0x1F;
	v2 =	vsel vm1, $0x1, v3  }
0x22f: {  	v31 =	vand.u32 $0x7F, v1;
	v2 =	vor.u32 v2, v4  }
0x230: {  	vm2 =	vne.s32 v31, $0x0;
	v4 =	vshrl.u32 v4, $0x19;
	vm1 =	vne.s32 v2, $0x1  }
0x231: {  	v32 =	vadd.s32 v4, v0;
	vm1 =	vmand vm2, vm1  }
0x232: {  	v0 =	vshra.s32 v32, $0x7;
	v33 =	vsel vm1, $0xFFFFFFFF, v3  }
0x233: {  	v8 =	vadd.s32 v33, v0  }
0x234: {  	v0 =	vnsel vm9, $0x0, v8  }
0x235: {  	v1 =	vsel vm10, $0x0, v8;
	(xrf0) =	vadd.scan.msk.s32 $0xffff, v0  }
0x236: {  	(xrf0) =	vadd.scan.msk.s32 $0xffff, v1  }
0x237: {  	v34 =	vsel vm12, $0x0, v8;
	v35 =	vsel vm14, $0x0, v8  }
0x238: {  	v36 =	vsel vm15, $0x0, v8;
	v39 =	vsel vm13, $0x0, v8;
	v6 =	vsel vm11, $0x0, v8;
	(xrf0) =	vadd.scan.msk.s32 $0xffff, v34  }
0x239: {  	v41 =	vsel vm6, $0x0, v8;
	v12 =	vsel vm7, $0x0, v8;
	v13 =	vsel vm8, $0x0, v8;
	(xrf0) =	vadd.scan.msk.s32 $0xffff, v35  }
0x23a: {  	v44 =	vsel vm4, $0x0, v8;
	v46 =	vsel vm5, $0x0, v8;
	vm5 =	vcmask $0x2F34  }
0x23b: {  	vm6 =	vcmask $0x3338;
	vm8 =	vcmask $0x373C;
	v14 =	vsel vm5, $0x0, v8;
	v37, _, _ =	vpop (xrf0)  }
0x23c: {  	v49 =	vsel vm6, $0x0, v8;
	v15 =	vsel vm8, $0x0, v8;
	v8 =	vsel vm0, $0x0, v8;
	v38, _, _ =	vpop (xrf0);
	(xrf0) =	vadd.scan.msk.s32 $0xffff, v36  }
0x23d: {  	v1 =	vlaneseq.u32;
	v2 =	vbroadcast v37, $0xF;
	v0 =	vbroadcast v38, $0xF;
	(xrf0) =	vadd.scan.msk.s32 $0xffff, v39  }
0x23e: {  	v9 =	vadd.s32 $0x1, v1;
	v59 =	vor.u32 $0x10, v1;
	v60 =	vadd.s32 $0x11, v1;
	v5, _, _ =	vpop (xrf0);
	(xrf0) =	vadd.scan.msk.s32 $0xffff, v6  }
0x23f: {  	vm12 =	vgt.s32 v2, v1;
	v4 =	vbroadcast v5, $0xF;
	v40, _, _ =	vpop (xrf0);
	vm13 =	vlt.s32 v0, v9;
	(xrf0) =	vadd.scan.msk.s32 $0xffff, v41  }
0x240: {  	v7 =	vsel vm12, $0xFFFFFFFF, v3;
	v5 =	vbroadcast v40, $0xF;
	vm8 =	vlt.s32 v0, v60  }
0x241: {  	v10 =	vsel vm13, $0x1, v3;
	vm14 =	vlt.s32 v4, v9;
	(xrf0) =	vadd.scan.msk.s32 $0xffff, v12;
	v62 =	vsel vm8, $0x1, v3  }
0x242: {  	v11 =	vsel vm14, $0x1, v3;
	v7 =	vadd.s32 v10, v7;
	vm15 =	vlt.s32 v5, v9;
	v42, _, _ =	vpop (xrf0)  }
0x243: {  	v43 =	vsel vm15, $0x1, v3;
	v11 =	vadd.s32 v11, v7;
	(xrf0) =	vadd.scan.msk.s32 $0xffff, v13;
	v6 =	vbroadcast v42, $0xF;
	v45, _, _ =	vpop (xrf0)  }
0x244: {  	v10 =	vadd.s32 v43, v11;
	v42 =	vor.u32 $0x20, v1;
	v7 =	vbroadcast v45, $0xF;
	v48, _, _ =	vpop (xrf0)  }
0x245: {  	(xrf0) =	vadd.scan.msk.s32 $0xffff, v44;
	v1 =	vadd.s32 $0x21, v1;
	vm4 =	vlt.s32 v6, v9;
	v11 =	vbroadcast v48, $0xF;
	v51, _, _ =	vpop (xrf0)  }
0x246: {  	v47 =	vsel vm4, $0x1, v3;
	vm7 =	vlt.s32 v7, v9;
	v12 =	vbroadcast v51, $0xF  }
0x247: {  	(xrf0) =	vadd.scan.msk.s32 $0xffff, v46;
	v52, _, _ =	vpop (xrf0);
	v50 =	vsel vm7, $0x1, v3;
	v10 =	vadd.s32 v47, v10;
	vm9 =	vlt.s32 v11, v9  }
0x248: {  	v13 =	vbroadcast v52, $0xF;
	vm7 =	vgt.s32 v2, v59;
	v10 =	vadd.s32 v50, v10  }
0x249: {  	(xrf0) =	vadd.scan.msk.s32 $0xffff, v14;
	v53 =	vsel vm9, $0x1, v3;
	v54, _, _ =	vpop (xrf0);
	vm10 =	vlt.s32 v12, v9;
	v61 =	vsel vm7, $0xFFFFFFFF, v3  }
0x24a: {  	(xrf0) =	vadd.scan.msk.s32 $0xffff, v49;
	vm9 =	vlt.s32 v4, v60;
	v10 =	vadd.s32 v53, v10;
	v56 =	vbroadcast v54, $0xF  }
0x24b: {  	(xrf0) =	vadd.scan.msk.s32 $0xffff, v15;
	v55, _, _ =	vpop (xrf0);
	v16 =	vsel vm10, $0x1, v3;
	vm11 =	vlt.s32 v13, v9;
	v63 =	vsel vm9, $0x1, v3  }
0x24c: {  	(xrf0) =	vadd.scan.msk.s32 $0xffff, v8;
	vm10 =	vlt.s32 v5, v60;
	v8 =	vbroadcast v55, $0xF;
	v18 =	vsel vm11, $0x1, v3  }
0x24d: {  	v57, _, _ =	vpop (xrf0);
	v10 =	vadd.s32 v16, v10;
	v28 =	vsel vm10, $0x1, v3;
	vm11 =	vlt.s32 v6, v60  }
0x24e: {  	vm12 =	vlt.s32 v56, v9;
	v15 =	vbroadcast v57, $0xF;
	v10 =	vadd.s32 v18, v10  }
0x24f: {  	v17, _, _ =	vpop (xrf0);
	v29 =	vsel vm11, $0x1, v3;
	v18 =	vadd.s32 v62, v61;
	vm11 =	vgt.s32 v2, v42  }
0x250: {  	v20 =	vsel vm12, $0x1, v3;
	vm13 =	vlt.s32 v8, v9;
	v17 =	vbroadcast v17, $0xF  }
0x251: {  	vm12 =	vlt.s32 v7, v60;
	v18 =	vadd.s32 v63, v18;
	v44 =	vsel vm11, $0xFFFFFFFF, v3  }
0x252: {  	v19, _, _ =	vpop (xrf0);
	v63 =	vmov s4;
	v22 =	vsel vm13, $0x1, v3;
	vm14 =	vlt.s32 v15, v9  }
0x253: {  	v19 =	vbroadcast v19, $0xF;
	v10 =	vadd.s32 v20, v10;
	v30 =	vsel vm12, $0x1, v3  }
0x254: {  	v21, _, _ =	vpop (xrf0);
	vm13 =	vlt.s32 v11, v60;
	v18 =	vadd.s32 v28, v18;
	vm12 =	vlt.s32 v0, v1  }
0x255: {  	v23 =	vsel vm14, $0x1, v3;
	vm15 =	vlt.s32 v17, v9;
	v21 =	vbroadcast v21, $0xF  }
0x256: {  	v10 =	vadd.s32 v22, v10;
	v31 =	vsel vm13, $0x1, v3;
	vm14 =	vlt.s32 v12, v60  }
0x257: {  	v18 =	vadd.s32 v29, v18;
	vm7 =	vlt.s32 v17, v60;
	v46 =	vsel vm12, $0x1, v3  }
0x258: {  	v24, _, _ =	vpop (xrf0);
	vm13 =	vlt.s32 v4, v1;
	vm11 =	vlt.s32 v17, v1;
	v25 =	vsel vm15, $0x1, v3  }
0x259: {  	vm4 =	vlt.s32 v19, v9;
	v24 =	vbroadcast v24, $0xF;
	v10 =	vadd.s32 v23, v10  }
0x25a: {  	v32 =	vsel vm14, $0x1, v3;
	vm15 =	vlt.s32 v13, v60;
	v16 =	vadd.s32 v30, v18  }
0x25b: {  	v37 =	vsel vm7, $0x1, v3;
	vm8 =	vlt.s32 v19, v60;
	v47 =	vadd.s32 v46, v44  }
0x25c: {  	v48 =	vsel vm13, $0x1, v3;
	vm14 =	vlt.s32 v5, v1;
	vm7 =	vlt.s32 v13, v1  }
0x25d: {  	v57 =	vsel vm11, $0x1, v3;
	vm12 =	vlt.s32 v19, v1;
	v58 =	vsel vm4, $0x1, v3  }
0x25e: {  	vm5 =	vlt.s32 v21, v9;
	v10 =	vadd.s32 v25, v10;
	v33 =	vsel vm15, $0x1, v3  }
0x25f: {  	vm4 =	vlt.s32 v56, v60;
	v16 =	vadd.s32 v31, v16;
	v38 =	vsel vm8, $0x1, v3  }
0x260: {  	vm9 =	vlt.s32 v21, v60;
	v4 =	vadd.s32 v48, v47;
	v5 =	vsel vm14, $0x1, v3  }
0x261: {  	vm15 =	vlt.s32 v6, v1;
	v53 =	vsel vm7, $0x1, v3;
	vm8 =	vlt.s32 v56, v1  }
0x262: {  	vm13 =	vlt.s32 v21, v1;
	v26 =	vsel vm5, $0x1, v3;
	vm6 =	vlt.s32 v24, v9  }
0x263: {  	v10 =	vadd.s32 v58, v10;
	v34 =	vsel vm4, $0x1, v3;
	vm5 =	vlt.s32 v8, v60  }
0x264: {  	v16 =	vadd.s32 v32, v16;
	v39 =	vsel vm9, $0x1, v3;
	vm10 =	vlt.s32 v24, v60  }
0x265: {  	v4 =	vadd.s32 v5, v4;
	v49 =	vsel vm15, $0x1, v3;
	vm4 =	vlt.s32 v7, v1  }
0x266: {  	v54 =	vsel vm8, $0x1, v3;
	vm9 =	vlt.s32 v8, v1;
	v58 =	vsel vm12, $0x1, v3  }
0x267: {  	v59 =	vsel vm13, $0x1, v3;
	vm14 =	vlt.s32 v24, v1;
	v27 =	vsel vm6, $0x1, v3  }
0x268: {  	v35 =	vsel vm5, $0x1, v3;
	vm6 =	vlt.s32 v15, v60;
	v4 =	vadd.s32 v49, v4  }
0x269: {  	v50 =	vsel vm4, $0x1, v3;
	vm5 =	vlt.s32 v11, v1;
	v36 =	vsel vm6, $0x1, v3  }
0x26a: {  	v4 =	vadd.s32 v50, v4;
	v51 =	vsel vm5, $0x1, v3;
	vm6 =	vlt.s32 v12, v1  }
0x26b: {  	vm15 =	vcmask $0x300;
	v4 =	vadd.s32 v51, v4;
	v52 =	vsel vm6, $0x1, v3  }
0x26c: {  	v16 =	vadd.s32 v33, v16;
	v41 =	vsel vm10, $0x1, v3;
	v4 =	vadd.s32 v52, v4  }
0x26d: {  	v55 =	vsel vm9, $0x1, v3;
	v16 =	vadd.s32 v34, v16;
	v4 =	vadd.s32 v53, v4  }
0x26e: {  	vm10 =	vlt.s32 v15, v1;
	v40 =	vadd.s32 v35, v16;
	v4 =	vadd.s32 v54, v4  }
0x26f: {  	v56 =	vsel vm10, $0x1, v3;
	v9 =	vadd.s32 v36, v40;
	v4 =	vadd.s32 v55, v4  }
0x270: {  	v43 =	vadd.s32 v26, v10;
	v9 =	vadd.s32 v37, v9;
	v4 =	vadd.s32 v56, v4  }
0x271: {  	v2 =	vadd.s32 v27, v43;
	v9 =	vadd.s32 v38, v9;
	v4 =	vadd.s32 v57, v4  }
0x272: {  	v1 =	vnsel vm15, $0x0, v63;
	[tilespmem:$0xB100] =	vst v2;
	v45 =	vadd.s32 v39, v9;
	v4 =	vadd.s32 v58, v4  }
0x273: {  	v61 =	vsel vm14, $0x1, v3;
	[tilespmem:$0xB130] =	vst v1;
	v0 =	vadd.s32 v41, v45;
	v60 =	vadd.s32 v59, v4  }
0x274: {  	s3 =	simm.s32 $0x0;
	[tilespmem:$0xB110] =	vst v0;
	v62 =	vadd.s32 v61, v60  }
.Ltmp11:
0x275: {  	s30 =	simm.s32 $0xB100;
	s31 =	simm.s32 $0x1;
	[tilespmem:$0xB120] =	vst v62;
	(pc) =	sbr.rel .LBB2_19-.Ltmp11, $4  }
0x276: {  	[hbm4b:s2+s3] =	stream.linear.scatter [tilespmem:s30], [sflag:$0x1], $0x80, $0x38;
	[tilespmem:$0xC210] =	vst v63  }
0x277: {  	_ =	swait.ge [sflag:s31], $0x80  }
0x278: {  	[sflag:s31] =	ssyncset.done $0x0  }
0x279: {  	[sflag:s31] =	ssyncadd.s32 $0xFFFFFF80  }
.LBB2_15:
0x27a: {  	v0 =	vimm.s32 $0x0  }
0x27b: {  	[tilespmem:$0xB180] =	vst v0  }
0x27c: {  	[tilespmem:$0xB190] =	vst v0  }
0x27d: {  	p0 =	sgt.s32 s4, $0x2F;
	[tilespmem:$0xB1A0] =	vst v0  }
.Ltmp12:
0x27e: {  	[tilespmem:$0xB1B0] =	vst v0;
	(pc) =	sbr.rel @p0 .LBB2_19-.Ltmp12, $4  }
0x27f: {  	[tilespmem:$0xB1C0] =	vst v0  }
0x280: {  	[tilespmem:$0xB1D0] =	vst v0  }
0x281: {  	[tilespmem:$0xB1E0] =	vst v0  }
0x282: {  	[tilespmem:$0xB1F0] =	vst v0  }
0x283: {  	s6 =	ssub.s32 $0x30, s4  }
0x284: {  	s7 =	sshll.u32 s4, $0x4;
	p0 =	sne.s32 s6, $0x1  }
.Ltmp13:
0x285: {  	s5 =	sand.u32 $0x1FFFFFF0, s7;
	(pc) =	sbr.rel @!p0 .LBB2_18-.Ltmp13, $4  }
0x286: {  	s2 =	simm.s32 $0x0;
	s4 =	simm.s32 $0xB180;
	s5 =	sadd.s32 s3, s5  }
0x287: {  	[hbm4b:s5+s2] =	stream.linear.scatter [tilespmem:s4], [sflag:$0x1], $0x80, $0x38;
	[tilespmem:$0xC210] =	vst v63  }
0x288: {  	s5 =	simm.s32 $0x1  }
0x289: {  	s6 =	sadd.s32 $0xFFFFFFFF, s6;
	s7 =	sadd.s32 $0x10, s7;
	_ =	swait.ge [sflag:s5], $0x80  }
.LBB2_17:
0x28a: {  	s8 =	sand.u32 $0x1FFFFFF0, s7;
	[sflag:s5] =	ssyncset.done $0x0;
	p0 =	sne.s32 s6, $0x1  }
.Ltmp14:
0x28b: {  	s8 =	sadd.s32 s3, s8;
	[sflag:s5] =	ssyncadd.s32 $0xFFFFFF80;
	(pc) =	sbr.rel @p0 .LBB2_17-.Ltmp14, $3  }
0x28c: {  	[hbm4b:s8+s2] =	stream.linear.scatter [tilespmem:s4], [sflag:$0x1], $0x80, $0x38;
	[tilespmem:$0xC210] =	vst v63  }
0x28d: {  	s6 =	sadd.s32 $0xFFFFFFFF, s6;
	_ =	sdelay $0x1  }
0x28e: {  	s7 =	sadd.s32 $0x10, s7;
	_ =	swait.ge [sflag:s5], $0x80  }
.LBB2_18:
0x28f: {  	[sflag:s5] =	ssyncset.done $0x0  }
0x290: {  	[sflag:s5] =	ssyncadd.s32 $0xFFFFFF80  }
.LBB2_19:
0x291: {  	_ =	sfence.sel $0x180000  }
0x292: {  	[bflag:$0x0] =	sbarrier.arrive $0xFFFF  }
0x293: {  	p0 =	sne.s32 s1, $0x0;
	_ =	strace $0x90000047  }
0x294: {  	s0 =	sadd.s32 @!p0 $0x100000, s0;
	[bflag:$0x2] =	sbarrier.arrive $0xFFFF  }
0x295: {  	[sflag:s0] =	ssyncadd.tile.s32 @!p0 $0x1;
	_ =	shalt  }
.Lfunc_end2:
_tile_overlayer_lowered:
.L_overlay_start_2:
0x296: {  	(tag) =	ssettag $0x2  }
0x297: {  	s0 =	rddreg [dreg:$0x0];
	s2 =	stileid.u32  }
0x298: {  	s1 =	rddreg [dreg:$0x1];
	p0 =	sne.s32 s2, $0x0  }
0x299: {  	s3 =	rddreg [dreg:$0x2];
	[bflag:$0x3] =	sbarrier.arrive $0xFFFF;
	s2 =	simm.s32 @!p0 $0x1C01  }
0x29a: {  	[timem:s3], [sflag:s2] =	dma.local @!p0 [hbm:s0], s1  }
0x29b: {  	s0 =	simm.s32 @!p0 $0x1  }
0x29c: {  	_ =	swait.ge @!p0 [sflag:s0], s1  }
0x29d: {  	s1 =	ssub.s32 @!p0 $0x0, s1;
	[sflag:s0] =	ssyncset.done @!p0 $0x0  }
0x29e: {  	[sflag:s0] =	ssyncadd.s32 @!p0 s1  }
0x29f: {  	[bflag:$0x3] =	sbarrier.arrive $0xFFFF  }
0x2a0: {  	_ =	shalt  }

// kernel: kernel.9.cloned.1.call-start
scs
__scs_entry_jumppad:
0x0: {  	(pc) =	sbr.rel $0x88, $3  }
0x1: {  	(tag) =	ssettag $0x0;
	lr =	simm.s32 $0x1  }
0x2: {  	[smem:$0x3F9D] =	sst lr;
	_ =	strace $0xD0000000  }
0x3: {  	_ = 	snop  }
0x4: {  	_ = 	snop  }
0x5: {  	_ = 	snop  }
0x6: {  	_ = 	snop  }
0x7: {  	_ = 	snop  }
__scs_overlays_trampoline_lowered:
0x8: {  	[smem:$0x3FAC] =	sst s0  }
0x9: {  	[smem:$0x3FAD] =	sst s1  }
0xa: {  	[smem:$0x3FAE] =	sst s2  }
0xb: {  	[smem:$0x3FAF] =	sst s3  }
0xc: {  	[smem:$0x3FB0] =	sst s4  }
0xd: {  	[smem:$0x3FB1] =	sst s5  }
0xe: {  	[smem:$0x3FB2] =	sst s6  }
0xf: {  	[smem:$0x3FB3] =	sst s7  }
0x10: {  	[smem:$0x3FB4] =	sst s8  }
0x11: {  	[smem:$0x3FB5] =	sst s9;
	s0 =	simm.s32 @!p0 $0x0  }
0x12: {  	s1 =	sld [smem:$0x3F9B];
	s0 =	simm.s32 @p0 $0x1  }
0x13: {  	[smem:$0x3FB6] =	sst s0;
	s0 =	simm.s32 @!p1 $0x0  }
0x14: {  	s2 =	sld [smem:$0x3F9A];
	s0 =	simm.s32 @p1 $0x1  }
0x15: {  	[smem:$0x3FB7] =	sst s0;
	s0 =	simm.s32 @!p2 $0x0  }
0x16: {  	s3 =	sld [smem:$0x3FDB];
	s0 =	simm.s32 @p2 $0x1  }
0x17: {  	s4 =	simm.s32 $0x1BF5;
	[smem:$0x3FB9] =	sst s0  }
0x18: {  	s0 =	sld [smem:$0x3F9C];
	_ =	swait.ge [sflag:s4], $0x0  }
0x19: {  	s7 =	sld [smem:$0x3F9D]  }
0x1a: {  	s8 =	sadd.s32 $0xFFFFE003, lr  }
0x1b: {  	s9 =	sadd.s32 $0xFFFFFEF7, lr;
	s5 =	simm.s32 $0xFFFFFFFF;
	p2 =	slt.u32 s8, $0xFFFFF086  }
0x1c: {  	p1 =	slt.u32 s9, $0xF7A;
	s5 =	simm.s32 @!p2 $0x0  }
0x1d: {  	s5 =	simm.s32 @p1 $0x1;
	p0 =	seq.s32 s7, s2  }
0x1e: {  	s7 =	smul.u32 @!p0 $0xF7A, s2;
	p2 =	seq.s32 @!p0 s5, $0x0  }
0x1f: {  	s9 =	smul.u32 $0xF7A, s1;
	s8 =	simm.s32 @!p0 $0x1BF5;
	p2 =	por !p2, p0  }
0x20: {  	[sflag:s8] =	ssyncset.s32 @!p0 $0xFFFFF086;
	s6 =	sadd.s32 @!p0 s3, s7;
	s7 =	simm.s32 @!p0 $0x108  }
0x21: {  	s3 =	sadd.s32 s3, s9;
	s6 =	sadd.s32 @!p0 $0x88, s6;
	s7 =	simm.s32 @p2 $0x1082  }
0x22: {  	[simem:s7], [sflag:s8] =	dma.local @!p0 [hbm:s6], $0xF7A  }
0x23: {  	s9 =	sor.u32 $0xD0000000, s2;
	s6 =	simm.s32 $0x108;
	_ =	swait.ge @!p0 [sflag:s8], $0x0  }
0x24: {  	s3 =	sadd.s32 $0x88, s3;
	s6 =	simm.s32 @!p1 $0x1082;
	[sflag:s4] =	ssyncset.s32 $0xFFFFF086  }
0x25: {  	[simem:s6], [sflag:s4] =	dma.local [hbm:s3], $0xF7A  }
0x26: {  	[smem:$0x3F9D] =	sst s1;
	(tag) =	ssettag s2;
	_ =	strace s9  }
0x27: {  	s1 =	sld [smem:$0x3FAD]  }
0x28: {  	s2 =	sld [smem:$0x3FAE]  }
0x29: {  	s4 =	sld [smem:$0x3FB0]  }
0x2a: {  	p0 =	seq.s32 s5, $0x0;
	s5 =	sld [smem:$0x3FB1]  }
0x2b: {  	s6 =	sld [smem:$0x3FB2]  }
0x2c: {  	s7 =	sld [smem:$0x3FB3]  }
0x2d: {  	s3 =	simm.s32 $0x108;
	s8 =	sld [smem:$0x3FB4]  }
0x2e: {  	s3 =	simm.s32 @!p0 $0x1082;
	s9 =	sld [smem:$0x3FB5]  }
0x2f: {  	lr =	sadd.s32 s0, s3;
	s0 =	sld [smem:$0x3FAC]  }
0x30: {  	s3 =	sld [smem:$0x3FAF]  }
0x31: {  	[smem:$0x3FB8] =	sst s10  }
0x32: {  	s10 =	sld [smem:$0x3FB6];
	_ =	sdelay $0x3  }
0x33: {  	p0 =	seq.s32 s10, $0x1;
	s10 =	sld [smem:$0x3FB8];
	_ =	sdelay $0x3  }
0x34: {  	[smem:$0x3FB8] =	sst s10  }
0x35: {  	s10 =	sld [smem:$0x3FB7];
	_ =	sdelay $0x3  }
0x36: {  	p1 =	seq.s32 s10, $0x1;
	s10 =	sld [smem:$0x3FB8];
	_ =	sdelay $0x3  }
0x37: {  	[smem:$0x3FB8] =	sst s10  }
0x38: {  	s10 =	sld [smem:$0x3FB9]  }
0x39: {  	_ = 	snop;
	(pc) =	sbr.ind lr, $3  }
0x3a: {  	_ = 	snop  }
0x3b: {  	_ = 	snop  }
0x3c: {  	p2 =	seq.s32 s10, $0x1;
	s10 =	sld [smem:$0x3FB8]  }
0x3d: {  	_ =	shalt  }
0x3e: {  	_ =	shalt  }
0x3f: {  	_ =	shalt  }
0x40: {  	_ =	shalt  }
0x41: {  	_ =	shalt  }
0x42: {  	_ =	shalt  }
0x43: {  	_ =	shalt  }
0x44: {  	_ =	shalt  }
0x45: {  	_ =	shalt  }
0x46: {  	_ =	shalt  }
0x47: {  	_ =	shalt  }
0x48: {  	_ =	shalt  }
0x49: {  	_ =	shalt  }
0x4a: {  	_ =	shalt  }
0x4b: {  	_ =	shalt  }
0x4c: {  	_ =	shalt  }
0x4d: {  	_ =	shalt  }
0x4e: {  	_ =	shalt  }
0x4f: {  	_ =	shalt  }
0x50: {  	_ =	shalt  }
0x51: {  	_ =	shalt  }
0x52: {  	_ =	shalt  }
0x53: {  	_ =	shalt  }
0x54: {  	_ =	shalt  }
0x55: {  	_ =	shalt  }
0x56: {  	_ =	shalt  }
0x57: {  	_ =	shalt  }
0x58: {  	_ =	shalt  }
0x59: {  	_ =	shalt  }
0x5a: {  	_ =	shalt  }
0x5b: {  	_ =	shalt  }
0x5c: {  	_ =	shalt  }
0x5d: {  	_ =	shalt  }
0x5e: {  	_ =	shalt  }
0x5f: {  	_ =	shalt  }
0x60: {  	_ =	shalt  }
0x61: {  	_ =	shalt  }
0x62: {  	_ =	shalt  }
0x63: {  	_ =	shalt  }
0x64: {  	_ =	shalt  }
0x65: {  	_ =	shalt  }
0x66: {  	_ =	shalt  }
0x67: {  	_ =	shalt  }
0x68: {  	_ =	shalt  }
0x69: {  	_ =	shalt  }
0x6a: {  	_ =	shalt  }
0x6b: {  	_ =	shalt  }
0x6c: {  	_ =	shalt  }
0x6d: {  	_ =	shalt  }
0x6e: {  	_ =	shalt  }
0x6f: {  	_ =	shalt  }
0x70: {  	_ =	shalt  }
0x71: {  	_ =	shalt  }
0x72: {  	_ =	shalt  }
0x73: {  	_ =	shalt  }
0x74: {  	_ =	shalt  }
0x75: {  	_ =	shalt  }
0x76: {  	_ =	shalt  }
0x77: {  	_ =	shalt  }
0x78: {  	_ =	shalt  }
0x79: {  	_ =	shalt  }
0x7a: {  	_ =	shalt  }
0x7b: {  	_ =	shalt  }
0x7c: {  	_ =	shalt  }
0x7d: {  	_ =	shalt  }
0x7e: {  	_ =	shalt  }
0x7f: {  	_ =	shalt  }
0x80: {  	_ =	shalt  }
0x81: {  	_ =	shalt  }
0x82: {  	_ =	shalt  }
0x83: {  	_ =	shalt  }
0x84: {  	_ =	shalt  }
0x85: {  	_ =	shalt  }
0x86: {  	_ =	shalt  }
0x87: {  	_ =	shalt  }
.Lfunc_end0:
.L_simem_size_0:
called_computation.1_lowered:
.L_overlay_start_0:
0x88: {  	s2 =	sld [smem:$0x3FD9]  }
0x89: {  	s3 =	sld [smem:$0x3FFE];
	_ =	sdelay $0x1  }
0x8a: {  	s1 =	srdreg.scid  }
0x8b: {  	s0 =	sand.u32 $0x1, s1  }
0x8c: {  	s14 =	sshll.u32 s0, $0xA;
	s2 =	sadd.s32 s3, s2  }
0x8d: {  	s2 =	sadd.s32 s2, s14  }
0x8e: {  	[smem:$0x3FC4] =	sst s2  }
0x8f: {  	_ = 	snop  }
0x90: {  	s2 =	sld [smem:$0x3FD0];
	_ =	sdelay $0x2  }
0x91: {  	s15 =	simm.s32 $0xA;
	s4 =	simm.s32 $0x10  }
0x92: {  	[smem:s4], [sflag:s15] =	dma.local [hbm:s2], $0x1  }
0x93: {  	_ =	swait.eq [sflag:s15], $0x1  }
0x94: {  	[sflag:s15] =	ssyncset.done $0x0  }
0x95: {  	[sflag:s15] =	ssyncadd.s32 $0xFFFFFFFF  }
0x96: {  	s16 =	sld [smem:$0x10];
	(tm) =	ssettm $0x1  }
0x97: {  	s17 =	sld [smem:$0x3FFB];
	_ =	sdelay $0x3  }
0x98: {  	_ =	strace s17  }
0x99: {  	s3 =	sld [smem:$0x3FFC];
	_ =	sdelay $0x3  }
0x9a: {  	_ =	strace s3  }
0x9b: {  	s3 =	sld [smem:$0x3FFD];
	_ =	sdelay $0x3  }
0x9c: {  	_ =	strace s3  }
0x9d: {  	_ =	strace $0x8FFFFFFF  }
0x9e: {  	s18 =	sld [smem:$0x3FDB];
	_ =	sdelay $0x1  }
0x9f: {  	s19 =	simm.s32 $_scs_section_size  }
0xa0: {  	s5 =	simm.s32 $_size__tile_overlayer_lowered;
	s6 =	simm.s32 $_tile_overlayer_lowered  }
0xa1: {  	s22 =	simm.s32 $0x1BFF;
	s21 =	sshll.u32 s6, $0x1;
	s3 =	sadd.s32 s19, s18  }
0xa2: {  	s7 =	simm.s32 $0x0;
	s20 =	sshll.u32 s5, $0x1;
	s5 =	sadd.s32 s21, s3  }
0xa3: {  	[timem:s7], [sflag:s22] =	dma.local [hbm:s5], s20  }
0xa4: {  	_ =	swait.ge [sflag:s22], s20  }
0xa5: {  	s4 =	ssub.s32 $0x0, s20;
	[sflag:s22] =	ssyncset.done $0x0  }
0xa6: {  	[sflag:s22] =	ssyncadd.s32 s4;
	_ =	sdelay $0x1  }
0xa7: {  	s23 =	simm.s32 $0x1B8B  }
0xa8: {  	_ =	swait.ge [sflag:s23], $0x1  }
0xa9: {  	[sflag:s23] =	ssyncset.done $0x0  }
0xaa: {  	s25 =	simm.s32 $0x1B8E;
	s24 =	sld [smem:$0x3FFE];
	[sflag:s23] =	ssyncadd.s32 $0xFFFFFFFF  }
0xab: {  	s26 =	simm.s32 $execute0_lowered;
	[smem:$0x3FD2] =	sst s25  }
0xac: {  	s5 =	sshll.u32 s26, $0x1;
	_ =	strace $0x80000049;
	[dreg:$0x1] =	wrdreg $0xFFFFFFFF  }
0xad: {  	s28 =	simm.s32 $_size_execute0_lowered;
	s3 =	sadd.s32 s3, s5;
	[dreg:$0x0] =	wrdreg $0x0  }
0xae: {  	s5 =	sshll.u32 s28, $0x1;
	[dreg:$0x2] =	wrdreg s3  }
0xaf: {  	[dreg:$0x3] =	wrdreg s5  }
0xb0: {  	[dreg:$0x4] =	wrdreg $0xC0  }
0xb1: {  	_ =	task [dreg:s7], $0x5FFFF  }
0xb2: {  	[dreg:$0x1] =	wrdreg $0xFFFFFFFF  }
0xb3: {  	[dreg:$0x0] =	wrdreg $0x60  }
0xb4: {  	[dreg:$0x2] =	wrdreg s24  }
0xb5: {  	[dreg:$0x3] =	wrdreg s16  }
0xb6: {  	[dreg:$0x4] =	wrdreg $0x9  }
0xb7: {  	_ =	task.clear_ibuf [dreg:s7], $0x5FFFF;
	_ =	strace $0x90000049  }
0xb8: {  	s29 =	simm.s32 $0x9;
	_ =	strace $0x8000004B  }
0xb9: {  	_ =	swait.ge [sflag:s29], $0x1  }
0xba: {  	[sflag:s29] =	ssyncadd.s32 $0xFFFFFFFF  }
0xbb: {  	_ =	strace $0x9000004B  }
0xbc: {  	_ =	sfence  }
0xbd: {  	s30 =	sld [smem:$0x0];
	_ =	sdelay $0x2  }
0xbe: {  	s31 =	sshll.u32 s1, $0xD;
	s1 =	sshrl.u32 s1, $0x2  }
0xbf: {  	s3 =	sand.u32 $0x4000, s31;
	s1 =	sadd.s32 s1, s30  }
0xc0: {  	s0 =	sor.u32 s3, s0;
	s1 =	sshll.u32 s1, $0x11  }
0xc1: {  	s0 =	sor.u32 s1, s0  }
0xc2: {  	s0 =	sadd.s32 $0x8F2B, s0  }
0xc3: {  	[sflag:s0] =	ssyncadd.remote.s32 $0x1  }
0xc4: {  	_ =	sfence.sel $0xFFFF  }
0xc5: {  	[dreg:$0x0] =	wrdreg $0xFFFFFFFF;
	(pc) =	sbr.abs _section_cstart, $3  }
0xc6: {  	[dreg:$0x1] =	wrdreg $0xFFFFFFFF  }
0xc7: {  	_ =	task.clear_ibuf [dreg:s7], $0x2FFFF;
	_ =	strace $0x9FFFFFFF  }
0xc8: {  	(tm) =	ssettm $0x7FFFFFFF  }
0xc9: {  	_ =	shalt  }
tec
execute0_lowered:
.L_overlay_start_1:
0x0: {  	(tag) =	ssettag $0x1  }
0x1: {  	s0 =	rddreg [dreg:$0x0]  }
0x2: {  	s1 =	simm.s32 $0x0;
	s29 =	srdreg.scid;
	s9 =	stileid.u32  }
0x3: {  	s13 =	simm.s32 $0x2;
	s30 =	simm.s32 $0x1;
	s12 =	simm.s32 $0x7A00  }
0x4: {  	s14 =	simm.s32 $0x9200;
	s15 =	simm.s32 $0x9A00;
	s16 =	simm.s32 $0xA200  }
0x5: {  	s17 =	simm.s32 $0xAA00;
	s18 =	simm.s32 $0xB200;
	s19 =	simm.s32 $0xBA00  }
0x6: {  	s20 =	simm.s32 $0xC200;
	s21 =	simm.s32 $0x0;
	s22 =	simm.s32 $0x0  }
0x7: {  	[smem:$0x7FF] =	sst s1;
	s3 =	sadd.s32 $0x800, s0;
	s4 =	sadd.s32 $0xA00, s0  }
0x8: {  	s6 =	sadd.s32 $0xC00, s0;
	s7 =	sadd.s32 $0xE00, s0;
	s1 =	sand.u32 $0x1, s29  }
0x9: {  	s8 =	sadd.s32 $0x1000, s0;
	s9 =	sshll.u32 s9, $0x4;
	s2 =	ssub.s32 $0x2, s1  }
0xa: {  	s10 =	sadd.s32 $0x1100, s0;
	s11 =	sadd.s32 $0x1200, s0;
	s5 =	sshrl.u32 s2, $0x1  }
0xb: {  	v0 =	vlaneseq.u32;
	_ =	strace $0x8000004A;
	s1 =	sshll.u32 s1, $0x3;
	s2 =	ssub.s32 s2, s5  }
0xc: {  	vm0 =	vmmov $0xffff;
	v2 =	vshrl.u32 v0, $0x3;
	s9 =	sor.u32 s1, s9;
	s1 =	simm.s32 $0x8200;
	s31 =	smax.u32 s2, $0x1  }
0xd: {  	v1 =	vand.u32 $0x7, v0;
	v3 =	vor.u32 $0x8, v0;
	v2 =	vmul.u32 $0x8, v2;
	s5 =	simm.s32 $0x7200;
	s2 =	simm.s32 $0x8A00;
	[dreg:$0x3] =	wrdreg s31  }
.LBB2_1:
0xe: {  	[dreg:$0x4] =	wrdreg s21;
	p0 =	por $0x1, $0x1;
	s21 =	simm.s32 $0x0  }
.LBB2_2:
0xf: {  	s21 =	sor.u32 s9, s21  }
0x10: {  	s23 =	sadd.s32 s3, s21  }
0x11: {  	[tilespmem:s22], [sflag:$0x2] =	stream.linear.gather [hbm4b:s23+s22], $0x20, $0x38;
	[tilespmem:$0x12200] =	vst v63  }
0x12: {  	_ =	swait.ge [sflag:s13], $0x20  }
0x13: {  	[sflag:s13] =	ssyncset.done $0x0  }
0x14: {  	s0 =	simm.s32 $0x80;
	s25 =	sadd.s32 s4, s21;
	[sflag:s13] =	ssyncadd.s32 $0xFFFFFFE0  }
0x15: {  	[tilespmem:s0], [sflag:$0x2] =	stream.linear.gather [hbm4b:s25+s22], $0x20, $0x38;
	[tilespmem:$0x12200] =	vst v63  }
0x16: {  	_ =	swait.ge [sflag:s13], $0x20  }
0x17: {  	[sflag:s13] =	ssyncset.done $0x0  }
0x18: {  	s28 =	simm.s32 $0x100;
	s26 =	sadd.s32 s6, s21;
	[sflag:s13] =	ssyncadd.s32 $0xFFFFFFE0  }
0x19: {  	[tilespmem:s28], [sflag:$0x2] =	stream.linear.gather [hbm4b:s26+s22], $0x20, $0x38;
	[tilespmem:$0x12200] =	vst v63  }
0x1a: {  	_ =	swait.ge [sflag:s13], $0x20  }
0x1b: {  	[sflag:s13] =	ssyncset.done $0x0  }
0x1c: {  	s31 =	simm.s32 $0x180;
	s29 =	sadd.s32 s7, s21;
	[sflag:s13] =	ssyncadd.s32 $0xFFFFFFE0  }
0x1d: {  	[tilespmem:s31], [sflag:$0x2] =	stream.linear.gather [hbm4b:s29+s22], $0x20, $0x38;
	[tilespmem:$0x12200] =	vst v63  }
0x1e: {  	_ =	swait.ge [sflag:s13], $0x20  }
0x1f: {  	[sflag:s13] =	ssyncset.done $0x0  }
0x20: {  	[sflag:s13] =	ssyncadd.s32 $0xFFFFFFE0  }
0x21: {  	v4 =	vld [tilespmem:$0x0];
	_ =	sdelay $0x4  }
0x22: {  	v5 =	vshrl.u32 v4, $0x3  }
0x23: {  	v5 =	vmul.u32 $0x30, v5  }
0x24: {  	v4 =	vand.u32 $0x7, v4  }
0x25: {  	v4 =	vor.u32 v4, v5  }
0x26: {  	v5 =	vperm.xlane v4, v1;
	_ =	sdelay $0x1  }
0x27: {  	v5 =	vadd.s32 v2, v5;
	_ =	sdelay $0x3  }
0x28: {  	s23 =	simm.s32 $0x200;
	v4 =	vperm.xlane v4, v3  }
0x29: {  	[tilespmem:s23], [sflag:$0x1] =	stream.indirect_vreg.gather [hbm4b:s8+s22], $0x80, v5, vm0, $0xb8;
	[tilespmem:$0x12200] =	vst v63  }
0x2a: {  	s24 =	simm.s32 $0xA00;
	v4 =	vadd.s32 v2, v4  }
0x2b: {  	[tilespmem:s24], [sflag:$0x1] =	stream.indirect_vreg.gather [hbm4b:s10+s22], $0x80, v5, vm0, $0xb8;
	[tilespmem:$0x12200] =	vst v63  }
0x2c: {  	s25 =	simm.s32 $0x1200  }
0x2d: {  	[tilespmem:s25], [sflag:$0x1] =	stream.indirect_vreg.gather [hbm4b:s11+s22], $0x80, v5, vm0, $0xb8;
	[tilespmem:$0x12200] =	vst v63  }
0x2e: {  	s26 =	simm.s32 $0x1A00  }
0x2f: {  	[tilespmem:s26], [sflag:$0x1] =	stream.indirect_vreg.gather [hbm4b:s8+s22], $0x80, v4, vm0, $0xb8;
	[tilespmem:$0x12200] =	vst v63  }
0x30: {  	s28 =	simm.s32 $0x2200  }
0x31: {  	[tilespmem:s28], [sflag:$0x1] =	stream.indirect_vreg.gather [hbm4b:s10+s22], $0x80, v4, vm0, $0xb8;
	[tilespmem:$0x12200] =	vst v63  }
0x32: {  	s29 =	simm.s32 $0x2A00  }
0x33: {  	[tilespmem:s29], [sflag:$0x1] =	stream.indirect_vreg.gather [hbm4b:s11+s22], $0x80, v4, vm0, $0xb8;
	[tilespmem:$0x12200] =	vst v63  }
0x34: {  	v4 =	vld [tilespmem:$0x10];
	_ =	sdelay $0x4  }
0x35: {  	v5 =	vshrl.u32 v4, $0x3  }
0x36: {  	v5 =	vmul.u32 $0x30, v5  }
0x37: {  	v4 =	vand.u32 $0x7, v4  }
0x38: {  	v4 =	vor.u32 v4, v5  }
0x39: {  	v5 =	vperm.xlane v4, v1;
	_ =	sdelay $0x1  }
0x3a: {  	v5 =	vadd.s32 v2, v5;
	_ =	sdelay $0x3  }
0x3b: {  	s31 =	simm.s32 $0x3200;
	v4 =	vperm.xlane v4, v3  }
0x3c: {  	[tilespmem:s31], [sflag:$0x1] =	stream.indirect_vreg.gather [hbm4b:s8+s22], $0x80, v5, vm0, $0xb8;
	[tilespmem:$0x12200] =	vst v63  }
0x3d: {  	s23 =	simm.s32 $0x3A00;
	v4 =	vadd.s32 v2, v4  }
0x3e: {  	[tilespmem:s23], [sflag:$0x1] =	stream.indirect_vreg.gather [hbm4b:s10+s22], $0x80, v5, vm0, $0xb8;
	[tilespmem:$0x12200] =	vst v63  }
0x3f: {  	s24 =	simm.s32 $0x4200  }
0x40: {  	[tilespmem:s24], [sflag:$0x1] =	stream.indirect_vreg.gather [hbm4b:s11+s22], $0x80, v5, vm0, $0xb8;
	[tilespmem:$0x12200] =	vst v63  }
0x41: {  	s25 =	simm.s32 $0x4A00  }
0x42: {  	[tilespmem:s25], [sflag:$0x1] =	stream.indirect_vreg.gather [hbm4b:s8+s22], $0x80, v4, vm0, $0xb8;
	[tilespmem:$0x12200] =	vst v63  }
0x43: {  	s26 =	simm.s32 $0x5200  }
0x44: {  	[tilespmem:s26], [sflag:$0x1] =	stream.indirect_vreg.gather [hbm4b:s10+s22], $0x80, v4, vm0, $0xb8;
	[tilespmem:$0x12200] =	vst v63  }
0x45: {  	s28 =	simm.s32 $0x5A00  }
0x46: {  	[tilespmem:s28], [sflag:$0x1] =	stream.indirect_vreg.gather [hbm4b:s11+s22], $0x80, v4, vm0, $0xb8;
	[tilespmem:$0x12200] =	vst v63  }
0x47: {  	_ =	swait.ge [sflag:s30], $0x6000  }
0x48: {  	[sflag:s30] =	ssyncset.done $0x0  }
0x49: {  	[sflag:s30] =	ssyncadd.s32 $0xFFFFA000  }
0x4a: {  	v4 =	vld [tilespmem:$0x80];
	_ =	sdelay $0x4  }
0x4b: {  	v5 =	vshrl.u32 v4, $0x3  }
0x4c: {  	v5 =	vmul.u32 $0x30, v5  }
0x4d: {  	v4 =	vand.u32 $0x7, v4  }
0x4e: {  	v4 =	vor.u32 v4, v5  }
0x4f: {  	v5 =	vperm.xlane v4, v1;
	_ =	sdelay $0x1  }
0x50: {  	v5 =	vadd.s32 v2, v5;
	_ =	sdelay $0x3  }
0x51: {  	s29 =	simm.s32 $0x6200;
	v4 =	vperm.xlane v4, v3  }
0x52: {  	[tilespmem:s29], [sflag:$0x1] =	stream.indirect_vreg.gather [hbm4b:s8+s22], $0x80, v5, vm0, $0xb8;
	[tilespmem:$0x12200] =	vst v63  }
0x53: {  	s31 =	simm.s32 $0x6A00;
	v4 =	vadd.s32 v2, v4  }
0x54: {  	[tilespmem:s31], [sflag:$0x1] =	stream.indirect_vreg.gather [hbm4b:s10+s22], $0x80, v5, vm0, $0xb8;
	[tilespmem:$0x12200] =	vst v63  }
0x55: {  	_ = 	snop  }
0x56: {  	[tilespmem:s5], [sflag:$0x1] =	stream.indirect_vreg.gather [hbm4b:s11+s22], $0x80, v5, vm0, $0xb8;
	[tilespmem:$0x12200] =	vst v63  }
0x57: {  	_ = 	snop  }
0x58: {  	[tilespmem:s12], [sflag:$0x1] =	stream.indirect_vreg.gather [hbm4b:s8+s22], $0x80, v4, vm0, $0xb8;
	[tilespmem:$0x12200] =	vst v63  }
0x59: {  	_ = 	snop  }
0x5a: {  	[tilespmem:s1], [sflag:$0x1] =	stream.indirect_vreg.gather [hbm4b:s10+s22], $0x80, v4, vm0, $0xb8;
	[tilespmem:$0x12200] =	vst v63  }
0x5b: {  	_ = 	snop  }
0x5c: {  	[tilespmem:s2], [sflag:$0x1] =	stream.indirect_vreg.gather [hbm4b:s11+s22], $0x80, v4, vm0, $0xb8;
	[tilespmem:$0x12200] =	vst v63  }
0x5d: {  	v4 =	vld [tilespmem:$0x90];
	_ =	sdelay $0x4  }
0x5e: {  	v5 =	vshrl.u32 v4, $0x3  }
0x5f: {  	v5 =	vmul.u32 $0x30, v5  }
0x60: {  	v4 =	vand.u32 $0x7, v4  }
0x61: {  	v4 =	vor.u32 v4, v5  }
0x62: {  	v5 =	vperm.xlane v4, v1;
	_ =	sdelay $0x1  }
0x63: {  	v5 =	vadd.s32 v2, v5;
	_ =	sdelay $0x3  }
0x64: {  	v4 =	vperm.xlane v4, v3  }
0x65: {  	[tilespmem:s14], [sflag:$0x1] =	stream.indirect_vreg.gather [hbm4b:s8+s22], $0x80, v5, vm0, $0xb8;
	[tilespmem:$0x12200] =	vst v63  }
0x66: {  	v4 =	vadd.s32 v2, v4  }
0x67: {  	[tilespmem:s15], [sflag:$0x1] =	stream.indirect_vreg.gather [hbm4b:s10+s22], $0x80, v5, vm0, $0xb8;
	[tilespmem:$0x12200] =	vst v63  }
0x68: {  	_ = 	snop  }
0x69: {  	[tilespmem:s16], [sflag:$0x1] =	stream.indirect_vreg.gather [hbm4b:s11+s22], $0x80, v5, vm0, $0xb8;
	[tilespmem:$0x12200] =	vst v63  }
0x6a: {  	_ = 	snop  }
0x6b: {  	[tilespmem:s17], [sflag:$0x1] =	stream.indirect_vreg.gather [hbm4b:s8+s22], $0x80, v4, vm0, $0xb8;
	[tilespmem:$0x12200] =	vst v63  }
0x6c: {  	_ = 	snop  }
0x6d: {  	[tilespmem:s18], [sflag:$0x1] =	stream.indirect_vreg.gather [hbm4b:s10+s22], $0x80, v4, vm0, $0xb8;
	[tilespmem:$0x12200] =	vst v63  }
0x6e: {  	_ = 	snop  }
0x6f: {  	[tilespmem:s19], [sflag:$0x1] =	stream.indirect_vreg.gather [hbm4b:s11+s22], $0x80, v4, vm0, $0xb8;
	[tilespmem:$0x12200] =	vst v63  }
0x70: {  	_ =	swait.ge [sflag:s30], $0x6000  }
0x71: {  	[sflag:s30] =	ssyncset.done $0x0  }
0x72: {  	p1 =	por p0, p0;
	s23 =	simm.s32 $0x0;
	[sflag:s30] =	ssyncadd.s32 $0xFFFFA000  }
.LBB2_3:
0x73: {  	s24 =	sand.u32 $0x10, s23  }
0x74: {  	v4 =	vld [tilespmem:s24+$0x100]  }
0x75: {  	v5 =	vld [tilespmem:s24+$0x180]  }
0x76: {  	s26 =	sand.u32 $0xF, s23  }
0x77: {  	v6 =	vmov s26  }
0x78: {  	vm1 =	veq.s32 v6, v0  }
0x79: {  	v4 =	vnsel vm1, $0x0, v4  }
0x7a: {  	(xrf2) =	vadd.scan.msk.f32 $0xffff, v4;
	v4 =	vnsel vm1, $0x0, v5  }
0x7b: {  	(xrf2) =	vadd.scan.msk.f32 $0xffff, v4  }
0x7c: {  	s31 =	sshrl.u32 s23, $0x3  }
0x7d: {  	s25 =	sshll.u32 s23, $0x7;
	s24 =	smul.u32 $0x1800, s31  }
0x7e: {  	s25 =	sand.u32 $0x380, s25  }
0x7f: {  	s0 =	sand.u32 $0x1C00, s22;
	s24 =	sor.u32 s25, s24  }
0x80: {  	s26 =	sand.u32 $0x70, s22;
	s25 =	sadd.s32 s24, s0  }
0x81: {  	s25 =	sor.u32 s26, s25  }
0x82: {  	v6 =	vld [tilespmem:s25+$0x200]  }
0x83: {  	v7 =	vld [tilespmem:s25+$0x6200]  }
0x84: {  	s31 =	simm.s32 $0x80;
	v4, _, _ =	vpop (xrf2)  }
0x85: {  	s28 =	simm.s32 $0x10;
	s26 =	sand.u32 $0x1C00, s31;
	v5, _, _ =	vpop (xrf2)  }
0x86: {  	s28 =	sand.u32 $0x70, s28;
	s26 =	sadd.s32 s24, s26;
	v4 =	vbroadcast v4, $0xF;
	v5 =	vbroadcast v5, $0xF  }
0x87: {  	s26 =	sor.u32 s28, s26  }
0x88: {  	v8 =	vmul.f32 v6, v4;
	v6 =	vld [tilespmem:s26+$0x200];
	v9 =	vmul.f32 v7, v5  }
0x89: {  	v7 =	vld [tilespmem:s26+$0x6200]  }
0x8a: {  	s29 =	simm.s32 $0x100;
	s28 =	simm.s32 $0x20;
	v8 =	vadd.f32 v9, v8  }
.LBB2_4:
0x8b: {  	s31 =	sand.u32 $0x70, s28;
	s0 =	sand.u32 $0x1C00, s29;
	p0 =	sne.s32 s28, $0x2F0  }
.Ltmp0:
0x8c: {  	s28 =	sadd.s32 $0x10, s28;
	s0 =	sadd.s32 s24, s0;
	[tilespmem:s25+$0xC200] =	vst v8;
	(pc) =	sbr.rel @p0 .LBB2_4-.Ltmp0, $4  }
0x8d: {  	s25 =	smov.u32 s26;
	s26 =	sor.u32 s31, s0  }
0x8e: {  	v8 =	vmul.f32 v6, v4;
	v6 =	vld [tilespmem:s26+$0x200];
	v9 =	vmul.f32 v7, v5  }
0x8f: {  	v7 =	vld [tilespmem:s26+$0x6200]  }
0x90: {  	s29 =	sadd.s32 $0x80, s29;
	v8 =	vadd.f32 v9, v8  }
0x91: {  	_ = 	snop  }
0x92: {  	s23 =	sadd.s32 $0x1, s23  }
0x93: {  	p0 =	sne.s32 s23, $0x20  }
.Ltmp1:
0x94: {  	v4 =	vmul.f32 v6, v4;
	v5 =	vmul.f32 v7, v5;
	(pc) =	sbr.rel @p0 .LBB2_3-.Ltmp1, $4  }
0x95: {  	_ = 	snop  }
0x96: {  	v4 =	vadd.f32 v5, v4  }
0x97: {  	[tilespmem:s25+$0xC200] =	vst v8  }
0x98: {  	[tilespmem:s26+$0xC200] =	vst v4  }
0x99: {  	s0 =	smul.u32 $0x300, s21  }
0x9a: {  	s29 =	rddreg [dreg:$0x1]  }
.Ltmp2:
0x9b: {  	s31 =	simm.s32 $0x0;
	s0 =	sadd.s32 s29, s0;
	(pc) =	sbr.rel @p1 .LBB2_2-.Ltmp2, $4  }
0x9c: {  	[hbm4b:s0+s31] =	stream.linear.scatter [tilespmem:s20], [sflag:$0x2], $0x6000, $0x38;
	[tilespmem:$0x12200] =	vst v63  }
0x9d: {  	_ =	swait.ge [sflag:s13], $0x6000  }
0x9e: {  	[sflag:s13] =	ssyncset.done $0x0  }
0x9f: {  	s21 =	simm.s32 $0x4;
	p0 =	por $0x0, $0x0;
	[sflag:s13] =	ssyncadd.s32 $0xFFFFA000  }
0xa0: {  	s21 =	rddreg [dreg:$0x4]  }
0xa1: {  	s0 =	rddreg [dreg:$0x3];
	s21 =	sadd.s32 $0x1, s21  }
0xa2: {  	p0 =	sne.s32 s21, s0  }
.Ltmp3:
0xa3: {  	_ = 	snop;
	(pc) =	sbr.rel @p0 .LBB2_1-.Ltmp3, $1  }
0xa4: {  	_ =	sdelay $0x3  }
0xa5: {  	_ =	sfence.sel $0x180000  }
0xa6: {  	[bflag:$0x0] =	sbarrier.arrive $0xFFFF  }
0xa7: {  	_ =	strace $0x9000004A  }
0xa8: {  	s0 =	stileid.u32;
	[bflag:$0x2] =	sbarrier.arrive $0xFFFF  }
0xa9: {  	p0 =	sne.s32 s0, $0x0;
	s0 =	rddreg [dreg:$0x2]  }
0xaa: {  	s0 =	sadd.s32 @!p0 $0x100000, s0  }
0xab: {  	[sflag:s0] =	ssyncadd.tile.s32 @!p0 $0x1;
	_ =	shalt  }
.Lfunc_end2:
_tile_overlayer_lowered:
.L_overlay_start_2:
0xac: {  	(tag) =	ssettag $0x2  }
0xad: {  	s0 =	rddreg [dreg:$0x0];
	s2 =	stileid.u32  }
0xae: {  	s1 =	rddreg [dreg:$0x1];
	p0 =	sne.s32 s2, $0x0  }
0xaf: {  	s3 =	rddreg [dreg:$0x2];
	[bflag:$0x3] =	sbarrier.arrive $0xFFFF;
	s2 =	simm.s32 @!p0 $0x1C02  }
0xb0: {  	[timem:s3], [sflag:s2] =	dma.local @!p0 [hbm:s0], s1  }
0xb1: {  	s0 =	simm.s32 @!p0 $0x2  }
0xb2: {  	_ =	swait.ge @!p0 [sflag:s0], s1  }
0xb3: {  	s1 =	ssub.s32 @!p0 $0x0, s1;
	[sflag:s0] =	ssyncset.done @!p0 $0x0  }
0xb4: {  	[sflag:s0] =	ssyncadd.s32 @!p0 s1  }
0xb5: {  	[bflag:$0x3] =	sbarrier.arrive $0xFFFF  }
0xb6: {  	_ =	shalt  }

</sc_bundles>
